<compile_context>
chip_gen: v7x
topology: tpu7x:2x2x1
jax: 0.10.2.dev20260603
libtpu: 0.0.44.dev20260713+nightly
codegen_flags: <defaults>
</compile_context>

<pallas_src>
import functools
import numpy as np
import jax
import jax.numpy as jnp
from jax import lax
from jax.experimental import pallas as pl
from jax.experimental.pallas import tpu as pltpu
from jax.experimental.pallas import tpu_sc as plsc

_D = 256
_H = 2
_L = 2
_P = 4
_SPATIAL = ((64, 64), (32, 32))
_BS = 2
_NQ = _SPATIAL[0][0] * _SPATIAL[0][1]
_NV = sum(h * w for h, w in _SPATIAL)
_NCOMBO = _H * _L * _P
_K = _L * _P * 4
_NOUT = _BS * _NQ * _H

_BQ = 2048

_combo_l = np.array([(c % 8) // 4 for c in range(_NCOMBO)])
_W_L = np.array([_SPATIAL[l][1] for l in _combo_l], np.float32)
_H_L = np.array([_SPATIAL[l][0] for l in _combo_l], np.float32)
_START_L = np.array([0 if l == 0 else _SPATIAL[0][0] * _SPATIAL[0][1]
                     for l in _combo_l], np.int32)


def _prep_body(q_ref, ql_ref, wcat_ref, bcat_ref, idx_ref, wt_ref):
    b = pl.program_id(0) // (_NQ // _BQ)
    q = q_ref[...]
    dn = (((1,), (1,)), ((), ()))
    Z = lax.dot_general(q, wcat_ref[...], dn,
                        preferred_element_type=jnp.float32) + bcat_ref[...]
    X = Z[:, 0:_NCOMBO]
    Y = Z[:, _NCOMBO:2 * _NCOMBO]
    logits = Z[:, 2 * _NCOMBO:3 * _NCOMBO]
    l0 = logits[:, 0:8]
    l1 = logits[:, 8:16]
    e0 = jnp.exp(l0 - jnp.max(l0, axis=1, keepdims=True))
    e1 = jnp.exp(l1 - jnp.max(l1, axis=1, keepdims=True))
    a0 = e0 / jnp.sum(e0, axis=1, keepdims=True)
    a1 = e1 / jnp.sum(e1, axis=1, keepdims=True)
    aw = jnp.concatenate([a0, a1], axis=1)

    def combo_const(v0, v1, dtype):
        return jnp.concatenate(
            [jnp.full((1, 4), v0, dtype), jnp.full((1, 4), v1, dtype)] * 2,
            axis=1)

    wl = combo_const(_SPATIAL[0][1], _SPATIAL[1][1], jnp.float32)
    hl = combo_const(_SPATIAL[0][0], _SPATIAL[1][0], jnp.float32)
    base = (combo_const(0, _SPATIAL[0][0] * _SPATIAL[0][1], jnp.int32)
            + (b * _NV).astype(jnp.int32))
    wdim = wl.astype(jnp.int32)

    def expand(col, scale64, scale32):
        c64 = jnp.broadcast_to(ql_ref[:, col:col + 1] * scale64, (_BQ, 4))
        c32 = jnp.broadcast_to(ql_ref[:, col + 2:col + 3] * scale32, (_BQ, 4))
        return jnp.concatenate([c64, c32, c64, c32], axis=1)

    x = X + expand(0, float(_SPATIAL[0][1]), float(_SPATIAL[1][1])) - 0.5
    y = Y + expand(1, float(_SPATIAL[0][0]), float(_SPATIAL[1][0])) - 0.5

    x0 = jnp.floor(x)
    y0 = jnp.floor(y)
    fx1 = x - x0
    fx0 = 1.0 - fx1
    fy1 = y - y0
    fy0 = 1.0 - fy1

    idxs = []
    wts = []
    for dy, fy in ((0.0, fy0), (1.0, fy1)):
        yi = y0 + dy
        for dx, fx in ((0.0, fx0), (1.0, fx1)):
            xi = x0 + dx
            valid = ((xi >= 0.0) & (xi <= wl - 1.0)
                     & (yi >= 0.0) & (yi <= hl - 1.0))
            xc = jnp.clip(xi, 0.0, wl - 1.0).astype(jnp.int32)
            yc = jnp.clip(yi, 0.0, hl - 1.0).astype(jnp.int32)
            idxs.append(base + yc * wdim + xc)
            wts.append(aw * fx * fy * valid.astype(jnp.float32))
    idx_ref[...] = jnp.concatenate(idxs, axis=1)
    wt_ref[...] = jnp.concatenate(wts, axis=1)


def _proj_body(a_ref, w_ref, b_ref, o_ref):
    o_ref[...] = lax.dot_general(
        a_ref[...], w_ref[...], (((1,), (1,)), ((), ())),
        preferred_element_type=jnp.float32) + b_ref[...]


_NW = 32
_KC = _L * _P
_QROWS = _BS * _NQ
_PER_W2 = _QROWS // _NW
_CHQ = 2
_ROWS_CH = _CHQ * _H * 4 * _KC
_NCHUNK = _PER_W2 // _CHQ
_ENT_W = _PER_W2 * _H * 4 * _KC


def _sc_attend(value_flat, idx_flat, wts_flat):
    mesh = plsc.VectorSubcoreMesh(core_axis_name="c", subcore_axis_name="s")

    @functools.partial(
        pl.kernel,
        out_type=jax.ShapeDtypeStruct((_QROWS, _H * _D), jnp.float32),
        mesh=mesh,
        scratch_types=[
            pltpu.VMEM((_ENT_W,), jnp.int32),
            pltpu.VMEM((_ENT_W,), jnp.float32),
            pltpu.VMEM((_ROWS_CH, _D), jnp.float32),
            pltpu.VMEM((_ROWS_CH, _D), jnp.float32),
            pltpu.VMEM((_CHQ, _H * _D), jnp.float32),
            pltpu.VMEM((_CHQ, _H * _D), jnp.float32),
            pltpu.SemaphoreType.DMA,
            pltpu.SemaphoreType.DMA,
            pltpu.SemaphoreType.DMA,
            pltpu.SemaphoreType.DMA,
        ],
        compiler_params=pltpu.CompilerParams(needs_layout_passes=False),
    )
    def k(value_hbm, idx_hbm, wts_hbm, out_hbm, idx_v, wts_v, bufa, bufb,
          out_va, out_vb, sema, semb, semoa, semob):
        wid = lax.axis_index("s") * 2 + lax.axis_index("c")
        out_base = wid * _PER_W2
        pltpu.sync_copy(idx_hbm.at[pl.ds(wid * _ENT_W, _ENT_W)], idx_v)
        pltpu.sync_copy(wts_hbm.at[pl.ds(wid * _ENT_W, _ENT_W)], wts_v)

        def start(g, buf, sem):
            pltpu.async_copy(
                value_hbm.at[idx_v.at[pl.ds(g * _ROWS_CH, _ROWS_CH)]],
                buf, sem)

        def drain(buf, sem):
            pltpu.make_async_copy(value_hbm.at[pl.ds(0, _ROWS_CH)], buf,
                                  sem).wait()

        def compute(g, buf, ov, semo):
            for q2 in range(_CHQ):
                for h in range(_H):
                    def mbody(jm, acc, q2=q2, h=h):
                        j = jm // _KC
                        m = jm % _KC
                        row = q2 * 64 + j * 16 + h * _KC + m
                        wvec = plsc.load_gather(
                            wts_v,
                            [jnp.full((16,), g * _ROWS_CH + row, jnp.int32)])
                        return tuple(
                            acc[c] + wvec * buf[row, pl.ds(c * 16, 16)]
                            for c in range(16))
                    acc = lax.fori_loop(
                        0, 4 * _KC, mbody,
                        tuple(jnp.zeros((16,), jnp.float32)
                              for _ in range(16)))
                    for c in range(16):
                        ov[q2, pl.ds(h * _D + c * 16, 16)] = acc[c]
            pltpu.async_copy(ov, out_hbm.at[pl.ds(out_base + g * _CHQ, _CHQ)],
                             semo)

        def wait_out(ov, semo):
            pltpu.make_async_copy(ov, out_hbm.at[pl.ds(0, _CHQ)], semo).wait()

        start(0, bufa, sema)

        def pair(gp, carry):
            g0 = gp * 2
            start(g0 + 1, bufb, semb)
            drain(bufa, sema)

            @pl.when(g0 >= 2)
            def _():
                wait_out(out_va, semoa)

            compute(g0, bufa, out_va, semoa)

            @pl.when(g0 + 2 < _NCHUNK)
            def _():
                start(g0 + 2, bufa, sema)

            drain(bufb, semb)

            @pl.when(g0 >= 2)
            def _():
                wait_out(out_vb, semob)

            compute(g0 + 1, bufb, out_vb, semob)
            return carry

        lax.fori_loop(0, _NCHUNK // 2, pair, 0)
        wait_out(out_va, semoa)
        wait_out(out_vb, semob)

    return k(value_flat, idx_flat, wts_flat)


def _prep_call(query, query_location, W_so, b_so, W_aw, b_aw):
    q2 = query.reshape(_BS * _NQ, _D)
    ql2 = query_location.reshape(_BS * _NQ, _L * 2)
    grid = (_BS * _NQ // _BQ,)
    full = lambda i: (0, 0)
    row = lambda i: (i, 0)
    return pl.pallas_call(
        _prep_body,
        grid=grid,
        in_specs=[
            pl.BlockSpec((_BQ, _D), row),
            pl.BlockSpec((_BQ, _L * 2), row),
            pl.BlockSpec((3 * _NCOMBO, _D), full),
            pl.BlockSpec((1, 3 * _NCOMBO), full),
        ],
        out_specs=[pl.BlockSpec((_BQ, _NCOMBO * 4), row)] * 2,
        out_shape=[
            jax.ShapeDtypeStruct((_BS * _NQ, _NCOMBO * 4), jnp.int32),
            jax.ShapeDtypeStruct((_BS * _NQ, _NCOMBO * 4), jnp.float32),
        ],
    )(q2, ql2,
      jnp.concatenate([W_so[0::2], W_so[1::2], W_aw], axis=0),
      jnp.concatenate([b_so[0::2], b_so[1::2], b_aw]).reshape(1, 3 * _NCOMBO))


def _proj_call(attn2, W_op, b_op):
    grid = (_BS * _NQ // _BQ,)
    return pl.pallas_call(
        _proj_body,
        grid=grid,
        in_specs=[
            pl.BlockSpec((_BQ, _H * _D), lambda i: (i, 0)),
            pl.BlockSpec((_D, _H * _D), lambda i: (0, 0)),
            pl.BlockSpec((1, _D), lambda i: (0, 0)),
        ],
        out_specs=pl.BlockSpec((_BQ, _D), lambda i: (i, 0)),
        out_shape=jax.ShapeDtypeStruct((_BS * _NQ, _D), jnp.float32),
    )(attn2, W_op, b_op.reshape(1, _D))


def kernel(query, value, query_location, spatial_shapes, level_start_index,
           W_so, b_so, W_aw, b_aw, W_op, b_op):
    idx, wt = _prep_call(query, query_location, W_so, b_so, W_aw, b_aw)
    value_flat = value.reshape(_BS * _NV, _D)
    attn2 = _sc_attend(value_flat, idx.reshape(-1), wt.reshape(-1))
    out = _proj_call(attn2, W_op, b_op)
    return out.reshape(_BS, _NQ, _D)

# --- scband reference (transcript-rebuilt; emitter-appended) ---
"""Pipeline reference for scband-transformer-block-87247965651443 (READ-ONLY COPY).

The authoritative reference and input builder live on the scoring server;
editing this copy changes nothing except your own understanding.
"""

import math
import jax, jax.numpy as jnp
import numpy as np

D_MODEL = 256
NUM_HEAD = 2
NUM_LEVEL = 2
NUM_POINTS = 4
SPATIAL = [(64, 64), (32, 32)]


def _grid_bias():
    thetas = np.arange(NUM_HEAD, dtype=np.float32) * (2.0 * math.pi / NUM_HEAD)
    grid = np.stack([np.cos(thetas), np.sin(thetas)], -1)
    grid = grid / np.abs(grid).max(-1, keepdims=True)
    grid = np.tile(grid.reshape(NUM_HEAD, 1, 1, 2), (1, NUM_LEVEL, NUM_POINTS, 1))
    for i in range(NUM_POINTS):
        grid[:, :, i, :] *= i + 1
    return jnp.asarray(grid.reshape(-1), dtype=jnp.float32)


def setup_inputs(seed: int = 0) -> dict:
    key = jax.random.key(seed)
    ks = jax.random.split(key, 8)
    bs = 2
    nq = SPATIAL[0][0] * SPATIAL[0][1]
    nv = sum(h * w for h, w in SPATIAL)
    query = jax.random.normal(ks[0], (bs, nq, D_MODEL), dtype=jnp.float32)
    value = jax.random.normal(ks[1], (bs, nv, D_MODEL), dtype=jnp.float32)
    query_location = jax.random.uniform(ks[2], (bs, nq, NUM_LEVEL, 2), dtype=jnp.float32)
    spatial_shapes = jnp.array(SPATIAL, dtype=jnp.int32)
    level_start_index = jnp.array([0, SPATIAL[0][0] * SPATIAL[0][1]], dtype=jnp.int32)
    so_dim = NUM_HEAD * NUM_LEVEL * NUM_POINTS * 2
    aw_dim = NUM_HEAD * NUM_LEVEL * NUM_POINTS
    W_so = jax.random.normal(ks[3], (so_dim, D_MODEL), dtype=jnp.float32) * 0.01
    b_so = _grid_bias()
    W_aw = jax.random.normal(ks[4], (aw_dim, D_MODEL), dtype=jnp.float32) * 0.02
    b_aw = jnp.zeros((aw_dim,), jnp.float32)
    lim = math.sqrt(6.0 / (D_MODEL * NUM_HEAD + D_MODEL))
    W_op = jax.random.uniform(ks[5], (D_MODEL, D_MODEL * NUM_HEAD), minval=-lim, maxval=lim, dtype=jnp.float32)
    b_op = jnp.zeros((D_MODEL,), jnp.float32)
    return {"query": query, "value": value, "query_location": query_location,
            "spatial_shapes": spatial_shapes, "level_start_index": level_start_index,
            "W_so": W_so, "b_so": b_so, "W_aw": W_aw, "b_aw": b_aw,
            "W_op": W_op, "b_op": b_op}


def _bilinear(vflat, h, w, x, y):
    c = vflat.shape[-1]
    x0 = jnp.floor(x); y0 = jnp.floor(y)
    x1 = x0 + 1.0; y1 = y0 + 1.0
    wx1 = x - x0; wx0 = 1.0 - wx1
    wy1 = y - y0; wy0 = 1.0 - wy1
    def gather(xi, yi):
        valid = ((xi >= 0) & (xi <= w - 1) & (yi >= 0) & (yi <= h - 1)).astype(vflat.dtype)
        xc = jnp.clip(xi, 0, w - 1).astype(jnp.int32)
        yc = jnp.clip(yi, 0, h - 1).astype(jnp.int32)
        idx = (yc * w + xc).reshape(xi.shape[0], -1)
        g = jnp.take_along_axis(vflat, idx[:, :, None], axis=1)
        return g.reshape(xi.shape + (c,)) * valid[..., None]
    return (gather(x0, y0) * (wx0 * wy0)[..., None]
            + gather(x1, y0) * (wx1 * wy0)[..., None]
            + gather(x0, y1) * (wx0 * wy1)[..., None]
            + gather(x1, y1) * (wx1 * wy1)[..., None])


def _ms_deform_attn(value, spatial_shapes, level_start_index, locs, attn_w):
    bs, nv, c = value.shape
    L = locs.shape[3]
    H = locs.shape[2]
    nq = locs.shape[1]
    out = jnp.zeros((bs, nq, H, c), value.dtype)
    for l in range(L):
        h, w = SPATIAL[l]
        h_t = spatial_shapes[l, 0].astype(locs.dtype)
        w_t = spatial_shapes[l, 1].astype(locs.dtype)
        start = level_start_index[l]
        vflat = jax.lax.dynamic_slice_in_dim(value, start, h * w, axis=1)
        x = locs[:, :, :, l, :, 0] * w_t - 0.5
        y = locs[:, :, :, l, :, 1] * h_t - 0.5
        sampled = _bilinear(vflat, h, w, x, y)
        out = out + jnp.sum(sampled * attn_w[:, :, :, l, :, None], axis=3)
    return out.reshape(bs, nq, H * c)


def reference(query, value, query_location, spatial_shapes, level_start_index,
              W_so, b_so, W_aw, b_aw, W_op, b_op):
    bs, nq, c = query.shape
    so = (query @ W_so.T + b_so).reshape(bs, nq, NUM_HEAD, NUM_LEVEL, NUM_POINTS, 2)
    aw = (query @ W_aw.T + b_aw).reshape(bs, nq, NUM_HEAD, NUM_LEVEL * NUM_POINTS)
    aw = jax.nn.softmax(aw, axis=-1).reshape(bs, nq, NUM_HEAD, NUM_LEVEL, NUM_POINTS)
    offset_normalizer = jnp.stack([spatial_shapes[:, 1], spatial_shapes[:, 0]], -1).astype(query.dtype)
    locs = query_location[:, :, None, :, None, :] + so / offset_normalizer[None, :, None, :]
    attn_out = _ms_deform_attn(value, spatial_shapes, level_start_index, locs, aw)
    return attn_out @ W_op.T + b_op

if __name__ == "__main__":
    import jax
    _d = setup_inputs()
    print(jax.jit(kernel)(*tuple(_d.values())))

</pallas_src>

<mosaic_0001>
#map = affine_map<(d0, d1) -> (0, 0)>
#map1 = affine_map<(d0, d1) -> (0)>
module attributes {stable_mosaic.version = 14 : i64} {
  func.func @k(%arg0: i32, %arg1: i32, %arg2: memref<10240x256xf32, #tpu.memory_space<hbm>>, %arg3: memref<524288xi32, #tpu.memory_space<hbm>>, %arg4: memref<524288xf32, #tpu.memory_space<hbm>>, %arg5: memref<8192x512xf32, #tpu.memory_space<hbm>>, %arg6: memref<16384xi32, #tpu.memory_space<vmem>>, %arg7: memref<16384xf32, #tpu.memory_space<vmem>>, %arg8: memref<128x256xf32, #tpu.memory_space<vmem>>, %arg9: memref<128x256xf32, #tpu.memory_space<vmem>>, %arg10: memref<2x512xf32, #tpu.memory_space<vmem>>, %arg11: memref<2x512xf32, #tpu.memory_space<vmem>>, %arg12: memref<!tpu.dma_semaphore, #tpu.memory_space<semaphore_mem>>, %arg13: memref<!tpu.dma_semaphore, #tpu.memory_space<semaphore_mem>>, %arg14: memref<!tpu.dma_semaphore, #tpu.memory_space<semaphore_mem>>, %arg15: memref<!tpu.dma_semaphore, #tpu.memory_space<semaphore_mem>>) attributes {dimension_semantics = [#tpu.dimension_semantics<core_parallel>, #tpu.dimension_semantics<subcore_parallel>], iteration_bounds = array<i64: 2, 16>, scalar_prefetch = 0 : i64, scratch_operands = 10 : i64, tpu.core_type = #tpu.core_type<sc_vector_subcore>, window_params = [{transform_indices = #map}, {transform_indices = #map1}, {transform_indices = #map1}, {transform_indices = #map}]} {
    %mul3A = arith.constant 2 : i32
    %mul3A_0 = arith.muli %arg1, %mul3A : i32
    %add3A = arith.addi %mul3A_0, %arg0 : i32
    %mul3A_1 = arith.constant 256 : i32
    %mul3A_2 = arith.muli %add3A, %mul3A_1 : i32
    %mul3A_3 = arith.constant 16384 : i32
    %mul3A_4 = arith.muli %add3A, %mul3A_3 : i32
    "tpu.region"() ({
      %run_scoped3A = tpu.sem_alloc : memref<!tpu.dma_semaphore, #tpu.memory_space<semaphore_mem>>
      %dma_start3A_27 = tpu.memref_slice %arg3[%mul3A_4] : memref<524288xi32, #tpu.memory_space<hbm>> -> memref<16384xi32, #tpu.memory_space<hbm>>
      %dma_start3A_28 = tpu.memref_slice %arg3[%mul3A_4] : memref<524288xi32, #tpu.memory_space<hbm>> -> memref<16384xi32, #tpu.memory_space<hbm>>
      tpu.enqueue_dma source(%dma_start3A_28 : memref<16384xi32, #tpu.memory_space<hbm>>) target(%arg6 : memref<16384xi32, #tpu.memory_space<vmem>>) target_semaphore(%run_scoped3A : memref<!tpu.dma_semaphore, #tpu.memory_space<semaphore_mem>>)
      %dma_wait3A_29 = tpu.memref_slice %arg3[%mul3A_4] : memref<524288xi32, #tpu.memory_space<hbm>> -> memref<16384xi32, #tpu.memory_space<hbm>>
      %dma_wait3A_30 = tpu.memref_slice %arg3[%mul3A_4] : memref<524288xi32, #tpu.memory_space<hbm>> -> memref<16384xi32, #tpu.memory_space<hbm>>
      tpu.wait_dma2 semaphore(%run_scoped3A : memref<!tpu.dma_semaphore, #tpu.memory_space<semaphore_mem>>) src(%dma_wait3A_30 : memref<16384xi32, #tpu.memory_space<hbm>>) dst(%arg6 : memref<16384xi32, #tpu.memory_space<vmem>>)
      tpu.yield
    }) : () -> ()
    %mul3A_5 = arith.constant 16384 : i32
    %mul3A_6 = arith.muli %add3A, %mul3A_5 : i32
    "tpu.region"() ({
      %run_scoped3A = tpu.sem_alloc : memref<!tpu.dma_semaphore, #tpu.memory_space<semaphore_mem>>
      %dma_start3A_27 = tpu.memref_slice %arg4[%mul3A_6] : memref<524288xf32, #tpu.memory_space<hbm>> -> memref<16384xf32, #tpu.memory_space<hbm>>
      %dma_start3A_28 = tpu.memref_slice %arg4[%mul3A_6] : memref<524288xf32, #tpu.memory_space<hbm>> -> memref<16384xf32, #tpu.memory_space<hbm>>
      tpu.enqueue_dma source(%dma_start3A_28 : memref<16384xf32, #tpu.memory_space<hbm>>) target(%arg7 : memref<16384xf32, #tpu.memory_space<vmem>>) target_semaphore(%run_scoped3A : memref<!tpu.dma_semaphore, #tpu.memory_space<semaphore_mem>>)
      %dma_wait3A_29 = tpu.memref_slice %arg4[%mul3A_6] : memref<524288xf32, #tpu.memory_space<hbm>> -> memref<16384xf32, #tpu.memory_space<hbm>>
      %dma_wait3A_30 = tpu.memref_slice %arg4[%mul3A_6] : memref<524288xf32, #tpu.memory_space<hbm>> -> memref<16384xf32, #tpu.memory_space<hbm>>
      tpu.wait_dma2 semaphore(%run_scoped3A : memref<!tpu.dma_semaphore, #tpu.memory_space<semaphore_mem>>) src(%dma_wait3A_30 : memref<16384xf32, #tpu.memory_space<hbm>>) dst(%arg7 : memref<16384xf32, #tpu.memory_space<vmem>>)
      tpu.yield
    }) : () -> ()
    %dma_start3A = arith.constant 0 : i32
    %dma_start3A_7 = tpu.memref_slice %arg6[%dma_start3A] : memref<16384xi32, #tpu.memory_space<vmem>> -> memref<128xi32, #tpu.memory_space<vmem>>
    %dma_start3A_8 = arith.constant 0 : i32
    %dma_start3A_9 = arith.constant 0 : i32
    %dma_start3A_10 = tpu.memref_slice %arg2[%dma_start3A_8, %dma_start3A_9] : memref<10240x256xf32, #tpu.memory_space<hbm>> -> memref<10240x256xf32, #tpu.memory_space<hbm>>
    tpu.enqueue_indirect_dma source(%dma_start3A_10 : memref<10240x256xf32, #tpu.memory_space<hbm>>) target(%arg8 : memref<128x256xf32, #tpu.memory_space<vmem>>) offsets(%dma_start3A_7 : memref<128xi32, #tpu.memory_space<vmem>>) semaphore(%arg12 : memref<!tpu.dma_semaphore, #tpu.memory_space<semaphore_mem>>)
    %scan3A = arith.constant 0 : i32
    %scan3A_11 = arith.constant 0 : i32
    %scan3A_12 = arith.constant 64 : i32
    %scan3A_13 = arith.addi %scan3A_11, %scan3A_12 : i32
    %scan3A_14 = arith.constant 1 : i32
    scf.for %scan3A_27 = %scan3A_11 to %scan3A_13 step %scan3A_14  : i32 {
      %mul3A_28 = arith.constant 2 : i32
      %mul3A_29 = arith.muli %scan3A_27, %mul3A_28 : i32
      %add3A_30 = arith.constant 1 : i32
      %add3A_31 = arith.addi %mul3A_29, %add3A_30 : i32
      %mul3A_32 = arith.constant 128 : i32
      %mul3A_33 = arith.muli %add3A_31, %mul3A_32 : i32
      %dma_start3A_34 = tpu.memref_slice %arg6[%mul3A_33] : memref<16384xi32, #tpu.memory_space<vmem>> -> memref<128xi32, #tpu.memory_space<vmem>>
      %dma_start3A_35 = arith.constant 0 : i32
      %dma_start3A_36 = arith.constant 0 : i32
      %dma_start3A_37 = tpu.memref_slice %arg2[%dma_start3A_35, %dma_start3A_36] : memref<10240x256xf32, #tpu.memory_space<hbm>> -> memref<10240x256xf32, #tpu.memory_space<hbm>>
      tpu.enqueue_indirect_dma source(%dma_start3A_37 : memref<10240x256xf32, #tpu.memory_space<hbm>>) target(%arg9 : memref<128x256xf32, #tpu.memory_space<vmem>>) offsets(%dma_start3A_34 : memref<128xi32, #tpu.memory_space<vmem>>) semaphore(%arg13 : memref<!tpu.dma_semaphore, #tpu.memory_space<semaphore_mem>>)
      %dma_wait3A_38 = arith.constant 0 : i32
      %dma_wait3A_39 = arith.constant 0 : i32
      %dma_wait3A_40 = tpu.memref_slice %arg2[%dma_wait3A_38, %dma_wait3A_39] : memref<10240x256xf32, #tpu.memory_space<hbm>> -> memref<128x256xf32, #tpu.memory_space<hbm>>
      %dma_wait3A_41 = arith.constant 0 : i32
      %dma_wait3A_42 = arith.constant 0 : i32
      %dma_wait3A_43 = tpu.memref_slice %arg2[%dma_wait3A_41, %dma_wait3A_42] : memref<10240x256xf32, #tpu.memory_space<hbm>> -> memref<128x256xf32, #tpu.memory_space<hbm>>
      tpu.wait_dma2 semaphore(%arg12 : memref<!tpu.dma_semaphore, #tpu.memory_space<semaphore_mem>>) src(%dma_wait3A_43 : memref<128x256xf32, #tpu.memory_space<hbm>>) dst(%arg8 : memref<128x256xf32, #tpu.memory_space<vmem>>)
      %ge3A = arith.constant 2 : i32
      %ge3A_44 = arith.cmpi sge, %mul3A_29, %ge3A : i32
      %convert_element_type3A = arith.extui %ge3A_44 : i1 to i32
      %cond3A = arith.constant 0 : i32
      %cond3A_45 = arith.cmpi ne, %convert_element_type3A, %cond3A : i32
      scf.if %cond3A_45 {
        %dma_wait3A_893 = arith.constant 0 : i32
        %dma_wait3A_894 = arith.constant 0 : i32
        %dma_wait3A_895 = tpu.memref_slice %arg5[%dma_wait3A_893, %dma_wait3A_894] : memref<8192x512xf32, #tpu.memory_space<hbm>> -> memref<2x512xf32, #tpu.memory_space<hbm>>
        %dma_wait3A_896 = arith.constant 0 : i32
        %dma_wait3A_897 = arith.constant 0 : i32
        %dma_wait3A_898 = tpu.memref_slice %arg5[%dma_wait3A_896, %dma_wait3A_897] : memref<8192x512xf32, #tpu.memory_space<hbm>> -> memref<2x512xf32, #tpu.memory_space<hbm>>
        tpu.wait_dma2 semaphore(%arg14 : memref<!tpu.dma_semaphore, #tpu.memory_space<semaphore_mem>>) src(%arg10 : memref<2x512xf32, #tpu.memory_space<vmem>>) dst(%dma_wait3A_898 : memref<2x512xf32, #tpu.memory_space<hbm>>)
      } else {
      }
      %broadcast_in_dim3A = arith.constant 0.000000e+00 : f32
      %broadcast_in_dim3A_46 = vector.broadcast %broadcast_in_dim3A : f32 to vector<16xf32>
      %broadcast_in_dim3A_47 = arith.constant 0.000000e+00 : f32
      %broadcast_in_dim3A_48 = vector.broadcast %broadcast_in_dim3A_47 : f32 to vector<16xf32>
      %broadcast_in_dim3A_49 = arith.constant 0.000000e+00 : f32
      %broadcast_in_dim3A_50 = vector.broadcast %broadcast_in_dim3A_49 : f32 to vector<16xf32>
      %broadcast_in_dim3A_51 = arith.constant 0.000000e+00 : f32
      %broadcast_in_dim3A_52 = vector.broadcast %broadcast_in_dim3A_51 : f32 to vector<16xf32>
      %broadcast_in_dim3A_53 = arith.constant 0.000000e+00 : f32
      %broadcast_in_dim3A_54 = vector.broadcast %broadcast_in_dim3A_53 : f32 to vector<16xf32>
      %broadcast_in_dim3A_55 = arith.constant 0.000000e+00 : f32
      %broadcast_in_dim3A_56 = vector.broadcast %broadcast_in_dim3A_55 : f32 to vector<16xf32>
      %broadcast_in_dim3A_57 = arith.constant 0.000000e+00 : f32
      %broadcast_in_dim3A_58 = vector.broadcast %broadcast_in_dim3A_57 : f32 to vector<16xf32>
      %broadcast_in_dim3A_59 = arith.constant 0.000000e+00 : f32
      %broadcast_in_dim3A_60 = vector.broadcast %broadcast_in_dim3A_59 : f32 to vector<16xf32>
      %broadcast_in_dim3A_61 = arith.constant 0.000000e+00 : f32
      %broadcast_in_dim3A_62 = vector.broadcast %broadcast_in_dim3A_61 : f32 to vector<16xf32>
      %broadcast_in_dim3A_63 = arith.constant 0.000000e+00 : f32
      %broadcast_in_dim3A_64 = vector.broadcast %broadcast_in_dim3A_63 : f32 to vector<16xf32>
      %broadcast_in_dim3A_65 = arith.constant 0.000000e+00 : f32
      %broadcast_in_dim3A_66 = vector.broadcast %broadcast_in_dim3A_65 : f32 to vector<16xf32>
      %broadcast_in_dim3A_67 = arith.constant 0.000000e+00 : f32
      %broadcast_in_dim3A_68 = vector.broadcast %broadcast_in_dim3A_67 : f32 to vector<16xf32>
      %broadcast_in_dim3A_69 = arith.constant 0.000000e+00 : f32
      %broadcast_in_dim3A_70 = vector.broadcast %broadcast_in_dim3A_69 : f32 to vector<16xf32>
      %broadcast_in_dim3A_71 = arith.constant 0.000000e+00 : f32
      %broadcast_in_dim3A_72 = vector.broadcast %broadcast_in_dim3A_71 : f32 to vector<16xf32>
      %broadcast_in_dim3A_73 = arith.constant 0.000000e+00 : f32
      %broadcast_in_dim3A_74 = vector.broadcast %broadcast_in_dim3A_73 : f32 to vector<16xf32>
      %broadcast_in_dim3A_75 = arith.constant 0.000000e+00 : f32
      %broadcast_in_dim3A_76 = vector.broadcast %broadcast_in_dim3A_75 : f32 to vector<16xf32>
      %scan3A_77 = arith.constant 0 : i32
      %scan3A_78 = arith.constant 32 : i32
      %scan3A_79 = arith.addi %scan3A_77, %scan3A_78 : i32
      %scan3A_80 = arith.constant 1 : i32
      %scan3A_81:16 = scf.for %scan3A_893 = %scan3A_77 to %scan3A_79 step %scan3A_80 iter_args(%scan3A_894 = %broadcast_in_dim3A_46, %scan3A_895 = %broadcast_in_dim3A_48, %scan3A_896 = %broadcast_in_dim3A_50, %scan3A_897 = %broadcast_in_dim3A_52, %scan3A_898 = %broadcast_in_dim3A_54, %scan3A_899 = %broadcast_in_dim3A_56, %scan3A_900 = %broadcast_in_dim3A_58, %scan3A_901 = %broadcast_in_dim3A_60, %scan3A_902 = %broadcast_in_dim3A_62, %scan3A_903 = %broadcast_in_dim3A_64, %scan3A_904 = %broadcast_in_dim3A_66, %scan3A_905 = %broadcast_in_dim3A_68, %scan3A_906 = %broadcast_in_dim3A_70, %scan3A_907 = %broadcast_in_dim3A_72, %scan3A_908 = %broadcast_in_dim3A_74, %scan3A_909 = %broadcast_in_dim3A_76) -> (vector<16xf32>, vector<16xf32>, vector<16xf32>, vector<16xf32>, vector<16xf32>, vector<16xf32>, vector<16xf32>, vector<16xf32>, vector<16xf32>, vector<16xf32>, vector<16xf32>, vector<16xf32>, vector<16xf32>, vector<16xf32>, vector<16xf32>, vector<16xf32>)  : i32 {
        %jit3A = arith.constant 8 : i32
        %div3A = arith.divsi %scan3A_893, %jit3A : i32
        %sign3A = arith.constant 0 : i32
        %sign3A_910 = arith.cmpi sgt, %scan3A_893, %sign3A : i32
        %sign3A_911 = arith.extui %sign3A_910 : i1 to i32
        %sign3A_912 = arith.constant 0 : i32
        %sign3A_913 = arith.cmpi slt, %scan3A_893, %sign3A_912 : i32
        %sign3A_914 = arith.extui %sign3A_913 : i1 to i32
        %sign3A_915 = arith.subi %sign3A_911, %sign3A_914 : i32
        %sign3A_916 = arith.constant 0 : i32
        %sign3A_917 = arith.cmpi sgt, %jit3A, %sign3A_916 : i32
        %sign3A_918 = arith.extui %sign3A_917 : i1 to i32
        %sign3A_919 = arith.constant 0 : i32
        %sign3A_920 = arith.cmpi slt, %jit3A, %sign3A_919 : i32
        %sign3A_921 = arith.extui %sign3A_920 : i1 to i32
        %sign3A_922 = arith.subi %sign3A_918, %sign3A_921 : i32
        %ne3A = arith.cmpi ne, %sign3A_915, %sign3A_922 : i32
        %rem3A = arith.remsi %scan3A_893, %jit3A : i32
        %ne3A_923 = arith.constant 0 : i32
        %ne3A_924 = arith.cmpi ne, %rem3A, %ne3A_923 : i32
        %and3A = arith.andi %ne3A, %ne3A_924 : i1
        %sub3A = arith.constant 1 : i32
        %sub3A_925 = arith.subi %div3A, %sub3A : i32
        %select_n3A = arith.select %and3A, %sub3A_925, %div3A : i32
        %jit3A_926 = arith.constant 8 : i32
        %eq3A = arith.constant 0 : i32
        %eq3A_927 = arith.cmpi eq, %jit3A_926, %eq3A : i32
        %jit3A_928 = arith.constant 1 : i32
        %select_n3A_929 = arith.select %eq3A_927, %jit3A_928, %jit3A_926 : i32
        %rem3A_930 = arith.remsi %scan3A_893, %select_n3A_929 : i32
        %ne3A_931 = arith.constant 0 : i32
        %ne3A_932 = arith.cmpi ne, %rem3A_930, %ne3A_931 : i32
        %lt3A_933 = arith.constant 0 : i32
        %lt3A_934 = arith.cmpi slt, %rem3A_930, %lt3A_933 : i32
        %lt3A_935 = arith.constant 0 : i32
        %lt3A_936 = arith.cmpi slt, %select_n3A_929, %lt3A_935 : i32
        %ne3A_937 = arith.xori %lt3A_934, %lt3A_936 : i1
        %and3A_938 = arith.andi %ne3A_937, %ne3A_932 : i1
        %add3A_939 = arith.addi %rem3A_930, %select_n3A_929 : i32
        %select_n3A_940 = arith.select %and3A_938, %add3A_939, %rem3A_930 : i32
        %mul3A_941 = arith.constant 16 : i32
        %mul3A_942 = arith.muli %select_n3A, %mul3A_941 : i32
        %add3A_943 = arith.constant 0 : i32
        %add3A_944 = arith.addi %add3A_943, %mul3A_942 : i32
        %add3A_945 = arith.constant 0 : i32
        %add3A_946 = arith.addi %add3A_944, %add3A_945 : i32
        %add3A_947 = arith.addi %add3A_946, %select_n3A_940 : i32
        %mul3A_948 = arith.constant 128 : i32
        %mul3A_949 = arith.muli %mul3A_29, %mul3A_948 : i32
        %add3A_950 = arith.addi %mul3A_949, %add3A_947 : i32
        %broadcast_in_dim3A_951 = vector.broadcast %add3A_950 : i32 to vector<16xi32>
        %gather3A = tpu.vector_load_idx %arg7[%broadcast_in_dim3A_951] : memref<16384xf32, #tpu.memory_space<vmem>>[vector<16xi32>], vector<16xf32>,
        %get3A = arith.index_cast %add3A_947 : i32 to index
        %get3A_952 = arith.constant 0 : index
        %get3A_953 = tpu.vector_load %arg8[%get3A, %get3A_952] {strides = array<i32>} : memref<128x256xf32, #tpu.memory_space<vmem>>, vector<16xf32>,
        %mul3A_954 = arith.mulf %gather3A, %get3A_953 : vector<16xf32>
        %add3A_955 = arith.addf %scan3A_894, %mul3A_954 : vector<16xf32>
        %get3A_956 = arith.index_cast %add3A_947 : i32 to index
        %get3A_957 = arith.constant 16 : index
        %get3A_958 = tpu.vector_load %arg8[%get3A_956, %get3A_957] {strides = array<i32>} : memref<128x256xf32, #tpu.memory_space<vmem>>, vector<16xf32>,
        %mul3A_959 = arith.mulf %gather3A, %get3A_958 : vector<16xf32>
        %add3A_960 = arith.addf %scan3A_895, %mul3A_959 : vector<16xf32>
        %get3A_961 = arith.index_cast %add3A_947 : i32 to index
        %get3A_962 = arith.constant 32 : index
        %get3A_963 = tpu.vector_load %arg8[%get3A_961, %get3A_962] {strides = array<i32>} : memref<128x256xf32, #tpu.memory_space<vmem>>, vector<16xf32>,
        %mul3A_964 = arith.mulf %gather3A, %get3A_963 : vector<16xf32>
        %add3A_965 = arith.addf %scan3A_896, %mul3A_964 : vector<16xf32>
        %get3A_966 = arith.index_cast %add3A_947 : i32 to index
        %get3A_967 = arith.constant 48 : index
        %get3A_968 = tpu.vector_load %arg8[%get3A_966, %get3A_967] {strides = array<i32>} : memref<128x256xf32, #tpu.memory_space<vmem>>, vector<16xf32>,
        %mul3A_969 = arith.mulf %gather3A, %get3A_968 : vector<16xf32>
        %add3A_970 = arith.addf %scan3A_897, %mul3A_969 : vector<16xf32>
        %get3A_971 = arith.index_cast %add3A_947 : i32 to index
        %get3A_972 = arith.constant 64 : index
        %get3A_973 = tpu.vector_load %arg8[%get3A_971, %get3A_972] {strides = array<i32>} : memref<128x256xf32, #tpu.memory_space<vmem>>, vector<16xf32>,
        %mul3A_974 = arith.mulf %gather3A, %get3A_973 : vector<16xf32>
        %add3A_975 = arith.addf %scan3A_898, %mul3A_974 : vector<16xf32>
        %get3A_976 = arith.index_cast %add3A_947 : i32 to index
        %get3A_977 = arith.constant 80 : index
        %get3A_978 = tpu.vector_load %arg8[%get3A_976, %get3A_977] {strides = array<i32>} : memref<128x256xf32, #tpu.memory_space<vmem>>, vector<16xf32>,
        %mul3A_979 = arith.mulf %gather3A, %get3A_978 : vector<16xf32>
        %add3A_980 = arith.addf %scan3A_899, %mul3A_979 : vector<16xf32>
        %get3A_981 = arith.index_cast %add3A_947 : i32 to index
        %get3A_982 = arith.constant 96 : index
        %get3A_983 = tpu.vector_load %arg8[%get3A_981, %get3A_982] {strides = array<i32>} : memref<128x256xf32, #tpu.memory_space<vmem>>, vector<16xf32>,
        %mul3A_984 = arith.mulf %gather3A, %get3A_983 : vector<16xf32>
        %add3A_985 = arith.addf %scan3A_900, %mul3A_984 : vector<16xf32>
        %get3A_986 = arith.index_cast %add3A_947 : i32 to index
        %get3A_987 = arith.constant 112 : index
        %get3A_988 = tpu.vector_load %arg8[%get3A_986, %get3A_987] {strides = array<i32>} : memref<128x256xf32, #tpu.memory_space<vmem>>, vector<16xf32>,
        %mul3A_989 = arith.mulf %gather3A, %get3A_988 : vector<16xf32>
        %add3A_990 = arith.addf %scan3A_901, %mul3A_989 : vector<16xf32>
        %get3A_991 = arith.index_cast %add3A_947 : i32 to index
        %get3A_992 = arith.constant 128 : index
        %get3A_993 = tpu.vector_load %arg8[%get3A_991, %get3A_992] {strides = array<i32>} : memref<128x256xf32, #tpu.memory_space<vmem>>, vector<16xf32>,
        %mul3A_994 = arith.mulf %gather3A, %get3A_993 : vector<16xf32>
        %add3A_995 = arith.addf %scan3A_902, %mul3A_994 : vector<16xf32>
        %get3A_996 = arith.index_cast %add3A_947 : i32 to index
        %get3A_997 = arith.constant 144 : index
        %get3A_998 = tpu.vector_load %arg8[%get3A_996, %get3A_997] {strides = array<i32>} : memref<128x256xf32, #tpu.memory_space<vmem>>, vector<16xf32>,
        %mul3A_999 = arith.mulf %gather3A, %get3A_998 : vector<16xf32>
        %add3A_1000 = arith.addf %scan3A_903, %mul3A_999 : vector<16xf32>
        %get3A_1001 = arith.index_cast %add3A_947 : i32 to index
        %get3A_1002 = arith.constant 160 : index
        %get3A_1003 = tpu.vector_load %arg8[%get3A_1001, %get3A_1002] {strides = array<i32>} : memref<128x256xf32, #tpu.memory_space<vmem>>, vector<16xf32>,
        %mul3A_1004 = arith.mulf %gather3A, %get3A_1003 : vector<16xf32>
        %add3A_1005 = arith.addf %scan3A_904, %mul3A_1004 : vector<16xf32>
        %get3A_1006 = arith.index_cast %add3A_947 : i32 to index
        %get3A_1007 = arith.constant 176 : index
        %get3A_1008 = tpu.vector_load %arg8[%get3A_1006, %get3A_1007] {strides = array<i32>} : memref<128x256xf32, #tpu.memory_space<vmem>>, vector<16xf32>,
        %mul3A_1009 = arith.mulf %gather3A, %get3A_1008 : vector<16xf32>
        %add3A_1010 = arith.addf %scan3A_905, %mul3A_1009 : vector<16xf32>
        %get3A_1011 = arith.index_cast %add3A_947 : i32 to index
        %get3A_1012 = arith.constant 192 : index
        %get3A_1013 = tpu.vector_load %arg8[%get3A_1011, %get3A_1012] {strides = array<i32>} : memref<128x256xf32, #tpu.memory_space<vmem>>, vector<16xf32>,
        %mul3A_1014 = arith.mulf %gather3A, %get3A_1013 : vector<16xf32>
        %add3A_1015 = arith.addf %scan3A_906, %mul3A_1014 : vector<16xf32>
        %get3A_1016 = arith.index_cast %add3A_947 : i32 to index
        %get3A_1017 = arith.constant 208 : index
        %get3A_1018 = tpu.vector_load %arg8[%get3A_1016, %get3A_1017] {strides = array<i32>} : memref<128x256xf32, #tpu.memory_space<vmem>>, vector<16xf32>,
        %mul3A_1019 = arith.mulf %gather3A, %get3A_1018 : vector<16xf32>
        %add3A_1020 = arith.addf %scan3A_907, %mul3A_1019 : vector<16xf32>
        %get3A_1021 = arith.index_cast %add3A_947 : i32 to index
        %get3A_1022 = arith.constant 224 : index
        %get3A_1023 = tpu.vector_load %arg8[%get3A_1021, %get3A_1022] {strides = array<i32>} : memref<128x256xf32, #tpu.memory_space<vmem>>, vector<16xf32>,
        %mul3A_1024 = arith.mulf %gather3A, %get3A_1023 : vector<16xf32>
        %add3A_1025 = arith.addf %scan3A_908, %mul3A_1024 : vector<16xf32>
        %get3A_1026 = arith.index_cast %add3A_947 : i32 to index
        %get3A_1027 = arith.constant 240 : index
        %get3A_1028 = tpu.vector_load %arg8[%get3A_1026, %get3A_1027] {strides = array<i32>} : memref<128x256xf32, #tpu.memory_space<vmem>>, vector<16xf32>,
        %mul3A_1029 = arith.mulf %gather3A, %get3A_1028 : vector<16xf32>
        %add3A_1030 = arith.addf %scan3A_909, %mul3A_1029 : vector<16xf32>
        scf.yield %add3A_955, %add3A_960, %add3A_965, %add3A_970, %add3A_975, %add3A_980, %add3A_985, %add3A_990, %add3A_995, %add3A_1000, %add3A_1005, %add3A_1010, %add3A_1015, %add3A_1020, %add3A_1025, %add3A_1030 : vector<16xf32>, vector<16xf32>, vector<16xf32>, vector<16xf32>, vector<16xf32>, vector<16xf32>, vector<16xf32>, vector<16xf32>, vector<16xf32>, vector<16xf32>, vector<16xf32>, vector<16xf32>, vector<16xf32>, vector<16xf32>, vector<16xf32>, vector<16xf32>
      }
      %scan3A_82 = arith.constant 32 : i32
      %swap3A = arith.constant 0 : i32
      %swap3A_83 = arith.index_cast %swap3A : i32 to index
      %swap3A_84 = arith.constant 0 : index
      %swap3A_85 = tpu.vector_load %arg10[%swap3A_83, %swap3A_84] {strides = array<i32>} : memref<2x512xf32, #tpu.memory_space<vmem>>, vector<16xf32>,
      tpu.vector_store %arg10[%swap3A_83, %swap3A_84], %scan3A_81#0 {strides = array<i32>} : memref<2x512xf32, #tpu.memory_space<vmem>>, vector<16xf32>,
      %swap3A_86 = arith.constant 0 : i32
      %swap3A_87 = arith.index_cast %swap3A_86 : i32 to index
      %swap3A_88 = arith.constant 16 : index
      %swap3A_89 = tpu.vector_load %arg10[%swap3A_87, %swap3A_88] {strides = array<i32>} : memref<2x512xf32, #tpu.memory_space<vmem>>, vector<16xf32>,
      tpu.vector_store %arg10[%swap3A_87, %swap3A_88], %scan3A_81#1 {strides = array<i32>} : memref<2x512xf32, #tpu.memory_space<vmem>>, vector<16xf32>,
      %swap3A_90 = arith.constant 0 : i32
      %swap3A_91 = arith.index_cast %swap3A_90 : i32 to index
      %swap3A_92 = arith.constant 32 : index
      %swap3A_93 = tpu.vector_load %arg10[%swap3A_91, %swap3A_92] {strides = array<i32>} : memref<2x512xf32, #tpu.memory_space<vmem>>, vector<16xf32>,
      tpu.vector_store %arg10[%swap3A_91, %swap3A_92], %scan3A_81#2 {strides = array<i32>} : memref<2x512xf32, #tpu.memory_space<vmem>>, vector<16xf32>,
      %swap3A_94 = arith.constant 0 : i32
      %swap3A_95 = arith.index_cast %swap3A_94 : i32 to index
      %swap3A_96 = arith.constant 48 : index
      %swap3A_97 = tpu.vector_load %arg10[%swap3A_95, %swap3A_96] {strides = array<i32>} : memref<2x512xf32, #tpu.memory_space<vmem>>, vector<16xf32>,
      tpu.vector_store %arg10[%swap3A_95, %swap3A_96], %scan3A_81#3 {strides = array<i32>} : memref<2x512xf32, #tpu.memory_space<vmem>>, vector<16xf32>,
      %swap3A_98 = arith.constant 0 : i32
      %swap3A_99 = arith.index_cast %swap3A_98 : i32 to index
      %swap3A_100 = arith.constant 64 : index
      %swap3A_101 = tpu.vector_load %arg10[%swap3A_99, %swap3A_100] {strides = array<i32>} : memref<2x512xf32, #tpu.memory_space<vmem>>, vector<16xf32>,
      tpu.vector_store %arg10[%swap3A_99, %swap3A_100], %scan3A_81#4 {strides = array<i32>} : memref<2x512xf32, #tpu.memory_space<vmem>>, vector<16xf32>,
      %swap3A_102 = arith.constant 0 : i32
      %swap3A_103 = arith.index_cast %swap3A_102 : i32 to index
      %swap3A_104 = arith.constant 80 : index
      %swap3A_105 = tpu.vector_load %arg10[%swap3A_103, %swap3A_104] {strides = array<i32>} : memref<2x512xf32, #tpu.memory_space<vmem>>, vector<16xf32>,
      tpu.vector_store %arg10[%swap3A_103, %swap3A_104], %scan3A_81#5 {strides = array<i32>} : memref<2x512xf32, #tpu.memory_space<vmem>>, vector<16xf32>,
      %swap3A_106 = arith.constant 0 : i32
      %swap3A_107 = arith.index_cast %swap3A_106 : i32 to index
      %swap3A_108 = arith.constant 96 : index
      %swap3A_109 = tpu.vector_load %arg10[%swap3A_107, %swap3A_108] {strides = array<i32>} : memref<2x512xf32, #tpu.memory_space<vmem>>, vector<16xf32>,
      tpu.vector_store %arg10[%swap3A_107, %swap3A_108], %scan3A_81#6 {strides = array<i32>} : memref<2x512xf32, #tpu.memory_space<vmem>>, vector<16xf32>,
      %swap3A_110 = arith.constant 0 : i32
      %swap3A_111 = arith.index_cast %swap3A_110 : i32 to index
      %swap3A_112 = arith.constant 112 : index
      %swap3A_113 = tpu.vector_load %arg10[%swap3A_111, %swap3A_112] {strides = array<i32>} : memref<2x512xf32, #tpu.memory_space<vmem>>, vector<16xf32>,
      tpu.vector_store %arg10[%swap3A_111, %swap3A_112], %scan3A_81#7 {strides = array<i32>} : memref<2x512xf32, #tpu.memory_space<vmem>>, vector<16xf32>,
      %swap3A_114 = arith.constant 0 : i32
      %swap3A_115 = arith.index_cast %swap3A_114 : i32 to index
      %swap3A_116 = arith.constant 128 : index
      %swap3A_117 = tpu.vector_load %arg10[%swap3A_115, %swap3A_116] {strides = array<i32>} : memref<2x512xf32, #tpu.memory_space<vmem>>, vector<16xf32>,
      tpu.vector_store %arg10[%swap3A_115, %swap3A_116], %scan3A_81#8 {strides = array<i32>} : memref<2x512xf32, #tpu.memory_space<vmem>>, vector<16xf32>,
      %swap3A_118 = arith.constant 0 : i32
      %swap3A_119 = arith.index_cast %swap3A_118 : i32 to index
      %swap3A_120 = arith.constant 144 : index
      %swap3A_121 = tpu.vector_load %arg10[%swap3A_119, %swap3A_120] {strides = array<i32>} : memref<2x512xf32, #tpu.memory_space<vmem>>, vector<16xf32>,
      tpu.vector_store %arg10[%swap3A_119, %swap3A_120], %scan3A_81#9 {strides = array<i32>} : memref<2x512xf32, #tpu.memory_space<vmem>>, vector<16xf32>,
      %swap3A_122 = arith.constant 0 : i32
      %swap3A_123 = arith.index_cast %swap3A_122 : i32 to index
      %swap3A_124 = arith.constant 160 : index
      %swap3A_125 = tpu.vector_load %arg10[%swap3A_123, %swap3A_124] {strides = array<i32>} : memref<2x512xf32, #tpu.memory_space<vmem>>, vector<16xf32>,
      tpu.vector_store %arg10[%swap3A_123, %swap3A_124], %scan3A_81#10 {strides = array<i32>} : memref<2x512xf32, #tpu.memory_space<vmem>>, vector<16xf32>,
      %swap3A_126 = arith.constant 0 : i32
      %swap3A_127 = arith.index_cast %swap3A_126 : i32 to index
      %swap3A_128 = arith.constant 176 : index
      %swap3A_129 = tpu.vector_load %arg10[%swap3A_127, %swap3A_128] {strides = array<i32>} : memref<2x512xf32, #tpu.memory_space<vmem>>, vector<16xf32>,
      tpu.vector_store %arg10[%swap3A_127, %swap3A_128], %scan3A_81#11 {strides = array<i32>} : memref<2x512xf32, #tpu.memory_space<vmem>>, vector<16xf32>,
      %swap3A_130 = arith.constant 0 : i32
      %swap3A_131 = arith.index_cast %swap3A_130 : i32 to index
      %swap3A_132 = arith.constant 192 : index
      %swap3A_133 = tpu.vector_load %arg10[%swap3A_131, %swap3A_132] {strides = array<i32>} : memref<2x512xf32, #tpu.memory_space<vmem>>, vector<16xf32>,
      tpu.vector_store %arg10[%swap3A_131, %swap3A_132], %scan3A_81#12 {strides = array<i32>} : memref<2x512xf32, #tpu.memory_space<vmem>>, vector<16xf32>,
      %swap3A_134 = arith.constant 0 : i32
      %swap3A_135 = arith.index_cast %swap3A_134 : i32 to index
      %swap3A_136 = arith.constant 208 : index
      %swap3A_137 = tpu.vector_load %arg10[%swap3A_135, %swap3A_136] {strides = array<i32>} : memref<2x512xf32, #tpu.memory_space<vmem>>, vector<16xf32>,
      tpu.vector_store %arg10[%swap3A_135, %swap3A_136], %scan3A_81#13 {strides = array<i32>} : memref<2x512xf32, #tpu.memory_space<vmem>>, vector<16xf32>,
      %swap3A_138 = arith.constant 0 : i32
      %swap3A_139 = arith.index_cast %swap3A_138 : i32 to index
      %swap3A_140 = arith.constant 224 : index
      %swap3A_141 = tpu.vector_load %arg10[%swap3A_139, %swap3A_140] {strides = array<i32>} : memref<2x512xf32, #tpu.memory_space<vmem>>, vector<16xf32>,
      tpu.vector_store %arg10[%swap3A_139, %swap3A_140], %scan3A_81#14 {strides = array<i32>} : memref<2x512xf32, #tpu.memory_space<vmem>>, vector<16xf32>,
      %swap3A_142 = arith.constant 0 : i32
      %swap3A_143 = arith.index_cast %swap3A_142 : i32 to index
      %swap3A_144 = arith.constant 240 : index
      %swap3A_145 = tpu.vector_load %arg10[%swap3A_143, %swap3A_144] {strides = array<i32>} : memref<2x512xf32, #tpu.memory_space<vmem>>, vector<16xf32>,
      tpu.vector_store %arg10[%swap3A_143, %swap3A_144], %scan3A_81#15 {strides = array<i32>} : memref<2x512xf32, #tpu.memory_space<vmem>>, vector<16xf32>,
      %broadcast_in_dim3A_146 = arith.constant 0.000000e+00 : f32
      %broadcast_in_dim3A_147 = vector.broadcast %broadcast_in_dim3A_146 : f32 to vector<16xf32>
      %broadcast_in_dim3A_148 = arith.constant 0.000000e+00 : f32
      %broadcast_in_dim3A_149 = vector.broadcast %broadcast_in_dim3A_148 : f32 to vector<16xf32>
      %broadcast_in_dim3A_150 = arith.constant 0.000000e+00 : f32
      %broadcast_in_dim3A_151 = vector.broadcast %broadcast_in_dim3A_150 : f32 to vector<16xf32>
      %broadcast_in_dim3A_152 = arith.constant 0.000000e+00 : f32
      %broadcast_in_dim3A_153 = vector.broadcast %broadcast_in_dim3A_152 : f32 to vector<16xf32>
      %broadcast_in_dim3A_154 = arith.constant 0.000000e+00 : f32
      %broadcast_in_dim3A_155 = vector.broadcast %broadcast_in_dim3A_154 : f32 to vector<16xf32>
      %broadcast_in_dim3A_156 = arith.constant 0.000000e+00 : f32
      %broadcast_in_dim3A_157 = vector.broadcast %broadcast_in_dim3A_156 : f32 to vector<16xf32>
      %broadcast_in_dim3A_158 = arith.constant 0.000000e+00 : f32
      %broadcast_in_dim3A_159 = vector.broadcast %broadcast_in_dim3A_158 : f32 to vector<16xf32>
      %broadcast_in_dim3A_160 = arith.constant 0.000000e+00 : f32
      %broadcast_in_dim3A_161 = vector.broadcast %broadcast_in_dim3A_160 : f32 to vector<16xf32>
      %broadcast_in_dim3A_162 = arith.constant 0.000000e+00 : f32
      %broadcast_in_dim3A_163 = vector.broadcast %broadcast_in_dim3A_162 : f32 to vector<16xf32>
      %broadcast_in_dim3A_164 = arith.constant 0.000000e+00 : f32
      %broadcast_in_dim3A_165 = vector.broadcast %broadcast_in_dim3A_164 : f32 to vector<16xf32>
      %broadcast_in_dim3A_166 = arith.constant 0.000000e+00 : f32
      %broadcast_in_dim3A_167 = vector.broadcast %broadcast_in_dim3A_166 : f32 to vector<16xf32>
      %broadcast_in_dim3A_168 = arith.constant 0.000000e+00 : f32
      %broadcast_in_dim3A_169 = vector.broadcast %broadcast_in_dim3A_168 : f32 to vector<16xf32>
      %broadcast_in_dim3A_170 = arith.constant 0.000000e+00 : f32
      %broadcast_in_dim3A_171 = vector.broadcast %broadcast_in_dim3A_170 : f32 to vector<16xf32>
      %broadcast_in_dim3A_172 = arith.constant 0.000000e+00 : f32
      %broadcast_in_dim3A_173 = vector.broadcast %broadcast_in_dim3A_172 : f32 to vector<16xf32>
      %broadcast_in_dim3A_174 = arith.constant 0.000000e+00 : f32
      %broadcast_in_dim3A_175 = vector.broadcast %broadcast_in_dim3A_174 : f32 to vector<16xf32>
      %broadcast_in_dim3A_176 = arith.constant 0.000000e+00 : f32
      %broadcast_in_dim3A_177 = vector.broadcast %broadcast_in_dim3A_176 : f32 to vector<16xf32>
      %scan3A_178 = arith.constant 0 : i32
      %scan3A_179 = arith.constant 32 : i32
      %scan3A_180 = arith.addi %scan3A_178, %scan3A_179 : i32
      %scan3A_181 = arith.constant 1 : i32
      %scan3A_182:16 = scf.for %scan3A_893 = %scan3A_178 to %scan3A_180 step %scan3A_181 iter_args(%scan3A_894 = %broadcast_in_dim3A_147, %scan3A_895 = %broadcast_in_dim3A_149, %scan3A_896 = %broadcast_in_dim3A_151, %scan3A_897 = %broadcast_in_dim3A_153, %scan3A_898 = %broadcast_in_dim3A_155, %scan3A_899 = %broadcast_in_dim3A_157, %scan3A_900 = %broadcast_in_dim3A_159, %scan3A_901 = %broadcast_in_dim3A_161, %scan3A_902 = %broadcast_in_dim3A_163, %scan3A_903 = %broadcast_in_dim3A_165, %scan3A_904 = %broadcast_in_dim3A_167, %scan3A_905 = %broadcast_in_dim3A_169, %scan3A_906 = %broadcast_in_dim3A_171, %scan3A_907 = %broadcast_in_dim3A_173, %scan3A_908 = %broadcast_in_dim3A_175, %scan3A_909 = %broadcast_in_dim3A_177) -> (vector<16xf32>, vector<16xf32>, vector<16xf32>, vector<16xf32>, vector<16xf32>, vector<16xf32>, vector<16xf32>, vector<16xf32>, vector<16xf32>, vector<16xf32>, vector<16xf32>, vector<16xf32>, vector<16xf32>, vector<16xf32>, vector<16xf32>, vector<16xf32>)  : i32 {
        %jit3A = arith.constant 8 : i32
        %div3A = arith.divsi %scan3A_893, %jit3A : i32
        %sign3A = arith.constant 0 : i32
        %sign3A_910 = arith.cmpi sgt, %scan3A_893, %sign3A : i32
        %sign3A_911 = arith.extui %sign3A_910 : i1 to i32
        %sign3A_912 = arith.constant 0 : i32
        %sign3A_913 = arith.cmpi slt, %scan3A_893, %sign3A_912 : i32
        %sign3A_914 = arith.extui %sign3A_913 : i1 to i32
        %sign3A_915 = arith.subi %sign3A_911, %sign3A_914 : i32
        %sign3A_916 = arith.constant 0 : i32
        %sign3A_917 = arith.cmpi sgt, %jit3A, %sign3A_916 : i32
        %sign3A_918 = arith.extui %sign3A_917 : i1 to i32
        %sign3A_919 = arith.constant 0 : i32
        %sign3A_920 = arith.cmpi slt, %jit3A, %sign3A_919 : i32
        %sign3A_921 = arith.extui %sign3A_920 : i1 to i32
        %sign3A_922 = arith.subi %sign3A_918, %sign3A_921 : i32
        %ne3A = arith.cmpi ne, %sign3A_915, %sign3A_922 : i32
        %rem3A = arith.remsi %scan3A_893, %jit3A : i32
        %ne3A_923 = arith.constant 0 : i32
        %ne3A_924 = arith.cmpi ne, %rem3A, %ne3A_923 : i32
        %and3A = arith.andi %ne3A, %ne3A_924 : i1
        %sub3A = arith.constant 1 : i32
        %sub3A_925 = arith.subi %div3A, %sub3A : i32
        %select_n3A = arith.select %and3A, %sub3A_925, %div3A : i32
        %jit3A_926 = arith.constant 8 : i32
        %eq3A = arith.constant 0 : i32
        %eq3A_927 = arith.cmpi eq, %jit3A_926, %eq3A : i32
        %jit3A_928 = arith.constant 1 : i32
        %select_n3A_929 = arith.select %eq3A_927, %jit3A_928, %jit3A_926 : i32
        %rem3A_930 = arith.remsi %scan3A_893, %select_n3A_929 : i32
        %ne3A_931 = arith.constant 0 : i32
        %ne3A_932 = arith.cmpi ne, %rem3A_930, %ne3A_931 : i32
        %lt3A_933 = arith.constant 0 : i32
        %lt3A_934 = arith.cmpi slt, %rem3A_930, %lt3A_933 : i32
        %lt3A_935 = arith.constant 0 : i32
        %lt3A_936 = arith.cmpi slt, %select_n3A_929, %lt3A_935 : i32
        %ne3A_937 = arith.xori %lt3A_934, %lt3A_936 : i1
        %and3A_938 = arith.andi %ne3A_937, %ne3A_932 : i1
        %add3A_939 = arith.addi %rem3A_930, %select_n3A_929 : i32
        %select_n3A_940 = arith.select %and3A_938, %add3A_939, %rem3A_930 : i32
        %mul3A_941 = arith.constant 16 : i32
        %mul3A_942 = arith.muli %select_n3A, %mul3A_941 : i32
        %add3A_943 = arith.constant 0 : i32
        %add3A_944 = arith.addi %add3A_943, %mul3A_942 : i32
        %add3A_945 = arith.constant 8 : i32
        %add3A_946 = arith.addi %add3A_944, %add3A_945 : i32
        %add3A_947 = arith.addi %add3A_946, %select_n3A_940 : i32
        %mul3A_948 = arith.constant 128 : i32
        %mul3A_949 = arith.muli %mul3A_29, %mul3A_948 : i32
        %add3A_950 = arith.addi %mul3A_949, %add3A_947 : i32
        %broadcast_in_dim3A_951 = vector.broadcast %add3A_950 : i32 to vector<16xi32>
        %gather3A = tpu.vector_load_idx %arg7[%broadcast_in_dim3A_951] : memref<16384xf32, #tpu.memory_space<vmem>>[vector<16xi32>], vector<16xf32>,
        %get3A = arith.index_cast %add3A_947 : i32 to index
        %get3A_952 = arith.constant 0 : index
        %get3A_953 = tpu.vector_load %arg8[%get3A, %get3A_952] {strides = array<i32>} : memref<128x256xf32, #tpu.memory_space<vmem>>, vector<16xf32>,
        %mul3A_954 = arith.mulf %gather3A, %get3A_953 : vector<16xf32>
        %add3A_955 = arith.addf %scan3A_894, %mul3A_954 : vector<16xf32>
        %get3A_956 = arith.index_cast %add3A_947 : i32 to index
        %get3A_957 = arith.constant 16 : index
        %get3A_958 = tpu.vector_load %arg8[%get3A_956, %get3A_957] {strides = array<i32>} : memref<128x256xf32, #tpu.memory_space<vmem>>, vector<16xf32>,
        %mul3A_959 = arith.mulf %gather3A, %get3A_958 : vector<16xf32>
        %add3A_960 = arith.addf %scan3A_895, %mul3A_959 : vector<16xf32>
        %get3A_961 = arith.index_cast %add3A_947 : i32 to index
        %get3A_962 = arith.constant 32 : index
        %get3A_963 = tpu.vector_load %arg8[%get3A_961, %get3A_962] {strides = array<i32>} : memref<128x256xf32, #tpu.memory_space<vmem>>, vector<16xf32>,
        %mul3A_964 = arith.mulf %gather3A, %get3A_963 : vector<16xf32>
        %add3A_965 = arith.addf %scan3A_896, %mul3A_964 : vector<16xf32>
        %get3A_966 = arith.index_cast %add3A_947 : i32 to index
        %get3A_967 = arith.constant 48 : index
        %get3A_968 = tpu.vector_load %arg8[%get3A_966, %get3A_967] {strides = array<i32>} : memref<128x256xf32, #tpu.memory_space<vmem>>, vector<16xf32>,
        %mul3A_969 = arith.mulf %gather3A, %get3A_968 : vector<16xf32>
        %add3A_970 = arith.addf %scan3A_897, %mul3A_969 : vector<16xf32>
        %get3A_971 = arith.index_cast %add3A_947 : i32 to index
        %get3A_972 = arith.constant 64 : index
        %get3A_973 = tpu.vector_load %arg8[%get3A_971, %get3A_972] {strides = array<i32>} : memref<128x256xf32, #tpu.memory_space<vmem>>, vector<16xf32>,
        %mul3A_974 = arith.mulf %gather3A, %get3A_973 : vector<16xf32>
        %add3A_975 = arith.addf %scan3A_898, %mul3A_974 : vector<16xf32>
        %get3A_976 = arith.index_cast %add3A_947 : i32 to index
        %get3A_977 = arith.constant 80 : index
        %get3A_978 = tpu.vector_load %arg8[%get3A_976, %get3A_977] {strides = array<i32>} : memref<128x256xf32, #tpu.memory_space<vmem>>, vector<16xf32>,
        %mul3A_979 = arith.mulf %gather3A, %get3A_978 : vector<16xf32>
        %add3A_980 = arith.addf %scan3A_899, %mul3A_979 : vector<16xf32>
        %get3A_981 = arith.index_cast %add3A_947 : i32 to index
        %get3A_982 = arith.constant 96 : index
        %get3A_983 = tpu.vector_load %arg8[%get3A_981, %get3A_982] {strides = array<i32>} : memref<128x256xf32, #tpu.memory_space<vmem>>, vector<16xf32>,
        %mul3A_984 = arith.mulf %gather3A, %get3A_983 : vector<16xf32>
        %add3A_985 = arith.addf %scan3A_900, %mul3A_984 : vector<16xf32>
        %get3A_986 = arith.index_cast %add3A_947 : i32 to index
        %get3A_987 = arith.constant 112 : index
        %get3A_988 = tpu.vector_load %arg8[%get3A_986, %get3A_987] {strides = array<i32>} : memref<128x256xf32, #tpu.memory_space<vmem>>, vector<16xf32>,
        %mul3A_989 = arith.mulf %gather3A, %get3A_988 : vector<16xf32>
        %add3A_990 = arith.addf %scan3A_901, %mul3A_989 : vector<16xf32>
        %get3A_991 = arith.index_cast %add3A_947 : i32 to index
        %get3A_992 = arith.constant 128 : index
        %get3A_993 = tpu.vector_load %arg8[%get3A_991, %get3A_992] {strides = array<i32>} : memref<128x256xf32, #tpu.memory_space<vmem>>, vector<16xf32>,
        %mul3A_994 = arith.mulf %gather3A, %get3A_993 : vector<16xf32>
        %add3A_995 = arith.addf %scan3A_902, %mul3A_994 : vector<16xf32>
        %get3A_996 = arith.index_cast %add3A_947 : i32 to index
        %get3A_997 = arith.constant 144 : index
        %get3A_998 = tpu.vector_load %arg8[%get3A_996, %get3A_997] {strides = array<i32>} : memref<128x256xf32, #tpu.memory_space<vmem>>, vector<16xf32>,
        %mul3A_999 = arith.mulf %gather3A, %get3A_998 : vector<16xf32>
        %add3A_1000 = arith.addf %scan3A_903, %mul3A_999 : vector<16xf32>
        %get3A_1001 = arith.index_cast %add3A_947 : i32 to index
        %get3A_1002 = arith.constant 160 : index
        %get3A_1003 = tpu.vector_load %arg8[%get3A_1001, %get3A_1002] {strides = array<i32>} : memref<128x256xf32, #tpu.memory_space<vmem>>, vector<16xf32>,
        %mul3A_1004 = arith.mulf %gather3A, %get3A_1003 : vector<16xf32>
        %add3A_1005 = arith.addf %scan3A_904, %mul3A_1004 : vector<16xf32>
        %get3A_1006 = arith.index_cast %add3A_947 : i32 to index
        %get3A_1007 = arith.constant 176 : index
        %get3A_1008 = tpu.vector_load %arg8[%get3A_1006, %get3A_1007] {strides = array<i32>} : memref<128x256xf32, #tpu.memory_space<vmem>>, vector<16xf32>,
        %mul3A_1009 = arith.mulf %gather3A, %get3A_1008 : vector<16xf32>
        %add3A_1010 = arith.addf %scan3A_905, %mul3A_1009 : vector<16xf32>
        %get3A_1011 = arith.index_cast %add3A_947 : i32 to index
        %get3A_1012 = arith.constant 192 : index
        %get3A_1013 = tpu.vector_load %arg8[%get3A_1011, %get3A_1012] {strides = array<i32>} : memref<128x256xf32, #tpu.memory_space<vmem>>, vector<16xf32>,
        %mul3A_1014 = arith.mulf %gather3A, %get3A_1013 : vector<16xf32>
        %add3A_1015 = arith.addf %scan3A_906, %mul3A_1014 : vector<16xf32>
        %get3A_1016 = arith.index_cast %add3A_947 : i32 to index
        %get3A_1017 = arith.constant 208 : index
        %get3A_1018 = tpu.vector_load %arg8[%get3A_1016, %get3A_1017] {strides = array<i32>} : memref<128x256xf32, #tpu.memory_space<vmem>>, vector<16xf32>,
        %mul3A_1019 = arith.mulf %gather3A, %get3A_1018 : vector<16xf32>
        %add3A_1020 = arith.addf %scan3A_907, %mul3A_1019 : vector<16xf32>
        %get3A_1021 = arith.index_cast %add3A_947 : i32 to index
        %get3A_1022 = arith.constant 224 : index
        %get3A_1023 = tpu.vector_load %arg8[%get3A_1021, %get3A_1022] {strides = array<i32>} : memref<128x256xf32, #tpu.memory_space<vmem>>, vector<16xf32>,
        %mul3A_1024 = arith.mulf %gather3A, %get3A_1023 : vector<16xf32>
        %add3A_1025 = arith.addf %scan3A_908, %mul3A_1024 : vector<16xf32>
        %get3A_1026 = arith.index_cast %add3A_947 : i32 to index
        %get3A_1027 = arith.constant 240 : index
        %get3A_1028 = tpu.vector_load %arg8[%get3A_1026, %get3A_1027] {strides = array<i32>} : memref<128x256xf32, #tpu.memory_space<vmem>>, vector<16xf32>,
        %mul3A_1029 = arith.mulf %gather3A, %get3A_1028 : vector<16xf32>
        %add3A_1030 = arith.addf %scan3A_909, %mul3A_1029 : vector<16xf32>
        scf.yield %add3A_955, %add3A_960, %add3A_965, %add3A_970, %add3A_975, %add3A_980, %add3A_985, %add3A_990, %add3A_995, %add3A_1000, %add3A_1005, %add3A_1010, %add3A_1015, %add3A_1020, %add3A_1025, %add3A_1030 : vector<16xf32>, vector<16xf32>, vector<16xf32>, vector<16xf32>, vector<16xf32>, vector<16xf32>, vector<16xf32>, vector<16xf32>, vector<16xf32>, vector<16xf32>, vector<16xf32>, vector<16xf32>, vector<16xf32>, vector<16xf32>, vector<16xf32>, vector<16xf32>
      }
      %scan3A_183 = arith.constant 32 : i32
      %swap3A_184 = arith.constant 0 : i32
      %swap3A_185 = arith.index_cast %swap3A_184 : i32 to index
      %swap3A_186 = arith.constant 256 : index
      %swap3A_187 = tpu.vector_load %arg10[%swap3A_185, %swap3A_186] {strides = array<i32>} : memref<2x512xf32, #tpu.memory_space<vmem>>, vector<16xf32>,
      tpu.vector_store %arg10[%swap3A_185, %swap3A_186], %scan3A_182#0 {strides = array<i32>} : memref<2x512xf32, #tpu.memory_space<vmem>>, vector<16xf32>,
      %swap3A_188 = arith.constant 0 : i32
      %swap3A_189 = arith.index_cast %swap3A_188 : i32 to index
      %swap3A_190 = arith.constant 272 : index
      %swap3A_191 = tpu.vector_load %arg10[%swap3A_189, %swap3A_190] {strides = array<i32>} : memref<2x512xf32, #tpu.memory_space<vmem>>, vector<16xf32>,
      tpu.vector_store %arg10[%swap3A_189, %swap3A_190], %scan3A_182#1 {strides = array<i32>} : memref<2x512xf32, #tpu.memory_space<vmem>>, vector<16xf32>,
      %swap3A_192 = arith.constant 0 : i32
      %swap3A_193 = arith.index_cast %swap3A_192 : i32 to index
      %swap3A_194 = arith.constant 288 : index
      %swap3A_195 = tpu.vector_load %arg10[%swap3A_193, %swap3A_194] {strides = array<i32>} : memref<2x512xf32, #tpu.memory_space<vmem>>, vector<16xf32>,
      tpu.vector_store %arg10[%swap3A_193, %swap3A_194], %scan3A_182#2 {strides = array<i32>} : memref<2x512xf32, #tpu.memory_space<vmem>>, vector<16xf32>,
      %swap3A_196 = arith.constant 0 : i32
      %swap3A_197 = arith.index_cast %swap3A_196 : i32 to index
      %swap3A_198 = arith.constant 304 : index
      %swap3A_199 = tpu.vector_load %arg10[%swap3A_197, %swap3A_198] {strides = array<i32>} : memref<2x512xf32, #tpu.memory_space<vmem>>, vector<16xf32>,
      tpu.vector_store %arg10[%swap3A_197, %swap3A_198], %scan3A_182#3 {strides = array<i32>} : memref<2x512xf32, #tpu.memory_space<vmem>>, vector<16xf32>,
      %swap3A_200 = arith.constant 0 : i32
      %swap3A_201 = arith.index_cast %swap3A_200 : i32 to index
      %swap3A_202 = arith.constant 320 : index
      %swap3A_203 = tpu.vector_load %arg10[%swap3A_201, %swap3A_202] {strides = array<i32>} : memref<2x512xf32, #tpu.memory_space<vmem>>, vector<16xf32>,
      tpu.vector_store %arg10[%swap3A_201, %swap3A_202], %scan3A_182#4 {strides = array<i32>} : memref<2x512xf32, #tpu.memory_space<vmem>>, vector<16xf32>,
      %swap3A_204 = arith.constant 0 : i32
      %swap3A_205 = arith.index_cast %swap3A_204 : i32 to index
      %swap3A_206 = arith.constant 336 : index
      %swap3A_207 = tpu.vector_load %arg10[%swap3A_205, %swap3A_206] {strides = array<i32>} : memref<2x512xf32, #tpu.memory_space<vmem>>, vector<16xf32>,
      tpu.vector_store %arg10[%swap3A_205, %swap3A_206], %scan3A_182#5 {strides = array<i32>} : memref<2x512xf32, #tpu.memory_space<vmem>>, vector<16xf32>,
      %swap3A_208 = arith.constant 0 : i32
      %swap3A_209 = arith.index_cast %swap3A_208 : i32 to index
      %swap3A_210 = arith.constant 352 : index
      %swap3A_211 = tpu.vector_load %arg10[%swap3A_209, %swap3A_210] {strides = array<i32>} : memref<2x512xf32, #tpu.memory_space<vmem>>, vector<16xf32>,
      tpu.vector_store %arg10[%swap3A_209, %swap3A_210], %scan3A_182#6 {strides = array<i32>} : memref<2x512xf32, #tpu.memory_space<vmem>>, vector<16xf32>,
      %swap3A_212 = arith.constant 0 : i32
      %swap3A_213 = arith.index_cast %swap3A_212 : i32 to index
      %swap3A_214 = arith.constant 368 : index
      %swap3A_215 = tpu.vector_load %arg10[%swap3A_213, %swap3A_214] {strides = array<i32>} : memref<2x512xf32, #tpu.memory_space<vmem>>, vector<16xf32>,
      tpu.vector_store %arg10[%swap3A_213, %swap3A_214], %scan3A_182#7 {strides = array<i32>} : memref<2x512xf32, #tpu.memory_space<vmem>>, vector<16xf32>,
      %swap3A_216 = arith.constant 0 : i32
      %swap3A_217 = arith.index_cast %swap3A_216 : i32 to index
      %swap3A_218 = arith.constant 384 : index
      %swap3A_219 = tpu.vector_load %arg10[%swap3A_217, %swap3A_218] {strides = array<i32>} : memref<2x512xf32, #tpu.memory_space<vmem>>, vector<16xf32>,
      tpu.vector_store %arg10[%swap3A_217, %swap3A_218], %scan3A_182#8 {strides = array<i32>} : memref<2x512xf32, #tpu.memory_space<vmem>>, vector<16xf32>,
      %swap3A_220 = arith.constant 0 : i32
      %swap3A_221 = arith.index_cast %swap3A_220 : i32 to index
      %swap3A_222 = arith.constant 400 : index
      %swap3A_223 = tpu.vector_load %arg10[%swap3A_221, %swap3A_222] {strides = array<i32>} : memref<2x512xf32, #tpu.memory_space<vmem>>, vector<16xf32>,
      tpu.vector_store %arg10[%swap3A_221, %swap3A_222], %scan3A_182#9 {strides = array<i32>} : memref<2x512xf32, #tpu.memory_space<vmem>>, vector<16xf32>,
      %swap3A_224 = arith.constant 0 : i32
      %swap3A_225 = arith.index_cast %swap3A_224 : i32 to index
      %swap3A_226 = arith.constant 416 : index
      %swap3A_227 = tpu.vector_load %arg10[%swap3A_225, %swap3A_226] {strides = array<i32>} : memref<2x512xf32, #tpu.memory_space<vmem>>, vector<16xf32>,
      tpu.vector_store %arg10[%swap3A_225, %swap3A_226], %scan3A_182#10 {strides = array<i32>} : memref<2x512xf32, #tpu.memory_space<vmem>>, vector<16xf32>,
      %swap3A_228 = arith.constant 0 : i32
      %swap3A_229 = arith.index_cast %swap3A_228 : i32 to index
      %swap3A_230 = arith.constant 432 : index
      %swap3A_231 = tpu.vector_load %arg10[%swap3A_229, %swap3A_230] {strides = array<i32>} : memref<2x512xf32, #tpu.memory_space<vmem>>, vector<16xf32>,
      tpu.vector_store %arg10[%swap3A_229, %swap3A_230], %scan3A_182#11 {strides = array<i32>} : memref<2x512xf32, #tpu.memory_space<vmem>>, vector<16xf32>,
      %swap3A_232 = arith.constant 0 : i32
      %swap3A_233 = arith.index_cast %swap3A_232 : i32 to index
      %swap3A_234 = arith.constant 448 : index
      %swap3A_235 = tpu.vector_load %arg10[%swap3A_233, %swap3A_234] {strides = array<i32>} : memref<2x512xf32, #tpu.memory_space<vmem>>, vector<16xf32>,
      tpu.vector_store %arg10[%swap3A_233, %swap3A_234], %scan3A_182#12 {strides = array<i32>} : memref<2x512xf32, #tpu.memory_space<vmem>>, vector<16xf32>,
      %swap3A_236 = arith.constant 0 : i32
      %swap3A_237 = arith.index_cast %swap3A_236 : i32 to index
      %swap3A_238 = arith.constant 464 : index
      %swap3A_239 = tpu.vector_load %arg10[%swap3A_237, %swap3A_238] {strides = array<i32>} : memref<2x512xf32, #tpu.memory_space<vmem>>, vector<16xf32>,
      tpu.vector_store %arg10[%swap3A_237, %swap3A_238], %scan3A_182#13 {strides = array<i32>} : memref<2x512xf32, #tpu.memory_space<vmem>>, vector<16xf32>,
      %swap3A_240 = arith.constant 0 : i32
      %swap3A_241 = arith.index_cast %swap3A_240 : i32 to index
      %swap3A_242 = arith.constant 480 : index
      %swap3A_243 = tpu.vector_load %arg10[%swap3A_241, %swap3A_242] {strides = array<i32>} : memref<2x512xf32, #tpu.memory_space<vmem>>, vector<16xf32>,
      tpu.vector_store %arg10[%swap3A_241, %swap3A_242], %scan3A_182#14 {strides = array<i32>} : memref<2x512xf32, #tpu.memory_space<vmem>>, vector<16xf32>,
      %swap3A_244 = arith.constant 0 : i32
      %swap3A_245 = arith.index_cast %swap3A_244 : i32 to index
      %swap3A_246 = arith.constant 496 : index
      %swap3A_247 = tpu.vector_load %arg10[%swap3A_245, %swap3A_246] {strides = array<i32>} : memref<2x512xf32, #tpu.memory_space<vmem>>, vector<16xf32>,
      tpu.vector_store %arg10[%swap3A_245, %swap3A_246], %scan3A_182#15 {strides = array<i32>} : memref<2x512xf32, #tpu.memory_space<vmem>>, vector<16xf32>,
      %broadcast_in_dim3A_248 = arith.constant 0.000000e+00 : f32
      %broadcast_in_dim3A_249 = vector.broadcast %broadcast_in_dim3A_248 : f32 to vector<16xf32>
      %broadcast_in_dim3A_250 = arith.constant 0.000000e+00 : f32
      %broadcast_in_dim3A_251 = vector.broadcast %broadcast_in_dim3A_250 : f32 to vector<16xf32>
      %broadcast_in_dim3A_252 = arith.constant 0.000000e+00 : f32
      %broadcast_in_dim3A_253 = vector.broadcast %broadcast_in_dim3A_252 : f32 to vector<16xf32>
      %broadcast_in_dim3A_254 = arith.constant 0.000000e+00 : f32
      %broadcast_in_dim3A_255 = vector.broadcast %broadcast_in_dim3A_254 : f32 to vector<16xf32>
      %broadcast_in_dim3A_256 = arith.constant 0.000000e+00 : f32
      %broadcast_in_dim3A_257 = vector.broadcast %broadcast_in_dim3A_256 : f32 to vector<16xf32>
      %broadcast_in_dim3A_258 = arith.constant 0.000000e+00 : f32
      %broadcast_in_dim3A_259 = vector.broadcast %broadcast_in_dim3A_258 : f32 to vector<16xf32>
      %broadcast_in_dim3A_260 = arith.constant 0.000000e+00 : f32
      %broadcast_in_dim3A_261 = vector.broadcast %broadcast_in_dim3A_260 : f32 to vector<16xf32>
      %broadcast_in_dim3A_262 = arith.constant 0.000000e+00 : f32
      %broadcast_in_dim3A_263 = vector.broadcast %broadcast_in_dim3A_262 : f32 to vector<16xf32>
      %broadcast_in_dim3A_264 = arith.constant 0.000000e+00 : f32
      %broadcast_in_dim3A_265 = vector.broadcast %broadcast_in_dim3A_264 : f32 to vector<16xf32>
      %broadcast_in_dim3A_266 = arith.constant 0.000000e+00 : f32
      %broadcast_in_dim3A_267 = vector.broadcast %broadcast_in_dim3A_266 : f32 to vector<16xf32>
      %broadcast_in_dim3A_268 = arith.constant 0.000000e+00 : f32
      %broadcast_in_dim3A_269 = vector.broadcast %broadcast_in_dim3A_268 : f32 to vector<16xf32>
      %broadcast_in_dim3A_270 = arith.constant 0.000000e+00 : f32
      %broadcast_in_dim3A_271 = vector.broadcast %broadcast_in_dim3A_270 : f32 to vector<16xf32>
      %broadcast_in_dim3A_272 = arith.constant 0.000000e+00 : f32
      %broadcast_in_dim3A_273 = vector.broadcast %broadcast_in_dim3A_272 : f32 to vector<16xf32>
      %broadcast_in_dim3A_274 = arith.constant 0.000000e+00 : f32
      %broadcast_in_dim3A_275 = vector.broadcast %broadcast_in_dim3A_274 : f32 to vector<16xf32>
      %broadcast_in_dim3A_276 = arith.constant 0.000000e+00 : f32
      %broadcast_in_dim3A_277 = vector.broadcast %broadcast_in_dim3A_276 : f32 to vector<16xf32>
      %broadcast_in_dim3A_278 = arith.constant 0.000000e+00 : f32
      %broadcast_in_dim3A_279 = vector.broadcast %broadcast_in_dim3A_278 : f32 to vector<16xf32>
      %scan3A_280 = arith.constant 0 : i32
      %scan3A_281 = arith.constant 32 : i32
      %scan3A_282 = arith.addi %scan3A_280, %scan3A_281 : i32
      %scan3A_283 = arith.constant 1 : i32
      %scan3A_284:16 = scf.for %scan3A_893 = %scan3A_280 to %scan3A_282 step %scan3A_283 iter_args(%scan3A_894 = %broadcast_in_dim3A_249, %scan3A_895 = %broadcast_in_dim3A_251, %scan3A_896 = %broadcast_in_dim3A_253, %scan3A_897 = %broadcast_in_dim3A_255, %scan3A_898 = %broadcast_in_dim3A_257, %scan3A_899 = %broadcast_in_dim3A_259, %scan3A_900 = %broadcast_in_dim3A_261, %scan3A_901 = %broadcast_in_dim3A_263, %scan3A_902 = %broadcast_in_dim3A_265, %scan3A_903 = %broadcast_in_dim3A_267, %scan3A_904 = %broadcast_in_dim3A_269, %scan3A_905 = %broadcast_in_dim3A_271, %scan3A_906 = %broadcast_in_dim3A_273, %scan3A_907 = %broadcast_in_dim3A_275, %scan3A_908 = %broadcast_in_dim3A_277, %scan3A_909 = %broadcast_in_dim3A_279) -> (vector<16xf32>, vector<16xf32>, vector<16xf32>, vector<16xf32>, vector<16xf32>, vector<16xf32>, vector<16xf32>, vector<16xf32>, vector<16xf32>, vector<16xf32>, vector<16xf32>, vector<16xf32>, vector<16xf32>, vector<16xf32>, vector<16xf32>, vector<16xf32>)  : i32 {
        %jit3A = arith.constant 8 : i32
        %div3A = arith.divsi %scan3A_893, %jit3A : i32
        %sign3A = arith.constant 0 : i32
        %sign3A_910 = arith.cmpi sgt, %scan3A_893, %sign3A : i32
        %sign3A_911 = arith.extui %sign3A_910 : i1 to i32
        %sign3A_912 = arith.constant 0 : i32
        %sign3A_913 = arith.cmpi slt, %scan3A_893, %sign3A_912 : i32
        %sign3A_914 = arith.extui %sign3A_913 : i1 to i32
        %sign3A_915 = arith.subi %sign3A_911, %sign3A_914 : i32
        %sign3A_916 = arith.constant 0 : i32
        %sign3A_917 = arith.cmpi sgt, %jit3A, %sign3A_916 : i32
        %sign3A_918 = arith.extui %sign3A_917 : i1 to i32
        %sign3A_919 = arith.constant 0 : i32
        %sign3A_920 = arith.cmpi slt, %jit3A, %sign3A_919 : i32
        %sign3A_921 = arith.extui %sign3A_920 : i1 to i32
        %sign3A_922 = arith.subi %sign3A_918, %sign3A_921 : i32
        %ne3A = arith.cmpi ne, %sign3A_915, %sign3A_922 : i32
        %rem3A = arith.remsi %scan3A_893, %jit3A : i32
        %ne3A_923 = arith.constant 0 : i32
        %ne3A_924 = arith.cmpi ne, %rem3A, %ne3A_923 : i32
        %and3A = arith.andi %ne3A, %ne3A_924 : i1
        %sub3A = arith.constant 1 : i32
        %sub3A_925 = arith.subi %div3A, %sub3A : i32
        %select_n3A = arith.select %and3A, %sub3A_925, %div3A : i32
        %jit3A_926 = arith.constant 8 : i32
        %eq3A = arith.constant 0 : i32
        %eq3A_927 = arith.cmpi eq, %jit3A_926, %eq3A : i32
        %jit3A_928 = arith.constant 1 : i32
        %select_n3A_929 = arith.select %eq3A_927, %jit3A_928, %jit3A_926 : i32
        %rem3A_930 = arith.remsi %scan3A_893, %select_n3A_929 : i32
        %ne3A_931 = arith.constant 0 : i32
        %ne3A_932 = arith.cmpi ne, %rem3A_930, %ne3A_931 : i32
        %lt3A_933 = arith.constant 0 : i32
        %lt3A_934 = arith.cmpi slt, %rem3A_930, %lt3A_933 : i32
        %lt3A_935 = arith.constant 0 : i32
        %lt3A_936 = arith.cmpi slt, %select_n3A_929, %lt3A_935 : i32
        %ne3A_937 = arith.xori %lt3A_934, %lt3A_936 : i1
        %and3A_938 = arith.andi %ne3A_937, %ne3A_932 : i1
        %add3A_939 = arith.addi %rem3A_930, %select_n3A_929 : i32
        %select_n3A_940 = arith.select %and3A_938, %add3A_939, %rem3A_930 : i32
        %mul3A_941 = arith.constant 16 : i32
        %mul3A_942 = arith.muli %select_n3A, %mul3A_941 : i32
        %add3A_943 = arith.constant 64 : i32
        %add3A_944 = arith.addi %add3A_943, %mul3A_942 : i32
        %add3A_945 = arith.constant 0 : i32
        %add3A_946 = arith.addi %add3A_944, %add3A_945 : i32
        %add3A_947 = arith.addi %add3A_946, %select_n3A_940 : i32
        %mul3A_948 = arith.constant 128 : i32
        %mul3A_949 = arith.muli %mul3A_29, %mul3A_948 : i32
        %add3A_950 = arith.addi %mul3A_949, %add3A_947 : i32
        %broadcast_in_dim3A_951 = vector.broadcast %add3A_950 : i32 to vector<16xi32>
        %gather3A = tpu.vector_load_idx %arg7[%broadcast_in_dim3A_951] : memref<16384xf32, #tpu.memory_space<vmem>>[vector<16xi32>], vector<16xf32>,
        %get3A = arith.index_cast %add3A_947 : i32 to index
        %get3A_952 = arith.constant 0 : index
        %get3A_953 = tpu.vector_load %arg8[%get3A, %get3A_952] {strides = array<i32>} : memref<128x256xf32, #tpu.memory_space<vmem>>, vector<16xf32>,
        %mul3A_954 = arith.mulf %gather3A, %get3A_953 : vector<16xf32>
        %add3A_955 = arith.addf %scan3A_894, %mul3A_954 : vector<16xf32>
        %get3A_956 = arith.index_cast %add3A_947 : i32 to index
        %get3A_957 = arith.constant 16 : index
        %get3A_958 = tpu.vector_load %arg8[%get3A_956, %get3A_957] {strides = array<i32>} : memref<128x256xf32, #tpu.memory_space<vmem>>, vector<16xf32>,
        %mul3A_959 = arith.mulf %gather3A, %get3A_958 : vector<16xf32>
        %add3A_960 = arith.addf %scan3A_895, %mul3A_959 : vector<16xf32>
        %get3A_961 = arith.index_cast %add3A_947 : i32 to index
        %get3A_962 = arith.constant 32 : index
        %get3A_963 = tpu.vector_load %arg8[%get3A_961, %get3A_962] {strides = array<i32>} : memref<128x256xf32, #tpu.memory_space<vmem>>, vector<16xf32>,
        %mul3A_964 = arith.mulf %gather3A, %get3A_963 : vector<16xf32>
        %add3A_965 = arith.addf %scan3A_896, %mul3A_964 : vector<16xf32>
        %get3A_966 = arith.index_cast %add3A_947 : i32 to index
        %get3A_967 = arith.constant 48 : index
        %get3A_968 = tpu.vector_load %arg8[%get3A_966, %get3A_967] {strides = array<i32>} : memref<128x256xf32, #tpu.memory_space<vmem>>, vector<16xf32>,
        %mul3A_969 = arith.mulf %gather3A, %get3A_968 : vector<16xf32>
        %add3A_970 = arith.addf %scan3A_897, %mul3A_969 : vector<16xf32>
        %get3A_971 = arith.index_cast %add3A_947 : i32 to index
        %get3A_972 = arith.constant 64 : index
        %get3A_973 = tpu.vector_load %arg8[%get3A_971, %get3A_972] {strides = array<i32>} : memref<128x256xf32, #tpu.memory_space<vmem>>, vector<16xf32>,
        %mul3A_974 = arith.mulf %gather3A, %get3A_973 : vector<16xf32>
        %add3A_975 = arith.addf %scan3A_898, %mul3A_974 : vector<16xf32>
        %get3A_976 = arith.index_cast %add3A_947 : i32 to index
        %get3A_977 = arith.constant 80 : index
        %get3A_978 = tpu.vector_load %arg8[%get3A_976, %get3A_977] {strides = array<i32>} : memref<128x256xf32, #tpu.memory_space<vmem>>, vector<16xf32>,
        %mul3A_979 = arith.mulf %gather3A, %get3A_978 : vector<16xf32>
        %add3A_980 = arith.addf %scan3A_899, %mul3A_979 : vector<16xf32>
        %get3A_981 = arith.index_cast %add3A_947 : i32 to index
        %get3A_982 = arith.constant 96 : index
        %get3A_983 = tpu.vector_load %arg8[%get3A_981, %get3A_982] {strides = array<i32>} : memref<128x256xf32, #tpu.memory_space<vmem>>, vector<16xf32>,
        %mul3A_984 = arith.mulf %gather3A, %get3A_983 : vector<16xf32>
        %add3A_985 = arith.addf %scan3A_900, %mul3A_984 : vector<16xf32>
        %get3A_986 = arith.index_cast %add3A_947 : i32 to index
        %get3A_987 = arith.constant 112 : index
        %get3A_988 = tpu.vector_load %arg8[%get3A_986, %get3A_987] {strides = array<i32>} : memref<128x256xf32, #tpu.memory_space<vmem>>, vector<16xf32>,
        %mul3A_989 = arith.mulf %gather3A, %get3A_988 : vector<16xf32>
        %add3A_990 = arith.addf %scan3A_901, %mul3A_989 : vector<16xf32>
        %get3A_991 = arith.index_cast %add3A_947 : i32 to index
        %get3A_992 = arith.constant 128 : index
        %get3A_993 = tpu.vector_load %arg8[%get3A_991, %get3A_992] {strides = array<i32>} : memref<128x256xf32, #tpu.memory_space<vmem>>, vector<16xf32>,
        %mul3A_994 = arith.mulf %gather3A, %get3A_993 : vector<16xf32>
        %add3A_995 = arith.addf %scan3A_902, %mul3A_994 : vector<16xf32>
        %get3A_996 = arith.index_cast %add3A_947 : i32 to index
        %get3A_997 = arith.constant 144 : index
        %get3A_998 = tpu.vector_load %arg8[%get3A_996, %get3A_997] {strides = array<i32>} : memref<128x256xf32, #tpu.memory_space<vmem>>, vector<16xf32>,
        %mul3A_999 = arith.mulf %gather3A, %get3A_998 : vector<16xf32>
        %add3A_1000 = arith.addf %scan3A_903, %mul3A_999 : vector<16xf32>
        %get3A_1001 = arith.index_cast %add3A_947 : i32 to index
        %get3A_1002 = arith.constant 160 : index
        %get3A_1003 = tpu.vector_load %arg8[%get3A_1001, %get3A_1002] {strides = array<i32>} : memref<128x256xf32, #tpu.memory_space<vmem>>, vector<16xf32>,
        %mul3A_1004 = arith.mulf %gather3A, %get3A_1003 : vector<16xf32>
        %add3A_1005 = arith.addf %scan3A_904, %mul3A_1004 : vector<16xf32>
        %get3A_1006 = arith.index_cast %add3A_947 : i32 to index
        %get3A_1007 = arith.constant 176 : index
        %get3A_1008 = tpu.vector_load %arg8[%get3A_1006, %get3A_1007] {strides = array<i32>} : memref<128x256xf32, #tpu.memory_space<vmem>>, vector<16xf32>,
        %mul3A_1009 = arith.mulf %gather3A, %get3A_1008 : vector<16xf32>
        %add3A_1010 = arith.addf %scan3A_905, %mul3A_1009 : vector<16xf32>
        %get3A_1011 = arith.index_cast %add3A_947 : i32 to index
        %get3A_1012 = arith.constant 192 : index
        %get3A_1013 = tpu.vector_load %arg8[%get3A_1011, %get3A_1012] {strides = array<i32>} : memref<128x256xf32, #tpu.memory_space<vmem>>, vector<16xf32>,
        %mul3A_1014 = arith.mulf %gather3A, %get3A_1013 : vector<16xf32>
        %add3A_1015 = arith.addf %scan3A_906, %mul3A_1014 : vector<16xf32>
        %get3A_1016 = arith.index_cast %add3A_947 : i32 to index
        %get3A_1017 = arith.constant 208 : index
        %get3A_1018 = tpu.vector_load %arg8[%get3A_1016, %get3A_1017] {strides = array<i32>} : memref<128x256xf32, #tpu.memory_space<vmem>>, vector<16xf32>,
        %mul3A_1019 = arith.mulf %gather3A, %get3A_1018 : vector<16xf32>
        %add3A_1020 = arith.addf %scan3A_907, %mul3A_1019 : vector<16xf32>
        %get3A_1021 = arith.index_cast %add3A_947 : i32 to index
        %get3A_1022 = arith.constant 224 : index
        %get3A_1023 = tpu.vector_load %arg8[%get3A_1021, %get3A_1022] {strides = array<i32>} : memref<128x256xf32, #tpu.memory_space<vmem>>, vector<16xf32>,
        %mul3A_1024 = arith.mulf %gather3A, %get3A_1023 : vector<16xf32>
        %add3A_1025 = arith.addf %scan3A_908, %mul3A_1024 : vector<16xf32>
        %get3A_1026 = arith.index_cast %add3A_947 : i32 to index
        %get3A_1027 = arith.constant 240 : index
        %get3A_1028 = tpu.vector_load %arg8[%get3A_1026, %get3A_1027] {strides = array<i32>} : memref<128x256xf32, #tpu.memory_space<vmem>>, vector<16xf32>,
        %mul3A_1029 = arith.mulf %gather3A, %get3A_1028 : vector<16xf32>
        %add3A_1030 = arith.addf %scan3A_909, %mul3A_1029 : vector<16xf32>
        scf.yield %add3A_955, %add3A_960, %add3A_965, %add3A_970, %add3A_975, %add3A_980, %add3A_985, %add3A_990, %add3A_995, %add3A_1000, %add3A_1005, %add3A_1010, %add3A_1015, %add3A_1020, %add3A_1025, %add3A_1030 : vector<16xf32>, vector<16xf32>, vector<16xf32>, vector<16xf32>, vector<16xf32>, vector<16xf32>, vector<16xf32>, vector<16xf32>, vector<16xf32>, vector<16xf32>, vector<16xf32>, vector<16xf32>, vector<16xf32>, vector<16xf32>, vector<16xf32>, vector<16xf32>
      }
      %scan3A_285 = arith.constant 32 : i32
      %swap3A_286 = arith.constant 1 : i32
      %swap3A_287 = arith.index_cast %swap3A_286 : i32 to index
      %swap3A_288 = arith.constant 0 : index
      %swap3A_289 = tpu.vector_load %arg10[%swap3A_287, %swap3A_288] {strides = array<i32>} : memref<2x512xf32, #tpu.memory_space<vmem>>, vector<16xf32>,
      tpu.vector_store %arg10[%swap3A_287, %swap3A_288], %scan3A_284#0 {strides = array<i32>} : memref<2x512xf32, #tpu.memory_space<vmem>>, vector<16xf32>,
      %swap3A_290 = arith.constant 1 : i32
      %swap3A_291 = arith.index_cast %swap3A_290 : i32 to index
      %swap3A_292 = arith.constant 16 : index
      %swap3A_293 = tpu.vector_load %arg10[%swap3A_291, %swap3A_292] {strides = array<i32>} : memref<2x512xf32, #tpu.memory_space<vmem>>, vector<16xf32>,
      tpu.vector_store %arg10[%swap3A_291, %swap3A_292], %scan3A_284#1 {strides = array<i32>} : memref<2x512xf32, #tpu.memory_space<vmem>>, vector<16xf32>,
      %swap3A_294 = arith.constant 1 : i32
      %swap3A_295 = arith.index_cast %swap3A_294 : i32 to index
      %swap3A_296 = arith.constant 32 : index
      %swap3A_297 = tpu.vector_load %arg10[%swap3A_295, %swap3A_296] {strides = array<i32>} : memref<2x512xf32, #tpu.memory_space<vmem>>, vector<16xf32>,
      tpu.vector_store %arg10[%swap3A_295, %swap3A_296], %scan3A_284#2 {strides = array<i32>} : memref<2x512xf32, #tpu.memory_space<vmem>>, vector<16xf32>,
      %swap3A_298 = arith.constant 1 : i32
      %swap3A_299 = arith.index_cast %swap3A_298 : i32 to index
      %swap3A_300 = arith.constant 48 : index
      %swap3A_301 = tpu.vector_load %arg10[%swap3A_299, %swap3A_300] {strides = array<i32>} : memref<2x512xf32, #tpu.memory_space<vmem>>, vector<16xf32>,
      tpu.vector_store %arg10[%swap3A_299, %swap3A_300], %scan3A_284#3 {strides = array<i32>} : memref<2x512xf32, #tpu.memory_space<vmem>>, vector<16xf32>,
      %swap3A_302 = arith.constant 1 : i32
      %swap3A_303 = arith.index_cast %swap3A_302 : i32 to index
      %swap3A_304 = arith.constant 64 : index
      %swap3A_305 = tpu.vector_load %arg10[%swap3A_303, %swap3A_304] {strides = array<i32>} : memref<2x512xf32, #tpu.memory_space<vmem>>, vector<16xf32>,
      tpu.vector_store %arg10[%swap3A_303, %swap3A_304], %scan3A_284#4 {strides = array<i32>} : memref<2x512xf32, #tpu.memory_space<vmem>>, vector<16xf32>,
      %swap3A_306 = arith.constant 1 : i32
      %swap3A_307 = arith.index_cast %swap3A_306 : i32 to index
      %swap3A_308 = arith.constant 80 : index
      %swap3A_309 = tpu.vector_load %arg10[%swap3A_307, %swap3A_308] {strides = array<i32>} : memref<2x512xf32, #tpu.memory_space<vmem>>, vector<16xf32>,
      tpu.vector_store %arg10[%swap3A_307, %swap3A_308], %scan3A_284#5 {strides = array<i32>} : memref<2x512xf32, #tpu.memory_space<vmem>>, vector<16xf32>,
      %swap3A_310 = arith.constant 1 : i32
      %swap3A_311 = arith.index_cast %swap3A_310 : i32 to index
      %swap3A_312 = arith.constant 96 : index
      %swap3A_313 = tpu.vector_load %arg10[%swap3A_311, %swap3A_312] {strides = array<i32>} : memref<2x512xf32, #tpu.memory_space<vmem>>, vector<16xf32>,
      tpu.vector_store %arg10[%swap3A_311, %swap3A_312], %scan3A_284#6 {strides = array<i32>} : memref<2x512xf32, #tpu.memory_space<vmem>>, vector<16xf32>,
      %swap3A_314 = arith.constant 1 : i32
      %swap3A_315 = arith.index_cast %swap3A_314 : i32 to index
      %swap3A_316 = arith.constant 112 : index
      %swap3A_317 = tpu.vector_load %arg10[%swap3A_315, %swap3A_316] {strides = array<i32>} : memref<2x512xf32, #tpu.memory_space<vmem>>, vector<16xf32>,
      tpu.vector_store %arg10[%swap3A_315, %swap3A_316], %scan3A_284#7 {strides = array<i32>} : memref<2x512xf32, #tpu.memory_space<vmem>>, vector<16xf32>,
      %swap3A_318 = arith.constant 1 : i32
      %swap3A_319 = arith.index_cast %swap3A_318 : i32 to index
      %swap3A_320 = arith.constant 128 : index
      %swap3A_321 = tpu.vector_load %arg10[%swap3A_319, %swap3A_320] {strides = array<i32>} : memref<2x512xf32, #tpu.memory_space<vmem>>, vector<16xf32>,
      tpu.vector_store %arg10[%swap3A_319, %swap3A_320], %scan3A_284#8 {strides = array<i32>} : memref<2x512xf32, #tpu.memory_space<vmem>>, vector<16xf32>,
      %swap3A_322 = arith.constant 1 : i32
      %swap3A_323 = arith.index_cast %swap3A_322 : i32 to index
      %swap3A_324 = arith.constant 144 : index
      %swap3A_325 = tpu.vector_load %arg10[%swap3A_323, %swap3A_324] {strides = array<i32>} : memref<2x512xf32, #tpu.memory_space<vmem>>, vector<16xf32>,
      tpu.vector_store %arg10[%swap3A_323, %swap3A_324], %scan3A_284#9 {strides = array<i32>} : memref<2x512xf32, #tpu.memory_space<vmem>>, vector<16xf32>,
      %swap3A_326 = arith.constant 1 : i32
      %swap3A_327 = arith.index_cast %swap3A_326 : i32 to index
      %swap3A_328 = arith.constant 160 : index
      %swap3A_329 = tpu.vector_load %arg10[%swap3A_327, %swap3A_328] {strides = array<i32>} : memref<2x512xf32, #tpu.memory_space<vmem>>, vector<16xf32>,
      tpu.vector_store %arg10[%swap3A_327, %swap3A_328], %scan3A_284#10 {strides = array<i32>} : memref<2x512xf32, #tpu.memory_space<vmem>>, vector<16xf32>,
      %swap3A_330 = arith.constant 1 : i32
      %swap3A_331 = arith.index_cast %swap3A_330 : i32 to index
      %swap3A_332 = arith.constant 176 : index
      %swap3A_333 = tpu.vector_load %arg10[%swap3A_331, %swap3A_332] {strides = array<i32>} : memref<2x512xf32, #tpu.memory_space<vmem>>, vector<16xf32>,
      tpu.vector_store %arg10[%swap3A_331, %swap3A_332], %scan3A_284#11 {strides = array<i32>} : memref<2x512xf32, #tpu.memory_space<vmem>>, vector<16xf32>,
      %swap3A_334 = arith.constant 1 : i32
      %swap3A_335 = arith.index_cast %swap3A_334 : i32 to index
      %swap3A_336 = arith.constant 192 : index
      %swap3A_337 = tpu.vector_load %arg10[%swap3A_335, %swap3A_336] {strides = array<i32>} : memref<2x512xf32, #tpu.memory_space<vmem>>, vector<16xf32>,
      tpu.vector_store %arg10[%swap3A_335, %swap3A_336], %scan3A_284#12 {strides = array<i32>} : memref<2x512xf32, #tpu.memory_space<vmem>>, vector<16xf32>,
      %swap3A_338 = arith.constant 1 : i32
      %swap3A_339 = arith.index_cast %swap3A_338 : i32 to index
      %swap3A_340 = arith.constant 208 : index
      %swap3A_341 = tpu.vector_load %arg10[%swap3A_339, %swap3A_340] {strides = array<i32>} : memref<2x512xf32, #tpu.memory_space<vmem>>, vector<16xf32>,
      tpu.vector_store %arg10[%swap3A_339, %swap3A_340], %scan3A_284#13 {strides = array<i32>} : memref<2x512xf32, #tpu.memory_space<vmem>>, vector<16xf32>,
      %swap3A_342 = arith.constant 1 : i32
      %swap3A_343 = arith.index_cast %swap3A_342 : i32 to index
      %swap3A_344 = arith.constant 224 : index
      %swap3A_345 = tpu.vector_load %arg10[%swap3A_343, %swap3A_344] {strides = array<i32>} : memref<2x512xf32, #tpu.memory_space<vmem>>, vector<16xf32>,
      tpu.vector_store %arg10[%swap3A_343, %swap3A_344], %scan3A_284#14 {strides = array<i32>} : memref<2x512xf32, #tpu.memory_space<vmem>>, vector<16xf32>,
      %swap3A_346 = arith.constant 1 : i32
      %swap3A_347 = arith.index_cast %swap3A_346 : i32 to index
      %swap3A_348 = arith.constant 240 : index
      %swap3A_349 = tpu.vector_load %arg10[%swap3A_347, %swap3A_348] {strides = array<i32>} : memref<2x512xf32, #tpu.memory_space<vmem>>, vector<16xf32>,
      tpu.vector_store %arg10[%swap3A_347, %swap3A_348], %scan3A_284#15 {strides = array<i32>} : memref<2x512xf32, #tpu.memory_space<vmem>>, vector<16xf32>,
      %broadcast_in_dim3A_350 = arith.constant 0.000000e+00 : f32
      %broadcast_in_dim3A_351 = vector.broadcast %broadcast_in_dim3A_350 : f32 to vector<16xf32>
      %broadcast_in_dim3A_352 = arith.constant 0.000000e+00 : f32
      %broadcast_in_dim3A_353 = vector.broadcast %broadcast_in_dim3A_352 : f32 to vector<16xf32>
      %broadcast_in_dim3A_354 = arith.constant 0.000000e+00 : f32
      %broadcast_in_dim3A_355 = vector.broadcast %broadcast_in_dim3A_354 : f32 to vector<16xf32>
      %broadcast_in_dim3A_356 = arith.constant 0.000000e+00 : f32
      %broadcast_in_dim3A_357 = vector.broadcast %broadcast_in_dim3A_356 : f32 to vector<16xf32>
      %broadcast_in_dim3A_358 = arith.constant 0.000000e+00 : f32
      %broadcast_in_dim3A_359 = vector.broadcast %broadcast_in_dim3A_358 : f32 to vector<16xf32>
      %broadcast_in_dim3A_360 = arith.constant 0.000000e+00 : f32
      %broadcast_in_dim3A_361 = vector.broadcast %broadcast_in_dim3A_360 : f32 to vector<16xf32>
      %broadcast_in_dim3A_362 = arith.constant 0.000000e+00 : f32
      %broadcast_in_dim3A_363 = vector.broadcast %broadcast_in_dim3A_362 : f32 to vector<16xf32>
      %broadcast_in_dim3A_364 = arith.constant 0.000000e+00 : f32
      %broadcast_in_dim3A_365 = vector.broadcast %broadcast_in_dim3A_364 : f32 to vector<16xf32>
      %broadcast_in_dim3A_366 = arith.constant 0.000000e+00 : f32
      %broadcast_in_dim3A_367 = vector.broadcast %broadcast_in_dim3A_366 : f32 to vector<16xf32>
      %broadcast_in_dim3A_368 = arith.constant 0.000000e+00 : f32
      %broadcast_in_dim3A_369 = vector.broadcast %broadcast_in_dim3A_368 : f32 to vector<16xf32>
      %broadcast_in_dim3A_370 = arith.constant 0.000000e+00 : f32
      %broadcast_in_dim3A_371 = vector.broadcast %broadcast_in_dim3A_370 : f32 to vector<16xf32>
      %broadcast_in_dim3A_372 = arith.constant 0.000000e+00 : f32
      %broadcast_in_dim3A_373 = vector.broadcast %broadcast_in_dim3A_372 : f32 to vector<16xf32>
      %broadcast_in_dim3A_374 = arith.constant 0.000000e+00 : f32
      %broadcast_in_dim3A_375 = vector.broadcast %broadcast_in_dim3A_374 : f32 to vector<16xf32>
      %broadcast_in_dim3A_376 = arith.constant 0.000000e+00 : f32
      %broadcast_in_dim3A_377 = vector.broadcast %broadcast_in_dim3A_376 : f32 to vector<16xf32>
      %broadcast_in_dim3A_378 = arith.constant 0.000000e+00 : f32
      %broadcast_in_dim3A_379 = vector.broadcast %broadcast_in_dim3A_378 : f32 to vector<16xf32>
      %broadcast_in_dim3A_380 = arith.constant 0.000000e+00 : f32
      %broadcast_in_dim3A_381 = vector.broadcast %broadcast_in_dim3A_380 : f32 to vector<16xf32>
      %scan3A_382 = arith.constant 0 : i32
      %scan3A_383 = arith.constant 32 : i32
      %scan3A_384 = arith.addi %scan3A_382, %scan3A_383 : i32
      %scan3A_385 = arith.constant 1 : i32
      %scan3A_386:16 = scf.for %scan3A_893 = %scan3A_382 to %scan3A_384 step %scan3A_385 iter_args(%scan3A_894 = %broadcast_in_dim3A_351, %scan3A_895 = %broadcast_in_dim3A_353, %scan3A_896 = %broadcast_in_dim3A_355, %scan3A_897 = %broadcast_in_dim3A_357, %scan3A_898 = %broadcast_in_dim3A_359, %scan3A_899 = %broadcast_in_dim3A_361, %scan3A_900 = %broadcast_in_dim3A_363, %scan3A_901 = %broadcast_in_dim3A_365, %scan3A_902 = %broadcast_in_dim3A_367, %scan3A_903 = %broadcast_in_dim3A_369, %scan3A_904 = %broadcast_in_dim3A_371, %scan3A_905 = %broadcast_in_dim3A_373, %scan3A_906 = %broadcast_in_dim3A_375, %scan3A_907 = %broadcast_in_dim3A_377, %scan3A_908 = %broadcast_in_dim3A_379, %scan3A_909 = %broadcast_in_dim3A_381) -> (vector<16xf32>, vector<16xf32>, vector<16xf32>, vector<16xf32>, vector<16xf32>, vector<16xf32>, vector<16xf32>, vector<16xf32>, vector<16xf32>, vector<16xf32>, vector<16xf32>, vector<16xf32>, vector<16xf32>, vector<16xf32>, vector<16xf32>, vector<16xf32>)  : i32 {
        %jit3A = arith.constant 8 : i32
        %div3A = arith.divsi %scan3A_893, %jit3A : i32
        %sign3A = arith.constant 0 : i32
        %sign3A_910 = arith.cmpi sgt, %scan3A_893, %sign3A : i32
        %sign3A_911 = arith.extui %sign3A_910 : i1 to i32
        %sign3A_912 = arith.constant 0 : i32
        %sign3A_913 = arith.cmpi slt, %scan3A_893, %sign3A_912 : i32
        %sign3A_914 = arith.extui %sign3A_913 : i1 to i32
        %sign3A_915 = arith.subi %sign3A_911, %sign3A_914 : i32
        %sign3A_916 = arith.constant 0 : i32
        %sign3A_917 = arith.cmpi sgt, %jit3A, %sign3A_916 : i32
        %sign3A_918 = arith.extui %sign3A_917 : i1 to i32
        %sign3A_919 = arith.constant 0 : i32
        %sign3A_920 = arith.cmpi slt, %jit3A, %sign3A_919 : i32
        %sign3A_921 = arith.extui %sign3A_920 : i1 to i32
        %sign3A_922 = arith.subi %sign3A_918, %sign3A_921 : i32
        %ne3A = arith.cmpi ne, %sign3A_915, %sign3A_922 : i32
        %rem3A = arith.remsi %scan3A_893, %jit3A : i32
        %ne3A_923 = arith.constant 0 : i32
        %ne3A_924 = arith.cmpi ne, %rem3A, %ne3A_923 : i32
        %and3A = arith.andi %ne3A, %ne3A_924 : i1
        %sub3A = arith.constant 1 : i32
        %sub3A_925 = arith.subi %div3A, %sub3A : i32
        %select_n3A = arith.select %and3A, %sub3A_925, %div3A : i32
        %jit3A_926 = arith.constant 8 : i32
        %eq3A = arith.constant 0 : i32
        %eq3A_927 = arith.cmpi eq, %jit3A_926, %eq3A : i32
        %jit3A_928 = arith.constant 1 : i32
        %select_n3A_929 = arith.select %eq3A_927, %jit3A_928, %jit3A_926 : i32
        %rem3A_930 = arith.remsi %scan3A_893, %select_n3A_929 : i32
        %ne3A_931 = arith.constant 0 : i32
        %ne3A_932 = arith.cmpi ne, %rem3A_930, %ne3A_931 : i32
        %lt3A_933 = arith.constant 0 : i32
        %lt3A_934 = arith.cmpi slt, %rem3A_930, %lt3A_933 : i32
        %lt3A_935 = arith.constant 0 : i32
        %lt3A_936 = arith.cmpi slt, %select_n3A_929, %lt3A_935 : i32
        %ne3A_937 = arith.xori %lt3A_934, %lt3A_936 : i1
        %and3A_938 = arith.andi %ne3A_937, %ne3A_932 : i1
        %add3A_939 = arith.addi %rem3A_930, %select_n3A_929 : i32
        %select_n3A_940 = arith.select %and3A_938, %add3A_939, %rem3A_930 : i32
        %mul3A_941 = arith.constant 16 : i32
        %mul3A_942 = arith.muli %select_n3A, %mul3A_941 : i32
        %add3A_943 = arith.constant 64 : i32
        %add3A_944 = arith.addi %add3A_943, %mul3A_942 : i32
        %add3A_945 = arith.constant 8 : i32
        %add3A_946 = arith.addi %add3A_944, %add3A_945 : i32
        %add3A_947 = arith.addi %add3A_946, %select_n3A_940 : i32
        %mul3A_948 = arith.constant 128 : i32
        %mul3A_949 = arith.muli %mul3A_29, %mul3A_948 : i32
        %add3A_950 = arith.addi %mul3A_949, %add3A_947 : i32
        %broadcast_in_dim3A_951 = vector.broadcast %add3A_950 : i32 to vector<16xi32>
        %gather3A = tpu.vector_load_idx %arg7[%broadcast_in_dim3A_951] : memref<16384xf32, #tpu.memory_space<vmem>>[vector<16xi32>], vector<16xf32>,
        %get3A = arith.index_cast %add3A_947 : i32 to index
        %get3A_952 = arith.constant 0 : index
        %get3A_953 = tpu.vector_load %arg8[%get3A, %get3A_952] {strides = array<i32>} : memref<128x256xf32, #tpu.memory_space<vmem>>, vector<16xf32>,
        %mul3A_954 = arith.mulf %gather3A, %get3A_953 : vector<16xf32>
        %add3A_955 = arith.addf %scan3A_894, %mul3A_954 : vector<16xf32>
        %get3A_956 = arith.index_cast %add3A_947 : i32 to index
        %get3A_957 = arith.constant 16 : index
        %get3A_958 = tpu.vector_load %arg8[%get3A_956, %get3A_957] {strides = array<i32>} : memref<128x256xf32, #tpu.memory_space<vmem>>, vector<16xf32>,
        %mul3A_959 = arith.mulf %gather3A, %get3A_958 : vector<16xf32>
        %add3A_960 = arith.addf %scan3A_895, %mul3A_959 : vector<16xf32>
        %get3A_961 = arith.index_cast %add3A_947 : i32 to index
        %get3A_962 = arith.constant 32 : index
        %get3A_963 = tpu.vector_load %arg8[%get3A_961, %get3A_962] {strides = array<i32>} : memref<128x256xf32, #tpu.memory_space<vmem>>, vector<16xf32>,
        %mul3A_964 = arith.mulf %gather3A, %get3A_963 : vector<16xf32>
        %add3A_965 = arith.addf %scan3A_896, %mul3A_964 : vector<16xf32>
        %get3A_966 = arith.index_cast %add3A_947 : i32 to index
        %get3A_967 = arith.constant 48 : index
        %get3A_968 = tpu.vector_load %arg8[%get3A_966, %get3A_967] {strides = array<i32>} : memref<128x256xf32, #tpu.memory_space<vmem>>, vector<16xf32>,
        %mul3A_969 = arith.mulf %gather3A, %get3A_968 : vector<16xf32>
        %add3A_970 = arith.addf %scan3A_897, %mul3A_969 : vector<16xf32>
        %get3A_971 = arith.index_cast %add3A_947 : i32 to index
        %get3A_972 = arith.constant 64 : index
        %get3A_973 = tpu.vector_load %arg8[%get3A_971, %get3A_972] {strides = array<i32>} : memref<128x256xf32, #tpu.memory_space<vmem>>, vector<16xf32>,
        %mul3A_974 = arith.mulf %gather3A, %get3A_973 : vector<16xf32>
        %add3A_975 = arith.addf %scan3A_898, %mul3A_974 : vector<16xf32>
        %get3A_976 = arith.index_cast %add3A_947 : i32 to index
        %get3A_977 = arith.constant 80 : index
        %get3A_978 = tpu.vector_load %arg8[%get3A_976, %get3A_977] {strides = array<i32>} : memref<128x256xf32, #tpu.memory_space<vmem>>, vector<16xf32>,
        %mul3A_979 = arith.mulf %gather3A, %get3A_978 : vector<16xf32>
        %add3A_980 = arith.addf %scan3A_899, %mul3A_979 : vector<16xf32>
        %get3A_981 = arith.index_cast %add3A_947 : i32 to index
        %get3A_982 = arith.constant 96 : index
        %get3A_983 = tpu.vector_load %arg8[%get3A_981, %get3A_982] {strides = array<i32>} : memref<128x256xf32, #tpu.memory_space<vmem>>, vector<16xf32>,
        %mul3A_984 = arith.mulf %gather3A, %get3A_983 : vector<16xf32>
        %add3A_985 = arith.addf %scan3A_900, %mul3A_984 : vector<16xf32>
        %get3A_986 = arith.index_cast %add3A_947 : i32 to index
        %get3A_987 = arith.constant 112 : index
        %get3A_988 = tpu.vector_load %arg8[%get3A_986, %get3A_987] {strides = array<i32>} : memref<128x256xf32, #tpu.memory_space<vmem>>, vector<16xf32>,
        %mul3A_989 = arith.mulf %gather3A, %get3A_988 : vector<16xf32>
        %add3A_990 = arith.addf %scan3A_901, %mul3A_989 : vector<16xf32>
        %get3A_991 = arith.index_cast %add3A_947 : i32 to index
        %get3A_992 = arith.constant 128 : index
        %get3A_993 = tpu.vector_load %arg8[%get3A_991, %get3A_992] {strides = array<i32>} : memref<128x256xf32, #tpu.memory_space<vmem>>, vector<16xf32>,
        %mul3A_994 = arith.mulf %gather3A, %get3A_993 : vector<16xf32>
        %add3A_995 = arith.addf %scan3A_902, %mul3A_994 : vector<16xf32>
        %get3A_996 = arith.index_cast %add3A_947 : i32 to index
        %get3A_997 = arith.constant 144 : index
        %get3A_998 = tpu.vector_load %arg8[%get3A_996, %get3A_997] {strides = array<i32>} : memref<128x256xf32, #tpu.memory_space<vmem>>, vector<16xf32>,
        %mul3A_999 = arith.mulf %gather3A, %get3A_998 : vector<16xf32>
        %add3A_1000 = arith.addf %scan3A_903, %mul3A_999 : vector<16xf32>
        %get3A_1001 = arith.index_cast %add3A_947 : i32 to index
        %get3A_1002 = arith.constant 160 : index
        %get3A_1003 = tpu.vector_load %arg8[%get3A_1001, %get3A_1002] {strides = array<i32>} : memref<128x256xf32, #tpu.memory_space<vmem>>, vector<16xf32>,
        %mul3A_1004 = arith.mulf %gather3A, %get3A_1003 : vector<16xf32>
        %add3A_1005 = arith.addf %scan3A_904, %mul3A_1004 : vector<16xf32>
        %get3A_1006 = arith.index_cast %add3A_947 : i32 to index
        %get3A_1007 = arith.constant 176 : index
        %get3A_1008 = tpu.vector_load %arg8[%get3A_1006, %get3A_1007] {strides = array<i32>} : memref<128x256xf32, #tpu.memory_space<vmem>>, vector<16xf32>,
        %mul3A_1009 = arith.mulf %gather3A, %get3A_1008 : vector<16xf32>
        %add3A_1010 = arith.addf %scan3A_905, %mul3A_1009 : vector<16xf32>
        %get3A_1011 = arith.index_cast %add3A_947 : i32 to index
        %get3A_1012 = arith.constant 192 : index
        %get3A_1013 = tpu.vector_load %arg8[%get3A_1011, %get3A_1012] {strides = array<i32>} : memref<128x256xf32, #tpu.memory_space<vmem>>, vector<16xf32>,
        %mul3A_1014 = arith.mulf %gather3A, %get3A_1013 : vector<16xf32>
        %add3A_1015 = arith.addf %scan3A_906, %mul3A_1014 : vector<16xf32>
        %get3A_1016 = arith.index_cast %add3A_947 : i32 to index
        %get3A_1017 = arith.constant 208 : index
        %get3A_1018 = tpu.vector_load %arg8[%get3A_1016, %get3A_1017] {strides = array<i32>} : memref<128x256xf32, #tpu.memory_space<vmem>>, vector<16xf32>,
        %mul3A_1019 = arith.mulf %gather3A, %get3A_1018 : vector<16xf32>
        %add3A_1020 = arith.addf %scan3A_907, %mul3A_1019 : vector<16xf32>
        %get3A_1021 = arith.index_cast %add3A_947 : i32 to index
        %get3A_1022 = arith.constant 224 : index
        %get3A_1023 = tpu.vector_load %arg8[%get3A_1021, %get3A_1022] {strides = array<i32>} : memref<128x256xf32, #tpu.memory_space<vmem>>, vector<16xf32>,
        %mul3A_1024 = arith.mulf %gather3A, %get3A_1023 : vector<16xf32>
        %add3A_1025 = arith.addf %scan3A_908, %mul3A_1024 : vector<16xf32>
        %get3A_1026 = arith.index_cast %add3A_947 : i32 to index
        %get3A_1027 = arith.constant 240 : index
        %get3A_1028 = tpu.vector_load %arg8[%get3A_1026, %get3A_1027] {strides = array<i32>} : memref<128x256xf32, #tpu.memory_space<vmem>>, vector<16xf32>,
        %mul3A_1029 = arith.mulf %gather3A, %get3A_1028 : vector<16xf32>
        %add3A_1030 = arith.addf %scan3A_909, %mul3A_1029 : vector<16xf32>
        scf.yield %add3A_955, %add3A_960, %add3A_965, %add3A_970, %add3A_975, %add3A_980, %add3A_985, %add3A_990, %add3A_995, %add3A_1000, %add3A_1005, %add3A_1010, %add3A_1015, %add3A_1020, %add3A_1025, %add3A_1030 : vector<16xf32>, vector<16xf32>, vector<16xf32>, vector<16xf32>, vector<16xf32>, vector<16xf32>, vector<16xf32>, vector<16xf32>, vector<16xf32>, vector<16xf32>, vector<16xf32>, vector<16xf32>, vector<16xf32>, vector<16xf32>, vector<16xf32>, vector<16xf32>
      }
      %scan3A_387 = arith.constant 32 : i32
      %swap3A_388 = arith.constant 1 : i32
      %swap3A_389 = arith.index_cast %swap3A_388 : i32 to index
      %swap3A_390 = arith.constant 256 : index
      %swap3A_391 = tpu.vector_load %arg10[%swap3A_389, %swap3A_390] {strides = array<i32>} : memref<2x512xf32, #tpu.memory_space<vmem>>, vector<16xf32>,
      tpu.vector_store %arg10[%swap3A_389, %swap3A_390], %scan3A_386#0 {strides = array<i32>} : memref<2x512xf32, #tpu.memory_space<vmem>>, vector<16xf32>,
      %swap3A_392 = arith.constant 1 : i32
      %swap3A_393 = arith.index_cast %swap3A_392 : i32 to index
      %swap3A_394 = arith.constant 272 : index
      %swap3A_395 = tpu.vector_load %arg10[%swap3A_393, %swap3A_394] {strides = array<i32>} : memref<2x512xf32, #tpu.memory_space<vmem>>, vector<16xf32>,
      tpu.vector_store %arg10[%swap3A_393, %swap3A_394], %scan3A_386#1 {strides = array<i32>} : memref<2x512xf32, #tpu.memory_space<vmem>>, vector<16xf32>,
      %swap3A_396 = arith.constant 1 : i32
      %swap3A_397 = arith.index_cast %swap3A_396 : i32 to index
      %swap3A_398 = arith.constant 288 : index
      %swap3A_399 = tpu.vector_load %arg10[%swap3A_397, %swap3A_398] {strides = array<i32>} : memref<2x512xf32, #tpu.memory_space<vmem>>, vector<16xf32>,
      tpu.vector_store %arg10[%swap3A_397, %swap3A_398], %scan3A_386#2 {strides = array<i32>} : memref<2x512xf32, #tpu.memory_space<vmem>>, vector<16xf32>,
      %swap3A_400 = arith.constant 1 : i32
      %swap3A_401 = arith.index_cast %swap3A_400 : i32 to index
      %swap3A_402 = arith.constant 304 : index
      %swap3A_403 = tpu.vector_load %arg10[%swap3A_401, %swap3A_402] {strides = array<i32>} : memref<2x512xf32, #tpu.memory_space<vmem>>, vector<16xf32>,
      tpu.vector_store %arg10[%swap3A_401, %swap3A_402], %scan3A_386#3 {strides = array<i32>} : memref<2x512xf32, #tpu.memory_space<vmem>>, vector<16xf32>,
      %swap3A_404 = arith.constant 1 : i32
      %swap3A_405 = arith.index_cast %swap3A_404 : i32 to index
      %swap3A_406 = arith.constant 320 : index
      %swap3A_407 = tpu.vector_load %arg10[%swap3A_405, %swap3A_406] {strides = array<i32>} : memref<2x512xf32, #tpu.memory_space<vmem>>, vector<16xf32>,
      tpu.vector_store %arg10[%swap3A_405, %swap3A_406], %scan3A_386#4 {strides = array<i32>} : memref<2x512xf32, #tpu.memory_space<vmem>>, vector<16xf32>,
      %swap3A_408 = arith.constant 1 : i32
      %swap3A_409 = arith.index_cast %swap3A_408 : i32 to index
      %swap3A_410 = arith.constant 336 : index
      %swap3A_411 = tpu.vector_load %arg10[%swap3A_409, %swap3A_410] {strides = array<i32>} : memref<2x512xf32, #tpu.memory_space<vmem>>, vector<16xf32>,
      tpu.vector_store %arg10[%swap3A_409, %swap3A_410], %scan3A_386#5 {strides = array<i32>} : memref<2x512xf32, #tpu.memory_space<vmem>>, vector<16xf32>,
      %swap3A_412 = arith.constant 1 : i32
      %swap3A_413 = arith.index_cast %swap3A_412 : i32 to index
      %swap3A_414 = arith.constant 352 : index
      %swap3A_415 = tpu.vector_load %arg10[%swap3A_413, %swap3A_414] {strides = array<i32>} : memref<2x512xf32, #tpu.memory_space<vmem>>, vector<16xf32>,
      tpu.vector_store %arg10[%swap3A_413, %swap3A_414], %scan3A_386#6 {strides = array<i32>} : memref<2x512xf32, #tpu.memory_space<vmem>>, vector<16xf32>,
      %swap3A_416 = arith.constant 1 : i32
      %swap3A_417 = arith.index_cast %swap3A_416 : i32 to index
      %swap3A_418 = arith.constant 368 : index
      %swap3A_419 = tpu.vector_load %arg10[%swap3A_417, %swap3A_418] {strides = array<i32>} : memref<2x512xf32, #tpu.memory_space<vmem>>, vector<16xf32>,
      tpu.vector_store %arg10[%swap3A_417, %swap3A_418], %scan3A_386#7 {strides = array<i32>} : memref<2x512xf32, #tpu.memory_space<vmem>>, vector<16xf32>,
      %swap3A_420 = arith.constant 1 : i32
      %swap3A_421 = arith.index_cast %swap3A_420 : i32 to index
      %swap3A_422 = arith.constant 384 : index
      %swap3A_423 = tpu.vector_load %arg10[%swap3A_421, %swap3A_422] {strides = array<i32>} : memref<2x512xf32, #tpu.memory_space<vmem>>, vector<16xf32>,
      tpu.vector_store %arg10[%swap3A_421, %swap3A_422], %scan3A_386#8 {strides = array<i32>} : memref<2x512xf32, #tpu.memory_space<vmem>>, vector<16xf32>,
      %swap3A_424 = arith.constant 1 : i32
      %swap3A_425 = arith.index_cast %swap3A_424 : i32 to index
      %swap3A_426 = arith.constant 400 : index
      %swap3A_427 = tpu.vector_load %arg10[%swap3A_425, %swap3A_426] {strides = array<i32>} : memref<2x512xf32, #tpu.memory_space<vmem>>, vector<16xf32>,
      tpu.vector_store %arg10[%swap3A_425, %swap3A_426], %scan3A_386#9 {strides = array<i32>} : memref<2x512xf32, #tpu.memory_space<vmem>>, vector<16xf32>,
      %swap3A_428 = arith.constant 1 : i32
      %swap3A_429 = arith.index_cast %swap3A_428 : i32 to index
      %swap3A_430 = arith.constant 416 : index
      %swap3A_431 = tpu.vector_load %arg10[%swap3A_429, %swap3A_430] {strides = array<i32>} : memref<2x512xf32, #tpu.memory_space<vmem>>, vector<16xf32>,
      tpu.vector_store %arg10[%swap3A_429, %swap3A_430], %scan3A_386#10 {strides = array<i32>} : memref<2x512xf32, #tpu.memory_space<vmem>>, vector<16xf32>,
      %swap3A_432 = arith.constant 1 : i32
      %swap3A_433 = arith.index_cast %swap3A_432 : i32 to index
      %swap3A_434 = arith.constant 432 : index
      %swap3A_435 = tpu.vector_load %arg10[%swap3A_433, %swap3A_434] {strides = array<i32>} : memref<2x512xf32, #tpu.memory_space<vmem>>, vector<16xf32>,
      tpu.vector_store %arg10[%swap3A_433, %swap3A_434], %scan3A_386#11 {strides = array<i32>} : memref<2x512xf32, #tpu.memory_space<vmem>>, vector<16xf32>,
      %swap3A_436 = arith.constant 1 : i32
      %swap3A_437 = arith.index_cast %swap3A_436 : i32 to index
      %swap3A_438 = arith.constant 448 : index
      %swap3A_439 = tpu.vector_load %arg10[%swap3A_437, %swap3A_438] {strides = array<i32>} : memref<2x512xf32, #tpu.memory_space<vmem>>, vector<16xf32>,
      tpu.vector_store %arg10[%swap3A_437, %swap3A_438], %scan3A_386#12 {strides = array<i32>} : memref<2x512xf32, #tpu.memory_space<vmem>>, vector<16xf32>,
      %swap3A_440 = arith.constant 1 : i32
      %swap3A_441 = arith.index_cast %swap3A_440 : i32 to index
      %swap3A_442 = arith.constant 464 : index
      %swap3A_443 = tpu.vector_load %arg10[%swap3A_441, %swap3A_442] {strides = array<i32>} : memref<2x512xf32, #tpu.memory_space<vmem>>, vector<16xf32>,
      tpu.vector_store %arg10[%swap3A_441, %swap3A_442], %scan3A_386#13 {strides = array<i32>} : memref<2x512xf32, #tpu.memory_space<vmem>>, vector<16xf32>,
      %swap3A_444 = arith.constant 1 : i32
      %swap3A_445 = arith.index_cast %swap3A_444 : i32 to index
      %swap3A_446 = arith.constant 480 : index
      %swap3A_447 = tpu.vector_load %arg10[%swap3A_445, %swap3A_446] {strides = array<i32>} : memref<2x512xf32, #tpu.memory_space<vmem>>, vector<16xf32>,
      tpu.vector_store %arg10[%swap3A_445, %swap3A_446], %scan3A_386#14 {strides = array<i32>} : memref<2x512xf32, #tpu.memory_space<vmem>>, vector<16xf32>,
      %swap3A_448 = arith.constant 1 : i32
      %swap3A_449 = arith.index_cast %swap3A_448 : i32 to index
      %swap3A_450 = arith.constant 496 : index
      %swap3A_451 = tpu.vector_load %arg10[%swap3A_449, %swap3A_450] {strides = array<i32>} : memref<2x512xf32, #tpu.memory_space<vmem>>, vector<16xf32>,
      tpu.vector_store %arg10[%swap3A_449, %swap3A_450], %scan3A_386#15 {strides = array<i32>} : memref<2x512xf32, #tpu.memory_space<vmem>>, vector<16xf32>,
      %mul3A_452 = arith.constant 2 : i32
      %mul3A_453 = arith.muli %mul3A_29, %mul3A_452 : i32
      %add3A_454 = arith.addi %mul3A_2, %mul3A_453 : i32
      %dma_start3A_455 = arith.constant 0 : i32
      %dma_start3A_456 = tpu.memref_slice %arg5[%add3A_454, %dma_start3A_455] : memref<8192x512xf32, #tpu.memory_space<hbm>> -> memref<2x512xf32, #tpu.memory_space<hbm>>
      %dma_start3A_457 = arith.constant 0 : i32
      %dma_start3A_458 = tpu.memref_slice %arg5[%add3A_454, %dma_start3A_457] : memref<8192x512xf32, #tpu.memory_space<hbm>> -> memref<2x512xf32, #tpu.memory_space<hbm>>
      tpu.enqueue_dma source(%arg10 : memref<2x512xf32, #tpu.memory_space<vmem>>) target(%dma_start3A_458 : memref<2x512xf32, #tpu.memory_space<hbm>>) target_semaphore(%arg14 : memref<!tpu.dma_semaphore, #tpu.memory_space<semaphore_mem>>)
      %add3A_459 = arith.constant 2 : i32
      %add3A_460 = arith.addi %mul3A_29, %add3A_459 : i32
      %lt3A = arith.constant 128 : i32
      %lt3A_461 = arith.cmpi slt, %add3A_460, %lt3A : i32
      %convert_element_type3A_462 = arith.extui %lt3A_461 : i1 to i32
      %cond3A_463 = arith.constant 0 : i32
      %cond3A_464 = arith.cmpi ne, %convert_element_type3A_462, %cond3A_463 : i32
      scf.if %cond3A_464 {
        %add3A_893 = arith.constant 2 : i32
        %add3A_894 = arith.addi %mul3A_29, %add3A_893 : i32
        %mul3A_895 = arith.constant 128 : i32
        %mul3A_896 = arith.muli %add3A_894, %mul3A_895 : i32
        %dma_start3A_897 = tpu.memref_slice %arg6[%mul3A_896] : memref<16384xi32, #tpu.memory_space<vmem>> -> memref<128xi32, #tpu.memory_space<vmem>>
        %dma_start3A_898 = arith.constant 0 : i32
        %dma_start3A_899 = arith.constant 0 : i32
        %dma_start3A_900 = tpu.memref_slice %arg2[%dma_start3A_898, %dma_start3A_899] : memref<10240x256xf32, #tpu.memory_space<hbm>> -> memref<10240x256xf32, #tpu.memory_space<hbm>>
        tpu.enqueue_indirect_dma source(%dma_start3A_900 : memref<10240x256xf32, #tpu.memory_space<hbm>>) target(%arg8 : memref<128x256xf32, #tpu.memory_space<vmem>>) offsets(%dma_start3A_897 : memref<128xi32, #tpu.memory_space<vmem>>) semaphore(%arg12 : memref<!tpu.dma_semaphore, #tpu.memory_space<semaphore_mem>>)
      } else {
      }
      %dma_wait3A_465 = arith.constant 0 : i32
      %dma_wait3A_466 = arith.constant 0 : i32
      %dma_wait3A_467 = tpu.memref_slice %arg2[%dma_wait3A_465, %dma_wait3A_466] : memref<10240x256xf32, #tpu.memory_space<hbm>> -> memref<128x256xf32, #tpu.memory_space<hbm>>
      %dma_wait3A_468 = arith.constant 0 : i32
      %dma_wait3A_469 = arith.constant 0 : i32
      %dma_wait3A_470 = tpu.memref_slice %arg2[%dma_wait3A_468, %dma_wait3A_469] : memref<10240x256xf32, #tpu.memory_space<hbm>> -> memref<128x256xf32, #tpu.memory_space<hbm>>
      tpu.wait_dma2 semaphore(%arg13 : memref<!tpu.dma_semaphore, #tpu.memory_space<semaphore_mem>>) src(%dma_wait3A_470 : memref<128x256xf32, #tpu.memory_space<hbm>>) dst(%arg9 : memref<128x256xf32, #tpu.memory_space<vmem>>)
      %ge3A_471 = arith.constant 2 : i32
      %ge3A_472 = arith.cmpi sge, %mul3A_29, %ge3A_471 : i32
      %convert_element_type3A_473 = arith.extui %ge3A_472 : i1 to i32
      %cond3A_474 = arith.constant 0 : i32
      %cond3A_475 = arith.cmpi ne, %convert_element_type3A_473, %cond3A_474 : i32
      scf.if %cond3A_475 {
        %dma_wait3A_893 = arith.constant 0 : i32
        %dma_wait3A_894 = arith.constant 0 : i32
        %dma_wait3A_895 = tpu.memref_slice %arg5[%dma_wait3A_893, %dma_wait3A_894] : memref<8192x512xf32, #tpu.memory_space<hbm>> -> memref<2x512xf32, #tpu.memory_space<hbm>>
        %dma_wait3A_896 = arith.constant 0 : i32
        %dma_wait3A_897 = arith.constant 0 : i32
        %dma_wait3A_898 = tpu.memref_slice %arg5[%dma_wait3A_896, %dma_wait3A_897] : memref<8192x512xf32, #tpu.memory_space<hbm>> -> memref<2x512xf32, #tpu.memory_space<hbm>>
        tpu.wait_dma2 semaphore(%arg15 : memref<!tpu.dma_semaphore, #tpu.memory_space<semaphore_mem>>) src(%arg11 : memref<2x512xf32, #tpu.memory_space<vmem>>) dst(%dma_wait3A_898 : memref<2x512xf32, #tpu.memory_space<hbm>>)
      } else {
      }
      %add3A_476 = arith.constant 1 : i32
      %add3A_477 = arith.addi %mul3A_29, %add3A_476 : i32
      %broadcast_in_dim3A_478 = arith.constant 0.000000e+00 : f32
      %broadcast_in_dim3A_479 = vector.broadcast %broadcast_in_dim3A_478 : f32 to vector<16xf32>
      %broadcast_in_dim3A_480 = arith.constant 0.000000e+00 : f32
      %broadcast_in_dim3A_481 = vector.broadcast %broadcast_in_dim3A_480 : f32 to vector<16xf32>
      %broadcast_in_dim3A_482 = arith.constant 0.000000e+00 : f32
      %broadcast_in_dim3A_483 = vector.broadcast %broadcast_in_dim3A_482 : f32 to vector<16xf32>
      %broadcast_in_dim3A_484 = arith.constant 0.000000e+00 : f32
      %broadcast_in_dim3A_485 = vector.broadcast %broadcast_in_dim3A_484 : f32 to vector<16xf32>
      %broadcast_in_dim3A_486 = arith.constant 0.000000e+00 : f32
      %broadcast_in_dim3A_487 = vector.broadcast %broadcast_in_dim3A_486 : f32 to vector<16xf32>
      %broadcast_in_dim3A_488 = arith.constant 0.000000e+00 : f32
      %broadcast_in_dim3A_489 = vector.broadcast %broadcast_in_dim3A_488 : f32 to vector<16xf32>
      %broadcast_in_dim3A_490 = arith.constant 0.000000e+00 : f32
      %broadcast_in_dim3A_491 = vector.broadcast %broadcast_in_dim3A_490 : f32 to vector<16xf32>
      %broadcast_in_dim3A_492 = arith.constant 0.000000e+00 : f32
      %broadcast_in_dim3A_493 = vector.broadcast %broadcast_in_dim3A_492 : f32 to vector<16xf32>
      %broadcast_in_dim3A_494 = arith.constant 0.000000e+00 : f32
      %broadcast_in_dim3A_495 = vector.broadcast %broadcast_in_dim3A_494 : f32 to vector<16xf32>
      %broadcast_in_dim3A_496 = arith.constant 0.000000e+00 : f32
      %broadcast_in_dim3A_497 = vector.broadcast %broadcast_in_dim3A_496 : f32 to vector<16xf32>
      %broadcast_in_dim3A_498 = arith.constant 0.000000e+00 : f32
      %broadcast_in_dim3A_499 = vector.broadcast %broadcast_in_dim3A_498 : f32 to vector<16xf32>
      %broadcast_in_dim3A_500 = arith.constant 0.000000e+00 : f32
      %broadcast_in_dim3A_501 = vector.broadcast %broadcast_in_dim3A_500 : f32 to vector<16xf32>
      %broadcast_in_dim3A_502 = arith.constant 0.000000e+00 : f32
      %broadcast_in_dim3A_503 = vector.broadcast %broadcast_in_dim3A_502 : f32 to vector<16xf32>
      %broadcast_in_dim3A_504 = arith.constant 0.000000e+00 : f32
      %broadcast_in_dim3A_505 = vector.broadcast %broadcast_in_dim3A_504 : f32 to vector<16xf32>
      %broadcast_in_dim3A_506 = arith.constant 0.000000e+00 : f32
      %broadcast_in_dim3A_507 = vector.broadcast %broadcast_in_dim3A_506 : f32 to vector<16xf32>
      %broadcast_in_dim3A_508 = arith.constant 0.000000e+00 : f32
      %broadcast_in_dim3A_509 = vector.broadcast %broadcast_in_dim3A_508 : f32 to vector<16xf32>
      %scan3A_510 = arith.constant 0 : i32
      %scan3A_511 = arith.constant 32 : i32
      %scan3A_512 = arith.addi %scan3A_510, %scan3A_511 : i32
      %scan3A_513 = arith.constant 1 : i32
      %scan3A_514:16 = scf.for %scan3A_893 = %scan3A_510 to %scan3A_512 step %scan3A_513 iter_args(%scan3A_894 = %broadcast_in_dim3A_479, %scan3A_895 = %broadcast_in_dim3A_481, %scan3A_896 = %broadcast_in_dim3A_483, %scan3A_897 = %broadcast_in_dim3A_485, %scan3A_898 = %broadcast_in_dim3A_487, %scan3A_899 = %broadcast_in_dim3A_489, %scan3A_900 = %broadcast_in_dim3A_491, %scan3A_901 = %broadcast_in_dim3A_493, %scan3A_902 = %broadcast_in_dim3A_495, %scan3A_903 = %broadcast_in_dim3A_497, %scan3A_904 = %broadcast_in_dim3A_499, %scan3A_905 = %broadcast_in_dim3A_501, %scan3A_906 = %broadcast_in_dim3A_503, %scan3A_907 = %broadcast_in_dim3A_505, %scan3A_908 = %broadcast_in_dim3A_507, %scan3A_909 = %broadcast_in_dim3A_509) -> (vector<16xf32>, vector<16xf32>, vector<16xf32>, vector<16xf32>, vector<16xf32>, vector<16xf32>, vector<16xf32>, vector<16xf32>, vector<16xf32>, vector<16xf32>, vector<16xf32>, vector<16xf32>, vector<16xf32>, vector<16xf32>, vector<16xf32>, vector<16xf32>)  : i32 {
        %jit3A = arith.constant 8 : i32
        %div3A = arith.divsi %scan3A_893, %jit3A : i32
        %sign3A = arith.constant 0 : i32
        %sign3A_910 = arith.cmpi sgt, %scan3A_893, %sign3A : i32
        %sign3A_911 = arith.extui %sign3A_910 : i1 to i32
        %sign3A_912 = arith.constant 0 : i32
        %sign3A_913 = arith.cmpi slt, %scan3A_893, %sign3A_912 : i32
        %sign3A_914 = arith.extui %sign3A_913 : i1 to i32
        %sign3A_915 = arith.subi %sign3A_911, %sign3A_914 : i32
        %sign3A_916 = arith.constant 0 : i32
        %sign3A_917 = arith.cmpi sgt, %jit3A, %sign3A_916 : i32
        %sign3A_918 = arith.extui %sign3A_917 : i1 to i32
        %sign3A_919 = arith.constant 0 : i32
        %sign3A_920 = arith.cmpi slt, %jit3A, %sign3A_919 : i32
        %sign3A_921 = arith.extui %sign3A_920 : i1 to i32
        %sign3A_922 = arith.subi %sign3A_918, %sign3A_921 : i32
        %ne3A = arith.cmpi ne, %sign3A_915, %sign3A_922 : i32
        %rem3A = arith.remsi %scan3A_893, %jit3A : i32
        %ne3A_923 = arith.constant 0 : i32
        %ne3A_924 = arith.cmpi ne, %rem3A, %ne3A_923 : i32
        %and3A = arith.andi %ne3A, %ne3A_924 : i1
        %sub3A = arith.constant 1 : i32
        %sub3A_925 = arith.subi %div3A, %sub3A : i32
        %select_n3A = arith.select %and3A, %sub3A_925, %div3A : i32
        %jit3A_926 = arith.constant 8 : i32
        %eq3A = arith.constant 0 : i32
        %eq3A_927 = arith.cmpi eq, %jit3A_926, %eq3A : i32
        %jit3A_928 = arith.constant 1 : i32
        %select_n3A_929 = arith.select %eq3A_927, %jit3A_928, %jit3A_926 : i32
        %rem3A_930 = arith.remsi %scan3A_893, %select_n3A_929 : i32
        %ne3A_931 = arith.constant 0 : i32
        %ne3A_932 = arith.cmpi ne, %rem3A_930, %ne3A_931 : i32
        %lt3A_933 = arith.constant 0 : i32
        %lt3A_934 = arith.cmpi slt, %rem3A_930, %lt3A_933 : i32
        %lt3A_935 = arith.constant 0 : i32
        %lt3A_936 = arith.cmpi slt, %select_n3A_929, %lt3A_935 : i32
        %ne3A_937 = arith.xori %lt3A_934, %lt3A_936 : i1
        %and3A_938 = arith.andi %ne3A_937, %ne3A_932 : i1
        %add3A_939 = arith.addi %rem3A_930, %select_n3A_929 : i32
        %select_n3A_940 = arith.select %and3A_938, %add3A_939, %rem3A_930 : i32
        %mul3A_941 = arith.constant 16 : i32
        %mul3A_942 = arith.muli %select_n3A, %mul3A_941 : i32
        %add3A_943 = arith.constant 0 : i32
        %add3A_944 = arith.addi %add3A_943, %mul3A_942 : i32
        %add3A_945 = arith.constant 0 : i32
        %add3A_946 = arith.addi %add3A_944, %add3A_945 : i32
        %add3A_947 = arith.addi %add3A_946, %select_n3A_940 : i32
        %mul3A_948 = arith.constant 128 : i32
        %mul3A_949 = arith.muli %add3A_477, %mul3A_948 : i32
        %add3A_950 = arith.addi %mul3A_949, %add3A_947 : i32
        %broadcast_in_dim3A_951 = vector.broadcast %add3A_950 : i32 to vector<16xi32>
        %gather3A = tpu.vector_load_idx %arg7[%broadcast_in_dim3A_951] : memref<16384xf32, #tpu.memory_space<vmem>>[vector<16xi32>], vector<16xf32>,
        %get3A = arith.index_cast %add3A_947 : i32 to index
        %get3A_952 = arith.constant 0 : index
        %get3A_953 = tpu.vector_load %arg9[%get3A, %get3A_952] {strides = array<i32>} : memref<128x256xf32, #tpu.memory_space<vmem>>, vector<16xf32>,
        %mul3A_954 = arith.mulf %gather3A, %get3A_953 : vector<16xf32>
        %add3A_955 = arith.addf %scan3A_894, %mul3A_954 : vector<16xf32>
        %get3A_956 = arith.index_cast %add3A_947 : i32 to index
        %get3A_957 = arith.constant 16 : index
        %get3A_958 = tpu.vector_load %arg9[%get3A_956, %get3A_957] {strides = array<i32>} : memref<128x256xf32, #tpu.memory_space<vmem>>, vector<16xf32>,
        %mul3A_959 = arith.mulf %gather3A, %get3A_958 : vector<16xf32>
        %add3A_960 = arith.addf %scan3A_895, %mul3A_959 : vector<16xf32>
        %get3A_961 = arith.index_cast %add3A_947 : i32 to index
        %get3A_962 = arith.constant 32 : index
        %get3A_963 = tpu.vector_load %arg9[%get3A_961, %get3A_962] {strides = array<i32>} : memref<128x256xf32, #tpu.memory_space<vmem>>, vector<16xf32>,
        %mul3A_964 = arith.mulf %gather3A, %get3A_963 : vector<16xf32>
        %add3A_965 = arith.addf %scan3A_896, %mul3A_964 : vector<16xf32>
        %get3A_966 = arith.index_cast %add3A_947 : i32 to index
        %get3A_967 = arith.constant 48 : index
        %get3A_968 = tpu.vector_load %arg9[%get3A_966, %get3A_967] {strides = array<i32>} : memref<128x256xf32, #tpu.memory_space<vmem>>, vector<16xf32>,
        %mul3A_969 = arith.mulf %gather3A, %get3A_968 : vector<16xf32>
        %add3A_970 = arith.addf %scan3A_897, %mul3A_969 : vector<16xf32>
        %get3A_971 = arith.index_cast %add3A_947 : i32 to index
        %get3A_972 = arith.constant 64 : index
        %get3A_973 = tpu.vector_load %arg9[%get3A_971, %get3A_972] {strides = array<i32>} : memref<128x256xf32, #tpu.memory_space<vmem>>, vector<16xf32>,
        %mul3A_974 = arith.mulf %gather3A, %get3A_973 : vector<16xf32>
        %add3A_975 = arith.addf %scan3A_898, %mul3A_974 : vector<16xf32>
        %get3A_976 = arith.index_cast %add3A_947 : i32 to index
        %get3A_977 = arith.constant 80 : index
        %get3A_978 = tpu.vector_load %arg9[%get3A_976, %get3A_977] {strides = array<i32>} : memref<128x256xf32, #tpu.memory_space<vmem>>, vector<16xf32>,
        %mul3A_979 = arith.mulf %gather3A, %get3A_978 : vector<16xf32>
        %add3A_980 = arith.addf %scan3A_899, %mul3A_979 : vector<16xf32>
        %get3A_981 = arith.index_cast %add3A_947 : i32 to index
        %get3A_982 = arith.constant 96 : index
        %get3A_983 = tpu.vector_load %arg9[%get3A_981, %get3A_982] {strides = array<i32>} : memref<128x256xf32, #tpu.memory_space<vmem>>, vector<16xf32>,
        %mul3A_984 = arith.mulf %gather3A, %get3A_983 : vector<16xf32>
        %add3A_985 = arith.addf %scan3A_900, %mul3A_984 : vector<16xf32>
        %get3A_986 = arith.index_cast %add3A_947 : i32 to index
        %get3A_987 = arith.constant 112 : index
        %get3A_988 = tpu.vector_load %arg9[%get3A_986, %get3A_987] {strides = array<i32>} : memref<128x256xf32, #tpu.memory_space<vmem>>, vector<16xf32>,
        %mul3A_989 = arith.mulf %gather3A, %get3A_988 : vector<16xf32>
        %add3A_990 = arith.addf %scan3A_901, %mul3A_989 : vector<16xf32>
        %get3A_991 = arith.index_cast %add3A_947 : i32 to index
        %get3A_992 = arith.constant 128 : index
        %get3A_993 = tpu.vector_load %arg9[%get3A_991, %get3A_992] {strides = array<i32>} : memref<128x256xf32, #tpu.memory_space<vmem>>, vector<16xf32>,
        %mul3A_994 = arith.mulf %gather3A, %get3A_993 : vector<16xf32>
        %add3A_995 = arith.addf %scan3A_902, %mul3A_994 : vector<16xf32>
        %get3A_996 = arith.index_cast %add3A_947 : i32 to index
        %get3A_997 = arith.constant 144 : index
        %get3A_998 = tpu.vector_load %arg9[%get3A_996, %get3A_997] {strides = array<i32>} : memref<128x256xf32, #tpu.memory_space<vmem>>, vector<16xf32>,
        %mul3A_999 = arith.mulf %gather3A, %get3A_998 : vector<16xf32>
        %add3A_1000 = arith.addf %scan3A_903, %mul3A_999 : vector<16xf32>
        %get3A_1001 = arith.index_cast %add3A_947 : i32 to index
        %get3A_1002 = arith.constant 160 : index
        %get3A_1003 = tpu.vector_load %arg9[%get3A_1001, %get3A_1002] {strides = array<i32>} : memref<128x256xf32, #tpu.memory_space<vmem>>, vector<16xf32>,
        %mul3A_1004 = arith.mulf %gather3A, %get3A_1003 : vector<16xf32>
        %add3A_1005 = arith.addf %scan3A_904, %mul3A_1004 : vector<16xf32>
        %get3A_1006 = arith.index_cast %add3A_947 : i32 to index
        %get3A_1007 = arith.constant 176 : index
        %get3A_1008 = tpu.vector_load %arg9[%get3A_1006, %get3A_1007] {strides = array<i32>} : memref<128x256xf32, #tpu.memory_space<vmem>>, vector<16xf32>,
        %mul3A_1009 = arith.mulf %gather3A, %get3A_1008 : vector<16xf32>
        %add3A_1010 = arith.addf %scan3A_905, %mul3A_1009 : vector<16xf32>
        %get3A_1011 = arith.index_cast %add3A_947 : i32 to index
        %get3A_1012 = arith.constant 192 : index
        %get3A_1013 = tpu.vector_load %arg9[%get3A_1011, %get3A_1012] {strides = array<i32>} : memref<128x256xf32, #tpu.memory_space<vmem>>, vector<16xf32>,
        %mul3A_1014 = arith.mulf %gather3A, %get3A_1013 : vector<16xf32>
        %add3A_1015 = arith.addf %scan3A_906, %mul3A_1014 : vector<16xf32>
        %get3A_1016 = arith.index_cast %add3A_947 : i32 to index
        %get3A_1017 = arith.constant 208 : index
        %get3A_1018 = tpu.vector_load %arg9[%get3A_1016, %get3A_1017] {strides = array<i32>} : memref<128x256xf32, #tpu.memory_space<vmem>>, vector<16xf32>,
        %mul3A_1019 = arith.mulf %gather3A, %get3A_1018 : vector<16xf32>
        %add3A_1020 = arith.addf %scan3A_907, %mul3A_1019 : vector<16xf32>
        %get3A_1021 = arith.index_cast %add3A_947 : i32 to index
        %get3A_1022 = arith.constant 224 : index
        %get3A_1023 = tpu.vector_load %arg9[%get3A_1021, %get3A_1022] {strides = array<i32>} : memref<128x256xf32, #tpu.memory_space<vmem>>, vector<16xf32>,
        %mul3A_1024 = arith.mulf %gather3A, %get3A_1023 : vector<16xf32>
        %add3A_1025 = arith.addf %scan3A_908, %mul3A_1024 : vector<16xf32>
        %get3A_1026 = arith.index_cast %add3A_947 : i32 to index
        %get3A_1027 = arith.constant 240 : index
        %get3A_1028 = tpu.vector_load %arg9[%get3A_1026, %get3A_1027] {strides = array<i32>} : memref<128x256xf32, #tpu.memory_space<vmem>>, vector<16xf32>,
        %mul3A_1029 = arith.mulf %gather3A, %get3A_1028 : vector<16xf32>
        %add3A_1030 = arith.addf %scan3A_909, %mul3A_1029 : vector<16xf32>
        scf.yield %add3A_955, %add3A_960, %add3A_965, %add3A_970, %add3A_975, %add3A_980, %add3A_985, %add3A_990, %add3A_995, %add3A_1000, %add3A_1005, %add3A_1010, %add3A_1015, %add3A_1020, %add3A_1025, %add3A_1030 : vector<16xf32>, vector<16xf32>, vector<16xf32>, vector<16xf32>, vector<16xf32>, vector<16xf32>, vector<16xf32>, vector<16xf32>, vector<16xf32>, vector<16xf32>, vector<16xf32>, vector<16xf32>, vector<16xf32>, vector<16xf32>, vector<16xf32>, vector<16xf32>
      }
      %scan3A_515 = arith.constant 32 : i32
      %swap3A_516 = arith.constant 0 : i32
      %swap3A_517 = arith.index_cast %swap3A_516 : i32 to index
      %swap3A_518 = arith.constant 0 : index
      %swap3A_519 = tpu.vector_load %arg11[%swap3A_517, %swap3A_518] {strides = array<i32>} : memref<2x512xf32, #tpu.memory_space<vmem>>, vector<16xf32>,
      tpu.vector_store %arg11[%swap3A_517, %swap3A_518], %scan3A_514#0 {strides = array<i32>} : memref<2x512xf32, #tpu.memory_space<vmem>>, vector<16xf32>,
      %swap3A_520 = arith.constant 0 : i32
      %swap3A_521 = arith.index_cast %swap3A_520 : i32 to index
      %swap3A_522 = arith.constant 16 : index
      %swap3A_523 = tpu.vector_load %arg11[%swap3A_521, %swap3A_522] {strides = array<i32>} : memref<2x512xf32, #tpu.memory_space<vmem>>, vector<16xf32>,
      tpu.vector_store %arg11[%swap3A_521, %swap3A_522], %scan3A_514#1 {strides = array<i32>} : memref<2x512xf32, #tpu.memory_space<vmem>>, vector<16xf32>,
      %swap3A_524 = arith.constant 0 : i32
      %swap3A_525 = arith.index_cast %swap3A_524 : i32 to index
      %swap3A_526 = arith.constant 32 : index
      %swap3A_527 = tpu.vector_load %arg11[%swap3A_525, %swap3A_526] {strides = array<i32>} : memref<2x512xf32, #tpu.memory_space<vmem>>, vector<16xf32>,
      tpu.vector_store %arg11[%swap3A_525, %swap3A_526], %scan3A_514#2 {strides = array<i32>} : memref<2x512xf32, #tpu.memory_space<vmem>>, vector<16xf32>,
      %swap3A_528 = arith.constant 0 : i32
      %swap3A_529 = arith.index_cast %swap3A_528 : i32 to index
      %swap3A_530 = arith.constant 48 : index
      %swap3A_531 = tpu.vector_load %arg11[%swap3A_529, %swap3A_530] {strides = array<i32>} : memref<2x512xf32, #tpu.memory_space<vmem>>, vector<16xf32>,
      tpu.vector_store %arg11[%swap3A_529, %swap3A_530], %scan3A_514#3 {strides = array<i32>} : memref<2x512xf32, #tpu.memory_space<vmem>>, vector<16xf32>,
      %swap3A_532 = arith.constant 0 : i32
      %swap3A_533 = arith.index_cast %swap3A_532 : i32 to index
      %swap3A_534 = arith.constant 64 : index
      %swap3A_535 = tpu.vector_load %arg11[%swap3A_533, %swap3A_534] {strides = array<i32>} : memref<2x512xf32, #tpu.memory_space<vmem>>, vector<16xf32>,
      tpu.vector_store %arg11[%swap3A_533, %swap3A_534], %scan3A_514#4 {strides = array<i32>} : memref<2x512xf32, #tpu.memory_space<vmem>>, vector<16xf32>,
      %swap3A_536 = arith.constant 0 : i32
      %swap3A_537 = arith.index_cast %swap3A_536 : i32 to index
      %swap3A_538 = arith.constant 80 : index
      %swap3A_539 = tpu.vector_load %arg11[%swap3A_537, %swap3A_538] {strides = array<i32>} : memref<2x512xf32, #tpu.memory_space<vmem>>, vector<16xf32>,
      tpu.vector_store %arg11[%swap3A_537, %swap3A_538], %scan3A_514#5 {strides = array<i32>} : memref<2x512xf32, #tpu.memory_space<vmem>>, vector<16xf32>,
      %swap3A_540 = arith.constant 0 : i32
      %swap3A_541 = arith.index_cast %swap3A_540 : i32 to index
      %swap3A_542 = arith.constant 96 : index
      %swap3A_543 = tpu.vector_load %arg11[%swap3A_541, %swap3A_542] {strides = array<i32>} : memref<2x512xf32, #tpu.memory_space<vmem>>, vector<16xf32>,
      tpu.vector_store %arg11[%swap3A_541, %swap3A_542], %scan3A_514#6 {strides = array<i32>} : memref<2x512xf32, #tpu.memory_space<vmem>>, vector<16xf32>,
      %swap3A_544 = arith.constant 0 : i32
      %swap3A_545 = arith.index_cast %swap3A_544 : i32 to index
      %swap3A_546 = arith.constant 112 : index
      %swap3A_547 = tpu.vector_load %arg11[%swap3A_545, %swap3A_546] {strides = array<i32>} : memref<2x512xf32, #tpu.memory_space<vmem>>, vector<16xf32>,
      tpu.vector_store %arg11[%swap3A_545, %swap3A_546], %scan3A_514#7 {strides = array<i32>} : memref<2x512xf32, #tpu.memory_space<vmem>>, vector<16xf32>,
      %swap3A_548 = arith.constant 0 : i32
      %swap3A_549 = arith.index_cast %swap3A_548 : i32 to index
      %swap3A_550 = arith.constant 128 : index
      %swap3A_551 = tpu.vector_load %arg11[%swap3A_549, %swap3A_550] {strides = array<i32>} : memref<2x512xf32, #tpu.memory_space<vmem>>, vector<16xf32>,
      tpu.vector_store %arg11[%swap3A_549, %swap3A_550], %scan3A_514#8 {strides = array<i32>} : memref<2x512xf32, #tpu.memory_space<vmem>>, vector<16xf32>,
      %swap3A_552 = arith.constant 0 : i32
      %swap3A_553 = arith.index_cast %swap3A_552 : i32 to index
      %swap3A_554 = arith.constant 144 : index
      %swap3A_555 = tpu.vector_load %arg11[%swap3A_553, %swap3A_554] {strides = array<i32>} : memref<2x512xf32, #tpu.memory_space<vmem>>, vector<16xf32>,
      tpu.vector_store %arg11[%swap3A_553, %swap3A_554], %scan3A_514#9 {strides = array<i32>} : memref<2x512xf32, #tpu.memory_space<vmem>>, vector<16xf32>,
      %swap3A_556 = arith.constant 0 : i32
      %swap3A_557 = arith.index_cast %swap3A_556 : i32 to index
      %swap3A_558 = arith.constant 160 : index
      %swap3A_559 = tpu.vector_load %arg11[%swap3A_557, %swap3A_558] {strides = array<i32>} : memref<2x512xf32, #tpu.memory_space<vmem>>, vector<16xf32>,
      tpu.vector_store %arg11[%swap3A_557, %swap3A_558], %scan3A_514#10 {strides = array<i32>} : memref<2x512xf32, #tpu.memory_space<vmem>>, vector<16xf32>,
      %swap3A_560 = arith.constant 0 : i32
      %swap3A_561 = arith.index_cast %swap3A_560 : i32 to index
      %swap3A_562 = arith.constant 176 : index
      %swap3A_563 = tpu.vector_load %arg11[%swap3A_561, %swap3A_562] {strides = array<i32>} : memref<2x512xf32, #tpu.memory_space<vmem>>, vector<16xf32>,
      tpu.vector_store %arg11[%swap3A_561, %swap3A_562], %scan3A_514#11 {strides = array<i32>} : memref<2x512xf32, #tpu.memory_space<vmem>>, vector<16xf32>,
      %swap3A_564 = arith.constant 0 : i32
      %swap3A_565 = arith.index_cast %swap3A_564 : i32 to index
      %swap3A_566 = arith.constant 192 : index
      %swap3A_567 = tpu.vector_load %arg11[%swap3A_565, %swap3A_566] {strides = array<i32>} : memref<2x512xf32, #tpu.memory_space<vmem>>, vector<16xf32>,
      tpu.vector_store %arg11[%swap3A_565, %swap3A_566], %scan3A_514#12 {strides = array<i32>} : memref<2x512xf32, #tpu.memory_space<vmem>>, vector<16xf32>,
      %swap3A_568 = arith.constant 0 : i32
      %swap3A_569 = arith.index_cast %swap3A_568 : i32 to index
      %swap3A_570 = arith.constant 208 : index
      %swap3A_571 = tpu.vector_load %arg11[%swap3A_569, %swap3A_570] {strides = array<i32>} : memref<2x512xf32, #tpu.memory_space<vmem>>, vector<16xf32>,
      tpu.vector_store %arg11[%swap3A_569, %swap3A_570], %scan3A_514#13 {strides = array<i32>} : memref<2x512xf32, #tpu.memory_space<vmem>>, vector<16xf32>,
      %swap3A_572 = arith.constant 0 : i32
      %swap3A_573 = arith.index_cast %swap3A_572 : i32 to index
      %swap3A_574 = arith.constant 224 : index
      %swap3A_575 = tpu.vector_load %arg11[%swap3A_573, %swap3A_574] {strides = array<i32>} : memref<2x512xf32, #tpu.memory_space<vmem>>, vector<16xf32>,
      tpu.vector_store %arg11[%swap3A_573, %swap3A_574], %scan3A_514#14 {strides = array<i32>} : memref<2x512xf32, #tpu.memory_space<vmem>>, vector<16xf32>,
      %swap3A_576 = arith.constant 0 : i32
      %swap3A_577 = arith.index_cast %swap3A_576 : i32 to index
      %swap3A_578 = arith.constant 240 : index
      %swap3A_579 = tpu.vector_load %arg11[%swap3A_577, %swap3A_578] {strides = array<i32>} : memref<2x512xf32, #tpu.memory_space<vmem>>, vector<16xf32>,
      tpu.vector_store %arg11[%swap3A_577, %swap3A_578], %scan3A_514#15 {strides = array<i32>} : memref<2x512xf32, #tpu.memory_space<vmem>>, vector<16xf32>,
      %broadcast_in_dim3A_580 = arith.constant 0.000000e+00 : f32
      %broadcast_in_dim3A_581 = vector.broadcast %broadcast_in_dim3A_580 : f32 to vector<16xf32>
      %broadcast_in_dim3A_582 = arith.constant 0.000000e+00 : f32
      %broadcast_in_dim3A_583 = vector.broadcast %broadcast_in_dim3A_582 : f32 to vector<16xf32>
      %broadcast_in_dim3A_584 = arith.constant 0.000000e+00 : f32
      %broadcast_in_dim3A_585 = vector.broadcast %broadcast_in_dim3A_584 : f32 to vector<16xf32>
      %broadcast_in_dim3A_586 = arith.constant 0.000000e+00 : f32
      %broadcast_in_dim3A_587 = vector.broadcast %broadcast_in_dim3A_586 : f32 to vector<16xf32>
      %broadcast_in_dim3A_588 = arith.constant 0.000000e+00 : f32
      %broadcast_in_dim3A_589 = vector.broadcast %broadcast_in_dim3A_588 : f32 to vector<16xf32>
      %broadcast_in_dim3A_590 = arith.constant 0.000000e+00 : f32
      %broadcast_in_dim3A_591 = vector.broadcast %broadcast_in_dim3A_590 : f32 to vector<16xf32>
      %broadcast_in_dim3A_592 = arith.constant 0.000000e+00 : f32
      %broadcast_in_dim3A_593 = vector.broadcast %broadcast_in_dim3A_592 : f32 to vector<16xf32>
      %broadcast_in_dim3A_594 = arith.constant 0.000000e+00 : f32
      %broadcast_in_dim3A_595 = vector.broadcast %broadcast_in_dim3A_594 : f32 to vector<16xf32>
      %broadcast_in_dim3A_596 = arith.constant 0.000000e+00 : f32
      %broadcast_in_dim3A_597 = vector.broadcast %broadcast_in_dim3A_596 : f32 to vector<16xf32>
      %broadcast_in_dim3A_598 = arith.constant 0.000000e+00 : f32
      %broadcast_in_dim3A_599 = vector.broadcast %broadcast_in_dim3A_598 : f32 to vector<16xf32>
      %broadcast_in_dim3A_600 = arith.constant 0.000000e+00 : f32
      %broadcast_in_dim3A_601 = vector.broadcast %broadcast_in_dim3A_600 : f32 to vector<16xf32>
      %broadcast_in_dim3A_602 = arith.constant 0.000000e+00 : f32
      %broadcast_in_dim3A_603 = vector.broadcast %broadcast_in_dim3A_602 : f32 to vector<16xf32>
      %broadcast_in_dim3A_604 = arith.constant 0.000000e+00 : f32
      %broadcast_in_dim3A_605 = vector.broadcast %broadcast_in_dim3A_604 : f32 to vector<16xf32>
      %broadcast_in_dim3A_606 = arith.constant 0.000000e+00 : f32
      %broadcast_in_dim3A_607 = vector.broadcast %broadcast_in_dim3A_606 : f32 to vector<16xf32>
      %broadcast_in_dim3A_608 = arith.constant 0.000000e+00 : f32
      %broadcast_in_dim3A_609 = vector.broadcast %broadcast_in_dim3A_608 : f32 to vector<16xf32>
      %broadcast_in_dim3A_610 = arith.constant 0.000000e+00 : f32
      %broadcast_in_dim3A_611 = vector.broadcast %broadcast_in_dim3A_610 : f32 to vector<16xf32>
      %scan3A_612 = arith.constant 0 : i32
      %scan3A_613 = arith.constant 32 : i32
      %scan3A_614 = arith.addi %scan3A_612, %scan3A_613 : i32
      %scan3A_615 = arith.constant 1 : i32
      %scan3A_616:16 = scf.for %scan3A_893 = %scan3A_612 to %scan3A_614 step %scan3A_615 iter_args(%scan3A_894 = %broadcast_in_dim3A_581, %scan3A_895 = %broadcast_in_dim3A_583, %scan3A_896 = %broadcast_in_dim3A_585, %scan3A_897 = %broadcast_in_dim3A_587, %scan3A_898 = %broadcast_in_dim3A_589, %scan3A_899 = %broadcast_in_dim3A_591, %scan3A_900 = %broadcast_in_dim3A_593, %scan3A_901 = %broadcast_in_dim3A_595, %scan3A_902 = %broadcast_in_dim3A_597, %scan3A_903 = %broadcast_in_dim3A_599, %scan3A_904 = %broadcast_in_dim3A_601, %scan3A_905 = %broadcast_in_dim3A_603, %scan3A_906 = %broadcast_in_dim3A_605, %scan3A_907 = %broadcast_in_dim3A_607, %scan3A_908 = %broadcast_in_dim3A_609, %scan3A_909 = %broadcast_in_dim3A_611) -> (vector<16xf32>, vector<16xf32>, vector<16xf32>, vector<16xf32>, vector<16xf32>, vector<16xf32>, vector<16xf32>, vector<16xf32>, vector<16xf32>, vector<16xf32>, vector<16xf32>, vector<16xf32>, vector<16xf32>, vector<16xf32>, vector<16xf32>, vector<16xf32>)  : i32 {
        %jit3A = arith.constant 8 : i32
        %div3A = arith.divsi %scan3A_893, %jit3A : i32
        %sign3A = arith.constant 0 : i32
        %sign3A_910 = arith.cmpi sgt, %scan3A_893, %sign3A : i32
        %sign3A_911 = arith.extui %sign3A_910 : i1 to i32
        %sign3A_912 = arith.constant 0 : i32
        %sign3A_913 = arith.cmpi slt, %scan3A_893, %sign3A_912 : i32
        %sign3A_914 = arith.extui %sign3A_913 : i1 to i32
        %sign3A_915 = arith.subi %sign3A_911, %sign3A_914 : i32
        %sign3A_916 = arith.constant 0 : i32
        %sign3A_917 = arith.cmpi sgt, %jit3A, %sign3A_916 : i32
        %sign3A_918 = arith.extui %sign3A_917 : i1 to i32
        %sign3A_919 = arith.constant 0 : i32
        %sign3A_920 = arith.cmpi slt, %jit3A, %sign3A_919 : i32
        %sign3A_921 = arith.extui %sign3A_920 : i1 to i32
        %sign3A_922 = arith.subi %sign3A_918, %sign3A_921 : i32
        %ne3A = arith.cmpi ne, %sign3A_915, %sign3A_922 : i32
        %rem3A = arith.remsi %scan3A_893, %jit3A : i32
        %ne3A_923 = arith.constant 0 : i32
        %ne3A_924 = arith.cmpi ne, %rem3A, %ne3A_923 : i32
        %and3A = arith.andi %ne3A, %ne3A_924 : i1
        %sub3A = arith.constant 1 : i32
        %sub3A_925 = arith.subi %div3A, %sub3A : i32
        %select_n3A = arith.select %and3A, %sub3A_925, %div3A : i32
        %jit3A_926 = arith.constant 8 : i32
        %eq3A = arith.constant 0 : i32
        %eq3A_927 = arith.cmpi eq, %jit3A_926, %eq3A : i32
        %jit3A_928 = arith.constant 1 : i32
        %select_n3A_929 = arith.select %eq3A_927, %jit3A_928, %jit3A_926 : i32
        %rem3A_930 = arith.remsi %scan3A_893, %select_n3A_929 : i32
        %ne3A_931 = arith.constant 0 : i32
        %ne3A_932 = arith.cmpi ne, %rem3A_930, %ne3A_931 : i32
        %lt3A_933 = arith.constant 0 : i32
        %lt3A_934 = arith.cmpi slt, %rem3A_930, %lt3A_933 : i32
        %lt3A_935 = arith.constant 0 : i32
        %lt3A_936 = arith.cmpi slt, %select_n3A_929, %lt3A_935 : i32
        %ne3A_937 = arith.xori %lt3A_934, %lt3A_936 : i1
        %and3A_938 = arith.andi %ne3A_937, %ne3A_932 : i1
        %add3A_939 = arith.addi %rem3A_930, %select_n3A_929 : i32
        %select_n3A_940 = arith.select %and3A_938, %add3A_939, %rem3A_930 : i32
        %mul3A_941 = arith.constant 16 : i32
        %mul3A_942 = arith.muli %select_n3A, %mul3A_941 : i32
        %add3A_943 = arith.constant 0 : i32
        %add3A_944 = arith.addi %add3A_943, %mul3A_942 : i32
        %add3A_945 = arith.constant 8 : i32
        %add3A_946 = arith.addi %add3A_944, %add3A_945 : i32
        %add3A_947 = arith.addi %add3A_946, %select_n3A_940 : i32
        %mul3A_948 = arith.constant 128 : i32
        %mul3A_949 = arith.muli %add3A_477, %mul3A_948 : i32
        %add3A_950 = arith.addi %mul3A_949, %add3A_947 : i32
        %broadcast_in_dim3A_951 = vector.broadcast %add3A_950 : i32 to vector<16xi32>
        %gather3A = tpu.vector_load_idx %arg7[%broadcast_in_dim3A_951] : memref<16384xf32, #tpu.memory_space<vmem>>[vector<16xi32>], vector<16xf32>,
        %get3A = arith.index_cast %add3A_947 : i32 to index
        %get3A_952 = arith.constant 0 : index
        %get3A_953 = tpu.vector_load %arg9[%get3A, %get3A_952] {strides = array<i32>} : memref<128x256xf32, #tpu.memory_space<vmem>>, vector<16xf32>,
        %mul3A_954 = arith.mulf %gather3A, %get3A_953 : vector<16xf32>
        %add3A_955 = arith.addf %scan3A_894, %mul3A_954 : vector<16xf32>
        %get3A_956 = arith.index_cast %add3A_947 : i32 to index
        %get3A_957 = arith.constant 16 : index
        %get3A_958 = tpu.vector_load %arg9[%get3A_956, %get3A_957] {strides = array<i32>} : memref<128x256xf32, #tpu.memory_space<vmem>>, vector<16xf32>,
        %mul3A_959 = arith.mulf %gather3A, %get3A_958 : vector<16xf32>
        %add3A_960 = arith.addf %scan3A_895, %mul3A_959 : vector<16xf32>
        %get3A_961 = arith.index_cast %add3A_947 : i32 to index
        %get3A_962 = arith.constant 32 : index
        %get3A_963 = tpu.vector_load %arg9[%get3A_961, %get3A_962] {strides = array<i32>} : memref<128x256xf32, #tpu.memory_space<vmem>>, vector<16xf32>,
        %mul3A_964 = arith.mulf %gather3A, %get3A_963 : vector<16xf32>
        %add3A_965 = arith.addf %scan3A_896, %mul3A_964 : vector<16xf32>
        %get3A_966 = arith.index_cast %add3A_947 : i32 to index
        %get3A_967 = arith.constant 48 : index
        %get3A_968 = tpu.vector_load %arg9[%get3A_966, %get3A_967] {strides = array<i32>} : memref<128x256xf32, #tpu.memory_space<vmem>>, vector<16xf32>,
        %mul3A_969 = arith.mulf %gather3A, %get3A_968 : vector<16xf32>
        %add3A_970 = arith.addf %scan3A_897, %mul3A_969 : vector<16xf32>
        %get3A_971 = arith.index_cast %add3A_947 : i32 to index
        %get3A_972 = arith.constant 64 : index
        %get3A_973 = tpu.vector_load %arg9[%get3A_971, %get3A_972] {strides = array<i32>} : memref<128x256xf32, #tpu.memory_space<vmem>>, vector<16xf32>,
        %mul3A_974 = arith.mulf %gather3A, %get3A_973 : vector<16xf32>
        %add3A_975 = arith.addf %scan3A_898, %mul3A_974 : vector<16xf32>
        %get3A_976 = arith.index_cast %add3A_947 : i32 to index
        %get3A_977 = arith.constant 80 : index
        %get3A_978 = tpu.vector_load %arg9[%get3A_976, %get3A_977] {strides = array<i32>} : memref<128x256xf32, #tpu.memory_space<vmem>>, vector<16xf32>,
        %mul3A_979 = arith.mulf %gather3A, %get3A_978 : vector<16xf32>
        %add3A_980 = arith.addf %scan3A_899, %mul3A_979 : vector<16xf32>
        %get3A_981 = arith.index_cast %add3A_947 : i32 to index
        %get3A_982 = arith.constant 96 : index
        %get3A_983 = tpu.vector_load %arg9[%get3A_981, %get3A_982] {strides = array<i32>} : memref<128x256xf32, #tpu.memory_space<vmem>>, vector<16xf32>,
        %mul3A_984 = arith.mulf %gather3A, %get3A_983 : vector<16xf32>
        %add3A_985 = arith.addf %scan3A_900, %mul3A_984 : vector<16xf32>
        %get3A_986 = arith.index_cast %add3A_947 : i32 to index
        %get3A_987 = arith.constant 112 : index
        %get3A_988 = tpu.vector_load %arg9[%get3A_986, %get3A_987] {strides = array<i32>} : memref<128x256xf32, #tpu.memory_space<vmem>>, vector<16xf32>,
        %mul3A_989 = arith.mulf %gather3A, %get3A_988 : vector<16xf32>
        %add3A_990 = arith.addf %scan3A_901, %mul3A_989 : vector<16xf32>
        %get3A_991 = arith.index_cast %add3A_947 : i32 to index
        %get3A_992 = arith.constant 128 : index
        %get3A_993 = tpu.vector_load %arg9[%get3A_991, %get3A_992] {strides = array<i32>} : memref<128x256xf32, #tpu.memory_space<vmem>>, vector<16xf32>,
        %mul3A_994 = arith.mulf %gather3A, %get3A_993 : vector<16xf32>
        %add3A_995 = arith.addf %scan3A_902, %mul3A_994 : vector<16xf32>
        %get3A_996 = arith.index_cast %add3A_947 : i32 to index
        %get3A_997 = arith.constant 144 : index
        %get3A_998 = tpu.vector_load %arg9[%get3A_996, %get3A_997] {strides = array<i32>} : memref<128x256xf32, #tpu.memory_space<vmem>>, vector<16xf32>,
        %mul3A_999 = arith.mulf %gather3A, %get3A_998 : vector<16xf32>
        %add3A_1000 = arith.addf %scan3A_903, %mul3A_999 : vector<16xf32>
        %get3A_1001 = arith.index_cast %add3A_947 : i32 to index
        %get3A_1002 = arith.constant 160 : index
        %get3A_1003 = tpu.vector_load %arg9[%get3A_1001, %get3A_1002] {strides = array<i32>} : memref<128x256xf32, #tpu.memory_space<vmem>>, vector<16xf32>,
        %mul3A_1004 = arith.mulf %gather3A, %get3A_1003 : vector<16xf32>
        %add3A_1005 = arith.addf %scan3A_904, %mul3A_1004 : vector<16xf32>
        %get3A_1006 = arith.index_cast %add3A_947 : i32 to index
        %get3A_1007 = arith.constant 176 : index
        %get3A_1008 = tpu.vector_load %arg9[%get3A_1006, %get3A_1007] {strides = array<i32>} : memref<128x256xf32, #tpu.memory_space<vmem>>, vector<16xf32>,
        %mul3A_1009 = arith.mulf %gather3A, %get3A_1008 : vector<16xf32>
        %add3A_1010 = arith.addf %scan3A_905, %mul3A_1009 : vector<16xf32>
        %get3A_1011 = arith.index_cast %add3A_947 : i32 to index
        %get3A_1012 = arith.constant 192 : index
        %get3A_1013 = tpu.vector_load %arg9[%get3A_1011, %get3A_1012] {strides = array<i32>} : memref<128x256xf32, #tpu.memory_space<vmem>>, vector<16xf32>,
        %mul3A_1014 = arith.mulf %gather3A, %get3A_1013 : vector<16xf32>
        %add3A_1015 = arith.addf %scan3A_906, %mul3A_1014 : vector<16xf32>
        %get3A_1016 = arith.index_cast %add3A_947 : i32 to index
        %get3A_1017 = arith.constant 208 : index
        %get3A_1018 = tpu.vector_load %arg9[%get3A_1016, %get3A_1017] {strides = array<i32>} : memref<128x256xf32, #tpu.memory_space<vmem>>, vector<16xf32>,
        %mul3A_1019 = arith.mulf %gather3A, %get3A_1018 : vector<16xf32>
        %add3A_1020 = arith.addf %scan3A_907, %mul3A_1019 : vector<16xf32>
        %get3A_1021 = arith.index_cast %add3A_947 : i32 to index
        %get3A_1022 = arith.constant 224 : index
        %get3A_1023 = tpu.vector_load %arg9[%get3A_1021, %get3A_1022] {strides = array<i32>} : memref<128x256xf32, #tpu.memory_space<vmem>>, vector<16xf32>,
        %mul3A_1024 = arith.mulf %gather3A, %get3A_1023 : vector<16xf32>
        %add3A_1025 = arith.addf %scan3A_908, %mul3A_1024 : vector<16xf32>
        %get3A_1026 = arith.index_cast %add3A_947 : i32 to index
        %get3A_1027 = arith.constant 240 : index
        %get3A_1028 = tpu.vector_load %arg9[%get3A_1026, %get3A_1027] {strides = array<i32>} : memref<128x256xf32, #tpu.memory_space<vmem>>, vector<16xf32>,
        %mul3A_1029 = arith.mulf %gather3A, %get3A_1028 : vector<16xf32>
        %add3A_1030 = arith.addf %scan3A_909, %mul3A_1029 : vector<16xf32>
        scf.yield %add3A_955, %add3A_960, %add3A_965, %add3A_970, %add3A_975, %add3A_980, %add3A_985, %add3A_990, %add3A_995, %add3A_1000, %add3A_1005, %add3A_1010, %add3A_1015, %add3A_1020, %add3A_1025, %add3A_1030 : vector<16xf32>, vector<16xf32>, vector<16xf32>, vector<16xf32>, vector<16xf32>, vector<16xf32>, vector<16xf32>, vector<16xf32>, vector<16xf32>, vector<16xf32>, vector<16xf32>, vector<16xf32>, vector<16xf32>, vector<16xf32>, vector<16xf32>, vector<16xf32>
      }
      %scan3A_617 = arith.constant 32 : i32
      %swap3A_618 = arith.constant 0 : i32
      %swap3A_619 = arith.index_cast %swap3A_618 : i32 to index
      %swap3A_620 = arith.constant 256 : index
      %swap3A_621 = tpu.vector_load %arg11[%swap3A_619, %swap3A_620] {strides = array<i32>} : memref<2x512xf32, #tpu.memory_space<vmem>>, vector<16xf32>,
      tpu.vector_store %arg11[%swap3A_619, %swap3A_620], %scan3A_616#0 {strides = array<i32>} : memref<2x512xf32, #tpu.memory_space<vmem>>, vector<16xf32>,
      %swap3A_622 = arith.constant 0 : i32
      %swap3A_623 = arith.index_cast %swap3A_622 : i32 to index
      %swap3A_624 = arith.constant 272 : index
      %swap3A_625 = tpu.vector_load %arg11[%swap3A_623, %swap3A_624] {strides = array<i32>} : memref<2x512xf32, #tpu.memory_space<vmem>>, vector<16xf32>,
      tpu.vector_store %arg11[%swap3A_623, %swap3A_624], %scan3A_616#1 {strides = array<i32>} : memref<2x512xf32, #tpu.memory_space<vmem>>, vector<16xf32>,
      %swap3A_626 = arith.constant 0 : i32
      %swap3A_627 = arith.index_cast %swap3A_626 : i32 to index
      %swap3A_628 = arith.constant 288 : index
      %swap3A_629 = tpu.vector_load %arg11[%swap3A_627, %swap3A_628] {strides = array<i32>} : memref<2x512xf32, #tpu.memory_space<vmem>>, vector<16xf32>,
      tpu.vector_store %arg11[%swap3A_627, %swap3A_628], %scan3A_616#2 {strides = array<i32>} : memref<2x512xf32, #tpu.memory_space<vmem>>, vector<16xf32>,
      %swap3A_630 = arith.constant 0 : i32
      %swap3A_631 = arith.index_cast %swap3A_630 : i32 to index
      %swap3A_632 = arith.constant 304 : index
      %swap3A_633 = tpu.vector_load %arg11[%swap3A_631, %swap3A_632] {strides = array<i32>} : memref<2x512xf32, #tpu.memory_space<vmem>>, vector<16xf32>,
      tpu.vector_store %arg11[%swap3A_631, %swap3A_632], %scan3A_616#3 {strides = array<i32>} : memref<2x512xf32, #tpu.memory_space<vmem>>, vector<16xf32>,
      %swap3A_634 = arith.constant 0 : i32
      %swap3A_635 = arith.index_cast %swap3A_634 : i32 to index
      %swap3A_636 = arith.constant 320 : index
      %swap3A_637 = tpu.vector_load %arg11[%swap3A_635, %swap3A_636] {strides = array<i32>} : memref<2x512xf32, #tpu.memory_space<vmem>>, vector<16xf32>,
      tpu.vector_store %arg11[%swap3A_635, %swap3A_636], %scan3A_616#4 {strides = array<i32>} : memref<2x512xf32, #tpu.memory_space<vmem>>, vector<16xf32>,
      %swap3A_638 = arith.constant 0 : i32
      %swap3A_639 = arith.index_cast %swap3A_638 : i32 to index
      %swap3A_640 = arith.constant 336 : index
      %swap3A_641 = tpu.vector_load %arg11[%swap3A_639, %swap3A_640] {strides = array<i32>} : memref<2x512xf32, #tpu.memory_space<vmem>>, vector<16xf32>,
      tpu.vector_store %arg11[%swap3A_639, %swap3A_640], %scan3A_616#5 {strides = array<i32>} : memref<2x512xf32, #tpu.memory_space<vmem>>, vector<16xf32>,
      %swap3A_642 = arith.constant 0 : i32
      %swap3A_643 = arith.index_cast %swap3A_642 : i32 to index
      %swap3A_644 = arith.constant 352 : index
      %swap3A_645 = tpu.vector_load %arg11[%swap3A_643, %swap3A_644] {strides = array<i32>} : memref<2x512xf32, #tpu.memory_space<vmem>>, vector<16xf32>,
      tpu.vector_store %arg11[%swap3A_643, %swap3A_644], %scan3A_616#6 {strides = array<i32>} : memref<2x512xf32, #tpu.memory_space<vmem>>, vector<16xf32>,
      %swap3A_646 = arith.constant 0 : i32
      %swap3A_647 = arith.index_cast %swap3A_646 : i32 to index
      %swap3A_648 = arith.constant 368 : index
      %swap3A_649 = tpu.vector_load %arg11[%swap3A_647, %swap3A_648] {strides = array<i32>} : memref<2x512xf32, #tpu.memory_space<vmem>>, vector<16xf32>,
      tpu.vector_store %arg11[%swap3A_647, %swap3A_648], %scan3A_616#7 {strides = array<i32>} : memref<2x512xf32, #tpu.memory_space<vmem>>, vector<16xf32>,
      %swap3A_650 = arith.constant 0 : i32
      %swap3A_651 = arith.index_cast %swap3A_650 : i32 to index
      %swap3A_652 = arith.constant 384 : index
      %swap3A_653 = tpu.vector_load %arg11[%swap3A_651, %swap3A_652] {strides = array<i32>} : memref<2x512xf32, #tpu.memory_space<vmem>>, vector<16xf32>,
      tpu.vector_store %arg11[%swap3A_651, %swap3A_652], %scan3A_616#8 {strides = array<i32>} : memref<2x512xf32, #tpu.memory_space<vmem>>, vector<16xf32>,
      %swap3A_654 = arith.constant 0 : i32
      %swap3A_655 = arith.index_cast %swap3A_654 : i32 to index
      %swap3A_656 = arith.constant 400 : index
      %swap3A_657 = tpu.vector_load %arg11[%swap3A_655, %swap3A_656] {strides = array<i32>} : memref<2x512xf32, #tpu.memory_space<vmem>>, vector<16xf32>,
      tpu.vector_store %arg11[%swap3A_655, %swap3A_656], %scan3A_616#9 {strides = array<i32>} : memref<2x512xf32, #tpu.memory_space<vmem>>, vector<16xf32>,
      %swap3A_658 = arith.constant 0 : i32
      %swap3A_659 = arith.index_cast %swap3A_658 : i32 to index
      %swap3A_660 = arith.constant 416 : index
      %swap3A_661 = tpu.vector_load %arg11[%swap3A_659, %swap3A_660] {strides = array<i32>} : memref<2x512xf32, #tpu.memory_space<vmem>>, vector<16xf32>,
      tpu.vector_store %arg11[%swap3A_659, %swap3A_660], %scan3A_616#10 {strides = array<i32>} : memref<2x512xf32, #tpu.memory_space<vmem>>, vector<16xf32>,
      %swap3A_662 = arith.constant 0 : i32
      %swap3A_663 = arith.index_cast %swap3A_662 : i32 to index
      %swap3A_664 = arith.constant 432 : index
      %swap3A_665 = tpu.vector_load %arg11[%swap3A_663, %swap3A_664] {strides = array<i32>} : memref<2x512xf32, #tpu.memory_space<vmem>>, vector<16xf32>,
      tpu.vector_store %arg11[%swap3A_663, %swap3A_664], %scan3A_616#11 {strides = array<i32>} : memref<2x512xf32, #tpu.memory_space<vmem>>, vector<16xf32>,
      %swap3A_666 = arith.constant 0 : i32
      %swap3A_667 = arith.index_cast %swap3A_666 : i32 to index
      %swap3A_668 = arith.constant 448 : index
      %swap3A_669 = tpu.vector_load %arg11[%swap3A_667, %swap3A_668] {strides = array<i32>} : memref<2x512xf32, #tpu.memory_space<vmem>>, vector<16xf32>,
      tpu.vector_store %arg11[%swap3A_667, %swap3A_668], %scan3A_616#12 {strides = array<i32>} : memref<2x512xf32, #tpu.memory_space<vmem>>, vector<16xf32>,
      %swap3A_670 = arith.constant 0 : i32
      %swap3A_671 = arith.index_cast %swap3A_670 : i32 to index
      %swap3A_672 = arith.constant 464 : index
      %swap3A_673 = tpu.vector_load %arg11[%swap3A_671, %swap3A_672] {strides = array<i32>} : memref<2x512xf32, #tpu.memory_space<vmem>>, vector<16xf32>,
      tpu.vector_store %arg11[%swap3A_671, %swap3A_672], %scan3A_616#13 {strides = array<i32>} : memref<2x512xf32, #tpu.memory_space<vmem>>, vector<16xf32>,
      %swap3A_674 = arith.constant 0 : i32
      %swap3A_675 = arith.index_cast %swap3A_674 : i32 to index
      %swap3A_676 = arith.constant 480 : index
      %swap3A_677 = tpu.vector_load %arg11[%swap3A_675, %swap3A_676] {strides = array<i32>} : memref<2x512xf32, #tpu.memory_space<vmem>>, vector<16xf32>,
      tpu.vector_store %arg11[%swap3A_675, %swap3A_676], %scan3A_616#14 {strides = array<i32>} : memref<2x512xf32, #tpu.memory_space<vmem>>, vector<16xf32>,
      %swap3A_678 = arith.constant 0 : i32
      %swap3A_679 = arith.index_cast %swap3A_678 : i32 to index
      %swap3A_680 = arith.constant 496 : index
      %swap3A_681 = tpu.vector_load %arg11[%swap3A_679, %swap3A_680] {strides = array<i32>} : memref<2x512xf32, #tpu.memory_space<vmem>>, vector<16xf32>,
      tpu.vector_store %arg11[%swap3A_679, %swap3A_680], %scan3A_616#15 {strides = array<i32>} : memref<2x512xf32, #tpu.memory_space<vmem>>, vector<16xf32>,
      %broadcast_in_dim3A_682 = arith.constant 0.000000e+00 : f32
      %broadcast_in_dim3A_683 = vector.broadcast %broadcast_in_dim3A_682 : f32 to vector<16xf32>
      %broadcast_in_dim3A_684 = arith.constant 0.000000e+00 : f32
      %broadcast_in_dim3A_685 = vector.broadcast %broadcast_in_dim3A_684 : f32 to vector<16xf32>
      %broadcast_in_dim3A_686 = arith.constant 0.000000e+00 : f32
      %broadcast_in_dim3A_687 = vector.broadcast %broadcast_in_dim3A_686 : f32 to vector<16xf32>
      %broadcast_in_dim3A_688 = arith.constant 0.000000e+00 : f32
      %broadcast_in_dim3A_689 = vector.broadcast %broadcast_in_dim3A_688 : f32 to vector<16xf32>
      %broadcast_in_dim3A_690 = arith.constant 0.000000e+00 : f32
      %broadcast_in_dim3A_691 = vector.broadcast %broadcast_in_dim3A_690 : f32 to vector<16xf32>
      %broadcast_in_dim3A_692 = arith.constant 0.000000e+00 : f32
      %broadcast_in_dim3A_693 = vector.broadcast %broadcast_in_dim3A_692 : f32 to vector<16xf32>
      %broadcast_in_dim3A_694 = arith.constant 0.000000e+00 : f32
      %broadcast_in_dim3A_695 = vector.broadcast %broadcast_in_dim3A_694 : f32 to vector<16xf32>
      %broadcast_in_dim3A_696 = arith.constant 0.000000e+00 : f32
      %broadcast_in_dim3A_697 = vector.broadcast %broadcast_in_dim3A_696 : f32 to vector<16xf32>
      %broadcast_in_dim3A_698 = arith.constant 0.000000e+00 : f32
      %broadcast_in_dim3A_699 = vector.broadcast %broadcast_in_dim3A_698 : f32 to vector<16xf32>
      %broadcast_in_dim3A_700 = arith.constant 0.000000e+00 : f32
      %broadcast_in_dim3A_701 = vector.broadcast %broadcast_in_dim3A_700 : f32 to vector<16xf32>
      %broadcast_in_dim3A_702 = arith.constant 0.000000e+00 : f32
      %broadcast_in_dim3A_703 = vector.broadcast %broadcast_in_dim3A_702 : f32 to vector<16xf32>
      %broadcast_in_dim3A_704 = arith.constant 0.000000e+00 : f32
      %broadcast_in_dim3A_705 = vector.broadcast %broadcast_in_dim3A_704 : f32 to vector<16xf32>
      %broadcast_in_dim3A_706 = arith.constant 0.000000e+00 : f32
      %broadcast_in_dim3A_707 = vector.broadcast %broadcast_in_dim3A_706 : f32 to vector<16xf32>
      %broadcast_in_dim3A_708 = arith.constant 0.000000e+00 : f32
      %broadcast_in_dim3A_709 = vector.broadcast %broadcast_in_dim3A_708 : f32 to vector<16xf32>
      %broadcast_in_dim3A_710 = arith.constant 0.000000e+00 : f32
      %broadcast_in_dim3A_711 = vector.broadcast %broadcast_in_dim3A_710 : f32 to vector<16xf32>
      %broadcast_in_dim3A_712 = arith.constant 0.000000e+00 : f32
      %broadcast_in_dim3A_713 = vector.broadcast %broadcast_in_dim3A_712 : f32 to vector<16xf32>
      %scan3A_714 = arith.constant 0 : i32
      %scan3A_715 = arith.constant 32 : i32
      %scan3A_716 = arith.addi %scan3A_714, %scan3A_715 : i32
      %scan3A_717 = arith.constant 1 : i32
      %scan3A_718:16 = scf.for %scan3A_893 = %scan3A_714 to %scan3A_716 step %scan3A_717 iter_args(%scan3A_894 = %broadcast_in_dim3A_683, %scan3A_895 = %broadcast_in_dim3A_685, %scan3A_896 = %broadcast_in_dim3A_687, %scan3A_897 = %broadcast_in_dim3A_689, %scan3A_898 = %broadcast_in_dim3A_691, %scan3A_899 = %broadcast_in_dim3A_693, %scan3A_900 = %broadcast_in_dim3A_695, %scan3A_901 = %broadcast_in_dim3A_697, %scan3A_902 = %broadcast_in_dim3A_699, %scan3A_903 = %broadcast_in_dim3A_701, %scan3A_904 = %broadcast_in_dim3A_703, %scan3A_905 = %broadcast_in_dim3A_705, %scan3A_906 = %broadcast_in_dim3A_707, %scan3A_907 = %broadcast_in_dim3A_709, %scan3A_908 = %broadcast_in_dim3A_711, %scan3A_909 = %broadcast_in_dim3A_713) -> (vector<16xf32>, vector<16xf32>, vector<16xf32>, vector<16xf32>, vector<16xf32>, vector<16xf32>, vector<16xf32>, vector<16xf32>, vector<16xf32>, vector<16xf32>, vector<16xf32>, vector<16xf32>, vector<16xf32>, vector<16xf32>, vector<16xf32>, vector<16xf32>)  : i32 {
        %jit3A = arith.constant 8 : i32
        %div3A = arith.divsi %scan3A_893, %jit3A : i32
        %sign3A = arith.constant 0 : i32
        %sign3A_910 = arith.cmpi sgt, %scan3A_893, %sign3A : i32
        %sign3A_911 = arith.extui %sign3A_910 : i1 to i32
        %sign3A_912 = arith.constant 0 : i32
        %sign3A_913 = arith.cmpi slt, %scan3A_893, %sign3A_912 : i32
        %sign3A_914 = arith.extui %sign3A_913 : i1 to i32
        %sign3A_915 = arith.subi %sign3A_911, %sign3A_914 : i32
        %sign3A_916 = arith.constant 0 : i32
        %sign3A_917 = arith.cmpi sgt, %jit3A, %sign3A_916 : i32
        %sign3A_918 = arith.extui %sign3A_917 : i1 to i32
        %sign3A_919 = arith.constant 0 : i32
        %sign3A_920 = arith.cmpi slt, %jit3A, %sign3A_919 : i32
        %sign3A_921 = arith.extui %sign3A_920 : i1 to i32
        %sign3A_922 = arith.subi %sign3A_918, %sign3A_921 : i32
        %ne3A = arith.cmpi ne, %sign3A_915, %sign3A_922 : i32
        %rem3A = arith.remsi %scan3A_893, %jit3A : i32
        %ne3A_923 = arith.constant 0 : i32
        %ne3A_924 = arith.cmpi ne, %rem3A, %ne3A_923 : i32
        %and3A = arith.andi %ne3A, %ne3A_924 : i1
        %sub3A = arith.constant 1 : i32
        %sub3A_925 = arith.subi %div3A, %sub3A : i32
        %select_n3A = arith.select %and3A, %sub3A_925, %div3A : i32
        %jit3A_926 = arith.constant 8 : i32
        %eq3A = arith.constant 0 : i32
        %eq3A_927 = arith.cmpi eq, %jit3A_926, %eq3A : i32
        %jit3A_928 = arith.constant 1 : i32
        %select_n3A_929 = arith.select %eq3A_927, %jit3A_928, %jit3A_926 : i32
        %rem3A_930 = arith.remsi %scan3A_893, %select_n3A_929 : i32
        %ne3A_931 = arith.constant 0 : i32
        %ne3A_932 = arith.cmpi ne, %rem3A_930, %ne3A_931 : i32
        %lt3A_933 = arith.constant 0 : i32
        %lt3A_934 = arith.cmpi slt, %rem3A_930, %lt3A_933 : i32
        %lt3A_935 = arith.constant 0 : i32
        %lt3A_936 = arith.cmpi slt, %select_n3A_929, %lt3A_935 : i32
        %ne3A_937 = arith.xori %lt3A_934, %lt3A_936 : i1
        %and3A_938 = arith.andi %ne3A_937, %ne3A_932 : i1
        %add3A_939 = arith.addi %rem3A_930, %select_n3A_929 : i32
        %select_n3A_940 = arith.select %and3A_938, %add3A_939, %rem3A_930 : i32
        %mul3A_941 = arith.constant 16 : i32
        %mul3A_942 = arith.muli %select_n3A, %mul3A_941 : i32
        %add3A_943 = arith.constant 64 : i32
        %add3A_944 = arith.addi %add3A_943, %mul3A_942 : i32
        %add3A_945 = arith.constant 0 : i32
        %add3A_946 = arith.addi %add3A_944, %add3A_945 : i32
        %add3A_947 = arith.addi %add3A_946, %select_n3A_940 : i32
        %mul3A_948 = arith.constant 128 : i32
        %mul3A_949 = arith.muli %add3A_477, %mul3A_948 : i32
        %add3A_950 = arith.addi %mul3A_949, %add3A_947 : i32
        %broadcast_in_dim3A_951 = vector.broadcast %add3A_950 : i32 to vector<16xi32>
        %gather3A = tpu.vector_load_idx %arg7[%broadcast_in_dim3A_951] : memref<16384xf32, #tpu.memory_space<vmem>>[vector<16xi32>], vector<16xf32>,
        %get3A = arith.index_cast %add3A_947 : i32 to index
        %get3A_952 = arith.constant 0 : index
        %get3A_953 = tpu.vector_load %arg9[%get3A, %get3A_952] {strides = array<i32>} : memref<128x256xf32, #tpu.memory_space<vmem>>, vector<16xf32>,
        %mul3A_954 = arith.mulf %gather3A, %get3A_953 : vector<16xf32>
        %add3A_955 = arith.addf %scan3A_894, %mul3A_954 : vector<16xf32>
        %get3A_956 = arith.index_cast %add3A_947 : i32 to index
        %get3A_957 = arith.constant 16 : index
        %get3A_958 = tpu.vector_load %arg9[%get3A_956, %get3A_957] {strides = array<i32>} : memref<128x256xf32, #tpu.memory_space<vmem>>, vector<16xf32>,
        %mul3A_959 = arith.mulf %gather3A, %get3A_958 : vector<16xf32>
        %add3A_960 = arith.addf %scan3A_895, %mul3A_959 : vector<16xf32>
        %get3A_961 = arith.index_cast %add3A_947 : i32 to index
        %get3A_962 = arith.constant 32 : index
        %get3A_963 = tpu.vector_load %arg9[%get3A_961, %get3A_962] {strides = array<i32>} : memref<128x256xf32, #tpu.memory_space<vmem>>, vector<16xf32>,
        %mul3A_964 = arith.mulf %gather3A, %get3A_963 : vector<16xf32>
        %add3A_965 = arith.addf %scan3A_896, %mul3A_964 : vector<16xf32>
        %get3A_966 = arith.index_cast %add3A_947 : i32 to index
        %get3A_967 = arith.constant 48 : index
        %get3A_968 = tpu.vector_load %arg9[%get3A_966, %get3A_967] {strides = array<i32>} : memref<128x256xf32, #tpu.memory_space<vmem>>, vector<16xf32>,
        %mul3A_969 = arith.mulf %gather3A, %get3A_968 : vector<16xf32>
        %add3A_970 = arith.addf %scan3A_897, %mul3A_969 : vector<16xf32>
        %get3A_971 = arith.index_cast %add3A_947 : i32 to index
        %get3A_972 = arith.constant 64 : index
        %get3A_973 = tpu.vector_load %arg9[%get3A_971, %get3A_972] {strides = array<i32>} : memref<128x256xf32, #tpu.memory_space<vmem>>, vector<16xf32>,
        %mul3A_974 = arith.mulf %gather3A, %get3A_973 : vector<16xf32>
        %add3A_975 = arith.addf %scan3A_898, %mul3A_974 : vector<16xf32>
        %get3A_976 = arith.index_cast %add3A_947 : i32 to index
        %get3A_977 = arith.constant 80 : index
        %get3A_978 = tpu.vector_load %arg9[%get3A_976, %get3A_977] {strides = array<i32>} : memref<128x256xf32, #tpu.memory_space<vmem>>, vector<16xf32>,
        %mul3A_979 = arith.mulf %gather3A, %get3A_978 : vector<16xf32>
        %add3A_980 = arith.addf %scan3A_899, %mul3A_979 : vector<16xf32>
        %get3A_981 = arith.index_cast %add3A_947 : i32 to index
        %get3A_982 = arith.constant 96 : index
        %get3A_983 = tpu.vector_load %arg9[%get3A_981, %get3A_982] {strides = array<i32>} : memref<128x256xf32, #tpu.memory_space<vmem>>, vector<16xf32>,
        %mul3A_984 = arith.mulf %gather3A, %get3A_983 : vector<16xf32>
        %add3A_985 = arith.addf %scan3A_900, %mul3A_984 : vector<16xf32>
        %get3A_986 = arith.index_cast %add3A_947 : i32 to index
        %get3A_987 = arith.constant 112 : index
        %get3A_988 = tpu.vector_load %arg9[%get3A_986, %get3A_987] {strides = array<i32>} : memref<128x256xf32, #tpu.memory_space<vmem>>, vector<16xf32>,
        %mul3A_989 = arith.mulf %gather3A, %get3A_988 : vector<16xf32>
        %add3A_990 = arith.addf %scan3A_901, %mul3A_989 : vector<16xf32>
        %get3A_991 = arith.index_cast %add3A_947 : i32 to index
        %get3A_992 = arith.constant 128 : index
        %get3A_993 = tpu.vector_load %arg9[%get3A_991, %get3A_992] {strides = array<i32>} : memref<128x256xf32, #tpu.memory_space<vmem>>, vector<16xf32>,
        %mul3A_994 = arith.mulf %gather3A, %get3A_993 : vector<16xf32>
        %add3A_995 = arith.addf %scan3A_902, %mul3A_994 : vector<16xf32>
        %get3A_996 = arith.index_cast %add3A_947 : i32 to index
        %get3A_997 = arith.constant 144 : index
        %get3A_998 = tpu.vector_load %arg9[%get3A_996, %get3A_997] {strides = array<i32>} : memref<128x256xf32, #tpu.memory_space<vmem>>, vector<16xf32>,
        %mul3A_999 = arith.mulf %gather3A, %get3A_998 : vector<16xf32>
        %add3A_1000 = arith.addf %scan3A_903, %mul3A_999 : vector<16xf32>
        %get3A_1001 = arith.index_cast %add3A_947 : i32 to index
        %get3A_1002 = arith.constant 160 : index
        %get3A_1003 = tpu.vector_load %arg9[%get3A_1001, %get3A_1002] {strides = array<i32>} : memref<128x256xf32, #tpu.memory_space<vmem>>, vector<16xf32>,
        %mul3A_1004 = arith.mulf %gather3A, %get3A_1003 : vector<16xf32>
        %add3A_1005 = arith.addf %scan3A_904, %mul3A_1004 : vector<16xf32>
        %get3A_1006 = arith.index_cast %add3A_947 : i32 to index
        %get3A_1007 = arith.constant 176 : index
        %get3A_1008 = tpu.vector_load %arg9[%get3A_1006, %get3A_1007] {strides = array<i32>} : memref<128x256xf32, #tpu.memory_space<vmem>>, vector<16xf32>,
        %mul3A_1009 = arith.mulf %gather3A, %get3A_1008 : vector<16xf32>
        %add3A_1010 = arith.addf %scan3A_905, %mul3A_1009 : vector<16xf32>
        %get3A_1011 = arith.index_cast %add3A_947 : i32 to index
        %get3A_1012 = arith.constant 192 : index
        %get3A_1013 = tpu.vector_load %arg9[%get3A_1011, %get3A_1012] {strides = array<i32>} : memref<128x256xf32, #tpu.memory_space<vmem>>, vector<16xf32>,
        %mul3A_1014 = arith.mulf %gather3A, %get3A_1013 : vector<16xf32>
        %add3A_1015 = arith.addf %scan3A_906, %mul3A_1014 : vector<16xf32>
        %get3A_1016 = arith.index_cast %add3A_947 : i32 to index
        %get3A_1017 = arith.constant 208 : index
        %get3A_1018 = tpu.vector_load %arg9[%get3A_1016, %get3A_1017] {strides = array<i32>} : memref<128x256xf32, #tpu.memory_space<vmem>>, vector<16xf32>,
        %mul3A_1019 = arith.mulf %gather3A, %get3A_1018 : vector<16xf32>
        %add3A_1020 = arith.addf %scan3A_907, %mul3A_1019 : vector<16xf32>
        %get3A_1021 = arith.index_cast %add3A_947 : i32 to index
        %get3A_1022 = arith.constant 224 : index
        %get3A_1023 = tpu.vector_load %arg9[%get3A_1021, %get3A_1022] {strides = array<i32>} : memref<128x256xf32, #tpu.memory_space<vmem>>, vector<16xf32>,
        %mul3A_1024 = arith.mulf %gather3A, %get3A_1023 : vector<16xf32>
        %add3A_1025 = arith.addf %scan3A_908, %mul3A_1024 : vector<16xf32>
        %get3A_1026 = arith.index_cast %add3A_947 : i32 to index
        %get3A_1027 = arith.constant 240 : index
        %get3A_1028 = tpu.vector_load %arg9[%get3A_1026, %get3A_1027] {strides = array<i32>} : memref<128x256xf32, #tpu.memory_space<vmem>>, vector<16xf32>,
        %mul3A_1029 = arith.mulf %gather3A, %get3A_1028 : vector<16xf32>
        %add3A_1030 = arith.addf %scan3A_909, %mul3A_1029 : vector<16xf32>
        scf.yield %add3A_955, %add3A_960, %add3A_965, %add3A_970, %add3A_975, %add3A_980, %add3A_985, %add3A_990, %add3A_995, %add3A_1000, %add3A_1005, %add3A_1010, %add3A_1015, %add3A_1020, %add3A_1025, %add3A_1030 : vector<16xf32>, vector<16xf32>, vector<16xf32>, vector<16xf32>, vector<16xf32>, vector<16xf32>, vector<16xf32>, vector<16xf32>, vector<16xf32>, vector<16xf32>, vector<16xf32>, vector<16xf32>, vector<16xf32>, vector<16xf32>, vector<16xf32>, vector<16xf32>
      }
      %scan3A_719 = arith.constant 32 : i32
      %swap3A_720 = arith.constant 1 : i32
      %swap3A_721 = arith.index_cast %swap3A_720 : i32 to index
      %swap3A_722 = arith.constant 0 : index
      %swap3A_723 = tpu.vector_load %arg11[%swap3A_721, %swap3A_722] {strides = array<i32>} : memref<2x512xf32, #tpu.memory_space<vmem>>, vector<16xf32>,
      tpu.vector_store %arg11[%swap3A_721, %swap3A_722], %scan3A_718#0 {strides = array<i32>} : memref<2x512xf32, #tpu.memory_space<vmem>>, vector<16xf32>,
      %swap3A_724 = arith.constant 1 : i32
      %swap3A_725 = arith.index_cast %swap3A_724 : i32 to index
      %swap3A_726 = arith.constant 16 : index
      %swap3A_727 = tpu.vector_load %arg11[%swap3A_725, %swap3A_726] {strides = array<i32>} : memref<2x512xf32, #tpu.memory_space<vmem>>, vector<16xf32>,
      tpu.vector_store %arg11[%swap3A_725, %swap3A_726], %scan3A_718#1 {strides = array<i32>} : memref<2x512xf32, #tpu.memory_space<vmem>>, vector<16xf32>,
      %swap3A_728 = arith.constant 1 : i32
      %swap3A_729 = arith.index_cast %swap3A_728 : i32 to index
      %swap3A_730 = arith.constant 32 : index
      %swap3A_731 = tpu.vector_load %arg11[%swap3A_729, %swap3A_730] {strides = array<i32>} : memref<2x512xf32, #tpu.memory_space<vmem>>, vector<16xf32>,
      tpu.vector_store %arg11[%swap3A_729, %swap3A_730], %scan3A_718#2 {strides = array<i32>} : memref<2x512xf32, #tpu.memory_space<vmem>>, vector<16xf32>,
      %swap3A_732 = arith.constant 1 : i32
      %swap3A_733 = arith.index_cast %swap3A_732 : i32 to index
      %swap3A_734 = arith.constant 48 : index
      %swap3A_735 = tpu.vector_load %arg11[%swap3A_733, %swap3A_734] {strides = array<i32>} : memref<2x512xf32, #tpu.memory_space<vmem>>, vector<16xf32>,
      tpu.vector_store %arg11[%swap3A_733, %swap3A_734], %scan3A_718#3 {strides = array<i32>} : memref<2x512xf32, #tpu.memory_space<vmem>>, vector<16xf32>,
      %swap3A_736 = arith.constant 1 : i32
      %swap3A_737 = arith.index_cast %swap3A_736 : i32 to index
      %swap3A_738 = arith.constant 64 : index
      %swap3A_739 = tpu.vector_load %arg11[%swap3A_737, %swap3A_738] {strides = array<i32>} : memref<2x512xf32, #tpu.memory_space<vmem>>, vector<16xf32>,
      tpu.vector_store %arg11[%swap3A_737, %swap3A_738], %scan3A_718#4 {strides = array<i32>} : memref<2x512xf32, #tpu.memory_space<vmem>>, vector<16xf32>,
      %swap3A_740 = arith.constant 1 : i32
      %swap3A_741 = arith.index_cast %swap3A_740 : i32 to index
      %swap3A_742 = arith.constant 80 : index
      %swap3A_743 = tpu.vector_load %arg11[%swap3A_741, %swap3A_742] {strides = array<i32>} : memref<2x512xf32, #tpu.memory_space<vmem>>, vector<16xf32>,
      tpu.vector_store %arg11[%swap3A_741, %swap3A_742], %scan3A_718#5 {strides = array<i32>} : memref<2x512xf32, #tpu.memory_space<vmem>>, vector<16xf32>,
      %swap3A_744 = arith.constant 1 : i32
      %swap3A_745 = arith.index_cast %swap3A_744 : i32 to index
      %swap3A_746 = arith.constant 96 : index
      %swap3A_747 = tpu.vector_load %arg11[%swap3A_745, %swap3A_746] {strides = array<i32>} : memref<2x512xf32, #tpu.memory_space<vmem>>, vector<16xf32>,
      tpu.vector_store %arg11[%swap3A_745, %swap3A_746], %scan3A_718#6 {strides = array<i32>} : memref<2x512xf32, #tpu.memory_space<vmem>>, vector<16xf32>,
      %swap3A_748 = arith.constant 1 : i32
      %swap3A_749 = arith.index_cast %swap3A_748 : i32 to index
      %swap3A_750 = arith.constant 112 : index
      %swap3A_751 = tpu.vector_load %arg11[%swap3A_749, %swap3A_750] {strides = array<i32>} : memref<2x512xf32, #tpu.memory_space<vmem>>, vector<16xf32>,
      tpu.vector_store %arg11[%swap3A_749, %swap3A_750], %scan3A_718#7 {strides = array<i32>} : memref<2x512xf32, #tpu.memory_space<vmem>>, vector<16xf32>,
      %swap3A_752 = arith.constant 1 : i32
      %swap3A_753 = arith.index_cast %swap3A_752 : i32 to index
      %swap3A_754 = arith.constant 128 : index
      %swap3A_755 = tpu.vector_load %arg11[%swap3A_753, %swap3A_754] {strides = array<i32>} : memref<2x512xf32, #tpu.memory_space<vmem>>, vector<16xf32>,
      tpu.vector_store %arg11[%swap3A_753, %swap3A_754], %scan3A_718#8 {strides = array<i32>} : memref<2x512xf32, #tpu.memory_space<vmem>>, vector<16xf32>,
      %swap3A_756 = arith.constant 1 : i32
      %swap3A_757 = arith.index_cast %swap3A_756 : i32 to index
      %swap3A_758 = arith.constant 144 : index
      %swap3A_759 = tpu.vector_load %arg11[%swap3A_757, %swap3A_758] {strides = array<i32>} : memref<2x512xf32, #tpu.memory_space<vmem>>, vector<16xf32>,
      tpu.vector_store %arg11[%swap3A_757, %swap3A_758], %scan3A_718#9 {strides = array<i32>} : memref<2x512xf32, #tpu.memory_space<vmem>>, vector<16xf32>,
      %swap3A_760 = arith.constant 1 : i32
      %swap3A_761 = arith.index_cast %swap3A_760 : i32 to index
      %swap3A_762 = arith.constant 160 : index
      %swap3A_763 = tpu.vector_load %arg11[%swap3A_761, %swap3A_762] {strides = array<i32>} : memref<2x512xf32, #tpu.memory_space<vmem>>, vector<16xf32>,
      tpu.vector_store %arg11[%swap3A_761, %swap3A_762], %scan3A_718#10 {strides = array<i32>} : memref<2x512xf32, #tpu.memory_space<vmem>>, vector<16xf32>,
      %swap3A_764 = arith.constant 1 : i32
      %swap3A_765 = arith.index_cast %swap3A_764 : i32 to index
      %swap3A_766 = arith.constant 176 : index
      %swap3A_767 = tpu.vector_load %arg11[%swap3A_765, %swap3A_766] {strides = array<i32>} : memref<2x512xf32, #tpu.memory_space<vmem>>, vector<16xf32>,
      tpu.vector_store %arg11[%swap3A_765, %swap3A_766], %scan3A_718#11 {strides = array<i32>} : memref<2x512xf32, #tpu.memory_space<vmem>>, vector<16xf32>,
      %swap3A_768 = arith.constant 1 : i32
      %swap3A_769 = arith.index_cast %swap3A_768 : i32 to index
      %swap3A_770 = arith.constant 192 : index
      %swap3A_771 = tpu.vector_load %arg11[%swap3A_769, %swap3A_770] {strides = array<i32>} : memref<2x512xf32, #tpu.memory_space<vmem>>, vector<16xf32>,
      tpu.vector_store %arg11[%swap3A_769, %swap3A_770], %scan3A_718#12 {strides = array<i32>} : memref<2x512xf32, #tpu.memory_space<vmem>>, vector<16xf32>,
      %swap3A_772 = arith.constant 1 : i32
      %swap3A_773 = arith.index_cast %swap3A_772 : i32 to index
      %swap3A_774 = arith.constant 208 : index
      %swap3A_775 = tpu.vector_load %arg11[%swap3A_773, %swap3A_774] {strides = array<i32>} : memref<2x512xf32, #tpu.memory_space<vmem>>, vector<16xf32>,
      tpu.vector_store %arg11[%swap3A_773, %swap3A_774], %scan3A_718#13 {strides = array<i32>} : memref<2x512xf32, #tpu.memory_space<vmem>>, vector<16xf32>,
      %swap3A_776 = arith.constant 1 : i32
      %swap3A_777 = arith.index_cast %swap3A_776 : i32 to index
      %swap3A_778 = arith.constant 224 : index
      %swap3A_779 = tpu.vector_load %arg11[%swap3A_777, %swap3A_778] {strides = array<i32>} : memref<2x512xf32, #tpu.memory_space<vmem>>, vector<16xf32>,
      tpu.vector_store %arg11[%swap3A_777, %swap3A_778], %scan3A_718#14 {strides = array<i32>} : memref<2x512xf32, #tpu.memory_space<vmem>>, vector<16xf32>,
      %swap3A_780 = arith.constant 1 : i32
      %swap3A_781 = arith.index_cast %swap3A_780 : i32 to index
      %swap3A_782 = arith.constant 240 : index
      %swap3A_783 = tpu.vector_load %arg11[%swap3A_781, %swap3A_782] {strides = array<i32>} : memref<2x512xf32, #tpu.memory_space<vmem>>, vector<16xf32>,
      tpu.vector_store %arg11[%swap3A_781, %swap3A_782], %scan3A_718#15 {strides = array<i32>} : memref<2x512xf32, #tpu.memory_space<vmem>>, vector<16xf32>,
      %broadcast_in_dim3A_784 = arith.constant 0.000000e+00 : f32
      %broadcast_in_dim3A_785 = vector.broadcast %broadcast_in_dim3A_784 : f32 to vector<16xf32>
      %broadcast_in_dim3A_786 = arith.constant 0.000000e+00 : f32
      %broadcast_in_dim3A_787 = vector.broadcast %broadcast_in_dim3A_786 : f32 to vector<16xf32>
      %broadcast_in_dim3A_788 = arith.constant 0.000000e+00 : f32
      %broadcast_in_dim3A_789 = vector.broadcast %broadcast_in_dim3A_788 : f32 to vector<16xf32>
      %broadcast_in_dim3A_790 = arith.constant 0.000000e+00 : f32
      %broadcast_in_dim3A_791 = vector.broadcast %broadcast_in_dim3A_790 : f32 to vector<16xf32>
      %broadcast_in_dim3A_792 = arith.constant 0.000000e+00 : f32
      %broadcast_in_dim3A_793 = vector.broadcast %broadcast_in_dim3A_792 : f32 to vector<16xf32>
      %broadcast_in_dim3A_794 = arith.constant 0.000000e+00 : f32
      %broadcast_in_dim3A_795 = vector.broadcast %broadcast_in_dim3A_794 : f32 to vector<16xf32>
      %broadcast_in_dim3A_796 = arith.constant 0.000000e+00 : f32
      %broadcast_in_dim3A_797 = vector.broadcast %broadcast_in_dim3A_796 : f32 to vector<16xf32>
      %broadcast_in_dim3A_798 = arith.constant 0.000000e+00 : f32
      %broadcast_in_dim3A_799 = vector.broadcast %broadcast_in_dim3A_798 : f32 to vector<16xf32>
      %broadcast_in_dim3A_800 = arith.constant 0.000000e+00 : f32
      %broadcast_in_dim3A_801 = vector.broadcast %broadcast_in_dim3A_800 : f32 to vector<16xf32>
      %broadcast_in_dim3A_802 = arith.constant 0.000000e+00 : f32
      %broadcast_in_dim3A_803 = vector.broadcast %broadcast_in_dim3A_802 : f32 to vector<16xf32>
      %broadcast_in_dim3A_804 = arith.constant 0.000000e+00 : f32
      %broadcast_in_dim3A_805 = vector.broadcast %broadcast_in_dim3A_804 : f32 to vector<16xf32>
      %broadcast_in_dim3A_806 = arith.constant 0.000000e+00 : f32
      %broadcast_in_dim3A_807 = vector.broadcast %broadcast_in_dim3A_806 : f32 to vector<16xf32>
      %broadcast_in_dim3A_808 = arith.constant 0.000000e+00 : f32
      %broadcast_in_dim3A_809 = vector.broadcast %broadcast_in_dim3A_808 : f32 to vector<16xf32>
      %broadcast_in_dim3A_810 = arith.constant 0.000000e+00 : f32
      %broadcast_in_dim3A_811 = vector.broadcast %broadcast_in_dim3A_810 : f32 to vector<16xf32>
      %broadcast_in_dim3A_812 = arith.constant 0.000000e+00 : f32
      %broadcast_in_dim3A_813 = vector.broadcast %broadcast_in_dim3A_812 : f32 to vector<16xf32>
      %broadcast_in_dim3A_814 = arith.constant 0.000000e+00 : f32
      %broadcast_in_dim3A_815 = vector.broadcast %broadcast_in_dim3A_814 : f32 to vector<16xf32>
      %scan3A_816 = arith.constant 0 : i32
      %scan3A_817 = arith.constant 32 : i32
      %scan3A_818 = arith.addi %scan3A_816, %scan3A_817 : i32
      %scan3A_819 = arith.constant 1 : i32
      %scan3A_820:16 = scf.for %scan3A_893 = %scan3A_816 to %scan3A_818 step %scan3A_819 iter_args(%scan3A_894 = %broadcast_in_dim3A_785, %scan3A_895 = %broadcast_in_dim3A_787, %scan3A_896 = %broadcast_in_dim3A_789, %scan3A_897 = %broadcast_in_dim3A_791, %scan3A_898 = %broadcast_in_dim3A_793, %scan3A_899 = %broadcast_in_dim3A_795, %scan3A_900 = %broadcast_in_dim3A_797, %scan3A_901 = %broadcast_in_dim3A_799, %scan3A_902 = %broadcast_in_dim3A_801, %scan3A_903 = %broadcast_in_dim3A_803, %scan3A_904 = %broadcast_in_dim3A_805, %scan3A_905 = %broadcast_in_dim3A_807, %scan3A_906 = %broadcast_in_dim3A_809, %scan3A_907 = %broadcast_in_dim3A_811, %scan3A_908 = %broadcast_in_dim3A_813, %scan3A_909 = %broadcast_in_dim3A_815) -> (vector<16xf32>, vector<16xf32>, vector<16xf32>, vector<16xf32>, vector<16xf32>, vector<16xf32>, vector<16xf32>, vector<16xf32>, vector<16xf32>, vector<16xf32>, vector<16xf32>, vector<16xf32>, vector<16xf32>, vector<16xf32>, vector<16xf32>, vector<16xf32>)  : i32 {
        %jit3A = arith.constant 8 : i32
        %div3A = arith.divsi %scan3A_893, %jit3A : i32
        %sign3A = arith.constant 0 : i32
        %sign3A_910 = arith.cmpi sgt, %scan3A_893, %sign3A : i32
        %sign3A_911 = arith.extui %sign3A_910 : i1 to i32
        %sign3A_912 = arith.constant 0 : i32
        %sign3A_913 = arith.cmpi slt, %scan3A_893, %sign3A_912 : i32
        %sign3A_914 = arith.extui %sign3A_913 : i1 to i32
        %sign3A_915 = arith.subi %sign3A_911, %sign3A_914 : i32
        %sign3A_916 = arith.constant 0 : i32
        %sign3A_917 = arith.cmpi sgt, %jit3A, %sign3A_916 : i32
        %sign3A_918 = arith.extui %sign3A_917 : i1 to i32
        %sign3A_919 = arith.constant 0 : i32
        %sign3A_920 = arith.cmpi slt, %jit3A, %sign3A_919 : i32
        %sign3A_921 = arith.extui %sign3A_920 : i1 to i32
        %sign3A_922 = arith.subi %sign3A_918, %sign3A_921 : i32
        %ne3A = arith.cmpi ne, %sign3A_915, %sign3A_922 : i32
        %rem3A = arith.remsi %scan3A_893, %jit3A : i32
        %ne3A_923 = arith.constant 0 : i32
        %ne3A_924 = arith.cmpi ne, %rem3A, %ne3A_923 : i32
        %and3A = arith.andi %ne3A, %ne3A_924 : i1
        %sub3A = arith.constant 1 : i32
        %sub3A_925 = arith.subi %div3A, %sub3A : i32
        %select_n3A = arith.select %and3A, %sub3A_925, %div3A : i32
        %jit3A_926 = arith.constant 8 : i32
        %eq3A = arith.constant 0 : i32
        %eq3A_927 = arith.cmpi eq, %jit3A_926, %eq3A : i32
        %jit3A_928 = arith.constant 1 : i32
        %select_n3A_929 = arith.select %eq3A_927, %jit3A_928, %jit3A_926 : i32
        %rem3A_930 = arith.remsi %scan3A_893, %select_n3A_929 : i32
        %ne3A_931 = arith.constant 0 : i32
        %ne3A_932 = arith.cmpi ne, %rem3A_930, %ne3A_931 : i32
        %lt3A_933 = arith.constant 0 : i32
        %lt3A_934 = arith.cmpi slt, %rem3A_930, %lt3A_933 : i32
        %lt3A_935 = arith.constant 0 : i32
        %lt3A_936 = arith.cmpi slt, %select_n3A_929, %lt3A_935 : i32
        %ne3A_937 = arith.xori %lt3A_934, %lt3A_936 : i1
        %and3A_938 = arith.andi %ne3A_937, %ne3A_932 : i1
        %add3A_939 = arith.addi %rem3A_930, %select_n3A_929 : i32
        %select_n3A_940 = arith.select %and3A_938, %add3A_939, %rem3A_930 : i32
        %mul3A_941 = arith.constant 16 : i32
        %mul3A_942 = arith.muli %select_n3A, %mul3A_941 : i32
        %add3A_943 = arith.constant 64 : i32
        %add3A_944 = arith.addi %add3A_943, %mul3A_942 : i32
        %add3A_945 = arith.constant 8 : i32
        %add3A_946 = arith.addi %add3A_944, %add3A_945 : i32
        %add3A_947 = arith.addi %add3A_946, %select_n3A_940 : i32
        %mul3A_948 = arith.constant 128 : i32
        %mul3A_949 = arith.muli %add3A_477, %mul3A_948 : i32
        %add3A_950 = arith.addi %mul3A_949, %add3A_947 : i32
        %broadcast_in_dim3A_951 = vector.broadcast %add3A_950 : i32 to vector<16xi32>
        %gather3A = tpu.vector_load_idx %arg7[%broadcast_in_dim3A_951] : memref<16384xf32, #tpu.memory_space<vmem>>[vector<16xi32>], vector<16xf32>,
        %get3A = arith.index_cast %add3A_947 : i32 to index
        %get3A_952 = arith.constant 0 : index
        %get3A_953 = tpu.vector_load %arg9[%get3A, %get3A_952] {strides = array<i32>} : memref<128x256xf32, #tpu.memory_space<vmem>>, vector<16xf32>,
        %mul3A_954 = arith.mulf %gather3A, %get3A_953 : vector<16xf32>
        %add3A_955 = arith.addf %scan3A_894, %mul3A_954 : vector<16xf32>
        %get3A_956 = arith.index_cast %add3A_947 : i32 to index
        %get3A_957 = arith.constant 16 : index
        %get3A_958 = tpu.vector_load %arg9[%get3A_956, %get3A_957] {strides = array<i32>} : memref<128x256xf32, #tpu.memory_space<vmem>>, vector<16xf32>,
        %mul3A_959 = arith.mulf %gather3A, %get3A_958 : vector<16xf32>
        %add3A_960 = arith.addf %scan3A_895, %mul3A_959 : vector<16xf32>
        %get3A_961 = arith.index_cast %add3A_947 : i32 to index
        %get3A_962 = arith.constant 32 : index
        %get3A_963 = tpu.vector_load %arg9[%get3A_961, %get3A_962] {strides = array<i32>} : memref<128x256xf32, #tpu.memory_space<vmem>>, vector<16xf32>,
        %mul3A_964 = arith.mulf %gather3A, %get3A_963 : vector<16xf32>
        %add3A_965 = arith.addf %scan3A_896, %mul3A_964 : vector<16xf32>
        %get3A_966 = arith.index_cast %add3A_947 : i32 to index
        %get3A_967 = arith.constant 48 : index
        %get3A_968 = tpu.vector_load %arg9[%get3A_966, %get3A_967] {strides = array<i32>} : memref<128x256xf32, #tpu.memory_space<vmem>>, vector<16xf32>,
        %mul3A_969 = arith.mulf %gather3A, %get3A_968 : vector<16xf32>
        %add3A_970 = arith.addf %scan3A_897, %mul3A_969 : vector<16xf32>
        %get3A_971 = arith.index_cast %add3A_947 : i32 to index
        %get3A_972 = arith.constant 64 : index
        %get3A_973 = tpu.vector_load %arg9[%get3A_971, %get3A_972] {strides = array<i32>} : memref<128x256xf32, #tpu.memory_space<vmem>>, vector<16xf32>,
        %mul3A_974 = arith.mulf %gather3A, %get3A_973 : vector<16xf32>
        %add3A_975 = arith.addf %scan3A_898, %mul3A_974 : vector<16xf32>
        %get3A_976 = arith.index_cast %add3A_947 : i32 to index
        %get3A_977 = arith.constant 80 : index
        %get3A_978 = tpu.vector_load %arg9[%get3A_976, %get3A_977] {strides = array<i32>} : memref<128x256xf32, #tpu.memory_space<vmem>>, vector<16xf32>,
        %mul3A_979 = arith.mulf %gather3A, %get3A_978 : vector<16xf32>
        %add3A_980 = arith.addf %scan3A_899, %mul3A_979 : vector<16xf32>
        %get3A_981 = arith.index_cast %add3A_947 : i32 to index
        %get3A_982 = arith.constant 96 : index
        %get3A_983 = tpu.vector_load %arg9[%get3A_981, %get3A_982] {strides = array<i32>} : memref<128x256xf32, #tpu.memory_space<vmem>>, vector<16xf32>,
        %mul3A_984 = arith.mulf %gather3A, %get3A_983 : vector<16xf32>
        %add3A_985 = arith.addf %scan3A_900, %mul3A_984 : vector<16xf32>
        %get3A_986 = arith.index_cast %add3A_947 : i32 to index
        %get3A_987 = arith.constant 112 : index
        %get3A_988 = tpu.vector_load %arg9[%get3A_986, %get3A_987] {strides = array<i32>} : memref<128x256xf32, #tpu.memory_space<vmem>>, vector<16xf32>,
        %mul3A_989 = arith.mulf %gather3A, %get3A_988 : vector<16xf32>
        %add3A_990 = arith.addf %scan3A_901, %mul3A_989 : vector<16xf32>
        %get3A_991 = arith.index_cast %add3A_947 : i32 to index
        %get3A_992 = arith.constant 128 : index
        %get3A_993 = tpu.vector_load %arg9[%get3A_991, %get3A_992] {strides = array<i32>} : memref<128x256xf32, #tpu.memory_space<vmem>>, vector<16xf32>,
        %mul3A_994 = arith.mulf %gather3A, %get3A_993 : vector<16xf32>
        %add3A_995 = arith.addf %scan3A_902, %mul3A_994 : vector<16xf32>
        %get3A_996 = arith.index_cast %add3A_947 : i32 to index
        %get3A_997 = arith.constant 144 : index
        %get3A_998 = tpu.vector_load %arg9[%get3A_996, %get3A_997] {strides = array<i32>} : memref<128x256xf32, #tpu.memory_space<vmem>>, vector<16xf32>,
        %mul3A_999 = arith.mulf %gather3A, %get3A_998 : vector<16xf32>
        %add3A_1000 = arith.addf %scan3A_903, %mul3A_999 : vector<16xf32>
        %get3A_1001 = arith.index_cast %add3A_947 : i32 to index
        %get3A_1002 = arith.constant 160 : index
        %get3A_1003 = tpu.vector_load %arg9[%get3A_1001, %get3A_1002] {strides = array<i32>} : memref<128x256xf32, #tpu.memory_space<vmem>>, vector<16xf32>,
        %mul3A_1004 = arith.mulf %gather3A, %get3A_1003 : vector<16xf32>
        %add3A_1005 = arith.addf %scan3A_904, %mul3A_1004 : vector<16xf32>
        %get3A_1006 = arith.index_cast %add3A_947 : i32 to index
        %get3A_1007 = arith.constant 176 : index
        %get3A_1008 = tpu.vector_load %arg9[%get3A_1006, %get3A_1007] {strides = array<i32>} : memref<128x256xf32, #tpu.memory_space<vmem>>, vector<16xf32>,
        %mul3A_1009 = arith.mulf %gather3A, %get3A_1008 : vector<16xf32>
        %add3A_1010 = arith.addf %scan3A_905, %mul3A_1009 : vector<16xf32>
        %get3A_1011 = arith.index_cast %add3A_947 : i32 to index
        %get3A_1012 = arith.constant 192 : index
        %get3A_1013 = tpu.vector_load %arg9[%get3A_1011, %get3A_1012] {strides = array<i32>} : memref<128x256xf32, #tpu.memory_space<vmem>>, vector<16xf32>,
        %mul3A_1014 = arith.mulf %gather3A, %get3A_1013 : vector<16xf32>
        %add3A_1015 = arith.addf %scan3A_906, %mul3A_1014 : vector<16xf32>
        %get3A_1016 = arith.index_cast %add3A_947 : i32 to index
        %get3A_1017 = arith.constant 208 : index
        %get3A_1018 = tpu.vector_load %arg9[%get3A_1016, %get3A_1017] {strides = array<i32>} : memref<128x256xf32, #tpu.memory_space<vmem>>, vector<16xf32>,
        %mul3A_1019 = arith.mulf %gather3A, %get3A_1018 : vector<16xf32>
        %add3A_1020 = arith.addf %scan3A_907, %mul3A_1019 : vector<16xf32>
        %get3A_1021 = arith.index_cast %add3A_947 : i32 to index
        %get3A_1022 = arith.constant 224 : index
        %get3A_1023 = tpu.vector_load %arg9[%get3A_1021, %get3A_1022] {strides = array<i32>} : memref<128x256xf32, #tpu.memory_space<vmem>>, vector<16xf32>,
        %mul3A_1024 = arith.mulf %gather3A, %get3A_1023 : vector<16xf32>
        %add3A_1025 = arith.addf %scan3A_908, %mul3A_1024 : vector<16xf32>
        %get3A_1026 = arith.index_cast %add3A_947 : i32 to index
        %get3A_1027 = arith.constant 240 : index
        %get3A_1028 = tpu.vector_load %arg9[%get3A_1026, %get3A_1027] {strides = array<i32>} : memref<128x256xf32, #tpu.memory_space<vmem>>, vector<16xf32>,
        %mul3A_1029 = arith.mulf %gather3A, %get3A_1028 : vector<16xf32>
        %add3A_1030 = arith.addf %scan3A_909, %mul3A_1029 : vector<16xf32>
        scf.yield %add3A_955, %add3A_960, %add3A_965, %add3A_970, %add3A_975, %add3A_980, %add3A_985, %add3A_990, %add3A_995, %add3A_1000, %add3A_1005, %add3A_1010, %add3A_1015, %add3A_1020, %add3A_1025, %add3A_1030 : vector<16xf32>, vector<16xf32>, vector<16xf32>, vector<16xf32>, vector<16xf32>, vector<16xf32>, vector<16xf32>, vector<16xf32>, vector<16xf32>, vector<16xf32>, vector<16xf32>, vector<16xf32>, vector<16xf32>, vector<16xf32>, vector<16xf32>, vector<16xf32>
      }
      %scan3A_821 = arith.constant 32 : i32
      %swap3A_822 = arith.constant 1 : i32
      %swap3A_823 = arith.index_cast %swap3A_822 : i32 to index
      %swap3A_824 = arith.constant 256 : index
      %swap3A_825 = tpu.vector_load %arg11[%swap3A_823, %swap3A_824] {strides = array<i32>} : memref<2x512xf32, #tpu.memory_space<vmem>>, vector<16xf32>,
      tpu.vector_store %arg11[%swap3A_823, %swap3A_824], %scan3A_820#0 {strides = array<i32>} : memref<2x512xf32, #tpu.memory_space<vmem>>, vector<16xf32>,
      %swap3A_826 = arith.constant 1 : i32
      %swap3A_827 = arith.index_cast %swap3A_826 : i32 to index
      %swap3A_828 = arith.constant 272 : index
      %swap3A_829 = tpu.vector_load %arg11[%swap3A_827, %swap3A_828] {strides = array<i32>} : memref<2x512xf32, #tpu.memory_space<vmem>>, vector<16xf32>,
      tpu.vector_store %arg11[%swap3A_827, %swap3A_828], %scan3A_820#1 {strides = array<i32>} : memref<2x512xf32, #tpu.memory_space<vmem>>, vector<16xf32>,
      %swap3A_830 = arith.constant 1 : i32
      %swap3A_831 = arith.index_cast %swap3A_830 : i32 to index
      %swap3A_832 = arith.constant 288 : index
      %swap3A_833 = tpu.vector_load %arg11[%swap3A_831, %swap3A_832] {strides = array<i32>} : memref<2x512xf32, #tpu.memory_space<vmem>>, vector<16xf32>,
      tpu.vector_store %arg11[%swap3A_831, %swap3A_832], %scan3A_820#2 {strides = array<i32>} : memref<2x512xf32, #tpu.memory_space<vmem>>, vector<16xf32>,
      %swap3A_834 = arith.constant 1 : i32
      %swap3A_835 = arith.index_cast %swap3A_834 : i32 to index
      %swap3A_836 = arith.constant 304 : index
      %swap3A_837 = tpu.vector_load %arg11[%swap3A_835, %swap3A_836] {strides = array<i32>} : memref<2x512xf32, #tpu.memory_space<vmem>>, vector<16xf32>,
      tpu.vector_store %arg11[%swap3A_835, %swap3A_836], %scan3A_820#3 {strides = array<i32>} : memref<2x512xf32, #tpu.memory_space<vmem>>, vector<16xf32>,
      %swap3A_838 = arith.constant 1 : i32
      %swap3A_839 = arith.index_cast %swap3A_838 : i32 to index
      %swap3A_840 = arith.constant 320 : index
      %swap3A_841 = tpu.vector_load %arg11[%swap3A_839, %swap3A_840] {strides = array<i32>} : memref<2x512xf32, #tpu.memory_space<vmem>>, vector<16xf32>,
      tpu.vector_store %arg11[%swap3A_839, %swap3A_840], %scan3A_820#4 {strides = array<i32>} : memref<2x512xf32, #tpu.memory_space<vmem>>, vector<16xf32>,
      %swap3A_842 = arith.constant 1 : i32
      %swap3A_843 = arith.index_cast %swap3A_842 : i32 to index
      %swap3A_844 = arith.constant 336 : index
      %swap3A_845 = tpu.vector_load %arg11[%swap3A_843, %swap3A_844] {strides = array<i32>} : memref<2x512xf32, #tpu.memory_space<vmem>>, vector<16xf32>,
      tpu.vector_store %arg11[%swap3A_843, %swap3A_844], %scan3A_820#5 {strides = array<i32>} : memref<2x512xf32, #tpu.memory_space<vmem>>, vector<16xf32>,
      %swap3A_846 = arith.constant 1 : i32
      %swap3A_847 = arith.index_cast %swap3A_846 : i32 to index
      %swap3A_848 = arith.constant 352 : index
      %swap3A_849 = tpu.vector_load %arg11[%swap3A_847, %swap3A_848] {strides = array<i32>} : memref<2x512xf32, #tpu.memory_space<vmem>>, vector<16xf32>,
      tpu.vector_store %arg11[%swap3A_847, %swap3A_848], %scan3A_820#6 {strides = array<i32>} : memref<2x512xf32, #tpu.memory_space<vmem>>, vector<16xf32>,
      %swap3A_850 = arith.constant 1 : i32
      %swap3A_851 = arith.index_cast %swap3A_850 : i32 to index
      %swap3A_852 = arith.constant 368 : index
      %swap3A_853 = tpu.vector_load %arg11[%swap3A_851, %swap3A_852] {strides = array<i32>} : memref<2x512xf32, #tpu.memory_space<vmem>>, vector<16xf32>,
      tpu.vector_store %arg11[%swap3A_851, %swap3A_852], %scan3A_820#7 {strides = array<i32>} : memref<2x512xf32, #tpu.memory_space<vmem>>, vector<16xf32>,
      %swap3A_854 = arith.constant 1 : i32
      %swap3A_855 = arith.index_cast %swap3A_854 : i32 to index
      %swap3A_856 = arith.constant 384 : index
      %swap3A_857 = tpu.vector_load %arg11[%swap3A_855, %swap3A_856] {strides = array<i32>} : memref<2x512xf32, #tpu.memory_space<vmem>>, vector<16xf32>,
      tpu.vector_store %arg11[%swap3A_855, %swap3A_856], %scan3A_820#8 {strides = array<i32>} : memref<2x512xf32, #tpu.memory_space<vmem>>, vector<16xf32>,
      %swap3A_858 = arith.constant 1 : i32
      %swap3A_859 = arith.index_cast %swap3A_858 : i32 to index
      %swap3A_860 = arith.constant 400 : index
      %swap3A_861 = tpu.vector_load %arg11[%swap3A_859, %swap3A_860] {strides = array<i32>} : memref<2x512xf32, #tpu.memory_space<vmem>>, vector<16xf32>,
      tpu.vector_store %arg11[%swap3A_859, %swap3A_860], %scan3A_820#9 {strides = array<i32>} : memref<2x512xf32, #tpu.memory_space<vmem>>, vector<16xf32>,
      %swap3A_862 = arith.constant 1 : i32
      %swap3A_863 = arith.index_cast %swap3A_862 : i32 to index
      %swap3A_864 = arith.constant 416 : index
      %swap3A_865 = tpu.vector_load %arg11[%swap3A_863, %swap3A_864] {strides = array<i32>} : memref<2x512xf32, #tpu.memory_space<vmem>>, vector<16xf32>,
      tpu.vector_store %arg11[%swap3A_863, %swap3A_864], %scan3A_820#10 {strides = array<i32>} : memref<2x512xf32, #tpu.memory_space<vmem>>, vector<16xf32>,
      %swap3A_866 = arith.constant 1 : i32
      %swap3A_867 = arith.index_cast %swap3A_866 : i32 to index
      %swap3A_868 = arith.constant 432 : index
      %swap3A_869 = tpu.vector_load %arg11[%swap3A_867, %swap3A_868] {strides = array<i32>} : memref<2x512xf32, #tpu.memory_space<vmem>>, vector<16xf32>,
      tpu.vector_store %arg11[%swap3A_867, %swap3A_868], %scan3A_820#11 {strides = array<i32>} : memref<2x512xf32, #tpu.memory_space<vmem>>, vector<16xf32>,
      %swap3A_870 = arith.constant 1 : i32
      %swap3A_871 = arith.index_cast %swap3A_870 : i32 to index
      %swap3A_872 = arith.constant 448 : index
      %swap3A_873 = tpu.vector_load %arg11[%swap3A_871, %swap3A_872] {strides = array<i32>} : memref<2x512xf32, #tpu.memory_space<vmem>>, vector<16xf32>,
      tpu.vector_store %arg11[%swap3A_871, %swap3A_872], %scan3A_820#12 {strides = array<i32>} : memref<2x512xf32, #tpu.memory_space<vmem>>, vector<16xf32>,
      %swap3A_874 = arith.constant 1 : i32
      %swap3A_875 = arith.index_cast %swap3A_874 : i32 to index
      %swap3A_876 = arith.constant 464 : index
      %swap3A_877 = tpu.vector_load %arg11[%swap3A_875, %swap3A_876] {strides = array<i32>} : memref<2x512xf32, #tpu.memory_space<vmem>>, vector<16xf32>,
      tpu.vector_store %arg11[%swap3A_875, %swap3A_876], %scan3A_820#13 {strides = array<i32>} : memref<2x512xf32, #tpu.memory_space<vmem>>, vector<16xf32>,
      %swap3A_878 = arith.constant 1 : i32
      %swap3A_879 = arith.index_cast %swap3A_878 : i32 to index
      %swap3A_880 = arith.constant 480 : index
      %swap3A_881 = tpu.vector_load %arg11[%swap3A_879, %swap3A_880] {strides = array<i32>} : memref<2x512xf32, #tpu.memory_space<vmem>>, vector<16xf32>,
      tpu.vector_store %arg11[%swap3A_879, %swap3A_880], %scan3A_820#14 {strides = array<i32>} : memref<2x512xf32, #tpu.memory_space<vmem>>, vector<16xf32>,
      %swap3A_882 = arith.constant 1 : i32
      %swap3A_883 = arith.index_cast %swap3A_882 : i32 to index
      %swap3A_884 = arith.constant 496 : index
      %swap3A_885 = tpu.vector_load %arg11[%swap3A_883, %swap3A_884] {strides = array<i32>} : memref<2x512xf32, #tpu.memory_space<vmem>>, vector<16xf32>,
      tpu.vector_store %arg11[%swap3A_883, %swap3A_884], %scan3A_820#15 {strides = array<i32>} : memref<2x512xf32, #tpu.memory_space<vmem>>, vector<16xf32>,
      %mul3A_886 = arith.constant 2 : i32
      %mul3A_887 = arith.muli %add3A_477, %mul3A_886 : i32
      %add3A_888 = arith.addi %mul3A_2, %mul3A_887 : i32
      %dma_start3A_889 = arith.constant 0 : i32
      %dma_start3A_890 = tpu.memref_slice %arg5[%add3A_888, %dma_start3A_889] : memref<8192x512xf32, #tpu.memory_space<hbm>> -> memref<2x512xf32, #tpu.memory_space<hbm>>
      %dma_start3A_891 = arith.constant 0 : i32
      %dma_start3A_892 = tpu.memref_slice %arg5[%add3A_888, %dma_start3A_891] : memref<8192x512xf32, #tpu.memory_space<hbm>> -> memref<2x512xf32, #tpu.memory_space<hbm>>
      tpu.enqueue_dma source(%arg11 : memref<2x512xf32, #tpu.memory_space<vmem>>) target(%dma_start3A_892 : memref<2x512xf32, #tpu.memory_space<hbm>>) target_semaphore(%arg15 : memref<!tpu.dma_semaphore, #tpu.memory_space<semaphore_mem>>)
    }
    %scan3A_15 = arith.constant 64 : i32
    %dma_wait3A = arith.constant 0 : i32
    %dma_wait3A_16 = arith.constant 0 : i32
    %dma_wait3A_17 = tpu.memref_slice %arg5[%dma_wait3A, %dma_wait3A_16] : memref<8192x512xf32, #tpu.memory_space<hbm>> -> memref<2x512xf32, #tpu.memory_space<hbm>>
    %dma_wait3A_18 = arith.constant 0 : i32
    %dma_wait3A_19 = arith.constant 0 : i32
    %dma_wait3A_20 = tpu.memref_slice %arg5[%dma_wait3A_18, %dma_wait3A_19] : memref<8192x512xf32, #tpu.memory_space<hbm>> -> memref<2x512xf32, #tpu.memory_space<hbm>>
    tpu.wait_dma2 semaphore(%arg14 : memref<!tpu.dma_semaphore, #tpu.memory_space<semaphore_mem>>) src(%arg10 : memref<2x512xf32, #tpu.memory_space<vmem>>) dst(%dma_wait3A_20 : memref<2x512xf32, #tpu.memory_space<hbm>>)
    %dma_wait3A_21 = arith.constant 0 : i32
    %dma_wait3A_22 = arith.constant 0 : i32
    %dma_wait3A_23 = tpu.memref_slice %arg5[%dma_wait3A_21, %dma_wait3A_22] : memref<8192x512xf32, #tpu.memory_space<hbm>> -> memref<2x512xf32, #tpu.memory_space<hbm>>
    %dma_wait3A_24 = arith.constant 0 : i32
    %dma_wait3A_25 = arith.constant 0 : i32
    %dma_wait3A_26 = tpu.memref_slice %arg5[%dma_wait3A_24, %dma_wait3A_25] : memref<8192x512xf32, #tpu.memory_space<hbm>> -> memref<2x512xf32, #tpu.memory_space<hbm>>
    tpu.wait_dma2 semaphore(%arg15 : memref<!tpu.dma_semaphore, #tpu.memory_space<semaphore_mem>>) src(%arg11 : memref<2x512xf32, #tpu.memory_space<vmem>>) dst(%dma_wait3A_26 : memref<2x512xf32, #tpu.memory_space<hbm>>)
    return
  }
}

module attributes {stable_mosaic.version = 14 : i64} {
  func.func @_prep_body(%arg0: i32, %arg1: memref<2048x256xf32, #tpu.memory_space<vmem>>, %arg2: memref<2048x4xf32, #tpu.memory_space<vmem>>, %arg3: memref<48x256xf32, #tpu.memory_space<vmem>>, %arg4: memref<1x48xf32, #tpu.memory_space<vmem>>, %arg5: memref<2048x64xi32, #tpu.memory_space<vmem>>, %arg6: memref<2048x64xf32, #tpu.memory_space<vmem>>) attributes {dimension_semantics = [#tpu.dimension_semantics<arbitrary>], iteration_bounds = array<i64: 4>, scalar_prefetch = 0 : i64, scratch_operands = 0 : i64, tpu.core_type = #tpu.core_type<tc>, window_params = [{transform_indices = @transform_0, window_bounds = array<i64: 2048, 256>}, {transform_indices = @transform_1, window_bounds = array<i64: 2048, 4>}, {pipeline_mode = #tpu.pipeline_mode<synchronous>, transform_indices = @transform_2, window_bounds = array<i64: 48, 256>}, {pipeline_mode = #tpu.pipeline_mode<synchronous>, transform_indices = @transform_3, window_bounds = array<i64: 1, 48>}, {transform_indices = @transform_4, window_bounds = array<i64: 2048, 64>}, {transform_indices = @transform_5, window_bounds = array<i64: 2048, 64>}]} {
    %jit3A = arith.constant 2 : i32
    %div3A = arith.divsi %arg0, %jit3A : i32
    %sign3A = arith.constant 0 : i32
    %sign3A_0 = arith.cmpi sgt, %arg0, %sign3A : i32
    %sign3A_1 = arith.extui %sign3A_0 : i1 to i32
    %sign3A_2 = arith.constant 0 : i32
    %sign3A_3 = arith.cmpi slt, %arg0, %sign3A_2 : i32
    %sign3A_4 = arith.extui %sign3A_3 : i1 to i32
    %sign3A_5 = arith.subi %sign3A_1, %sign3A_4 : i32
    %sign3A_6 = arith.constant 0 : i32
    %sign3A_7 = arith.cmpi sgt, %jit3A, %sign3A_6 : i32
    %sign3A_8 = arith.extui %sign3A_7 : i1 to i32
    %sign3A_9 = arith.constant 0 : i32
    %sign3A_10 = arith.cmpi slt, %jit3A, %sign3A_9 : i32
    %sign3A_11 = arith.extui %sign3A_10 : i1 to i32
    %sign3A_12 = arith.subi %sign3A_8, %sign3A_11 : i32
    %ne3A = arith.cmpi ne, %sign3A_5, %sign3A_12 : i32
    %rem3A = arith.remsi %arg0, %jit3A : i32
    %ne3A_13 = arith.constant 0 : i32
    %ne3A_14 = arith.cmpi ne, %rem3A, %ne3A_13 : i32
    %and3A = arith.andi %ne3A, %ne3A_14 : i1
    %sub3A = arith.constant 1 : i32
    %sub3A_15 = arith.subi %div3A, %sub3A : i32
    %select_n3A = arith.select %and3A, %sub3A_15, %div3A : i32
    %get3A = arith.constant 0 : index
    %get3A_16 = arith.constant 0 : index
    %get3A_17 = vector.load %arg1[%get3A, %get3A_16] : memref<2048x256xf32, #tpu.memory_space<vmem>>, vector<2048x256xf32>
    %get3A_18 = arith.constant 0 : index
    %get3A_19 = arith.constant 0 : index
    %get3A_20 = vector.load %arg3[%get3A_18, %get3A_19] : memref<48x256xf32, #tpu.memory_space<vmem>>, vector<48x256xf32>
    %dot_general3A = arith.constant dense<0.000000e+00> : vector<2048x48xf32>
    %dot_general3A_21 = tpu.matmul %get3A_17, %get3A_20, %dot_general3A {dimension_numbers = #tpu.dot_dimension_numbers<[1], [1], [0], [0], [0, 0, 1, 0], [], []>, transpose_lhs_hint = false} : vector<2048x256xf32>, vector<48x256xf32>, vector<2048x48xf32> -> vector<2048x48xf32>
    %get3A_22 = arith.constant 0 : index
    %get3A_23 = arith.constant 0 : index
    %get3A_24 = vector.load %arg4[%get3A_22, %get3A_23] : memref<1x48xf32, #tpu.memory_space<vmem>>, vector<1x48xf32>
    %add3A = vector.broadcast %get3A_24 : vector<1x48xf32> to vector<2048x48xf32>
    %add3A_25 = arith.addf %dot_general3A_21, %add3A : vector<2048x48xf32>
    %slice3A = vector.extract_strided_slice %add3A_25 {offsets = [0, 0], sizes = [2048, 16], strides = [1, 1]} : vector<2048x48xf32> to vector<2048x16xf32>
    %slice3A_26 = vector.extract_strided_slice %add3A_25 {offsets = [0, 16], sizes = [2048, 16], strides = [1, 1]} : vector<2048x48xf32> to vector<2048x16xf32>
    %slice3A_27 = vector.extract_strided_slice %add3A_25 {offsets = [0, 32], sizes = [2048, 16], strides = [1, 1]} : vector<2048x48xf32> to vector<2048x16xf32>
    %slice3A_28 = vector.extract_strided_slice %slice3A_27 {offsets = [0, 0], sizes = [2048, 8], strides = [1, 1]} : vector<2048x16xf32> to vector<2048x8xf32>
    %slice3A_29 = vector.extract_strided_slice %slice3A_27 {offsets = [0, 8], sizes = [2048, 8], strides = [1, 1]} : vector<2048x16xf32> to vector<2048x8xf32>
    %reduce_max3A = arith.constant dense<0xFF800000> : vector<2048xf32>
    %reduce_max3A_30 = vector.multi_reduction <maximumf>, %slice3A_28, %reduce_max3A [1] : vector<2048x8xf32> to vector<2048xf32>
    %broadcast_in_dim3A = vector.shape_cast %reduce_max3A_30 : vector<2048xf32> to vector<2048x1xf32>
    %sub3A_31 = vector.broadcast %broadcast_in_dim3A : vector<2048x1xf32> to vector<2048x8xf32>
    %sub3A_32 = arith.subf %slice3A_28, %sub3A_31 : vector<2048x8xf32>
    %exp3A = math.exp %sub3A_32 : vector<2048x8xf32>
    %reduce_max3A_33 = arith.constant dense<0xFF800000> : vector<2048xf32>
    %reduce_max3A_34 = vector.multi_reduction <maximumf>, %slice3A_29, %reduce_max3A_33 [1] : vector<2048x8xf32> to vector<2048xf32>
    %broadcast_in_dim3A_35 = vector.shape_cast %reduce_max3A_34 : vector<2048xf32> to vector<2048x1xf32>
    %sub3A_36 = vector.broadcast %broadcast_in_dim3A_35 : vector<2048x1xf32> to vector<2048x8xf32>
    %sub3A_37 = arith.subf %slice3A_29, %sub3A_36 : vector<2048x8xf32>
    %exp3A_38 = math.exp %sub3A_37 : vector<2048x8xf32>
    %reduce_sum3A = arith.constant dense<0.000000e+00> : vector<2048xf32>
    %reduce_sum3A_39 = vector.multi_reduction <add>, %exp3A, %reduce_sum3A [1] : vector<2048x8xf32> to vector<2048xf32>
    %broadcast_in_dim3A_40 = vector.shape_cast %reduce_sum3A_39 : vector<2048xf32> to vector<2048x1xf32>
    %div3A_41 = vector.broadcast %broadcast_in_dim3A_40 : vector<2048x1xf32> to vector<2048x8xf32>
    %div3A_42 = arith.divf %exp3A, %div3A_41 : vector<2048x8xf32>
    %reduce_sum3A_43 = arith.constant dense<0.000000e+00> : vector<2048xf32>
    %reduce_sum3A_44 = vector.multi_reduction <add>, %exp3A_38, %reduce_sum3A_43 [1] : vector<2048x8xf32> to vector<2048xf32>
    %broadcast_in_dim3A_45 = vector.shape_cast %reduce_sum3A_44 : vector<2048xf32> to vector<2048x1xf32>
    %div3A_46 = vector.broadcast %broadcast_in_dim3A_45 : vector<2048x1xf32> to vector<2048x8xf32>
    %div3A_47 = arith.divf %exp3A_38, %div3A_46 : vector<2048x8xf32>
    %concatenate3A = tpu.concatenate %div3A_42, %div3A_47 in 1 : vector<2048x8xf32>, vector<2048x8xf32> -> vector<2048x16xf32>
    %broadcast_in_dim3A_48 = arith.constant 6.400000e+01 : f32
    %broadcast_in_dim3A_49 = vector.broadcast %broadcast_in_dim3A_48 : f32 to vector<1x4xf32>
    %broadcast_in_dim3A_50 = arith.constant 3.200000e+01 : f32
    %broadcast_in_dim3A_51 = vector.broadcast %broadcast_in_dim3A_50 : f32 to vector<1x4xf32>
    %concatenate3A_52 = tpu.concatenate %broadcast_in_dim3A_49, %broadcast_in_dim3A_51, %broadcast_in_dim3A_49, %broadcast_in_dim3A_51 in 1 : vector<1x4xf32>, vector<1x4xf32>, vector<1x4xf32>, vector<1x4xf32> -> vector<1x16xf32>
    %broadcast_in_dim3A_53 = arith.constant 6.400000e+01 : f32
    %broadcast_in_dim3A_54 = vector.broadcast %broadcast_in_dim3A_53 : f32 to vector<1x4xf32>
    %broadcast_in_dim3A_55 = arith.constant 3.200000e+01 : f32
    %broadcast_in_dim3A_56 = vector.broadcast %broadcast_in_dim3A_55 : f32 to vector<1x4xf32>
    %concatenate3A_57 = tpu.concatenate %broadcast_in_dim3A_54, %broadcast_in_dim3A_56, %broadcast_in_dim3A_54, %broadcast_in_dim3A_56 in 1 : vector<1x4xf32>, vector<1x4xf32>, vector<1x4xf32>, vector<1x4xf32> -> vector<1x16xf32>
    %broadcast_in_dim3A_58 = arith.constant 0 : i32
    %broadcast_in_dim3A_59 = vector.broadcast %broadcast_in_dim3A_58 : i32 to vector<1x4xi32>
    %broadcast_in_dim3A_60 = arith.constant 4096 : i32
    %broadcast_in_dim3A_61 = vector.broadcast %broadcast_in_dim3A_60 : i32 to vector<1x4xi32>
    %concatenate3A_62 = tpu.concatenate %broadcast_in_dim3A_59, %broadcast_in_dim3A_61, %broadcast_in_dim3A_59, %broadcast_in_dim3A_61 in 1 : vector<1x4xi32>, vector<1x4xi32>, vector<1x4xi32>, vector<1x4xi32> -> vector<1x16xi32>
    %mul3A = arith.constant 5120 : i32
    %mul3A_63 = arith.muli %select_n3A, %mul3A : i32
    %add3A_64 = vector.broadcast %mul3A_63 : i32 to vector<1x16xi32>
    %add3A_65 = arith.addi %concatenate3A_62, %add3A_64 : vector<1x16xi32>
    %convert_element_type3A = arith.fptosi %concatenate3A_52 : vector<1x16xf32> to vector<1x16xi32>
    %get3A_66 = arith.constant 0 : index
    %get3A_67 = arith.constant 0 : index
    %get3A_68 = vector.load %arg2[%get3A_66, %get3A_67] : memref<2048x4xf32, #tpu.memory_space<vmem>>, vector<2048x1xf32>
    %mul3A_69 = arith.constant 6.400000e+01 : f32
    %mul3A_70 = vector.broadcast %mul3A_69 : f32 to vector<2048x1xf32>
    %mul3A_71 = arith.mulf %get3A_68, %mul3A_70 : vector<2048x1xf32>
    %broadcast_in_dim3A_72 = vector.shape_cast %mul3A_71 : vector<2048x1xf32> to vector<2048x1xf32>
    %broadcast_in_dim3A_73 = vector.broadcast %broadcast_in_dim3A_72 : vector<2048x1xf32> to vector<2048x4xf32>
    %get3A_74 = arith.constant 0 : index
    %get3A_75 = arith.constant 2 : index
    %get3A_76 = vector.load %arg2[%get3A_74, %get3A_75] : memref<2048x4xf32, #tpu.memory_space<vmem>>, vector<2048x1xf32>
    %mul3A_77 = arith.constant 3.200000e+01 : f32
    %mul3A_78 = vector.broadcast %mul3A_77 : f32 to vector<2048x1xf32>
    %mul3A_79 = arith.mulf %get3A_76, %mul3A_78 : vector<2048x1xf32>
    %broadcast_in_dim3A_80 = vector.shape_cast %mul3A_79 : vector<2048x1xf32> to vector<2048x1xf32>
    %broadcast_in_dim3A_81 = vector.broadcast %broadcast_in_dim3A_80 : vector<2048x1xf32> to vector<2048x4xf32>
    %concatenate3A_82 = tpu.concatenate %broadcast_in_dim3A_73, %broadcast_in_dim3A_81, %broadcast_in_dim3A_73, %broadcast_in_dim3A_81 in 1 : vector<2048x4xf32>, vector<2048x4xf32>, vector<2048x4xf32>, vector<2048x4xf32> -> vector<2048x16xf32>
    %add3A_83 = arith.addf %slice3A, %concatenate3A_82 : vector<2048x16xf32>
    %sub3A_84 = arith.constant 5.000000e-01 : f32
    %sub3A_85 = vector.broadcast %sub3A_84 : f32 to vector<2048x16xf32>
    %sub3A_86 = arith.subf %add3A_83, %sub3A_85 : vector<2048x16xf32>
    %get3A_87 = arith.constant 0 : index
    %get3A_88 = arith.constant 1 : index
    %get3A_89 = vector.load %arg2[%get3A_87, %get3A_88] : memref<2048x4xf32, #tpu.memory_space<vmem>>, vector<2048x1xf32>
    %mul3A_90 = arith.constant 6.400000e+01 : f32
    %mul3A_91 = vector.broadcast %mul3A_90 : f32 to vector<2048x1xf32>
    %mul3A_92 = arith.mulf %get3A_89, %mul3A_91 : vector<2048x1xf32>
    %broadcast_in_dim3A_93 = vector.shape_cast %mul3A_92 : vector<2048x1xf32> to vector<2048x1xf32>
    %broadcast_in_dim3A_94 = vector.broadcast %broadcast_in_dim3A_93 : vector<2048x1xf32> to vector<2048x4xf32>
    %get3A_95 = arith.constant 0 : index
    %get3A_96 = arith.constant 3 : index
    %get3A_97 = vector.load %arg2[%get3A_95, %get3A_96] : memref<2048x4xf32, #tpu.memory_space<vmem>>, vector<2048x1xf32>
    %mul3A_98 = arith.constant 3.200000e+01 : f32
    %mul3A_99 = vector.broadcast %mul3A_98 : f32 to vector<2048x1xf32>
    %mul3A_100 = arith.mulf %get3A_97, %mul3A_99 : vector<2048x1xf32>
    %broadcast_in_dim3A_101 = vector.shape_cast %mul3A_100 : vector<2048x1xf32> to vector<2048x1xf32>
    %broadcast_in_dim3A_102 = vector.broadcast %broadcast_in_dim3A_101 : vector<2048x1xf32> to vector<2048x4xf32>
    %concatenate3A_103 = tpu.concatenate %broadcast_in_dim3A_94, %broadcast_in_dim3A_102, %broadcast_in_dim3A_94, %broadcast_in_dim3A_102 in 1 : vector<2048x4xf32>, vector<2048x4xf32>, vector<2048x4xf32>, vector<2048x4xf32> -> vector<2048x16xf32>
    %add3A_104 = arith.addf %slice3A_26, %concatenate3A_103 : vector<2048x16xf32>
    %sub3A_105 = arith.constant 5.000000e-01 : f32
    %sub3A_106 = vector.broadcast %sub3A_105 : f32 to vector<2048x16xf32>
    %sub3A_107 = arith.subf %add3A_104, %sub3A_106 : vector<2048x16xf32>
    %floor3A = math.floor %sub3A_86 : vector<2048x16xf32>
    %floor3A_108 = math.floor %sub3A_107 : vector<2048x16xf32>
    %sub3A_109 = arith.subf %sub3A_86, %floor3A : vector<2048x16xf32>
    %sub3A_110 = arith.constant 1.000000e+00 : f32
    %sub3A_111 = vector.broadcast %sub3A_110 : f32 to vector<2048x16xf32>
    %sub3A_112 = arith.subf %sub3A_111, %sub3A_109 : vector<2048x16xf32>
    %sub3A_113 = arith.subf %sub3A_107, %floor3A_108 : vector<2048x16xf32>
    %sub3A_114 = arith.constant 1.000000e+00 : f32
    %sub3A_115 = vector.broadcast %sub3A_114 : f32 to vector<2048x16xf32>
    %sub3A_116 = arith.subf %sub3A_115, %sub3A_113 : vector<2048x16xf32>
    %add3A_117 = arith.constant 0.000000e+00 : f32
    %add3A_118 = vector.broadcast %add3A_117 : f32 to vector<2048x16xf32>
    %add3A_119 = arith.addf %floor3A_108, %add3A_118 : vector<2048x16xf32>
    %add3A_120 = arith.constant 0.000000e+00 : f32
    %add3A_121 = vector.broadcast %add3A_120 : f32 to vector<2048x16xf32>
    %add3A_122 = arith.addf %floor3A, %add3A_121 : vector<2048x16xf32>
    %ge3A = arith.constant 0.000000e+00 : f32
    %ge3A_123 = vector.broadcast %ge3A : f32 to vector<2048x16xf32>
    %ge3A_124 = arith.cmpf oge, %add3A_122, %ge3A_123 : vector<2048x16xf32>
    %sub3A_125 = arith.constant 1.000000e+00 : f32
    %sub3A_126 = vector.broadcast %sub3A_125 : f32 to vector<1x16xf32>
    %sub3A_127 = arith.subf %concatenate3A_52, %sub3A_126 : vector<1x16xf32>
    %le3A = vector.broadcast %sub3A_127 : vector<1x16xf32> to vector<2048x16xf32>
    %le3A_128 = arith.cmpf ole, %add3A_122, %le3A : vector<2048x16xf32>
    %and3A_129 = arith.andi %ge3A_124, %le3A_128 : vector<2048x16xi1>
    %ge3A_130 = arith.constant 0.000000e+00 : f32
    %ge3A_131 = vector.broadcast %ge3A_130 : f32 to vector<2048x16xf32>
    %ge3A_132 = arith.cmpf oge, %add3A_119, %ge3A_131 : vector<2048x16xf32>
    %and3A_133 = arith.andi %and3A_129, %ge3A_132 : vector<2048x16xi1>
    %sub3A_134 = arith.constant 1.000000e+00 : f32
    %sub3A_135 = vector.broadcast %sub3A_134 : f32 to vector<1x16xf32>
    %sub3A_136 = arith.subf %concatenate3A_57, %sub3A_135 : vector<1x16xf32>
    %le3A_137 = vector.broadcast %sub3A_136 : vector<1x16xf32> to vector<2048x16xf32>
    %le3A_138 = arith.cmpf ole, %add3A_119, %le3A_137 : vector<2048x16xf32>
    %and3A_139 = arith.andi %and3A_133, %le3A_138 : vector<2048x16xi1>
    %sub3A_140 = arith.constant 1.000000e+00 : f32
    %sub3A_141 = vector.broadcast %sub3A_140 : f32 to vector<1x16xf32>
    %sub3A_142 = arith.subf %concatenate3A_52, %sub3A_141 : vector<1x16xf32>
    %jit3A_143 = arith.constant 0.000000e+00 : f32
    %max3A = vector.broadcast %jit3A_143 : f32 to vector<2048x16xf32>
    %max3A_144 = arith.maximumf %max3A, %add3A_122 : vector<2048x16xf32>
    %min3A = vector.broadcast %sub3A_142 : vector<1x16xf32> to vector<2048x16xf32>
    %min3A_145 = arith.minimumf %min3A, %max3A_144 : vector<2048x16xf32>
    %convert_element_type3A_146 = arith.fptosi %min3A_145 : vector<2048x16xf32> to vector<2048x16xi32>
    %sub3A_147 = arith.constant 1.000000e+00 : f32
    %sub3A_148 = vector.broadcast %sub3A_147 : f32 to vector<1x16xf32>
    %sub3A_149 = arith.subf %concatenate3A_57, %sub3A_148 : vector<1x16xf32>
    %jit3A_150 = arith.constant 0.000000e+00 : f32
    %max3A_151 = vector.broadcast %jit3A_150 : f32 to vector<2048x16xf32>
    %max3A_152 = arith.maximumf %max3A_151, %add3A_119 : vector<2048x16xf32>
    %min3A_153 = vector.broadcast %sub3A_149 : vector<1x16xf32> to vector<2048x16xf32>
    %min3A_154 = arith.minimumf %min3A_153, %max3A_152 : vector<2048x16xf32>
    %convert_element_type3A_155 = arith.fptosi %min3A_154 : vector<2048x16xf32> to vector<2048x16xi32>
    %mul3A_156 = vector.broadcast %convert_element_type3A : vector<1x16xi32> to vector<2048x16xi32>
    %mul3A_157 = arith.muli %convert_element_type3A_155, %mul3A_156 : vector<2048x16xi32>
    %add3A_158 = vector.broadcast %add3A_65 : vector<1x16xi32> to vector<2048x16xi32>
    %add3A_159 = arith.addi %add3A_158, %mul3A_157 : vector<2048x16xi32>
    %add3A_160 = arith.addi %add3A_159, %convert_element_type3A_146 : vector<2048x16xi32>
    %mul3A_161 = arith.mulf %concatenate3A, %sub3A_112 : vector<2048x16xf32>
    %mul3A_162 = arith.mulf %mul3A_161, %sub3A_116 : vector<2048x16xf32>
    %convert_element_type3A_163 = arith.extui %and3A_139 : vector<2048x16xi1> to vector<2048x16xi32>
    %convert_element_type3A_164 = arith.sitofp %convert_element_type3A_163 : vector<2048x16xi32> to vector<2048x16xf32>
    %mul3A_165 = arith.mulf %mul3A_162, %convert_element_type3A_164 : vector<2048x16xf32>
    %add3A_166 = arith.constant 1.000000e+00 : f32
    %add3A_167 = vector.broadcast %add3A_166 : f32 to vector<2048x16xf32>
    %add3A_168 = arith.addf %floor3A, %add3A_167 : vector<2048x16xf32>
    %ge3A_169 = arith.constant 0.000000e+00 : f32
    %ge3A_170 = vector.broadcast %ge3A_169 : f32 to vector<2048x16xf32>
    %ge3A_171 = arith.cmpf oge, %add3A_168, %ge3A_170 : vector<2048x16xf32>
    %sub3A_172 = arith.constant 1.000000e+00 : f32
    %sub3A_173 = vector.broadcast %sub3A_172 : f32 to vector<1x16xf32>
    %sub3A_174 = arith.subf %concatenate3A_52, %sub3A_173 : vector<1x16xf32>
    %le3A_175 = vector.broadcast %sub3A_174 : vector<1x16xf32> to vector<2048x16xf32>
    %le3A_176 = arith.cmpf ole, %add3A_168, %le3A_175 : vector<2048x16xf32>
    %and3A_177 = arith.andi %ge3A_171, %le3A_176 : vector<2048x16xi1>
    %ge3A_178 = arith.constant 0.000000e+00 : f32
    %ge3A_179 = vector.broadcast %ge3A_178 : f32 to vector<2048x16xf32>
    %ge3A_180 = arith.cmpf oge, %add3A_119, %ge3A_179 : vector<2048x16xf32>
    %and3A_181 = arith.andi %and3A_177, %ge3A_180 : vector<2048x16xi1>
    %sub3A_182 = arith.constant 1.000000e+00 : f32
    %sub3A_183 = vector.broadcast %sub3A_182 : f32 to vector<1x16xf32>
    %sub3A_184 = arith.subf %concatenate3A_57, %sub3A_183 : vector<1x16xf32>
    %le3A_185 = vector.broadcast %sub3A_184 : vector<1x16xf32> to vector<2048x16xf32>
    %le3A_186 = arith.cmpf ole, %add3A_119, %le3A_185 : vector<2048x16xf32>
    %and3A_187 = arith.andi %and3A_181, %le3A_186 : vector<2048x16xi1>
    %sub3A_188 = arith.constant 1.000000e+00 : f32
    %sub3A_189 = vector.broadcast %sub3A_188 : f32 to vector<1x16xf32>
    %sub3A_190 = arith.subf %concatenate3A_52, %sub3A_189 : vector<1x16xf32>
    %jit3A_191 = arith.constant 0.000000e+00 : f32
    %max3A_192 = vector.broadcast %jit3A_191 : f32 to vector<2048x16xf32>
    %max3A_193 = arith.maximumf %max3A_192, %add3A_168 : vector<2048x16xf32>
    %min3A_194 = vector.broadcast %sub3A_190 : vector<1x16xf32> to vector<2048x16xf32>
    %min3A_195 = arith.minimumf %min3A_194, %max3A_193 : vector<2048x16xf32>
    %convert_element_type3A_196 = arith.fptosi %min3A_195 : vector<2048x16xf32> to vector<2048x16xi32>
    %sub3A_197 = arith.constant 1.000000e+00 : f32
    %sub3A_198 = vector.broadcast %sub3A_197 : f32 to vector<1x16xf32>
    %sub3A_199 = arith.subf %concatenate3A_57, %sub3A_198 : vector<1x16xf32>
    %jit3A_200 = arith.constant 0.000000e+00 : f32
    %max3A_201 = vector.broadcast %jit3A_200 : f32 to vector<2048x16xf32>
    %max3A_202 = arith.maximumf %max3A_201, %add3A_119 : vector<2048x16xf32>
    %min3A_203 = vector.broadcast %sub3A_199 : vector<1x16xf32> to vector<2048x16xf32>
    %min3A_204 = arith.minimumf %min3A_203, %max3A_202 : vector<2048x16xf32>
    %convert_element_type3A_205 = arith.fptosi %min3A_204 : vector<2048x16xf32> to vector<2048x16xi32>
    %mul3A_206 = vector.broadcast %convert_element_type3A : vector<1x16xi32> to vector<2048x16xi32>
    %mul3A_207 = arith.muli %convert_element_type3A_205, %mul3A_206 : vector<2048x16xi32>
    %add3A_208 = vector.broadcast %add3A_65 : vector<1x16xi32> to vector<2048x16xi32>
    %add3A_209 = arith.addi %add3A_208, %mul3A_207 : vector<2048x16xi32>
    %add3A_210 = arith.addi %add3A_209, %convert_element_type3A_196 : vector<2048x16xi32>
    %mul3A_211 = arith.mulf %concatenate3A, %sub3A_109 : vector<2048x16xf32>
    %mul3A_212 = arith.mulf %mul3A_211, %sub3A_116 : vector<2048x16xf32>
    %convert_element_type3A_213 = arith.extui %and3A_187 : vector<2048x16xi1> to vector<2048x16xi32>
    %convert_element_type3A_214 = arith.sitofp %convert_element_type3A_213 : vector<2048x16xi32> to vector<2048x16xf32>
    %mul3A_215 = arith.mulf %mul3A_212, %convert_element_type3A_214 : vector<2048x16xf32>
    %add3A_216 = arith.constant 1.000000e+00 : f32
    %add3A_217 = vector.broadcast %add3A_216 : f32 to vector<2048x16xf32>
    %add3A_218 = arith.addf %floor3A_108, %add3A_217 : vector<2048x16xf32>
    %add3A_219 = arith.constant 0.000000e+00 : f32
    %add3A_220 = vector.broadcast %add3A_219 : f32 to vector<2048x16xf32>
    %add3A_221 = arith.addf %floor3A, %add3A_220 : vector<2048x16xf32>
    %ge3A_222 = arith.constant 0.000000e+00 : f32
    %ge3A_223 = vector.broadcast %ge3A_222 : f32 to vector<2048x16xf32>
    %ge3A_224 = arith.cmpf oge, %add3A_221, %ge3A_223 : vector<2048x16xf32>
    %sub3A_225 = arith.constant 1.000000e+00 : f32
    %sub3A_226 = vector.broadcast %sub3A_225 : f32 to vector<1x16xf32>
    %sub3A_227 = arith.subf %concatenate3A_52, %sub3A_226 : vector<1x16xf32>
    %le3A_228 = vector.broadcast %sub3A_227 : vector<1x16xf32> to vector<2048x16xf32>
    %le3A_229 = arith.cmpf ole, %add3A_221, %le3A_228 : vector<2048x16xf32>
    %and3A_230 = arith.andi %ge3A_224, %le3A_229 : vector<2048x16xi1>
    %ge3A_231 = arith.constant 0.000000e+00 : f32
    %ge3A_232 = vector.broadcast %ge3A_231 : f32 to vector<2048x16xf32>
    %ge3A_233 = arith.cmpf oge, %add3A_218, %ge3A_232 : vector<2048x16xf32>
    %and3A_234 = arith.andi %and3A_230, %ge3A_233 : vector<2048x16xi1>
    %sub3A_235 = arith.constant 1.000000e+00 : f32
    %sub3A_236 = vector.broadcast %sub3A_235 : f32 to vector<1x16xf32>
    %sub3A_237 = arith.subf %concatenate3A_57, %sub3A_236 : vector<1x16xf32>
    %le3A_238 = vector.broadcast %sub3A_237 : vector<1x16xf32> to vector<2048x16xf32>
    %le3A_239 = arith.cmpf ole, %add3A_218, %le3A_238 : vector<2048x16xf32>
    %and3A_240 = arith.andi %and3A_234, %le3A_239 : vector<2048x16xi1>
    %sub3A_241 = arith.constant 1.000000e+00 : f32
    %sub3A_242 = vector.broadcast %sub3A_241 : f32 to vector<1x16xf32>
    %sub3A_243 = arith.subf %concatenate3A_52, %sub3A_242 : vector<1x16xf32>
    %jit3A_244 = arith.constant 0.000000e+00 : f32
    %max3A_245 = vector.broadcast %jit3A_244 : f32 to vector<2048x16xf32>
    %max3A_246 = arith.maximumf %max3A_245, %add3A_221 : vector<2048x16xf32>
    %min3A_247 = vector.broadcast %sub3A_243 : vector<1x16xf32> to vector<2048x16xf32>
    %min3A_248 = arith.minimumf %min3A_247, %max3A_246 : vector<2048x16xf32>
    %convert_element_type3A_249 = arith.fptosi %min3A_248 : vector<2048x16xf32> to vector<2048x16xi32>
    %sub3A_250 = arith.constant 1.000000e+00 : f32
    %sub3A_251 = vector.broadcast %sub3A_250 : f32 to vector<1x16xf32>
    %sub3A_252 = arith.subf %concatenate3A_57, %sub3A_251 : vector<1x16xf32>
    %jit3A_253 = arith.constant 0.000000e+00 : f32
    %max3A_254 = vector.broadcast %jit3A_253 : f32 to vector<2048x16xf32>
    %max3A_255 = arith.maximumf %max3A_254, %add3A_218 : vector<2048x16xf32>
    %min3A_256 = vector.broadcast %sub3A_252 : vector<1x16xf32> to vector<2048x16xf32>
    %min3A_257 = arith.minimumf %min3A_256, %max3A_255 : vector<2048x16xf32>
    %convert_element_type3A_258 = arith.fptosi %min3A_257 : vector<2048x16xf32> to vector<2048x16xi32>
    %mul3A_259 = vector.broadcast %convert_element_type3A : vector<1x16xi32> to vector<2048x16xi32>
    %mul3A_260 = arith.muli %convert_element_type3A_258, %mul3A_259 : vector<2048x16xi32>
    %add3A_261 = vector.broadcast %add3A_65 : vector<1x16xi32> to vector<2048x16xi32>
    %add3A_262 = arith.addi %add3A_261, %mul3A_260 : vector<2048x16xi32>
    %add3A_263 = arith.addi %add3A_262, %convert_element_type3A_249 : vector<2048x16xi32>
    %mul3A_264 = arith.mulf %concatenate3A, %sub3A_112 : vector<2048x16xf32>
    %mul3A_265 = arith.mulf %mul3A_264, %sub3A_113 : vector<2048x16xf32>
    %convert_element_type3A_266 = arith.extui %and3A_240 : vector<2048x16xi1> to vector<2048x16xi32>
    %convert_element_type3A_267 = arith.sitofp %convert_element_type3A_266 : vector<2048x16xi32> to vector<2048x16xf32>
    %mul3A_268 = arith.mulf %mul3A_265, %convert_element_type3A_267 : vector<2048x16xf32>
    %add3A_269 = arith.constant 1.000000e+00 : f32
    %add3A_270 = vector.broadcast %add3A_269 : f32 to vector<2048x16xf32>
    %add3A_271 = arith.addf %floor3A, %add3A_270 : vector<2048x16xf32>
    %ge3A_272 = arith.constant 0.000000e+00 : f32
    %ge3A_273 = vector.broadcast %ge3A_272 : f32 to vector<2048x16xf32>
    %ge3A_274 = arith.cmpf oge, %add3A_271, %ge3A_273 : vector<2048x16xf32>
    %sub3A_275 = arith.constant 1.000000e+00 : f32
    %sub3A_276 = vector.broadcast %sub3A_275 : f32 to vector<1x16xf32>
    %sub3A_277 = arith.subf %concatenate3A_52, %sub3A_276 : vector<1x16xf32>
    %le3A_278 = vector.broadcast %sub3A_277 : vector<1x16xf32> to vector<2048x16xf32>
    %le3A_279 = arith.cmpf ole, %add3A_271, %le3A_278 : vector<2048x16xf32>
    %and3A_280 = arith.andi %ge3A_274, %le3A_279 : vector<2048x16xi1>
    %ge3A_281 = arith.constant 0.000000e+00 : f32
    %ge3A_282 = vector.broadcast %ge3A_281 : f32 to vector<2048x16xf32>
    %ge3A_283 = arith.cmpf oge, %add3A_218, %ge3A_282 : vector<2048x16xf32>
    %and3A_284 = arith.andi %and3A_280, %ge3A_283 : vector<2048x16xi1>
    %sub3A_285 = arith.constant 1.000000e+00 : f32
    %sub3A_286 = vector.broadcast %sub3A_285 : f32 to vector<1x16xf32>
    %sub3A_287 = arith.subf %concatenate3A_57, %sub3A_286 : vector<1x16xf32>
    %le3A_288 = vector.broadcast %sub3A_287 : vector<1x16xf32> to vector<2048x16xf32>
    %le3A_289 = arith.cmpf ole, %add3A_218, %le3A_288 : vector<2048x16xf32>
    %and3A_290 = arith.andi %and3A_284, %le3A_289 : vector<2048x16xi1>
    %sub3A_291 = arith.constant 1.000000e+00 : f32
    %sub3A_292 = vector.broadcast %sub3A_291 : f32 to vector<1x16xf32>
    %sub3A_293 = arith.subf %concatenate3A_52, %sub3A_292 : vector<1x16xf32>
    %jit3A_294 = arith.constant 0.000000e+00 : f32
    %max3A_295 = vector.broadcast %jit3A_294 : f32 to vector<2048x16xf32>
    %max3A_296 = arith.maximumf %max3A_295, %add3A_271 : vector<2048x16xf32>
    %min3A_297 = vector.broadcast %sub3A_293 : vector<1x16xf32> to vector<2048x16xf32>
    %min3A_298 = arith.minimumf %min3A_297, %max3A_296 : vector<2048x16xf32>
    %convert_element_type3A_299 = arith.fptosi %min3A_298 : vector<2048x16xf32> to vector<2048x16xi32>
    %sub3A_300 = arith.constant 1.000000e+00 : f32
    %sub3A_301 = vector.broadcast %sub3A_300 : f32 to vector<1x16xf32>
    %sub3A_302 = arith.subf %concatenate3A_57, %sub3A_301 : vector<1x16xf32>
    %jit3A_303 = arith.constant 0.000000e+00 : f32
    %max3A_304 = vector.broadcast %jit3A_303 : f32 to vector<2048x16xf32>
    %max3A_305 = arith.maximumf %max3A_304, %add3A_218 : vector<2048x16xf32>
    %min3A_306 = vector.broadcast %sub3A_302 : vector<1x16xf32> to vector<2048x16xf32>
    %min3A_307 = arith.minimumf %min3A_306, %max3A_305 : vector<2048x16xf32>
    %convert_element_type3A_308 = arith.fptosi %min3A_307 : vector<2048x16xf32> to vector<2048x16xi32>
    %mul3A_309 = vector.broadcast %convert_element_type3A : vector<1x16xi32> to vector<2048x16xi32>
    %mul3A_310 = arith.muli %convert_element_type3A_308, %mul3A_309 : vector<2048x16xi32>
    %add3A_311 = vector.broadcast %add3A_65 : vector<1x16xi32> to vector<2048x16xi32>
    %add3A_312 = arith.addi %add3A_311, %mul3A_310 : vector<2048x16xi32>
    %add3A_313 = arith.addi %add3A_312, %convert_element_type3A_299 : vector<2048x16xi32>
    %mul3A_314 = arith.mulf %concatenate3A, %sub3A_109 : vector<2048x16xf32>
    %mul3A_315 = arith.mulf %mul3A_314, %sub3A_113 : vector<2048x16xf32>
    %convert_element_type3A_316 = arith.extui %and3A_290 : vector<2048x16xi1> to vector<2048x16xi32>
    %convert_element_type3A_317 = arith.sitofp %convert_element_type3A_316 : vector<2048x16xi32> to vector<2048x16xf32>
    %mul3A_318 = arith.mulf %mul3A_315, %convert_element_type3A_317 : vector<2048x16xf32>
    %concatenate3A_319 = tpu.concatenate %add3A_160, %add3A_210, %add3A_263, %add3A_313 in 1 : vector<2048x16xi32>, vector<2048x16xi32>, vector<2048x16xi32>, vector<2048x16xi32> -> vector<2048x64xi32>
    %swap3A = arith.constant 0 : index
    %swap3A_320 = arith.constant 0 : index
    %swap3A_321 = vector.load %arg5[%swap3A, %swap3A_320] : memref<2048x64xi32, #tpu.memory_space<vmem>>, vector<2048x64xi32>
    tpu.vector_store %arg5[%swap3A, %swap3A_320], %concatenate3A_319 {strides = array<i32>} : memref<2048x64xi32, #tpu.memory_space<vmem>>, vector<2048x64xi32>,
    %concatenate3A_322 = tpu.concatenate %mul3A_165, %mul3A_215, %mul3A_268, %mul3A_318 in 1 : vector<2048x16xf32>, vector<2048x16xf32>, vector<2048x16xf32>, vector<2048x16xf32> -> vector<2048x64xf32>
    %swap3A_323 = arith.constant 0 : index
    %swap3A_324 = arith.constant 0 : index
    %swap3A_325 = vector.load %arg6[%swap3A_323, %swap3A_324] : memref<2048x64xf32, #tpu.memory_space<vmem>>, vector<2048x64xf32>
    tpu.vector_store %arg6[%swap3A_323, %swap3A_324], %concatenate3A_322 {strides = array<i32>} : memref<2048x64xf32, #tpu.memory_space<vmem>>, vector<2048x64xf32>,
    return
  }
  func.func @transform_0(%arg0: i32) -> (i32, i32) {
    %c0_i32 = arith.constant 0 : i32
    %c0_i32_0 = arith.constant 0 : i32
    return %arg0, %c0_i32 : i32, i32
  }
  func.func @transform_1(%arg0: i32) -> (i32, i32) {
    %c0_i32 = arith.constant 0 : i32
    %c0_i32_0 = arith.constant 0 : i32
    return %arg0, %c0_i32 : i32, i32
  }
  func.func @transform_2(%arg0: i32) -> (i32, i32) {
    %c0_i32 = arith.constant 0 : i32
    %c0_i32_0 = arith.constant 0 : i32
    %c0_i32_1 = arith.constant 0 : i32
    return %c0_i32, %c0_i32_0 : i32, i32
  }
  func.func @transform_3(%arg0: i32) -> (i32, i32) {
    %c0_i32 = arith.constant 0 : i32
    %c0_i32_0 = arith.constant 0 : i32
    %c0_i32_1 = arith.constant 0 : i32
    return %c0_i32, %c0_i32_0 : i32, i32
  }
  func.func @transform_4(%arg0: i32) -> (i32, i32) {
    %c0_i32 = arith.constant 0 : i32
    %c0_i32_0 = arith.constant 0 : i32
    return %arg0, %c0_i32 : i32, i32
  }
  func.func @transform_5(%arg0: i32) -> (i32, i32) {
    %c0_i32 = arith.constant 0 : i32
    %c0_i32_0 = arith.constant 0 : i32
    return %arg0, %c0_i32 : i32, i32
  }
}

module attributes {stable_mosaic.version = 14 : i64} {
  func.func @_proj_body(%arg0: i32, %arg1: memref<2048x512xf32, #tpu.memory_space<vmem>>, %arg2: memref<256x512xf32, #tpu.memory_space<vmem>>, %arg3: memref<1x256xf32, #tpu.memory_space<vmem>>, %arg4: memref<2048x256xf32, #tpu.memory_space<vmem>>) attributes {dimension_semantics = [#tpu.dimension_semantics<arbitrary>], iteration_bounds = array<i64: 4>, scalar_prefetch = 0 : i64, scratch_operands = 0 : i64, tpu.core_type = #tpu.core_type<tc>, window_params = [{transform_indices = @transform_0, window_bounds = array<i64: 2048, 512>}, {pipeline_mode = #tpu.pipeline_mode<synchronous>, transform_indices = @transform_1, window_bounds = array<i64: 256, 512>}, {pipeline_mode = #tpu.pipeline_mode<synchronous>, transform_indices = @transform_2, window_bounds = array<i64: 1, 256>}, {transform_indices = @transform_3, window_bounds = array<i64: 2048, 256>}]} {
    %get3A = arith.constant 0 : index
    %get3A_0 = arith.constant 0 : index
    %get3A_1 = vector.load %arg1[%get3A, %get3A_0] : memref<2048x512xf32, #tpu.memory_space<vmem>>, vector<2048x512xf32>
    %get3A_2 = arith.constant 0 : index
    %get3A_3 = arith.constant 0 : index
    %get3A_4 = vector.load %arg2[%get3A_2, %get3A_3] : memref<256x512xf32, #tpu.memory_space<vmem>>, vector<256x512xf32>
    %dot_general3A = arith.constant dense<0.000000e+00> : vector<2048x256xf32>
    %dot_general3A_5 = tpu.matmul %get3A_1, %get3A_4, %dot_general3A {dimension_numbers = #tpu.dot_dimension_numbers<[1], [1], [0], [0], [0, 0, 1, 0], [], []>, transpose_lhs_hint = false} : vector<2048x512xf32>, vector<256x512xf32>, vector<2048x256xf32> -> vector<2048x256xf32>
    %get3A_6 = arith.constant 0 : index
    %get3A_7 = arith.constant 0 : index
    %get3A_8 = vector.load %arg3[%get3A_6, %get3A_7] : memref<1x256xf32, #tpu.memory_space<vmem>>, vector<1x256xf32>
    %add3A = vector.broadcast %get3A_8 : vector<1x256xf32> to vector<2048x256xf32>
    %add3A_9 = arith.addf %dot_general3A_5, %add3A : vector<2048x256xf32>
    %swap3A = arith.constant 0 : index
    %swap3A_10 = arith.constant 0 : index
    %swap3A_11 = vector.load %arg4[%swap3A, %swap3A_10] : memref<2048x256xf32, #tpu.memory_space<vmem>>, vector<2048x256xf32>
    tpu.vector_store %arg4[%swap3A, %swap3A_10], %add3A_9 {strides = array<i32>} : memref<2048x256xf32, #tpu.memory_space<vmem>>, vector<2048x256xf32>,
    return
  }
  func.func @transform_0(%arg0: i32) -> (i32, i32) {
    %c0_i32 = arith.constant 0 : i32
    %c0_i32_0 = arith.constant 0 : i32
    return %arg0, %c0_i32 : i32, i32
  }
  func.func @transform_1(%arg0: i32) -> (i32, i32) {
    %c0_i32 = arith.constant 0 : i32
    %c0_i32_0 = arith.constant 0 : i32
    %c0_i32_1 = arith.constant 0 : i32
    return %c0_i32, %c0_i32_0 : i32, i32
  }
  func.func @transform_2(%arg0: i32) -> (i32, i32) {
    %c0_i32 = arith.constant 0 : i32
    %c0_i32_0 = arith.constant 0 : i32
    %c0_i32_1 = arith.constant 0 : i32
    return %c0_i32, %c0_i32_0 : i32, i32
  }
  func.func @transform_3(%arg0: i32) -> (i32, i32) {
    %c0_i32 = arith.constant 0 : i32
    %c0_i32_0 = arith.constant 0 : i32
    return %arg0, %c0_i32 : i32, i32
  }
}

</mosaic_0001>

<sc_bundles>
// kernel: kernel.5.cloned.1.call-start
scs
__scs_entry_jumppad:
0x0: {  	(pc) =	sbr.rel $0x88, $3  }
0x1: {  	(tag) =	ssettag $0x0;
	lr =	simm.s32 $0x1  }
0x2: {  	[smem:$0x3F98] =	sst lr;
	_ =	strace $0xD0000000  }
0x3: {  	_ = 	snop  }
0x4: {  	_ = 	snop  }
0x5: {  	_ = 	snop  }
0x6: {  	_ = 	snop  }
0x7: {  	_ = 	snop  }
__scs_overlays_trampoline_lowered:
0x8: {  	[smem:$0x3FA7] =	sst s0  }
0x9: {  	[smem:$0x3FA8] =	sst s1  }
0xa: {  	[smem:$0x3FA9] =	sst s2  }
0xb: {  	[smem:$0x3FAA] =	sst s3  }
0xc: {  	[smem:$0x3FAB] =	sst s4  }
0xd: {  	[smem:$0x3FAC] =	sst s5  }
0xe: {  	[smem:$0x3FAD] =	sst s6  }
0xf: {  	[smem:$0x3FAE] =	sst s7  }
0x10: {  	[smem:$0x3FAF] =	sst s8  }
0x11: {  	[smem:$0x3FB0] =	sst s9;
	s0 =	simm.s32 @!p0 $0x0  }
0x12: {  	s1 =	sld [smem:$0x3F96];
	s0 =	simm.s32 @p0 $0x1  }
0x13: {  	[smem:$0x3FB1] =	sst s0;
	s0 =	simm.s32 @!p1 $0x0  }
0x14: {  	s2 =	sld [smem:$0x3F95];
	s0 =	simm.s32 @p1 $0x1  }
0x15: {  	[smem:$0x3FB2] =	sst s0;
	s0 =	simm.s32 @!p2 $0x0  }
0x16: {  	s3 =	sld [smem:$0x3FDB];
	s0 =	simm.s32 @p2 $0x1  }
0x17: {  	s4 =	simm.s32 $0x1BF5;
	[smem:$0x3FB4] =	sst s0  }
0x18: {  	s0 =	sld [smem:$0x3F97];
	_ =	swait.ge [sflag:s4], $0x0  }
0x19: {  	s7 =	sld [smem:$0x3F98]  }
0x1a: {  	s8 =	sadd.s32 $0xFFFFE003, lr  }
0x1b: {  	s9 =	sadd.s32 $0xFFFFFEF7, lr;
	s5 =	simm.s32 $0xFFFFFFFF;
	p2 =	slt.u32 s8, $0xFFFFF086  }
0x1c: {  	p1 =	slt.u32 s9, $0xF7A;
	s5 =	simm.s32 @!p2 $0x0  }
0x1d: {  	s5 =	simm.s32 @p1 $0x1;
	p0 =	seq.s32 s7, s2  }
0x1e: {  	s7 =	smul.u32 @!p0 $0xF7A, s2;
	p2 =	seq.s32 @!p0 s5, $0x0  }
0x1f: {  	s9 =	smul.u32 $0xF7A, s1;
	s8 =	simm.s32 @!p0 $0x1BF5;
	p2 =	por !p2, p0  }
0x20: {  	[sflag:s8] =	ssyncset.s32 @!p0 $0xFFFFF086;
	s6 =	sadd.s32 @!p0 s3, s7;
	s7 =	simm.s32 @!p0 $0x108  }
0x21: {  	s3 =	sadd.s32 s3, s9;
	s6 =	sadd.s32 @!p0 $0x88, s6;
	s7 =	simm.s32 @p2 $0x1082  }
0x22: {  	[simem:s7], [sflag:s8] =	dma.local @!p0 [hbm:s6], $0xF7A  }
0x23: {  	s9 =	sor.u32 $0xD0000000, s2;
	s6 =	simm.s32 $0x108;
	_ =	swait.ge @!p0 [sflag:s8], $0x0  }
0x24: {  	s3 =	sadd.s32 $0x88, s3;
	s6 =	simm.s32 @!p1 $0x1082;
	[sflag:s4] =	ssyncset.s32 $0xFFFFF086  }
0x25: {  	[simem:s6], [sflag:s4] =	dma.local [hbm:s3], $0xF7A  }
0x26: {  	[smem:$0x3F98] =	sst s1;
	(tag) =	ssettag s2;
	_ =	strace s9  }
0x27: {  	s1 =	sld [smem:$0x3FA8]  }
0x28: {  	s2 =	sld [smem:$0x3FA9]  }
0x29: {  	s4 =	sld [smem:$0x3FAB]  }
0x2a: {  	p0 =	seq.s32 s5, $0x0;
	s5 =	sld [smem:$0x3FAC]  }
0x2b: {  	s6 =	sld [smem:$0x3FAD]  }
0x2c: {  	s7 =	sld [smem:$0x3FAE]  }
0x2d: {  	s3 =	simm.s32 $0x108;
	s8 =	sld [smem:$0x3FAF]  }
0x2e: {  	s3 =	simm.s32 @!p0 $0x1082;
	s9 =	sld [smem:$0x3FB0]  }
0x2f: {  	lr =	sadd.s32 s0, s3;
	s0 =	sld [smem:$0x3FA7]  }
0x30: {  	s3 =	sld [smem:$0x3FAA]  }
0x31: {  	[smem:$0x3FB3] =	sst s10  }
0x32: {  	s10 =	sld [smem:$0x3FB1];
	_ =	sdelay $0x3  }
0x33: {  	p0 =	seq.s32 s10, $0x1;
	s10 =	sld [smem:$0x3FB3];
	_ =	sdelay $0x3  }
0x34: {  	[smem:$0x3FB3] =	sst s10  }
0x35: {  	s10 =	sld [smem:$0x3FB2];
	_ =	sdelay $0x3  }
0x36: {  	p1 =	seq.s32 s10, $0x1;
	s10 =	sld [smem:$0x3FB3];
	_ =	sdelay $0x3  }
0x37: {  	[smem:$0x3FB3] =	sst s10  }
0x38: {  	s10 =	sld [smem:$0x3FB4]  }
0x39: {  	_ = 	snop;
	(pc) =	sbr.ind lr, $3  }
0x3a: {  	_ = 	snop  }
0x3b: {  	_ = 	snop  }
0x3c: {  	p2 =	seq.s32 s10, $0x1;
	s10 =	sld [smem:$0x3FB3]  }
0x3d: {  	_ =	shalt  }
0x3e: {  	_ =	shalt  }
0x3f: {  	_ =	shalt  }
0x40: {  	_ =	shalt  }
0x41: {  	_ =	shalt  }
0x42: {  	_ =	shalt  }
0x43: {  	_ =	shalt  }
0x44: {  	_ =	shalt  }
0x45: {  	_ =	shalt  }
0x46: {  	_ =	shalt  }
0x47: {  	_ =	shalt  }
0x48: {  	_ =	shalt  }
0x49: {  	_ =	shalt  }
0x4a: {  	_ =	shalt  }
0x4b: {  	_ =	shalt  }
0x4c: {  	_ =	shalt  }
0x4d: {  	_ =	shalt  }
0x4e: {  	_ =	shalt  }
0x4f: {  	_ =	shalt  }
0x50: {  	_ =	shalt  }
0x51: {  	_ =	shalt  }
0x52: {  	_ =	shalt  }
0x53: {  	_ =	shalt  }
0x54: {  	_ =	shalt  }
0x55: {  	_ =	shalt  }
0x56: {  	_ =	shalt  }
0x57: {  	_ =	shalt  }
0x58: {  	_ =	shalt  }
0x59: {  	_ =	shalt  }
0x5a: {  	_ =	shalt  }
0x5b: {  	_ =	shalt  }
0x5c: {  	_ =	shalt  }
0x5d: {  	_ =	shalt  }
0x5e: {  	_ =	shalt  }
0x5f: {  	_ =	shalt  }
0x60: {  	_ =	shalt  }
0x61: {  	_ =	shalt  }
0x62: {  	_ =	shalt  }
0x63: {  	_ =	shalt  }
0x64: {  	_ =	shalt  }
0x65: {  	_ =	shalt  }
0x66: {  	_ =	shalt  }
0x67: {  	_ =	shalt  }
0x68: {  	_ =	shalt  }
0x69: {  	_ =	shalt  }
0x6a: {  	_ =	shalt  }
0x6b: {  	_ =	shalt  }
0x6c: {  	_ =	shalt  }
0x6d: {  	_ =	shalt  }
0x6e: {  	_ =	shalt  }
0x6f: {  	_ =	shalt  }
0x70: {  	_ =	shalt  }
0x71: {  	_ =	shalt  }
0x72: {  	_ =	shalt  }
0x73: {  	_ =	shalt  }
0x74: {  	_ =	shalt  }
0x75: {  	_ =	shalt  }
0x76: {  	_ =	shalt  }
0x77: {  	_ =	shalt  }
0x78: {  	_ =	shalt  }
0x79: {  	_ =	shalt  }
0x7a: {  	_ =	shalt  }
0x7b: {  	_ =	shalt  }
0x7c: {  	_ =	shalt  }
0x7d: {  	_ =	shalt  }
0x7e: {  	_ =	shalt  }
0x7f: {  	_ =	shalt  }
0x80: {  	_ =	shalt  }
0x81: {  	_ =	shalt  }
0x82: {  	_ =	shalt  }
0x83: {  	_ =	shalt  }
0x84: {  	_ =	shalt  }
0x85: {  	_ =	shalt  }
0x86: {  	_ =	shalt  }
0x87: {  	_ =	shalt  }
.Lfunc_end0:
.L_simem_size_0:
called_computation_lowered:
.L_overlay_start_0:
0x88: {  	s2 =	sld [smem:$0x3FD9]  }
0x89: {  	s3 =	sld [smem:$0x3FFE];
	_ =	sdelay $0x1  }
0x8a: {  	s1 =	srdreg.scid  }
0x8b: {  	s0 =	sand.u32 $0x1, s1  }
0x8c: {  	s17 =	sshll.u32 s0, $0xA;
	s2 =	sadd.s32 s3, s2  }
0x8d: {  	s2 =	sadd.s32 s2, s17  }
0x8e: {  	[smem:$0x3FBF] =	sst s2  }
0x8f: {  	_ = 	snop  }
0x90: {  	s2 =	sld [smem:$0x3FC8]  }
0x91: {  	s18 =	sld [smem:$0x3FD0];
	(tm) =	ssettm $0x1  }
0x92: {  	s4 =	sld [smem:$0x3FFB];
	_ =	sdelay $0x3  }
0x93: {  	_ =	strace s4  }
0x94: {  	s4 =	sld [smem:$0x3FFC];
	_ =	sdelay $0x3  }
0x95: {  	_ =	strace s4  }
0x96: {  	s4 =	sld [smem:$0x3FFD];
	_ =	sdelay $0x3  }
0x97: {  	_ =	strace s4  }
0x98: {  	_ =	strace $0x8FFFFFFF  }
0x99: {  	s19 =	sld [smem:$0x3FDB];
	_ =	sdelay $0x1  }
0x9a: {  	s5 =	simm.s32 $_scs_section_size  }
0x9b: {  	s6 =	simm.s32 $_size__tile_overlayer_lowered;
	s7 =	simm.s32 $_tile_overlayer_lowered  }
0x9c: {  	s22 =	simm.s32 $0x1BFF;
	s21 =	sshll.u32 s7, $0x1;
	s4 =	sadd.s32 s5, s19  }
0x9d: {  	s8 =	simm.s32 $0x0;
	s20 =	sshll.u32 s6, $0x1;
	s6 =	sadd.s32 s21, s4  }
0x9e: {  	[timem:s8], [sflag:s22] =	dma.local [hbm:s6], s20  }
0x9f: {  	_ =	swait.ge [sflag:s22], s20  }
0xa0: {  	s5 =	ssub.s32 $0x0, s20;
	[sflag:s22] =	ssyncset.done $0x0  }
0xa1: {  	[sflag:s22] =	ssyncadd.s32 s5;
	_ =	sdelay $0x1  }
0xa2: {  	s23 =	simm.s32 $0x1B8B  }
0xa3: {  	_ =	swait.ge [sflag:s23], $0x1  }
0xa4: {  	[sflag:s23] =	ssyncset.done $0x0  }
0xa5: {  	s25 =	simm.s32 $0x1B8E;
	s24 =	sld [smem:$0x3FFE];
	[sflag:s23] =	ssyncadd.s32 $0xFFFFFFFF  }
0xa6: {  	s26 =	simm.s32 $execute0_lowered;
	[smem:$0x3FD2] =	sst s25  }
0xa7: {  	s6 =	sshll.u32 s26, $0x1;
	_ =	strace $0x80000046;
	[dreg:$0x1] =	wrdreg $0xFFFFFFFF  }
0xa8: {  	s28 =	simm.s32 $_size_execute0_lowered;
	s4 =	sadd.s32 s4, s6;
	[dreg:$0x0] =	wrdreg $0x0  }
0xa9: {  	s6 =	sshll.u32 s28, $0x1;
	[dreg:$0x2] =	wrdreg s4  }
0xaa: {  	[dreg:$0x3] =	wrdreg s6  }
0xab: {  	[dreg:$0x4] =	wrdreg $0xC0  }
0xac: {  	_ =	task [dreg:s8], $0x5FFFF  }
0xad: {  	[dreg:$0x1] =	wrdreg $0xFFFFFFFF  }
0xae: {  	[dreg:$0x0] =	wrdreg $0x60  }
0xaf: {  	[dreg:$0x2] =	wrdreg s2  }
0xb0: {  	[dreg:$0x3] =	wrdreg s18  }
0xb1: {  	[dreg:$0x4] =	wrdreg s24  }
0xb2: {  	[dreg:$0x5] =	wrdreg $0x9  }
0xb3: {  	_ =	task.clear_ibuf [dreg:s8], $0x6FFFF;
	_ =	strace $0x90000046  }
0xb4: {  	s29 =	simm.s32 $0x9;
	_ =	strace $0x80000048  }
0xb5: {  	_ =	swait.ge [sflag:s29], $0x1  }
0xb6: {  	[sflag:s29] =	ssyncadd.s32 $0xFFFFFFFF  }
0xb7: {  	_ =	strace $0x90000048  }
0xb8: {  	_ =	sfence  }
0xb9: {  	s30 =	sld [smem:$0x0];
	_ =	sdelay $0x2  }
0xba: {  	s31 =	sshll.u32 s1, $0xD;
	s1 =	sshrl.u32 s1, $0x2  }
0xbb: {  	s3 =	sand.u32 $0x4000, s31;
	s1 =	sadd.s32 s1, s30  }
0xbc: {  	s0 =	sor.u32 s3, s0;
	s1 =	sshll.u32 s1, $0x11  }
0xbd: {  	s0 =	sor.u32 s1, s0  }
0xbe: {  	s0 =	sadd.s32 $0x8F2B, s0  }
0xbf: {  	[sflag:s0] =	ssyncadd.remote.s32 $0x1  }
0xc0: {  	_ =	sfence.sel $0xFFFF  }
0xc1: {  	[dreg:$0x0] =	wrdreg $0xFFFFFFFF;
	(pc) =	sbr.abs _section_cstart, $3  }
0xc2: {  	[dreg:$0x1] =	wrdreg $0xFFFFFFFF  }
0xc3: {  	_ =	task.clear_ibuf [dreg:s8], $0x2FFFF;
	_ =	strace $0x9FFFFFFF  }
0xc4: {  	(tm) =	ssettm $0x7FFFFFFF  }
0xc5: {  	_ =	shalt  }
tec
execute0_lowered:
.L_overlay_start_1:
0x0: {  	(tag) =	ssettag $0x1  }
0x1: {  	s1 =	rddreg [dreg:$0x0]  }
0x2: {  	s0 =	rddreg [dreg:$0x1]  }
0x3: {  	s2 =	rddreg [dreg:$0x2]  }
0x4: {  	s4 =	srdreg.scid;
	s5 =	stileid.u32;
	s3 =	simm.s32 $0x0  }
0x5: {  	s10 =	simm.s32 $0x4000;
	s9 =	simm.s32 $0x14800;
	s11 =	simm.s32 $0x15000  }
0x6: {  	s12 =	simm.s32 $0x15800;
	s13 =	simm.s32 $0x16000;
	s14 =	simm.s32 $0x16800  }
0x7: {  	s15 =	simm.s32 $0x17000;
	s16 =	simm.s32 $0x17800;
	s17 =	simm.s32 $0x1  }
0x8: {  	s18 =	simm.s32 $0x100;
	s19 =	simm.s32 $0x400;
	s20 =	simm.s32 $0x18000  }
0x9: {  	s21 =	simm.s32 $0x2;
	s22 =	simm.s32 $0x4;
	s23 =	simm.s32 $0x18400  }
0xa: {  	s4 =	sand.u32 $0x1, s4;
	s5 =	sshll.u32 s5, $0x1;
	[smem:$0x7FF] =	sst s3  }
0xb: {  	s5 =	sor.u32 s4, s5;
	_ =	strace $0x80000047;
	s7 =	ssub.s32 $0x2, s4  }
0xc: {  	s4 =	sadd.s32 $0x11200, s2;
	s6 =	sshll.u32 s5, $0xB;
	s29 =	sshrl.u32 s7, $0x1  }
0xd: {  	s5 =	sshll.u32 s5, $0xE;
	s8 =	sadd.s32 s6, s2;
	s0 =	sadd.s32 s0, s6  }
0xe: {  	v2 =	vlaneseq.u32;
	s2 =	ssub.s32 s7, s29;
	[dreg:$0x4] =	wrdreg s0;
	s30 =	sadd.s32 $0x1200, s8  }
0xf: {  	vm0 =	vmmov $0xffff;
	v1 =	vshrl.u32 v2, $0x3;
	s7 =	simm.s32 $0x13800;
	s31 =	smax.u32 s2, $0x1;
	[dreg:$0x5] =	wrdreg s30  }
0x10: {  	v0 =	vand.u32 $0x7, v2;
	v2 =	vor.u32 $0x8, v2;
	v1 =	vmul.u32 $0x8, v1;
	s8 =	simm.s32 $0x14000;
	s2 =	simm.s32 $0x0;
	[dreg:$0x6] =	wrdreg s31  }
.LBB2_1:
0x11: {  	[dreg:$0x7] =	wrdreg s2  }
0x12: {  	s0 =	rddreg [dreg:$0x4];
	s31 =	simm.s32 $0x5  }
0x13: {  	[tilespmem:s3], [sflag:$0x5] =	stream.linear.gather [hbm4b:s0+s3], $0x4000, $0x38;
	[tilespmem:$0x18800] =	vst v63  }
0x14: {  	_ =	swait.ge [sflag:s31], $0x4000  }
0x15: {  	[sflag:s31] =	ssyncset.done $0x0  }
0x16: {  	s6 =	rddreg [dreg:$0x5];
	[sflag:s31] =	ssyncadd.s32 $0xFFFFC000  }
0x17: {  	[tilespmem:s10], [sflag:$0x5] =	stream.linear.gather [hbm4b:s6+s3], $0x4000, $0x38;
	[tilespmem:$0x18800] =	vst v63  }
0x18: {  	_ =	swait.ge [sflag:s31], $0x4000  }
0x19: {  	[sflag:s31] =	ssyncset.done $0x0  }
0x1a: {  	[sflag:s31] =	ssyncadd.s32 $0xFFFFC000  }
0x1b: {  	v3 =	vld [tilespmem:$0x0];
	_ =	sdelay $0x4  }
0x1c: {  	v4 =	vshll.u32 v3, $0x1  }
0x1d: {  	v3 =	vand.u32 $0x7, v3;
	v4 =	vand.u32 $0xFFFFFFF0, v4  }
0x1e: {  	v3 =	vor.u32 v3, v4  }
0x1f: {  	v4 =	vperm.xlane v3, v0;
	_ =	sdelay $0x1  }
0x20: {  	v3 =	vperm.xlane v3, v2;
	v4 =	vadd.s32 v1, v4;
	_ =	sdelay $0x1  }
0x21: {  	v3 =	vadd.s32 v1, v3;
	_ =	sdelay $0x1  }
0x22: {  	s24 =	simm.s32 $0x8000  }
0x23: {  	[tilespmem:s24], [sflag:$0x1] =	stream.indirect_vreg.gather [hbm4b:s1+s3], $0x80, v4, vm0, $0xb8;
	[tilespmem:$0x18800] =	vst v63  }
0x24: {  	s25 =	simm.s32 $0x8800  }
0x25: {  	[tilespmem:s25], [sflag:$0x1] =	stream.indirect_vreg.gather [hbm4b:s1+s3], $0x80, v3, vm0, $0xb8;
	[tilespmem:$0x18800] =	vst v63  }
0x26: {  	v3 =	vld [tilespmem:$0x10];
	_ =	sdelay $0x4  }
0x27: {  	v57 =	vshll.u32 v3, $0x1  }
0x28: {  	v3 =	vand.u32 $0x7, v3;
	v4 =	vand.u32 $0xFFFFFFF0, v57  }
0x29: {  	v3 =	vor.u32 v3, v4  }
0x2a: {  	v4 =	vperm.xlane v3, v0;
	_ =	sdelay $0x1  }
0x2b: {  	v3 =	vperm.xlane v3, v2;
	v4 =	vadd.s32 v1, v4;
	_ =	sdelay $0x1  }
0x2c: {  	v3 =	vadd.s32 v1, v3;
	_ =	sdelay $0x1  }
0x2d: {  	s26 =	simm.s32 $0x9000  }
0x2e: {  	[tilespmem:s26], [sflag:$0x1] =	stream.indirect_vreg.gather [hbm4b:s1+s3], $0x80, v4, vm0, $0xb8;
	[tilespmem:$0x18800] =	vst v63  }
0x2f: {  	s28 =	simm.s32 $0x9800  }
0x30: {  	[tilespmem:s28], [sflag:$0x1] =	stream.indirect_vreg.gather [hbm4b:s1+s3], $0x80, v3, vm0, $0xb8;
	[tilespmem:$0x18800] =	vst v63  }
0x31: {  	v3 =	vld [tilespmem:$0x20];
	_ =	sdelay $0x4  }
0x32: {  	v58 =	vshll.u32 v3, $0x1  }
0x33: {  	v3 =	vand.u32 $0x7, v3;
	v4 =	vand.u32 $0xFFFFFFF0, v58  }
0x34: {  	v3 =	vor.u32 v3, v4  }
0x35: {  	v4 =	vperm.xlane v3, v0;
	_ =	sdelay $0x1  }
0x36: {  	v3 =	vperm.xlane v3, v2;
	v4 =	vadd.s32 v1, v4;
	_ =	sdelay $0x1  }
0x37: {  	v3 =	vadd.s32 v1, v3;
	_ =	sdelay $0x1  }
0x38: {  	s29 =	simm.s32 $0xA000  }
0x39: {  	[tilespmem:s29], [sflag:$0x1] =	stream.indirect_vreg.gather [hbm4b:s1+s3], $0x80, v4, vm0, $0xb8;
	[tilespmem:$0x18800] =	vst v63  }
0x3a: {  	s30 =	simm.s32 $0xA800  }
0x3b: {  	[tilespmem:s30], [sflag:$0x1] =	stream.indirect_vreg.gather [hbm4b:s1+s3], $0x80, v3, vm0, $0xb8;
	[tilespmem:$0x18800] =	vst v63  }
0x3c: {  	v3 =	vld [tilespmem:$0x30];
	_ =	sdelay $0x4  }
0x3d: {  	v59 =	vshll.u32 v3, $0x1  }
0x3e: {  	v3 =	vand.u32 $0x7, v3;
	v4 =	vand.u32 $0xFFFFFFF0, v59  }
0x3f: {  	v3 =	vor.u32 v3, v4  }
0x40: {  	v4 =	vperm.xlane v3, v0;
	_ =	sdelay $0x1  }
0x41: {  	v3 =	vperm.xlane v3, v2;
	v4 =	vadd.s32 v1, v4;
	_ =	sdelay $0x1  }
0x42: {  	v3 =	vadd.s32 v1, v3;
	_ =	sdelay $0x1  }
0x43: {  	s31 =	simm.s32 $0xB000  }
0x44: {  	[tilespmem:s31], [sflag:$0x1] =	stream.indirect_vreg.gather [hbm4b:s1+s3], $0x80, v4, vm0, $0xb8;
	[tilespmem:$0x18800] =	vst v63  }
0x45: {  	s2 =	simm.s32 $0xB800  }
0x46: {  	[tilespmem:s2], [sflag:$0x1] =	stream.indirect_vreg.gather [hbm4b:s1+s3], $0x80, v3, vm0, $0xb8;
	[tilespmem:$0x18800] =	vst v63  }
0x47: {  	v3 =	vld [tilespmem:$0x40];
	_ =	sdelay $0x4  }
0x48: {  	v60 =	vshll.u32 v3, $0x1  }
0x49: {  	v3 =	vand.u32 $0x7, v3;
	v4 =	vand.u32 $0xFFFFFFF0, v60  }
0x4a: {  	v3 =	vor.u32 v3, v4  }
0x4b: {  	v4 =	vperm.xlane v3, v0;
	_ =	sdelay $0x1  }
0x4c: {  	v3 =	vperm.xlane v3, v2;
	v4 =	vadd.s32 v1, v4;
	_ =	sdelay $0x1  }
0x4d: {  	v3 =	vadd.s32 v1, v3;
	_ =	sdelay $0x1  }
0x4e: {  	s6 =	simm.s32 $0xC000  }
0x4f: {  	[tilespmem:s6], [sflag:$0x1] =	stream.indirect_vreg.gather [hbm4b:s1+s3], $0x80, v4, vm0, $0xb8;
	[tilespmem:$0x18800] =	vst v63  }
0x50: {  	s24 =	simm.s32 $0xC800  }
0x51: {  	[tilespmem:s24], [sflag:$0x1] =	stream.indirect_vreg.gather [hbm4b:s1+s3], $0x80, v3, vm0, $0xb8;
	[tilespmem:$0x18800] =	vst v63  }
0x52: {  	v3 =	vld [tilespmem:$0x50];
	_ =	sdelay $0x4  }
0x53: {  	v61 =	vshll.u32 v3, $0x1  }
0x54: {  	v3 =	vand.u32 $0x7, v3;
	v4 =	vand.u32 $0xFFFFFFF0, v61  }
0x55: {  	v3 =	vor.u32 v3, v4  }
0x56: {  	v4 =	vperm.xlane v3, v0;
	_ =	sdelay $0x1  }
0x57: {  	v3 =	vperm.xlane v3, v2;
	v4 =	vadd.s32 v1, v4;
	_ =	sdelay $0x1  }
0x58: {  	v3 =	vadd.s32 v1, v3;
	_ =	sdelay $0x1  }
0x59: {  	s25 =	simm.s32 $0xD000  }
0x5a: {  	[tilespmem:s25], [sflag:$0x1] =	stream.indirect_vreg.gather [hbm4b:s1+s3], $0x80, v4, vm0, $0xb8;
	[tilespmem:$0x18800] =	vst v63  }
0x5b: {  	s26 =	simm.s32 $0xD800  }
0x5c: {  	[tilespmem:s26], [sflag:$0x1] =	stream.indirect_vreg.gather [hbm4b:s1+s3], $0x80, v3, vm0, $0xb8;
	[tilespmem:$0x18800] =	vst v63  }
0x5d: {  	v3 =	vld [tilespmem:$0x60];
	_ =	sdelay $0x4  }
0x5e: {  	v62 =	vshll.u32 v3, $0x1  }
0x5f: {  	v3 =	vand.u32 $0x7, v3;
	v4 =	vand.u32 $0xFFFFFFF0, v62  }
0x60: {  	v3 =	vor.u32 v3, v4  }
0x61: {  	v4 =	vperm.xlane v3, v0;
	_ =	sdelay $0x1  }
0x62: {  	v3 =	vperm.xlane v3, v2;
	v4 =	vadd.s32 v1, v4;
	_ =	sdelay $0x1  }
0x63: {  	v3 =	vadd.s32 v1, v3;
	_ =	sdelay $0x1  }
0x64: {  	s28 =	simm.s32 $0xE000  }
0x65: {  	[tilespmem:s28], [sflag:$0x1] =	stream.indirect_vreg.gather [hbm4b:s1+s3], $0x80, v4, vm0, $0xb8;
	[tilespmem:$0x18800] =	vst v63  }
0x66: {  	s29 =	simm.s32 $0xE800  }
0x67: {  	[tilespmem:s29], [sflag:$0x1] =	stream.indirect_vreg.gather [hbm4b:s1+s3], $0x80, v3, vm0, $0xb8;
	[tilespmem:$0x18800] =	vst v63  }
0x68: {  	v3 =	vld [tilespmem:$0x70];
	_ =	sdelay $0x4  }
0x69: {  	v63 =	vshll.u32 v3, $0x1  }
0x6a: {  	v3 =	vand.u32 $0x7, v3;
	v4 =	vand.u32 $0xFFFFFFF0, v63  }
0x6b: {  	v3 =	vor.u32 v3, v4  }
0x6c: {  	v4 =	vperm.xlane v3, v0;
	_ =	sdelay $0x1  }
0x6d: {  	v3 =	vperm.xlane v3, v2;
	v4 =	vadd.s32 v1, v4;
	_ =	sdelay $0x1  }
0x6e: {  	v3 =	vadd.s32 v1, v3;
	_ =	sdelay $0x1  }
0x6f: {  	s30 =	simm.s32 $0xF000  }
0x70: {  	[tilespmem:s30], [sflag:$0x1] =	stream.indirect_vreg.gather [hbm4b:s1+s3], $0x80, v4, vm0, $0xb8;
	[tilespmem:$0x18800] =	vst v63  }
0x71: {  	s31 =	simm.s32 $0xF800;
	s24 =	simm.s32 $0x0  }
0x72: {  	[tilespmem:s31], [sflag:$0x1] =	stream.indirect_vreg.gather [hbm4b:s1+s3], $0x80, v3, vm0, $0xb8;
	[tilespmem:$0x18800] =	vst v63  }
.LBB2_2:
0x73: {  	s25 =	sshllo.u32 s24, $0x1  }
0x74: {  	s26 =	sshll.u32 s25, $0x7  }
0x75: {  	s0 =	sand.u32 $0x3FFFFF80, s26  }
0x76: {  	v3 =	vld [tilespmem:s0+$0x0];
	_ =	sdelay $0x4  }
0x77: {  	v4 =	vshll.u32 v3, $0x1  }
0x78: {  	v3 =	vand.u32 $0x7, v3;
	v4 =	vand.u32 $0xFFFFFFF0, v4  }
0x79: {  	v3 =	vor.u32 v3, v4  }
0x7a: {  	v4 =	vperm.xlane v3, v0;
	_ =	sdelay $0x1  }
0x7b: {  	v3 =	vperm.xlane v3, v2;
	v4 =	vadd.s32 v1, v4;
	_ =	sdelay $0x1  }
0x7c: {  	v3 =	vadd.s32 v1, v3;
	_ =	sdelay $0x1  }
0x7d: {  	s2 =	simm.s32 $0x10000  }
0x7e: {  	[tilespmem:s2], [sflag:$0x2] =	stream.indirect_vreg.gather [hbm4b:s1+s3], $0x80, v4, vm0, $0xb8;
	[tilespmem:$0x18800] =	vst v63  }
0x7f: {  	s6 =	simm.s32 $0x10800  }
0x80: {  	[tilespmem:s6], [sflag:$0x2] =	stream.indirect_vreg.gather [hbm4b:s1+s3], $0x80, v3, vm0, $0xb8;
	[tilespmem:$0x18800] =	vst v63  }
0x81: {  	v3 =	vld [tilespmem:s0+$0x10];
	_ =	sdelay $0x4  }
0x82: {  	v4 =	vshll.u32 v3, $0x1  }
0x83: {  	v3 =	vand.u32 $0x7, v3;
	v4 =	vand.u32 $0xFFFFFFF0, v4  }
0x84: {  	v3 =	vor.u32 v3, v4  }
0x85: {  	v4 =	vperm.xlane v3, v0;
	_ =	sdelay $0x1  }
0x86: {  	v3 =	vperm.xlane v3, v2;
	v4 =	vadd.s32 v1, v4;
	_ =	sdelay $0x1  }
0x87: {  	v3 =	vadd.s32 v1, v3;
	_ =	sdelay $0x1  }
0x88: {  	s31 =	simm.s32 $0x11000  }
0x89: {  	[tilespmem:s31], [sflag:$0x2] =	stream.indirect_vreg.gather [hbm4b:s1+s3], $0x80, v4, vm0, $0xb8;
	[tilespmem:$0x18800] =	vst v63  }
0x8a: {  	s6 =	simm.s32 $0x11800  }
0x8b: {  	[tilespmem:s6], [sflag:$0x2] =	stream.indirect_vreg.gather [hbm4b:s1+s3], $0x80, v3, vm0, $0xb8;
	[tilespmem:$0x18800] =	vst v63  }
0x8c: {  	v3 =	vld [tilespmem:s0+$0x20];
	_ =	sdelay $0x4  }
0x8d: {  	v4 =	vshll.u32 v3, $0x1  }
0x8e: {  	v3 =	vand.u32 $0x7, v3;
	v4 =	vand.u32 $0xFFFFFFF0, v4  }
0x8f: {  	v3 =	vor.u32 v3, v4  }
0x90: {  	v4 =	vperm.xlane v3, v0;
	_ =	sdelay $0x1  }
0x91: {  	v3 =	vperm.xlane v3, v2;
	v4 =	vadd.s32 v1, v4;
	_ =	sdelay $0x1  }
0x92: {  	v3 =	vadd.s32 v1, v3;
	_ =	sdelay $0x1  }
0x93: {  	s31 =	simm.s32 $0x12000  }
0x94: {  	[tilespmem:s31], [sflag:$0x2] =	stream.indirect_vreg.gather [hbm4b:s1+s3], $0x80, v4, vm0, $0xb8;
	[tilespmem:$0x18800] =	vst v63  }
0x95: {  	s6 =	simm.s32 $0x12800  }
0x96: {  	[tilespmem:s6], [sflag:$0x2] =	stream.indirect_vreg.gather [hbm4b:s1+s3], $0x80, v3, vm0, $0xb8;
	[tilespmem:$0x18800] =	vst v63  }
0x97: {  	v3 =	vld [tilespmem:s0+$0x30];
	_ =	sdelay $0x4  }
0x98: {  	v4 =	vshll.u32 v3, $0x1  }
0x99: {  	v3 =	vand.u32 $0x7, v3;
	v4 =	vand.u32 $0xFFFFFFF0, v4  }
0x9a: {  	v3 =	vor.u32 v3, v4  }
0x9b: {  	v4 =	vperm.xlane v3, v0;
	_ =	sdelay $0x1  }
0x9c: {  	v3 =	vperm.xlane v3, v2;
	v4 =	vadd.s32 v1, v4;
	_ =	sdelay $0x1  }
0x9d: {  	v3 =	vadd.s32 v1, v3;
	_ =	sdelay $0x1  }
0x9e: {  	s31 =	simm.s32 $0x13000  }
0x9f: {  	[tilespmem:s31], [sflag:$0x2] =	stream.indirect_vreg.gather [hbm4b:s1+s3], $0x80, v4, vm0, $0xb8;
	[tilespmem:$0x18800] =	vst v63  }
0xa0: {  	_ = 	snop  }
0xa1: {  	[tilespmem:s7], [sflag:$0x2] =	stream.indirect_vreg.gather [hbm4b:s1+s3], $0x80, v3, vm0, $0xb8;
	[tilespmem:$0x18800] =	vst v63  }
0xa2: {  	v3 =	vld [tilespmem:s0+$0x40];
	_ =	sdelay $0x4  }
0xa3: {  	v4 =	vshll.u32 v3, $0x1  }
0xa4: {  	v3 =	vand.u32 $0x7, v3;
	v4 =	vand.u32 $0xFFFFFFF0, v4  }
0xa5: {  	v3 =	vor.u32 v3, v4  }
0xa6: {  	v4 =	vperm.xlane v3, v0;
	_ =	sdelay $0x1  }
0xa7: {  	v3 =	vperm.xlane v3, v2;
	v4 =	vadd.s32 v1, v4;
	_ =	sdelay $0x1  }
0xa8: {  	v3 =	vadd.s32 v1, v3;
	_ =	sdelay $0x2  }
0xa9: {  	[tilespmem:s8], [sflag:$0x2] =	stream.indirect_vreg.gather [hbm4b:s1+s3], $0x80, v4, vm0, $0xb8;
	[tilespmem:$0x18800] =	vst v63  }
0xaa: {  	_ = 	snop  }
0xab: {  	[tilespmem:s9], [sflag:$0x2] =	stream.indirect_vreg.gather [hbm4b:s1+s3], $0x80, v3, vm0, $0xb8;
	[tilespmem:$0x18800] =	vst v63  }
0xac: {  	v3 =	vld [tilespmem:s0+$0x50];
	_ =	sdelay $0x4  }
0xad: {  	v4 =	vshll.u32 v3, $0x1  }
0xae: {  	v3 =	vand.u32 $0x7, v3;
	v4 =	vand.u32 $0xFFFFFFF0, v4  }
0xaf: {  	v3 =	vor.u32 v3, v4  }
0xb0: {  	v4 =	vperm.xlane v3, v0;
	_ =	sdelay $0x1  }
0xb1: {  	v3 =	vperm.xlane v3, v2;
	v4 =	vadd.s32 v1, v4;
	_ =	sdelay $0x1  }
0xb2: {  	v3 =	vadd.s32 v1, v3;
	_ =	sdelay $0x2  }
0xb3: {  	[tilespmem:s11], [sflag:$0x2] =	stream.indirect_vreg.gather [hbm4b:s1+s3], $0x80, v4, vm0, $0xb8;
	[tilespmem:$0x18800] =	vst v63  }
0xb4: {  	_ = 	snop  }
0xb5: {  	[tilespmem:s12], [sflag:$0x2] =	stream.indirect_vreg.gather [hbm4b:s1+s3], $0x80, v3, vm0, $0xb8;
	[tilespmem:$0x18800] =	vst v63  }
0xb6: {  	v3 =	vld [tilespmem:s0+$0x60];
	_ =	sdelay $0x4  }
0xb7: {  	v4 =	vshll.u32 v3, $0x1  }
0xb8: {  	v3 =	vand.u32 $0x7, v3;
	v4 =	vand.u32 $0xFFFFFFF0, v4  }
0xb9: {  	v3 =	vor.u32 v3, v4  }
0xba: {  	v4 =	vperm.xlane v3, v0;
	_ =	sdelay $0x1  }
0xbb: {  	v3 =	vperm.xlane v3, v2;
	v4 =	vadd.s32 v1, v4;
	_ =	sdelay $0x1  }
0xbc: {  	v3 =	vadd.s32 v1, v3;
	_ =	sdelay $0x2  }
0xbd: {  	[tilespmem:s13], [sflag:$0x2] =	stream.indirect_vreg.gather [hbm4b:s1+s3], $0x80, v4, vm0, $0xb8;
	[tilespmem:$0x18800] =	vst v63  }
0xbe: {  	_ = 	snop  }
0xbf: {  	[tilespmem:s14], [sflag:$0x2] =	stream.indirect_vreg.gather [hbm4b:s1+s3], $0x80, v3, vm0, $0xb8;
	[tilespmem:$0x18800] =	vst v63  }
0xc0: {  	v3 =	vld [tilespmem:s0+$0x70];
	_ =	sdelay $0x4  }
0xc1: {  	v4 =	vshll.u32 v3, $0x1  }
0xc2: {  	v3 =	vand.u32 $0x7, v3;
	v4 =	vand.u32 $0xFFFFFFF0, v4  }
0xc3: {  	v3 =	vor.u32 v3, v4  }
0xc4: {  	v4 =	vperm.xlane v3, v0;
	_ =	sdelay $0x1  }
0xc5: {  	v3 =	vperm.xlane v3, v2;
	v4 =	vadd.s32 v1, v4  }
0xc6: {  	s2 =	simm.s32 $0x0  }
0xc7: {  	s29 =	sshll.u32 s24, $0x8;
	s6 =	simm.s32 $0x0;
	s0 =	sand.u32 $0xFFFFFFF0, s2;
	v3 =	vadd.s32 v1, v3  }
0xc8: {  	s2 =	sand.u32 $0x7, s6;
	s0 =	sadd.s32 s29, s0  }
0xc9: {  	s0 =	sor.u32 s2, s0  }
0xca: {  	[tilespmem:s15], [sflag:$0x2] =	stream.indirect_vreg.gather [hbm4b:s1+s3], $0x80, v4, vm0, $0xb8;
	[tilespmem:$0x18800] =	vst v63  }
0xcb: {  	v4 =	vmov s0  }
0xcc: {  	[tilespmem:s16], [sflag:$0x2] =	stream.indirect_vreg.gather [hbm4b:s1+s3], $0x80, v3, vm0, $0xb8;
	v3 =	vand.u32 $0xFFFFFFF7, v4;
	[tilespmem:$0x18800] =	vst v63  }
0xcd: {  	_ =	swait.ge [sflag:s17], $0x8000;
	v3 =	vbroadcast v3, $0x0  }
0xce: {  	p0 =	seq.s32 s24, $0x0;
	[sflag:s17] =	ssyncset.done $0x0  }
0xcf: {  	s0 =	simm.s32 @!p0 $0x3;
	[sflag:s17] =	ssyncadd.s32 $0xFFFF8000  }
0xd0: {  	_ =	swait.ge @!p0 [sflag:s0], $0x400  }
0xd1: {  	s28 =	simm.s32 $0x0;
	[sflag:s0] =	ssyncset.done @!p0 $0x0  }
0xd2: {  	s31 =	sand.u32 $0x3FFFF000, s28;
	s2 =	sshll.u32 s2, $0x7;
	[sflag:s0] =	ssyncadd.s32 @!p0 $0xFFFFFC00  }
0xd3: {  	s0 =	sor.u32 s2, s31;
	v3 =	vld.idx.msk [tilespmem:v3+s10+$0x0], $0xffff  }
0xd4: {  	v4 =	vld [tilespmem:s0+$0x8470]  }
0xd5: {  	v5 =	vld [tilespmem:s0+$0x8000]  }
0xd6: {  	v6 =	vld [tilespmem:s0+$0x8010]  }
0xd7: {  	v8 =	vld [tilespmem:s0+$0x8020]  }
0xd8: {  	v9 =	vld [tilespmem:s0+$0x8030]  }
0xd9: {  	s6 =	simm.s32 $0x2;
	v10 =	vld [tilespmem:s0+$0x8040]  }
0xda: {  	s28 =	simm.s32 $0x1;
	s2 =	sand.u32 $0xFFFFFFF0, s6;
	v13 =	vld [tilespmem:s0+$0x8050]  }
0xdb: {  	s28 =	sand.u32 $0x7, s28;
	s2 =	sadd.s32 s29, s2;
	v15 =	vld [tilespmem:s0+$0x8060]  }
0xdc: {  	v24 =	vld [tilespmem:s0+$0x8450];
	s2 =	sor.u32 s28, s2  }
0xdd: {  	v16 =	vld [tilespmem:s0+$0x8070];
	v7 =	vmov s2  }
0xde: {  	v17 =	vld [tilespmem:s0+$0x8400];
	v7 =	vand.u32 $0xFFFFFFF7, v7;
	v4 =	vmul.f32 v4, v3  }
0xdf: {  	v20 =	vld [tilespmem:s0+$0x8410];
	v19 =	vbroadcast v7, $0x0;
	v7 =	vimm.f32 $0.0e+00;
	v5 =	vmul.f32 v5, v3  }
0xe0: {  	v22 =	vld [tilespmem:s0+$0x8420];
	v6 =	vmul.f32 v6, v3;
	v11 =	vadd.f32 v4, v7;
	v4 =	vmul.f32 v8, v3  }
0xe1: {  	s31 =	simm.s32 $0x200;
	v23 =	vld [tilespmem:s0+$0x8430];
	v27 =	vmul.f32 v24, v3;
	v14 =	vadd.f32 v5, v7;
	v5 =	vmul.f32 v9, v3  }
0xe2: {  	s28 =	sshll.u32 s28, $0x7;
	s2 =	sand.u32 $0x3FFFF000, s31;
	v12 =	vadd.f32 v6, v7;
	v6 =	vld [tilespmem:s0+$0x8440];
	v8 =	vadd.f32 v4, v7;
	v4 =	vmul.f32 v10, v3  }
0xe3: {  	v25 =	vld [tilespmem:s0+$0x8460];
	s28 =	sor.u32 s28, s2;
	v9 =	vmul.f32 v13, v3;
	v13 =	vadd.f32 v5, v7;
	v5 =	vmul.f32 v15, v3  }
0xe4: {  	v21 =	vld [tilespmem:s28+$0x8470];
	v10 =	vmul.f32 v16, v3;
	v18 =	vadd.f32 v4, v7;
	v4 =	vmul.f32 v17, v3  }
0xe5: {  	v15 =	vadd.f32 v9, v7;
	v17 =	vld.idx.msk [tilespmem:v19+s10+$0x0], $0xffff;
	v19 =	vadd.f32 v5, v7;
	v5 =	vmul.f32 v20, v3  }
0xe6: {  	v20 =	vmul.f32 v23, v3;
	v9 =	vadd.f32 v4, v7;
	v4 =	vmul.f32 v22, v3;
	v22 =	vld [tilespmem:s28+$0x8000]  }
0xe7: {  	v16 =	vadd.f32 v10, v7;
	v23 =	vld [tilespmem:s28+$0x8010];
	v26 =	vmul.f32 v6, v3;
	v10 =	vadd.f32 v5, v7  }
0xe8: {  	v25 =	vmul.f32 v25, v3;
	v5 =	vadd.f32 v20, v7;
	v20 =	vld [tilespmem:s28+$0x8020];
	v3 =	vadd.f32 v27, v7  }
0xe9: {  	s30 =	simm.s32 $0x2;
	s2 =	simm.s32 $0x4;
	v24 =	vld [tilespmem:s28+$0x8030];
	s0 =	simm.s32 $0x3;
	v6 =	vadd.f32 v4, v7;
	v4 =	vadd.f32 v26, v7  }
.LBB2_3:
0xea: {  	p1 =	sne.s32 s0, $0x1F;
	s2 =	sand.u32 $0xFFFFFFF0, s2;
	v26 =	vld [tilespmem:s28+$0x8040];
	v21 =	vmul.f32 v21, v17;
	v7 =	vadd.f32 v25, v7;
	v25 =	vmov v17  }
0xeb: {  	s31 =	sand.u32 $0x7, s30;
	s2 =	sadd.s32 s29, s2;
	v17 =	vmul.f32 v22, v25;
	v22 =	vld [tilespmem:s28+$0x8050]  }
0xec: {  	s2 =	sor.u32 s31, s2;
	v23 =	vmul.f32 v23, v25;
	v27 =	vld [tilespmem:s28+$0x8060];
	v11 =	vadd.f32 v21, v11  }
0xed: {  	v21 =	vmov s2;
	v14 =	vadd.f32 v17, v14;
	v17 =	vmul.f32 v20, v25;
	v20 =	vld [tilespmem:s28+$0x8070]  }
0xee: {  	v21 =	vand.u32 $0xFFFFFFF7, v21;
	v12 =	vadd.f32 v23, v12;
	v23 =	vmul.f32 v24, v25;
	v24 =	vld [tilespmem:s28+$0x8400]  }
0xef: {  	v21 =	vbroadcast v21, $0x0;
	v8 =	vadd.f32 v17, v8;
	v17 =	vmul.f32 v26, v25;
	v26 =	vld [tilespmem:s28+$0x8410]  }
0xf0: {  	v13 =	vadd.f32 v23, v13;
	v22 =	vmul.f32 v22, v25;
	v23 =	vld [tilespmem:s28+$0x8420]  }
0xf1: {  	v18 =	vadd.f32 v17, v18;
	v17 =	vmul.f32 v27, v25;
	v27 =	vld [tilespmem:s28+$0x8430]  }
0xf2: {  	v15 =	vadd.f32 v22, v15;
	v20 =	vmul.f32 v20, v25;
	v28 =	vld [tilespmem:s28+$0x8440]  }
0xf3: {  	s2 =	sshll.u32 s30, $0x9;
	s30 =	smov.u32 s0;
	v19 =	vadd.f32 v17, v19;
	v22 =	vmul.f32 v24, v25;
	v24 =	vld [tilespmem:s28+$0x8450]  }
0xf4: {  	s31 =	sshll.u32 s31, $0x7;
	s2 =	sand.u32 $0x3FFFF000, s2;
	v16 =	vadd.f32 v20, v16;
	v20 =	vmul.f32 v26, v25;
	v26 =	vld [tilespmem:s28+$0x8460]  }
0xf5: {  	s28 =	sor.u32 s31, s2;
	v17 =	vld.idx.msk [tilespmem:v21+s10+$0x0], $0xffff;
	v9 =	vadd.f32 v22, v9;
	v23 =	vmul.f32 v23, v25  }
.Ltmp0:
0xf6: {  	v21 =	vld [tilespmem:s28+$0x8470];
	v10 =	vadd.f32 v20, v10;
	v20 =	vmul.f32 v27, v25;
	(pc) =	sbr.rel @p1 .LBB2_3-.Ltmp0, $4  }
0xf7: {  	v22 =	vld [tilespmem:s28+$0x8000];
	v6 =	vadd.f32 v23, v6;
	v27 =	vmul.f32 v28, v25  }
0xf8: {  	v23 =	vld [tilespmem:s28+$0x8010];
	v5 =	vadd.f32 v20, v5;
	v28 =	vmul.f32 v24, v25  }
0xf9: {  	v20 =	vld [tilespmem:s28+$0x8020];
	v4 =	vadd.f32 v27, v4;
	v25 =	vmul.f32 v26, v25  }
0xfa: {  	s0 =	sadd.s32 $0x1, s0;
	s2 =	sshll.u32 s30, $0x1;
	v24 =	vld [tilespmem:s28+$0x8030];
	v3 =	vadd.f32 v28, v3  }
0xfb: {  	v26 =	vld [tilespmem:s28+$0x8040]  }
0xfc: {  	v27 =	vld [tilespmem:s28+$0x8050]  }
0xfd: {  	v28 =	vld [tilespmem:s28+$0x8060]  }
0xfe: {  	v30 =	vld [tilespmem:s28+$0x8070]  }
0xff: {  	v31 =	vld [tilespmem:s28+$0x8400]  }
0x100: {  	v32 =	vld [tilespmem:s28+$0x8410]  }
0x101: {  	s0 =	sand.u32 $0xFFFFFFF0, s2;
	v33 =	vld [tilespmem:s28+$0x8420]  }
0x102: {  	s2 =	sand.u32 $0x7, s30;
	v34 =	vld [tilespmem:s28+$0x8430];
	s0 =	sadd.s32 s29, s0  }
0x103: {  	v35 =	vld [tilespmem:s28+$0x8440];
	s6 =	sshll.u32 s30, $0x9;
	s0 =	sor.u32 s2, s0  }
0x104: {  	v36 =	vld [tilespmem:s28+$0x8450];
	s2 =	sshll.u32 s2, $0x7;
	v29 =	vmov s0;
	s0 =	sand.u32 $0x3FFFF000, s6  }
0x105: {  	v37 =	vld [tilespmem:s28+$0x8460];
	s0 =	sor.u32 s2, s0  }
0x106: {  	v29 =	vand.u32 $0xFFFFFFF7, v29;
	v38 =	vld [tilespmem:s0+$0x8470]  }
0x107: {  	v29 =	vbroadcast v29, $0x0;
	v39 =	vld [tilespmem:s0+$0x8000]  }
0x108: {  	v40 =	vld [tilespmem:s0+$0x8010]  }
0x109: {  	v41 =	vld [tilespmem:s0+$0x8020]  }
0x10a: {  	v42 =	vld [tilespmem:s0+$0x8030]  }
0x10b: {  	v43 =	vld [tilespmem:s0+$0x8040]  }
0x10c: {  	v21 =	vmul.f32 v21, v17;
	v22 =	vmul.f32 v22, v17;
	v44 =	vld [tilespmem:s0+$0x8050]  }
0x10d: {  	v7 =	vadd.f32 v25, v7;
	v23 =	vmul.f32 v23, v17;
	v29 =	vld.idx.msk [tilespmem:v29+s10+$0x0], $0xffff  }
0x10e: {  	v11 =	vadd.f32 v21, v11;
	v14 =	vadd.f32 v22, v14;
	v20 =	vmul.f32 v20, v17;
	v25 =	vld [tilespmem:s0+$0x8060]  }
0x10f: {  	v12 =	vadd.f32 v23, v12;
	v22 =	vmul.f32 v24, v17;
	v21 =	vld [tilespmem:s0+$0x8070];
	v23 =	vmul.f32 v26, v17  }
0x110: {  	v24 =	vld [tilespmem:s0+$0x8400];
	v8 =	vadd.f32 v20, v8;
	v20 =	vmul.f32 v27, v17;
	v26 =	vmul.f32 v28, v17  }
0x111: {  	v27 =	vld [tilespmem:s0+$0x8410];
	v59 =	vmul.f32 v31, v17;
	v13 =	vadd.f32 v22, v13;
	v22 =	vmul.f32 v30, v17  }
0x112: {  	v60 =	vld [tilespmem:s0+$0x8440];
	v61 =	vmul.f32 v32, v17;
	v15 =	vadd.f32 v20, v15;
	v20 =	vmul.f32 v39, v29  }
0x113: {  	v62 =	vld [tilespmem:s0+$0x8450];
	v18 =	vadd.f32 v23, v18;
	v16 =	vadd.f32 v22, v16;
	v22 =	vmul.f32 v40, v29  }
0x114: {  	v63 =	vld [tilespmem:s0+$0x8460];
	v19 =	vadd.f32 v26, v19;
	v14 =	vadd.f32 v20, v14;
	v20 =	vmul.f32 v41, v29  }
0x115: {  	v23 =	vld [tilespmem:s0+$0x8420];
	v9 =	vadd.f32 v59, v9;
	v12 =	vadd.f32 v22, v12;
	v22 =	vmul.f32 v42, v29  }
0x116: {  	v26 =	vld [tilespmem:s0+$0x8430];
	v10 =	vadd.f32 v61, v10;
	v8 =	vadd.f32 v20, v8;
	[tilespmem:$0x18000] =	vst v14;
	v14 =	vmul.f32 v43, v29  }
0x117: {  	v13 =	vadd.f32 v22, v13;
	[tilespmem:$0x18010] =	vst v12;
	v12 =	vmul.f32 v33, v17;
	v20 =	vmul.f32 v44, v29  }
0x118: {  	v14 =	vadd.f32 v14, v18;
	[tilespmem:$0x18020] =	vst v8;
	v8 =	vmul.f32 v34, v17;
	v18 =	vmul.f32 v25, v29  }
0x119: {  	v6 =	vadd.f32 v12, v6;
	v12 =	vadd.f32 v20, v15;
	[tilespmem:$0x18030] =	vst v13;
	v13 =	vmul.f32 v21, v29  }
0x11a: {  	v5 =	vadd.f32 v8, v5;
	v8 =	vadd.f32 v18, v19;
	[tilespmem:$0x18040] =	vst v14;
	v14 =	vmul.f32 v24, v29  }
0x11b: {  	v15 =	vmul.f32 v35, v17;
	v13 =	vadd.f32 v13, v16;
	v16 =	vmul.f32 v27, v29;
	[tilespmem:$0x18050] =	vst v12  }
0x11c: {  	s2 =	simm.s32 $0x0;
	v12 =	vmul.f32 v36, v17;
	v9 =	vadd.f32 v14, v9;
	v14 =	vmul.f32 v23, v29;
	[tilespmem:$0x18060] =	vst v8  }
0x11d: {  	s6 =	sand.u32 $0x7, s2;
	s0 =	sand.u32 $0x30, s2;
	v4 =	vadd.f32 v15, v4;
	v8 =	vadd.f32 v16, v10;
	v10 =	vmul.f32 v26, v29;
	[tilespmem:$0x18070] =	vst v13  }
0x11e: {  	s0 =	sor.u32 s0, s6;
	v13 =	vmul.f32 v37, v17;
	v6 =	vadd.f32 v14, v6;
	v14 =	vmul.f32 v60, v29;
	[tilespmem:$0x18100] =	vst v9  }
0x11f: {  	s0 =	sor.u32 $0x8, s0;
	v3 =	vadd.f32 v12, v3;
	v5 =	vadd.f32 v10, v5;
	v9 =	vmul.f32 v62, v29;
	[tilespmem:$0x18110] =	vst v8  }
0x120: {  	s28 =	sor.u32 s29, s0;
	v7 =	vadd.f32 v13, v7;
	v8 =	vmul.f32 v63, v29;
	v4 =	vadd.f32 v14, v4;
	[tilespmem:$0x18120] =	vst v6  }
0x121: {  	v6 =	vmul.f32 v38, v29;
	v3 =	vadd.f32 v9, v3;
	[tilespmem:$0x18130] =	vst v5;
	v5 =	vmov s28  }
0x122: {  	v7 =	vadd.f32 v8, v7;
	[tilespmem:$0x18140] =	vst v4  }
0x123: {  	v4 =	vadd.f32 v6, v11;
	[tilespmem:$0x18150] =	vst v3  }
0x124: {  	s0 =	sshll.u32 s0, $0x8;
	[tilespmem:$0x18160] =	vst v7  }
0x125: {  	s2 =	sshll.u32 s6, $0x7;
	s0 =	sand.u32 $0x3800, s0;
	[tilespmem:$0x18170] =	vst v4  }
0x126: {  	s28 =	sor.u32 s2, s0;
	v4 =	vld.idx.msk [tilespmem:v5+s10+$0x0], $0xffff  }
0x127: {  	v3 =	vld [tilespmem:s28+$0x8470]  }
0x128: {  	v5 =	vld [tilespmem:s28+$0x8000]  }
0x129: {  	v18 =	vimm.f32 $0.0e+00;
	v6 =	vld [tilespmem:s28+$0x8010]  }
0x12a: {  	v19 =	vimm.f32 $0.0e+00;
	v15 =	vimm.f32 $0.0e+00;
	v17 =	vimm.f32 $0.0e+00  }
0x12b: {  	v16 =	vimm.f32 $0.0e+00;
	v12 =	vimm.f32 $0.0e+00;
	v13 =	vimm.f32 $0.0e+00;
	v20 =	vld [tilespmem:s28+$0x8020]  }
0x12c: {  	v10 =	vimm.f32 $0.0e+00;
	v14 =	vimm.f32 $0.0e+00;
	v9 =	vimm.f32 $0.0e+00;
	v21 =	vld [tilespmem:s28+$0x8030]  }
0x12d: {  	v8 =	vimm.f32 $0.0e+00;
	v11 =	vimm.f32 $0.0e+00;
	v22 =	vld [tilespmem:s28+$0x8040];
	v3 =	vmul.f32 v3, v4  }
0x12e: {  	s30 =	simm.s32 $0x2;
	s6 =	simm.s32 $0x1;
	v7 =	vimm.f32 $0.0e+00;
	v23 =	vld [tilespmem:s28+$0x8050];
	v24 =	vmul.f32 v5, v4;
	v25 =	vmul.f32 v6, v4  }
0x12f: {  	s31 =	sand.u32 $0x7, s6;
	s2 =	sand.u32 $0x30, s30;
	s0 =	simm.s32 $0x2;
	v26 =	vld [tilespmem:s28+$0x8060];
	v6 =	vimm.f32 $0.0e+00;
	v5 =	vimm.f32 $0.0e+00;
	v3 =	vadd.f32 v3, v18  }
.LBB2_5:
0x130: {  	p1 =	sne.s32 s0, $0x1F;
	s2 =	sor.u32 s2, s31;
	v18 =	vadd.f32 v24, v18;
	v20 =	vmul.f32 v20, v4;
	v24 =	vld [tilespmem:s28+$0x8070]  }
0x131: {  	s2 =	sor.u32 $0x8, s2;
	v19 =	vadd.f32 v25, v19;
	v21 =	vmul.f32 v21, v4;
	v25 =	vld [tilespmem:s28+$0x8400]  }
0x132: {  	s6 =	sor.u32 s29, s2;
	v17 =	vadd.f32 v20, v17;
	v20 =	vmul.f32 v22, v4;
	v22 =	vld [tilespmem:s28+$0x8410]  }
0x133: {  	v27 =	vmov s6;
	v15 =	vadd.f32 v21, v15;
	v21 =	vmul.f32 v23, v4;
	v23 =	vld [tilespmem:s28+$0x8420]  }
0x134: {  	v16 =	vadd.f32 v20, v16;
	v20 =	vmul.f32 v26, v4;
	v26 =	vld [tilespmem:s28+$0x8430]  }
0x135: {  	v13 =	vadd.f32 v21, v13;
	v21 =	vmul.f32 v24, v4;
	v24 =	vld [tilespmem:s28+$0x8440]  }
0x136: {  	s2 =	sshll.u32 s2, $0x8;
	v14 =	vadd.f32 v20, v14;
	v20 =	vmul.f32 v25, v4;
	v25 =	vld [tilespmem:s28+$0x8450]  }
0x137: {  	s2 =	sand.u32 $0x3800, s2;
	s6 =	sshll.u32 s31, $0x7;
	v12 =	vadd.f32 v21, v12;
	v21 =	vmul.f32 v22, v4;
	v22 =	vld [tilespmem:s28+$0x8460]  }
0x138: {  	s28 =	sor.u32 s6, s2;
	v27 =	vld.idx.msk [tilespmem:v27+s10+$0x0], $0xffff;
	v10 =	vadd.f32 v20, v10;
	v20 =	vmul.f32 v23, v4  }
0x139: {  	v23 =	vld [tilespmem:s28+$0x8470];
	v11 =	vadd.f32 v21, v11;
	v21 =	vmul.f32 v26, v4  }
0x13a: {  	v26 =	vld [tilespmem:s28+$0x8000];
	v9 =	vadd.f32 v20, v9;
	v24 =	vmul.f32 v24, v4  }
0x13b: {  	v28 =	vld [tilespmem:s28+$0x8010];
	v7 =	vadd.f32 v21, v7;
	v25 =	vmul.f32 v25, v4  }
.Ltmp1:
0x13c: {  	v20 =	vld [tilespmem:s28+$0x8020];
	v8 =	vadd.f32 v24, v8;
	v24 =	vmul.f32 v22, v4;
	(pc) =	sbr.rel @p1 .LBB2_5-.Ltmp1, $4  }
0x13d: {  	v21 =	vld [tilespmem:s28+$0x8030];
	v6 =	vadd.f32 v25, v6  }
0x13e: {  	v4 =	vmov v27;
	v22 =	vld [tilespmem:s28+$0x8040];
	v29 =	vmul.f32 v23, v27;
	v5 =	vadd.f32 v24, v5  }
0x13f: {  	s30 =	sadd.s32 $0x2, s30;
	v24 =	vmul.f32 v26, v4;
	v23 =	vld [tilespmem:s28+$0x8050]  }
0x140: {  	s31 =	sand.u32 $0x7, s0;
	s0 =	sadd.s32 $0x1, s0;
	s2 =	sand.u32 $0x30, s30;
	v25 =	vmul.f32 v28, v4;
	v26 =	vld [tilespmem:s28+$0x8060];
	v3 =	vadd.f32 v29, v3  }
0x141: {  	v27 =	vld [tilespmem:s28+$0x8070]  }
0x142: {  	v28 =	vld [tilespmem:s28+$0x8400]  }
0x143: {  	v29 =	vld [tilespmem:s28+$0x8410]  }
0x144: {  	s0 =	sor.u32 s2, s31;
	v31 =	vld [tilespmem:s28+$0x8420]  }
0x145: {  	v32 =	vld [tilespmem:s28+$0x8430];
	s0 =	sor.u32 $0x8, s0  }
0x146: {  	v33 =	vld [tilespmem:s28+$0x8440];
	s6 =	sor.u32 s29, s0;
	s0 =	sshll.u32 s0, $0x8  }
0x147: {  	v34 =	vld [tilespmem:s28+$0x8450];
	v30 =	vmov s6;
	s0 =	sand.u32 $0x3800, s0;
	s6 =	sshll.u32 s31, $0x7  }
0x148: {  	v35 =	vld [tilespmem:s28+$0x8460];
	s0 =	sor.u32 s6, s0  }
0x149: {  	v36 =	vld [tilespmem:s0+$0x8470]  }
0x14a: {  	v37 =	vld [tilespmem:s0+$0x8000]  }
0x14b: {  	v38 =	vld [tilespmem:s0+$0x8010]  }
0x14c: {  	v39 =	vld [tilespmem:s0+$0x8020]  }
0x14d: {  	v40 =	vld [tilespmem:s0+$0x8030]  }
0x14e: {  	v41 =	vld [tilespmem:s0+$0x8040]  }
0x14f: {  	v42 =	vld [tilespmem:s0+$0x8050]  }
0x150: {  	v18 =	vadd.f32 v24, v18;
	v20 =	vmul.f32 v20, v4;
	v30 =	vld.idx.msk [tilespmem:v30+s10+$0x0], $0xffff  }
0x151: {  	v19 =	vadd.f32 v25, v19;
	v21 =	vmul.f32 v21, v4;
	v22 =	vmul.f32 v22, v4;
	v24 =	vld [tilespmem:s0+$0x8060]  }
0x152: {  	v17 =	vadd.f32 v20, v17;
	v20 =	vmul.f32 v23, v4;
	v23 =	vmul.f32 v26, v4;
	v25 =	vld [tilespmem:s0+$0x8070]  }
0x153: {  	v15 =	vadd.f32 v21, v15;
	v16 =	vadd.f32 v22, v16;
	v26 =	vld [tilespmem:s0+$0x8400];
	v21 =	vmul.f32 v27, v4  }
0x154: {  	v22 =	vld [tilespmem:s0+$0x8410];
	v13 =	vadd.f32 v20, v13;
	v20 =	vmul.f32 v28, v4;
	v14 =	vadd.f32 v23, v14  }
0x155: {  	v60 =	vld [tilespmem:s0+$0x8430];
	v12 =	vadd.f32 v21, v12;
	v21 =	vmul.f32 v29, v4;
	v27 =	vmul.f32 v37, v30  }
0x156: {  	v62 =	vld [tilespmem:s0+$0x8440];
	v10 =	vadd.f32 v20, v10;
	v20 =	vmul.f32 v31, v4;
	v61 =	vmul.f32 v38, v30  }
0x157: {  	v63 =	vld [tilespmem:s0+$0x8460];
	v11 =	vadd.f32 v21, v11;
	v21 =	vmul.f32 v39, v30;
	v18 =	vadd.f32 v27, v18  }
0x158: {  	v23 =	vld [tilespmem:s0+$0x8420];
	v9 =	vadd.f32 v20, v9;
	v20 =	vmul.f32 v40, v30;
	v19 =	vadd.f32 v61, v19  }
0x159: {  	v27 =	vld [tilespmem:s0+$0x8450];
	v17 =	vadd.f32 v21, v17;
	v21 =	vmul.f32 v41, v30;
	[tilespmem:$0x18200] =	vst v18  }
0x15a: {  	v15 =	vadd.f32 v20, v15;
	v20 =	vmul.f32 v42, v30;
	v18 =	vmul.f32 v32, v4;
	[tilespmem:$0x18210] =	vst v19  }
0x15b: {  	v19 =	vmul.f32 v33, v4;
	v16 =	vadd.f32 v21, v16;
	[tilespmem:$0x18220] =	vst v17;
	v17 =	vmul.f32 v24, v30  }
0x15c: {  	v13 =	vadd.f32 v20, v13;
	[tilespmem:$0x18230] =	vst v15;
	v15 =	vmul.f32 v25, v30;
	v7 =	vadd.f32 v18, v7  }
0x15d: {  	v14 =	vadd.f32 v17, v14;
	v17 =	vmul.f32 v34, v4;
	v18 =	vmul.f32 v26, v30;
	[tilespmem:$0x18240] =	vst v16  }
0x15e: {  	s6 =	simm.s32 $0x0;
	v4 =	vmul.f32 v35, v4;
	v12 =	vadd.f32 v15, v12;
	v15 =	vmul.f32 v22, v30;
	[tilespmem:$0x18250] =	vst v13  }
0x15f: {  	s2 =	sand.u32 $0x7, s6;
	s0 =	sand.u32 $0x30, s6;
	v8 =	vadd.f32 v19, v8;
	v13 =	vmul.f32 v23, v30;
	v10 =	vadd.f32 v18, v10;
	[tilespmem:$0x18260] =	vst v14  }
0x160: {  	s6 =	sor.u32 s29, s2;
	s0 =	sor.u32 $0x40, s0;
	v4 =	vadd.f32 v4, v5;
	v5 =	vadd.f32 v15, v11;
	v11 =	vmul.f32 v60, v30;
	[tilespmem:$0x18270] =	vst v12  }
0x161: {  	s6 =	sor.u32 s6, s0;
	v6 =	vadd.f32 v17, v6;
	v9 =	vadd.f32 v13, v9;
	v12 =	vmul.f32 v62, v30;
	[tilespmem:$0x18300] =	vst v10  }
0x162: {  	v10 =	vmov s6;
	v7 =	vadd.f32 v11, v7;
	v11 =	vmul.f32 v27, v30;
	[tilespmem:$0x18310] =	vst v5  }
0x163: {  	v8 =	vadd.f32 v12, v8;
	[tilespmem:$0x18320] =	vst v9;
	v9 =	vmul.f32 v36, v30;
	v5 =	vand.u32 $0xFFFFFFF7, v10  }
0x164: {  	v10 =	vmul.f32 v63, v30;
	v5 =	vbroadcast v5, $0x0;
	v6 =	vadd.f32 v11, v6;
	[tilespmem:$0x18330] =	vst v7  }
0x165: {  	[tilespmem:$0x18340] =	vst v8;
	v3 =	vadd.f32 v9, v3  }
0x166: {  	v4 =	vadd.f32 v10, v4;
	[tilespmem:$0x18350] =	vst v6  }
0x167: {  	s2 =	sshll.u32 s2, $0x7;
	s0 =	sshll.u32 s0, $0x8;
	[tilespmem:$0x18370] =	vst v3  }
0x168: {  	s28 =	sor.u32 s2, s0;
	[tilespmem:$0x18360] =	vst v4  }
0x169: {  	v4 =	vld [tilespmem:s28+$0x8470]  }
0x16a: {  	v19 =	vimm.f32 $0.0e+00;
	v16 =	vimm.f32 $0.0e+00;
	v3 =	vld.idx.msk [tilespmem:v5+s10+$0x0], $0xffff  }
0x16b: {  	v17 =	vimm.f32 $0.0e+00;
	v18 =	vimm.f32 $0.0e+00;
	v14 =	vimm.f32 $0.0e+00;
	v20 =	vld [tilespmem:s28+$0x8000]  }
0x16c: {  	v15 =	vimm.f32 $0.0e+00;
	v13 =	vimm.f32 $0.0e+00;
	v12 =	vimm.f32 $0.0e+00;
	v23 =	vld [tilespmem:s28+$0x8010]  }
0x16d: {  	v11 =	vimm.f32 $0.0e+00;
	v9 =	vimm.f32 $0.0e+00;
	v8 =	vimm.f32 $0.0e+00;
	v21 =	vld [tilespmem:s28+$0x8020]  }
0x16e: {  	s30 =	simm.s32 $0x2;
	s6 =	simm.s32 $0x1;
	v7 =	vimm.f32 $0.0e+00;
	v10 =	vimm.f32 $0.0e+00;
	v6 =	vimm.f32 $0.0e+00;
	v22 =	vld [tilespmem:s28+$0x8030]  }
0x16f: {  	s31 =	simm.s32 $0x2;
	s2 =	sand.u32 $0x30, s30;
	s0 =	sand.u32 $0x7, s6;
	v25 =	vld [tilespmem:s28+$0x8040];
	v5 =	vimm.f32 $0.0e+00;
	v24 =	vmul.f32 v4, v3;
	v4 =	vimm.f32 $0.0e+00  }
.LBB2_7:
0x170: {  	p1 =	sne.s32 s31, $0x1F;
	s2 =	sor.u32 $0x40, s2;
	s6 =	sor.u32 s29, s0;
	v20 =	vmul.f32 v20, v3;
	v26 =	vld [tilespmem:s28+$0x8050]  }
0x171: {  	s6 =	sor.u32 s6, s2;
	v23 =	vmul.f32 v23, v3;
	v27 =	vld [tilespmem:s28+$0x8060];
	v17 =	vadd.f32 v24, v17  }
0x172: {  	v24 =	vmov s6;
	v19 =	vadd.f32 v20, v19;
	v20 =	vmul.f32 v21, v3;
	v21 =	vld [tilespmem:s28+$0x8070]  }
0x173: {  	v24 =	vand.u32 $0xFFFFFFF7, v24;
	v18 =	vadd.f32 v23, v18;
	v22 =	vmul.f32 v22, v3;
	v23 =	vld [tilespmem:s28+$0x8400]  }
0x174: {  	v24 =	vbroadcast v24, $0x0;
	v16 =	vadd.f32 v20, v16;
	v20 =	vmul.f32 v25, v3;
	v25 =	vld [tilespmem:s28+$0x8410]  }
0x175: {  	v14 =	vadd.f32 v22, v14;
	v22 =	vmul.f32 v26, v3;
	v26 =	vld [tilespmem:s28+$0x8420]  }
0x176: {  	v15 =	vadd.f32 v20, v15;
	v20 =	vmul.f32 v27, v3;
	v27 =	vld [tilespmem:s28+$0x8430]  }
0x177: {  	v12 =	vadd.f32 v22, v12;
	v21 =	vmul.f32 v21, v3;
	v22 =	vld [tilespmem:s28+$0x8440]  }
0x178: {  	v13 =	vadd.f32 v20, v13;
	v20 =	vmul.f32 v23, v3;
	v28 =	vld [tilespmem:s28+$0x8450]  }
0x179: {  	s0 =	sshll.u32 s0, $0x7;
	s2 =	sshll.u32 s2, $0x8;
	v11 =	vadd.f32 v21, v11;
	v21 =	vmul.f32 v25, v3;
	v25 =	vld [tilespmem:s28+$0x8460]  }
0x17a: {  	s28 =	sor.u32 s0, s2;
	v29 =	vld.idx.msk [tilespmem:v24+s10+$0x0], $0xffff;
	v9 =	vadd.f32 v20, v9;
	v23 =	vmul.f32 v26, v3  }
0x17b: {  	v24 =	vld [tilespmem:s28+$0x8470];
	v10 =	vadd.f32 v21, v10;
	v21 =	vmul.f32 v27, v3  }
.Ltmp2:
0x17c: {  	v20 =	vld [tilespmem:s28+$0x8000];
	v8 =	vadd.f32 v23, v8;
	v22 =	vmul.f32 v22, v3;
	(pc) =	sbr.rel @p1 .LBB2_7-.Ltmp2, $4  }
0x17d: {  	v23 =	vld [tilespmem:s28+$0x8010];
	v7 =	vadd.f32 v21, v7;
	v26 =	vmul.f32 v28, v3  }
0x17e: {  	v21 =	vld [tilespmem:s28+$0x8020];
	v6 =	vadd.f32 v22, v6;
	v27 =	vmul.f32 v25, v3  }
0x17f: {  	s30 =	sadd.s32 $0x2, s30;
	v22 =	vld [tilespmem:s28+$0x8030];
	v5 =	vadd.f32 v26, v5  }
0x180: {  	s0 =	sand.u32 $0x7, s31;
	s2 =	sand.u32 $0x30, s30;
	s31 =	sadd.s32 $0x1, s31;
	v3 =	vmov v29;
	v25 =	vld [tilespmem:s28+$0x8040];
	v24 =	vmul.f32 v24, v29;
	v4 =	vadd.f32 v27, v4  }
0x181: {  	v26 =	vld [tilespmem:s28+$0x8050]  }
0x182: {  	v27 =	vld [tilespmem:s28+$0x8060]  }
0x183: {  	v29 =	vld [tilespmem:s28+$0x8070]  }
0x184: {  	v30 =	vld [tilespmem:s28+$0x8400]  }
0x185: {  	v31 =	vld [tilespmem:s28+$0x8410]  }
0x186: {  	v32 =	vld [tilespmem:s28+$0x8420]  }
0x187: {  	s2 =	sor.u32 $0x40, s2;
	s6 =	sor.u32 s29, s0;
	v33 =	vld [tilespmem:s28+$0x8430]  }
0x188: {  	v34 =	vld [tilespmem:s28+$0x8440];
	s6 =	sor.u32 s6, s2  }
0x189: {  	v35 =	vld [tilespmem:s28+$0x8450];
	s2 =	sshll.u32 s2, $0x8;
	v28 =	vmov s6;
	s6 =	sshll.u32 s0, $0x7  }
0x18a: {  	v36 =	vld [tilespmem:s28+$0x8460];
	s0 =	sor.u32 s6, s2  }
0x18b: {  	v28 =	vand.u32 $0xFFFFFFF7, v28;
	v37 =	vld [tilespmem:s0+$0x8470]  }
0x18c: {  	v28 =	vbroadcast v28, $0x0;
	v38 =	vld [tilespmem:s0+$0x8000]  }
0x18d: {  	v39 =	vld [tilespmem:s0+$0x8010]  }
0x18e: {  	v40 =	vld [tilespmem:s0+$0x8020]  }
0x18f: {  	v41 =	vld [tilespmem:s0+$0x8030]  }
0x190: {  	v42 =	vld [tilespmem:s0+$0x8040]  }
0x191: {  	v20 =	vmul.f32 v20, v3;
	v43 =	vld [tilespmem:s0+$0x8050]  }
0x192: {  	v23 =	vmul.f32 v23, v3;
	v28 =	vld.idx.msk [tilespmem:v28+s10+$0x0], $0xffff  }
0x193: {  	v17 =	vadd.f32 v24, v17;
	v19 =	vadd.f32 v20, v19;
	v20 =	vmul.f32 v21, v3;
	v44 =	vld [tilespmem:s0+$0x8060]  }
0x194: {  	v18 =	vadd.f32 v23, v18;
	v22 =	vmul.f32 v22, v3;
	v21 =	vld [tilespmem:s0+$0x8070];
	v23 =	vmul.f32 v25, v3  }
0x195: {  	v24 =	vld [tilespmem:s0+$0x8400];
	v16 =	vadd.f32 v20, v16;
	v20 =	vmul.f32 v26, v3;
	v25 =	vmul.f32 v27, v3  }
0x196: {  	v61 =	vld [tilespmem:s0+$0x8440];
	v14 =	vadd.f32 v22, v14;
	v22 =	vmul.f32 v29, v3;
	v27 =	vmul.f32 v30, v3  }
0x197: {  	v63 =	vld [tilespmem:s0+$0x8450];
	v62 =	vmul.f32 v31, v3;
	v12 =	vadd.f32 v20, v12;
	v20 =	vmul.f32 v38, v28  }
0x198: {  	v26 =	vld [tilespmem:s0+$0x8410];
	v15 =	vadd.f32 v23, v15;
	v11 =	vadd.f32 v22, v11;
	v22 =	vmul.f32 v39, v28  }
0x199: {  	v23 =	vld [tilespmem:s0+$0x8420];
	v13 =	vadd.f32 v25, v13;
	v19 =	vadd.f32 v20, v19;
	v20 =	vmul.f32 v40, v28  }
0x19a: {  	v25 =	vld [tilespmem:s0+$0x8430];
	v9 =	vadd.f32 v27, v9;
	v18 =	vadd.f32 v22, v18;
	v22 =	vmul.f32 v41, v28  }
0x19b: {  	v27 =	vld [tilespmem:s0+$0x8460];
	v10 =	vadd.f32 v62, v10;
	v16 =	vadd.f32 v20, v16;
	[tilespmem:$0x18080] =	vst v19;
	v19 =	vmul.f32 v42, v28  }
0x19c: {  	v14 =	vadd.f32 v22, v14;
	[tilespmem:$0x18090] =	vst v18;
	v18 =	vmul.f32 v32, v3;
	v20 =	vmul.f32 v43, v28  }
0x19d: {  	v15 =	vadd.f32 v19, v15;
	[tilespmem:$0x180A0] =	vst v16;
	v16 =	vmul.f32 v33, v3;
	v19 =	vmul.f32 v44, v28  }
0x19e: {  	v8 =	vadd.f32 v18, v8;
	v12 =	vadd.f32 v20, v12;
	[tilespmem:$0x180B0] =	vst v14;
	v14 =	vmul.f32 v21, v28  }
0x19f: {  	v7 =	vadd.f32 v16, v7;
	v13 =	vadd.f32 v19, v13;
	[tilespmem:$0x180C0] =	vst v15;
	v15 =	vmul.f32 v24, v28  }
0x1a0: {  	v16 =	vmul.f32 v34, v3;
	v11 =	vadd.f32 v14, v11;
	v14 =	vmul.f32 v26, v28;
	[tilespmem:$0x180D0] =	vst v12  }
0x1a1: {  	v12 =	vmul.f32 v35, v3;
	v9 =	vadd.f32 v15, v9;
	v15 =	vmul.f32 v23, v28;
	[tilespmem:$0x180E0] =	vst v13  }
0x1a2: {  	s6 =	simm.s32 $0x0;
	v3 =	vmul.f32 v36, v3;
	v10 =	vadd.f32 v14, v10;
	v13 =	vmul.f32 v25, v28;
	[tilespmem:$0x180F0] =	vst v11  }
0x1a3: {  	s2 =	sand.u32 $0x7, s6;
	s0 =	sand.u32 $0x30, s6;
	v6 =	vadd.f32 v16, v6;
	v11 =	vmul.f32 v61, v28;
	v8 =	vadd.f32 v15, v8;
	[tilespmem:$0x18180] =	vst v9  }
0x1a4: {  	s6 =	sor.u32 s29, s2;
	s0 =	sor.u32 $0x48, s0;
	v5 =	vadd.f32 v12, v5;
	v7 =	vadd.f32 v13, v7;
	v9 =	vmul.f32 v63, v28;
	[tilespmem:$0x18190] =	vst v10  }
0x1a5: {  	s6 =	sor.u32 s6, s0;
	v3 =	vadd.f32 v3, v4;
	v4 =	vadd.f32 v11, v6;
	v6 =	vmul.f32 v27, v28;
	[tilespmem:$0x181A0] =	vst v8  }
0x1a6: {  	v8 =	vmul.f32 v37, v28;
	v5 =	vadd.f32 v9, v5;
	[tilespmem:$0x181B0] =	vst v7;
	v7 =	vmov s6  }
0x1a7: {  	v3 =	vadd.f32 v6, v3;
	[tilespmem:$0x181C0] =	vst v4  }
0x1a8: {  	v4 =	vadd.f32 v8, v17;
	[tilespmem:$0x181D0] =	vst v5  }
0x1a9: {  	[tilespmem:$0x181E0] =	vst v3  }
0x1aa: {  	s2 =	sshll.u32 s2, $0x7;
	s0 =	sshll.u32 s0, $0x8;
	[tilespmem:$0x181F0] =	vst v4  }
0x1ab: {  	s28 =	sor.u32 s2, s0;
	v4 =	vld.idx.msk [tilespmem:v7+s10+$0x0], $0xffff  }
0x1ac: {  	v3 =	vld [tilespmem:s28+$0x8470]  }
0x1ad: {  	v5 =	vld [tilespmem:s28+$0x8000]  }
0x1ae: {  	v6 =	vld [tilespmem:s28+$0x8010]  }
0x1af: {  	v18 =	vimm.f32 $0.0e+00;
	v19 =	vimm.f32 $0.0e+00;
	v7 =	vld [tilespmem:s28+$0x8020]  }
0x1b0: {  	v14 =	vimm.f32 $0.0e+00;
	v16 =	vimm.f32 $0.0e+00;
	v12 =	vimm.f32 $0.0e+00  }
0x1b1: {  	v15 =	vimm.f32 $0.0e+00;
	v13 =	vimm.f32 $0.0e+00;
	v11 =	vimm.f32 $0.0e+00;
	v20 =	vld [tilespmem:s28+$0x8030]  }
0x1b2: {  	v9 =	vimm.f32 $0.0e+00;
	v17 =	vimm.f32 $0.0e+00;
	v21 =	vld [tilespmem:s28+$0x8040];
	v3 =	vmul.f32 v3, v4  }
0x1b3: {  	v8 =	vimm.f32 $0.0e+00;
	v22 =	vld [tilespmem:s28+$0x8050];
	v5 =	vmul.f32 v5, v4;
	v24 =	vmul.f32 v6, v4  }
0x1b4: {  	s30 =	simm.s32 $0x2;
	s6 =	simm.s32 $0x1;
	v23 =	vld [tilespmem:s28+$0x8060];
	v25 =	vmul.f32 v7, v4;
	v7 =	vimm.f32 $0.0e+00;
	v6 =	vimm.f32 $0.0e+00  }
0x1b5: {  	s2 =	sand.u32 $0x30, s30;
	s0 =	simm.s32 $0x2;
	s31 =	sand.u32 $0x7, s6;
	v26 =	vld [tilespmem:s28+$0x8070];
	v3 =	vadd.f32 v3, v15;
	v10 =	vadd.f32 v5, v15;
	v5 =	vimm.f32 $0.0e+00  }
.LBB2_9:
0x1b6: {  	p1 =	sne.s32 s0, $0x1F;
	s2 =	sor.u32 $0x48, s2;
	s6 =	sor.u32 s29, s31;
	v15 =	vadd.f32 v24, v15;
	v20 =	vmul.f32 v20, v4;
	v24 =	vld [tilespmem:s28+$0x8400]  }
0x1b7: {  	s6 =	sor.u32 s6, s2;
	v19 =	vadd.f32 v25, v19;
	v21 =	vmul.f32 v21, v4;
	v25 =	vld [tilespmem:s28+$0x8410]  }
0x1b8: {  	v27 =	vmov s6;
	v17 =	vadd.f32 v20, v17;
	v20 =	vmul.f32 v22, v4;
	v22 =	vld [tilespmem:s28+$0x8420]  }
0x1b9: {  	v18 =	vadd.f32 v21, v18;
	v21 =	vmul.f32 v23, v4;
	v23 =	vld [tilespmem:s28+$0x8430]  }
0x1ba: {  	v14 =	vadd.f32 v20, v14;
	v20 =	vmul.f32 v26, v4;
	v26 =	vld [tilespmem:s28+$0x8440]  }
0x1bb: {  	v16 =	vadd.f32 v21, v16;
	v21 =	vmul.f32 v24, v4;
	v24 =	vld [tilespmem:s28+$0x8450]  }
0x1bc: {  	s2 =	sshll.u32 s2, $0x8;
	s6 =	sshll.u32 s31, $0x7;
	v13 =	vadd.f32 v20, v13;
	v20 =	vmul.f32 v25, v4;
	v25 =	vld [tilespmem:s28+$0x8460]  }
0x1bd: {  	s28 =	sor.u32 s6, s2;
	v27 =	vld.idx.msk [tilespmem:v27+s10+$0x0], $0xffff;
	v11 =	vadd.f32 v21, v11;
	v21 =	vmul.f32 v22, v4  }
0x1be: {  	v22 =	vld [tilespmem:s28+$0x8470];
	v12 =	vadd.f32 v20, v12;
	v20 =	vmul.f32 v23, v4  }
0x1bf: {  	v23 =	vld [tilespmem:s28+$0x8000];
	v9 =	vadd.f32 v21, v9;
	v21 =	vmul.f32 v26, v4  }
0x1c0: {  	v26 =	vld [tilespmem:s28+$0x8010];
	v8 =	vadd.f32 v20, v8;
	v24 =	vmul.f32 v24, v4  }
0x1c1: {  	v28 =	vld [tilespmem:s28+$0x8020];
	v7 =	vadd.f32 v21, v7;
	v29 =	vmul.f32 v25, v4  }
.Ltmp3:
0x1c2: {  	v20 =	vld [tilespmem:s28+$0x8030];
	v6 =	vadd.f32 v24, v6;
	(pc) =	sbr.rel @p1 .LBB2_9-.Ltmp3, $4  }
0x1c3: {  	v4 =	vmov v27;
	v21 =	vld [tilespmem:s28+$0x8040];
	v25 =	vmul.f32 v22, v27;
	v5 =	vadd.f32 v29, v5  }
0x1c4: {  	v27 =	vmul.f32 v23, v4;
	v22 =	vld [tilespmem:s28+$0x8050]  }
0x1c5: {  	s30 =	sadd.s32 $0x2, s30;
	v24 =	vmul.f32 v26, v4;
	v23 =	vld [tilespmem:s28+$0x8060];
	v3 =	vadd.f32 v25, v3  }
0x1c6: {  	s31 =	sand.u32 $0x7, s0;
	s0 =	sadd.s32 $0x1, s0;
	s2 =	sand.u32 $0x30, s30;
	v10 =	vadd.f32 v27, v10;
	v25 =	vmul.f32 v28, v4;
	v26 =	vld [tilespmem:s28+$0x8070]  }
0x1c7: {  	v27 =	vld [tilespmem:s28+$0x8400]  }
0x1c8: {  	v28 =	vld [tilespmem:s28+$0x8410]  }
0x1c9: {  	v30 =	vld [tilespmem:s28+$0x8420]  }
0x1ca: {  	v31 =	vld [tilespmem:s28+$0x8430]  }
0x1cb: {  	s0 =	sor.u32 $0x48, s2;
	s30 =	sor.u32 s29, s31;
	v32 =	vld [tilespmem:s28+$0x8440]  }
0x1cc: {  	v33 =	vld [tilespmem:s28+$0x8450];
	s6 =	sshll.u32 s31, $0x7;
	s2 =	sor.u32 s30, s0;
	s0 =	sshll.u32 s0, $0x8  }
0x1cd: {  	v34 =	vld [tilespmem:s28+$0x8460];
	s0 =	sor.u32 s6, s0  }
0x1ce: {  	v35 =	vld [tilespmem:s0+$0x8470]  }
0x1cf: {  	v36 =	vld [tilespmem:s0+$0x8000]  }
0x1d0: {  	v29 =	vmov s2;
	v37 =	vld [tilespmem:s0+$0x8010]  }
0x1d1: {  	v38 =	vld [tilespmem:s0+$0x8020]  }
0x1d2: {  	v39 =	vld [tilespmem:s0+$0x8030]  }
0x1d3: {  	v40 =	vld [tilespmem:s0+$0x8040]  }
0x1d4: {  	v41 =	vld [tilespmem:s0+$0x8050]  }
0x1d5: {  	v29 =	vld.idx.msk [tilespmem:v29+s10+$0x0], $0xffff  }
0x1d6: {  	v20 =	vmul.f32 v20, v4;
	v42 =	vld [tilespmem:s0+$0x8060]  }
0x1d7: {  	v15 =	vadd.f32 v24, v15;
	v21 =	vmul.f32 v21, v4;
	v19 =	vadd.f32 v25, v19;
	v43 =	vld [tilespmem:s0+$0x8070]  }
0x1d8: {  	v22 =	vmul.f32 v22, v4;
	v17 =	vadd.f32 v20, v17;
	v53 =	vld [tilespmem:s0+$0x8400];
	v23 =	vmul.f32 v23, v4  }
0x1d9: {  	v54 =	vld [tilespmem:s0+$0x8410];
	v18 =	vadd.f32 v21, v18;
	v55 =	vmul.f32 v26, v4;
	v59 =	vmul.f32 v27, v4  }
0x1da: {  	v56 =	vld [tilespmem:s0+$0x8420];
	v14 =	vadd.f32 v22, v14;
	v28 =	vmul.f32 v28, v4;
	v57 =	vmul.f32 v36, v29  }
0x1db: {  	v58 =	vld [tilespmem:s0+$0x8430];
	v16 =	vadd.f32 v23, v16;
	v47 =	vmul.f32 v30, v4;
	v60 =	vmul.f32 v37, v29  }
0x1dc: {  	v61 =	vld [tilespmem:s0+$0x8440];
	v49 =	vmul.f32 v31, v4;
	v62 =	vmul.f32 v38, v29;
	v10 =	vadd.f32 v57, v10  }
0x1dd: {  	v63 =	vld [tilespmem:s0+$0x8450];
	v13 =	vadd.f32 v55, v13;
	v44 =	vmul.f32 v39, v29;
	v15 =	vadd.f32 v60, v15  }
0x1de: {  	v45 =	vld [tilespmem:s0+$0x8460];
	v55 =	vmul.f32 v33, v4;
	v48 =	vmul.f32 v41, v29;
	v19 =	vadd.f32 v62, v19;
	[tilespmem:$0x18280] =	vst v10  }
0x1df: {  	v11 =	vadd.f32 v59, v11;
	v50 =	vmul.f32 v42, v29;
	v17 =	vadd.f32 v44, v17;
	[tilespmem:$0x18290] =	vst v15  }
0x1e0: {  	v12 =	vadd.f32 v28, v12;
	v51 =	vmul.f32 v43, v29;
	v14 =	vadd.f32 v48, v14;
	[tilespmem:$0x182A0] =	vst v19  }
0x1e1: {  	v9 =	vadd.f32 v47, v9;
	v54 =	vmul.f32 v54, v29;
	v16 =	vadd.f32 v50, v16;
	[tilespmem:$0x182B0] =	vst v17  }
0x1e2: {  	v46 =	vmul.f32 v40, v29;
	v56 =	vmul.f32 v56, v29;
	v13 =	vadd.f32 v51, v13;
	[tilespmem:$0x182D0] =	vst v14  }
0x1e3: {  	v52 =	vmul.f32 v53, v29;
	v53 =	vmul.f32 v32, v4;
	v12 =	vadd.f32 v54, v12;
	[tilespmem:$0x182E0] =	vst v16  }
0x1e4: {  	v8 =	vadd.f32 v49, v8;
	v57 =	vmul.f32 v58, v29;
	v9 =	vadd.f32 v56, v9;
	[tilespmem:$0x182F0] =	vst v13  }
0x1e5: {  	v59 =	vmul.f32 v61, v29;
	v7 =	vadd.f32 v53, v7;
	v10 =	vadd.f32 v46, v18;
	[tilespmem:$0x18390] =	vst v12  }
0x1e6: {  	v6 =	vadd.f32 v55, v6;
	v60 =	vmul.f32 v63, v29;
	v8 =	vadd.f32 v57, v8;
	[tilespmem:$0x183A0] =	vst v9  }
0x1e7: {  	v58 =	vmul.f32 v34, v4;
	v63 =	vmul.f32 v35, v29;
	v61 =	vadd.f32 v59, v7;
	[tilespmem:$0x182C0] =	vst v10  }
0x1e8: {  	v6 =	vadd.f32 v60, v6;
	[tilespmem:$0x183B0] =	vst v8  }
0x1e9: {  	p1 =	sne.s32 s24, $0x3F;
	v62 =	vmul.f32 v45, v29;
	v4 =	vadd.f32 v58, v5;
	v3 =	vadd.f32 v63, v3;
	[tilespmem:$0x183C0] =	vst v61  }
.Ltmp4:
0x1ea: {  	s30 =	sshll.u32 s24, $0x6;
	v10 =	vadd.f32 v52, v11;
	[tilespmem:$0x183D0] =	vst v6;
	(pc) =	sbr.rel @p1 .LBB2_12-.Ltmp4, $4  }
0x1eb: {  	s31 =	sand.u32 $0x3E00, s29;
	s0 =	sand.u32 $0x40, s30;
	v4 =	vadd.f32 v62, v4;
	[tilespmem:$0x183F0] =	vst v3  }
0x1ec: {  	s28 =	sor.u32 s5, s31;
	s0 =	sadd.s32 s4, s0;
	[tilespmem:$0x18380] =	vst v10  }
0x1ed: {  	s0 =	sadd.s32 s28, s0;
	[tilespmem:$0x183E0] =	vst v4  }
0x1ee: {  	[hbm4b:s0+s18] =	stream.strided.scatter [tilespmem:s20], [sflag:$0x3], $0x400, s19, s18, $0x38;
	[tilespmem:$0x18800] =	vst v63  }
.Ltmp5:
0x1ef: {  	(pc) =	sbr.rel .LBB2_13-.Ltmp5, $4  }
0x1f0: {  	_ = 	snop  }
0x1f1: {  	_ =	swait.ge [sflag:s21], $0x8000  }
0x1f2: {  	[sflag:s21] =	ssyncset.done $0x0  }
0x1f3: {  	[sflag:s21] =	ssyncadd.s32 $0xFFFF8000  }
.LBB2_12:
0x1f4: {  	s0 =	sand.u32 $0x3FFFFF00, s29  }
0x1f5: {  	v3 =	vld [tilespmem:s0+$0x100];
	_ =	sdelay $0x4  }
0x1f6: {  	v4 =	vshll.u32 v3, $0x1  }
0x1f7: {  	v3 =	vand.u32 $0x7, v3;
	v4 =	vand.u32 $0xFFFFFFF0, v4  }
0x1f8: {  	v3 =	vor.u32 v3, v4  }
0x1f9: {  	v4 =	vperm.xlane v3, v0;
	_ =	sdelay $0x1  }
0x1fa: {  	v3 =	vperm.xlane v3, v2;
	v4 =	vadd.s32 v1, v4;
	_ =	sdelay $0x1  }
0x1fb: {  	v3 =	vadd.s32 v1, v3;
	_ =	sdelay $0x1  }
0x1fc: {  	s2 =	simm.s32 $0x8000  }
0x1fd: {  	[tilespmem:s2], [sflag:$0x1] =	stream.indirect_vreg.gather [hbm4b:s1+s3], $0x80, v4, vm0, $0xb8;
	[tilespmem:$0x18800] =	vst v63  }
0x1fe: {  	s29 =	simm.s32 $0x8800  }
0x1ff: {  	[tilespmem:s29], [sflag:$0x1] =	stream.indirect_vreg.gather [hbm4b:s1+s3], $0x80, v3, vm0, $0xb8;
	[tilespmem:$0x18800] =	vst v63  }
0x200: {  	v3 =	vld [tilespmem:s0+$0x110];
	_ =	sdelay $0x4  }
0x201: {  	v57 =	vshll.u32 v3, $0x1  }
0x202: {  	v3 =	vand.u32 $0x7, v3;
	v4 =	vand.u32 $0xFFFFFFF0, v57  }
0x203: {  	v3 =	vor.u32 v3, v4  }
0x204: {  	v4 =	vperm.xlane v3, v0;
	_ =	sdelay $0x1  }
0x205: {  	v3 =	vperm.xlane v3, v2;
	v4 =	vadd.s32 v1, v4;
	_ =	sdelay $0x1  }
0x206: {  	v3 =	vadd.s32 v1, v3;
	_ =	sdelay $0x1  }
0x207: {  	s30 =	simm.s32 $0x9000  }
0x208: {  	[tilespmem:s30], [sflag:$0x1] =	stream.indirect_vreg.gather [hbm4b:s1+s3], $0x80, v4, vm0, $0xb8;
	[tilespmem:$0x18800] =	vst v63  }
0x209: {  	s31 =	simm.s32 $0x9800  }
0x20a: {  	[tilespmem:s31], [sflag:$0x1] =	stream.indirect_vreg.gather [hbm4b:s1+s3], $0x80, v3, vm0, $0xb8;
	[tilespmem:$0x18800] =	vst v63  }
0x20b: {  	v3 =	vld [tilespmem:s0+$0x120];
	_ =	sdelay $0x4  }
0x20c: {  	v58 =	vshll.u32 v3, $0x1  }
0x20d: {  	v3 =	vand.u32 $0x7, v3;
	v4 =	vand.u32 $0xFFFFFFF0, v58  }
0x20e: {  	v3 =	vor.u32 v3, v4  }
0x20f: {  	v4 =	vperm.xlane v3, v0;
	_ =	sdelay $0x1  }
0x210: {  	v3 =	vperm.xlane v3, v2;
	v4 =	vadd.s32 v1, v4;
	_ =	sdelay $0x1  }
0x211: {  	v3 =	vadd.s32 v1, v3;
	_ =	sdelay $0x1  }
0x212: {  	s6 =	simm.s32 $0xA000  }
0x213: {  	[tilespmem:s6], [sflag:$0x1] =	stream.indirect_vreg.gather [hbm4b:s1+s3], $0x80, v4, vm0, $0xb8;
	[tilespmem:$0x18800] =	vst v63  }
0x214: {  	s29 =	simm.s32 $0xA800  }
0x215: {  	[tilespmem:s29], [sflag:$0x1] =	stream.indirect_vreg.gather [hbm4b:s1+s3], $0x80, v3, vm0, $0xb8;
	[tilespmem:$0x18800] =	vst v63  }
0x216: {  	v3 =	vld [tilespmem:s0+$0x130];
	_ =	sdelay $0x4  }
0x217: {  	v59 =	vshll.u32 v3, $0x1  }
0x218: {  	v3 =	vand.u32 $0x7, v3;
	v4 =	vand.u32 $0xFFFFFFF0, v59  }
0x219: {  	v3 =	vor.u32 v3, v4  }
0x21a: {  	v4 =	vperm.xlane v3, v0;
	_ =	sdelay $0x1  }
0x21b: {  	v3 =	vperm.xlane v3, v2;
	v4 =	vadd.s32 v1, v4;
	_ =	sdelay $0x1  }
0x21c: {  	v3 =	vadd.s32 v1, v3;
	_ =	sdelay $0x1  }
0x21d: {  	s30 =	simm.s32 $0xB000  }
0x21e: {  	[tilespmem:s30], [sflag:$0x1] =	stream.indirect_vreg.gather [hbm4b:s1+s3], $0x80, v4, vm0, $0xb8;
	[tilespmem:$0x18800] =	vst v63  }
0x21f: {  	s31 =	simm.s32 $0xB800  }
0x220: {  	[tilespmem:s31], [sflag:$0x1] =	stream.indirect_vreg.gather [hbm4b:s1+s3], $0x80, v3, vm0, $0xb8;
	[tilespmem:$0x18800] =	vst v63  }
0x221: {  	v3 =	vld [tilespmem:s0+$0x140];
	_ =	sdelay $0x4  }
0x222: {  	v60 =	vshll.u32 v3, $0x1  }
0x223: {  	v3 =	vand.u32 $0x7, v3;
	v4 =	vand.u32 $0xFFFFFFF0, v60  }
0x224: {  	v3 =	vor.u32 v3, v4  }
0x225: {  	v4 =	vperm.xlane v3, v0;
	_ =	sdelay $0x1  }
0x226: {  	v3 =	vperm.xlane v3, v2;
	v4 =	vadd.s32 v1, v4;
	_ =	sdelay $0x1  }
0x227: {  	v3 =	vadd.s32 v1, v3;
	_ =	sdelay $0x1  }
0x228: {  	s6 =	simm.s32 $0xC000  }
0x229: {  	[tilespmem:s6], [sflag:$0x1] =	stream.indirect_vreg.gather [hbm4b:s1+s3], $0x80, v4, vm0, $0xb8;
	[tilespmem:$0x18800] =	vst v63  }
0x22a: {  	s29 =	simm.s32 $0xC800  }
0x22b: {  	[tilespmem:s29], [sflag:$0x1] =	stream.indirect_vreg.gather [hbm4b:s1+s3], $0x80, v3, vm0, $0xb8;
	[tilespmem:$0x18800] =	vst v63  }
0x22c: {  	v3 =	vld [tilespmem:s0+$0x150];
	_ =	sdelay $0x4  }
0x22d: {  	v61 =	vshll.u32 v3, $0x1  }
0x22e: {  	v3 =	vand.u32 $0x7, v3;
	v4 =	vand.u32 $0xFFFFFFF0, v61  }
0x22f: {  	v3 =	vor.u32 v3, v4  }
0x230: {  	v4 =	vperm.xlane v3, v0;
	_ =	sdelay $0x1  }
0x231: {  	v3 =	vperm.xlane v3, v2;
	v4 =	vadd.s32 v1, v4;
	_ =	sdelay $0x1  }
0x232: {  	v3 =	vadd.s32 v1, v3;
	_ =	sdelay $0x1  }
0x233: {  	s30 =	simm.s32 $0xD000  }
0x234: {  	[tilespmem:s30], [sflag:$0x1] =	stream.indirect_vreg.gather [hbm4b:s1+s3], $0x80, v4, vm0, $0xb8;
	[tilespmem:$0x18800] =	vst v63  }
0x235: {  	s31 =	simm.s32 $0xD800  }
0x236: {  	[tilespmem:s31], [sflag:$0x1] =	stream.indirect_vreg.gather [hbm4b:s1+s3], $0x80, v3, vm0, $0xb8;
	[tilespmem:$0x18800] =	vst v63  }
0x237: {  	v3 =	vld [tilespmem:s0+$0x160];
	_ =	sdelay $0x4  }
0x238: {  	v62 =	vshll.u32 v3, $0x1  }
0x239: {  	v3 =	vand.u32 $0x7, v3;
	v4 =	vand.u32 $0xFFFFFFF0, v62  }
0x23a: {  	v3 =	vor.u32 v3, v4  }
0x23b: {  	v4 =	vperm.xlane v3, v0;
	_ =	sdelay $0x1  }
0x23c: {  	v3 =	vperm.xlane v3, v2;
	v4 =	vadd.s32 v1, v4;
	_ =	sdelay $0x1  }
0x23d: {  	v3 =	vadd.s32 v1, v3;
	_ =	sdelay $0x1  }
0x23e: {  	s6 =	simm.s32 $0xE000  }
0x23f: {  	[tilespmem:s6], [sflag:$0x1] =	stream.indirect_vreg.gather [hbm4b:s1+s3], $0x80, v4, vm0, $0xb8;
	[tilespmem:$0x18800] =	vst v63  }
0x240: {  	s29 =	simm.s32 $0xE800  }
0x241: {  	[tilespmem:s29], [sflag:$0x1] =	stream.indirect_vreg.gather [hbm4b:s1+s3], $0x80, v3, vm0, $0xb8;
	[tilespmem:$0x18800] =	vst v63  }
0x242: {  	v3 =	vld [tilespmem:s0+$0x170];
	_ =	sdelay $0x4  }
0x243: {  	v63 =	vshll.u32 v3, $0x1  }
0x244: {  	v3 =	vand.u32 $0x7, v3;
	v4 =	vand.u32 $0xFFFFFFF0, v63  }
0x245: {  	v3 =	vor.u32 v3, v4  }
0x246: {  	v4 =	vperm.xlane v3, v0;
	_ =	sdelay $0x1  }
0x247: {  	v3 =	vperm.xlane v3, v2;
	v4 =	vadd.s32 v1, v4;
	_ =	sdelay $0x1  }
0x248: {  	v3 =	vadd.s32 v1, v3;
	_ =	sdelay $0x1  }
0x249: {  	s30 =	simm.s32 $0xF000  }
0x24a: {  	[tilespmem:s30], [sflag:$0x1] =	stream.indirect_vreg.gather [hbm4b:s1+s3], $0x80, v4, vm0, $0xb8;
	[tilespmem:$0x18800] =	vst v63  }
.Ltmp6:
0x24b: {  	s31 =	simm.s32 $0xF800;
	(pc) =	sbr.rel @p0 .LBB2_14-.Ltmp6, $4  }
0x24c: {  	[tilespmem:s31], [sflag:$0x1] =	stream.indirect_vreg.gather [hbm4b:s1+s3], $0x80, v3, vm0, $0xb8;
	[tilespmem:$0x18800] =	vst v63  }
0x24d: {  	_ =	swait.ge [sflag:s21], $0x8000  }
0x24e: {  	[sflag:s21] =	ssyncset.done $0x0  }
0x24f: {  	[sflag:s21] =	ssyncadd.s32 $0xFFFF8000  }
.LBB2_13:
0x250: {  	_ =	swait.ge [sflag:s22], $0x400  }
0x251: {  	[sflag:s22] =	ssyncset.done $0x0  }
0x252: {  	[sflag:s22] =	ssyncadd.s32 $0xFFFFFC00  }
.LBB2_14:
0x253: {  	s0 =	simm.s32 $0x0;
	s2 =	simm.s32 $0x0  }
0x254: {  	s0 =	sand.u32 $0x7, s0;
	s2 =	sand.u32 $0xFFFFFFF0, s2  }
0x255: {  	s2 =	sor.u32 s0, s2  }
0x256: {  	s6 =	simm.s32 $0x0;
	s2 =	sadd.s32 s26, s2  }
0x257: {  	s0 =	sshll.u32 s0, $0x7;
	v3 =	vmov s2;
	s2 =	sand.u32 $0x3FFFF000, s6  }
0x258: {  	s0 =	sor.u32 s0, s2  }
0x259: {  	v3 =	vand.u32 $0xFFFFFFF7, v3;
	s2 =	sadd.s32 $0x10000, s0  }
0x25a: {  	v3 =	vbroadcast v3, $0x0;
	v4 =	vld [tilespmem:s2+$0x470]  }
0x25b: {  	v5 =	vld [tilespmem:s2+$0x10]  }
0x25c: {  	v6 =	vld [tilespmem:s2+$0x20]  }
0x25d: {  	v7 =	vld [tilespmem:s2+$0x30]  }
0x25e: {  	v8 =	vld [tilespmem:s2+$0x40]  }
0x25f: {  	s29 =	simm.s32 $0x2;
	s6 =	simm.s32 $0x1;
	v14 =	vld [tilespmem:s2+$0x50]  }
0x260: {  	s29 =	sand.u32 $0xFFFFFFF0, s29;
	s6 =	sand.u32 $0x7, s6;
	v3 =	vld.idx.msk [tilespmem:v3+s10+$0x0], $0xffff  }
0x261: {  	s29 =	sor.u32 s6, s29;
	v15 =	vld [tilespmem:s2+$0x60]  }
0x262: {  	s29 =	sadd.s32 s26, s29;
	v16 =	vld [tilespmem:s2+$0x70]  }
0x263: {  	v18 =	vld [tilespmem:s2+$0x400];
	v9 =	vmov s29  }
0x264: {  	v20 =	vld [tilespmem:s2+$0x410];
	v9 =	vand.u32 $0xFFFFFFF7, v9  }
0x265: {  	v25 =	vld [tilespmem:s2+$0x460];
	v21 =	vbroadcast v9, $0x0;
	v4 =	vmul.f32 v4, v3  }
0x266: {  	v11 =	vimm.f32 $0.0e+00;
	v22 =	vld [tilespmem:s2+$0x420];
	v5 =	vmul.f32 v5, v3;
	v6 =	vmul.f32 v6, v3  }
0x267: {  	v24 =	vld [tilespmem:s2+$0x440];
	v12 =	vadd.f32 v4, v11;
	v4 =	vmul.f32 v7, v3  }
0x268: {  	s29 =	simm.s32 $0x200;
	v9 =	vadd.f32 v5, v11;
	v10 =	vadd.f32 v6, v11;
	v5 =	vmul.f32 v8, v3;
	v6 =	vld [tilespmem:s2+$0x450]  }
0x269: {  	s6 =	sshll.u32 s6, $0x7;
	v23 =	vld [tilespmem:s2+$0x430];
	s29 =	sand.u32 $0x3FFFF000, s29;
	v7 =	vmul.f32 v15, v3;
	v13 =	vadd.f32 v4, v11;
	v4 =	vmul.f32 v14, v3  }
0x26a: {  	v26 =	vld [tilespmem:s0+$0x10000];
	s29 =	sor.u32 s6, s29;
	v27 =	vmul.f32 v25, v3;
	v17 =	vadd.f32 v5, v11;
	v5 =	vmul.f32 v16, v3  }
0x26b: {  	s30 =	sadd.s32 $0x10000, s29;
	v8 =	vmul.f32 v18, v3;
	v18 =	vld.idx.msk [tilespmem:v21+s10+$0x0], $0xffff;
	v14 =	vadd.f32 v7, v11;
	v19 =	vadd.f32 v4, v11  }
0x26c: {  	v4 =	vmul.f32 v20, v3;
	v16 =	vadd.f32 v5, v11;
	v5 =	vmul.f32 v22, v3;
	v20 =	vld [tilespmem:s30+$0x470]  }
0x26d: {  	v21 =	vld [tilespmem:s30+$0x10];
	v15 =	vadd.f32 v8, v11;
	v22 =	vmul.f32 v24, v3;
	v24 =	vmul.f32 v6, v3  }
0x26e: {  	v7 =	vadd.f32 v4, v11;
	v4 =	vmul.f32 v23, v3;
	v8 =	vadd.f32 v5, v11;
	v23 =	vld [tilespmem:s30+$0x20]  }
0x26f: {  	v25 =	vmul.f32 v26, v3;
	v5 =	vadd.f32 v22, v11;
	v22 =	vld [tilespmem:s30+$0x30];
	v3 =	vadd.f32 v27, v11  }
0x270: {  	s31 =	simm.s32 $0x2;
	s0 =	simm.s32 $0x3;
	s2 =	simm.s32 $0x4;
	v6 =	vadd.f32 v4, v11;
	v4 =	vadd.f32 v24, v11;
	v24 =	vld [tilespmem:s30+$0x40]  }
.LBB2_15:
0x271: {  	p0 =	sne.s32 s0, $0x1F;
	s6 =	sand.u32 $0x7, s31;
	s2 =	sand.u32 $0xFFFFFFF0, s2;
	v26 =	vld [tilespmem:s30+$0x50];
	v20 =	vmul.f32 v20, v18;
	v11 =	vadd.f32 v25, v11;
	v25 =	vmov v18  }
0x272: {  	s2 =	sor.u32 s6, s2;
	v18 =	vmul.f32 v21, v25;
	v21 =	vld [tilespmem:s30+$0x60]  }
0x273: {  	s2 =	sadd.s32 s26, s2;
	v23 =	vmul.f32 v23, v25;
	v27 =	vld [tilespmem:s30+$0x70];
	v12 =	vadd.f32 v20, v12  }
0x274: {  	v20 =	vmov s2;
	v9 =	vadd.f32 v18, v9;
	v18 =	vmul.f32 v22, v25;
	v22 =	vld [tilespmem:s30+$0x400]  }
0x275: {  	v20 =	vand.u32 $0xFFFFFFF7, v20;
	v10 =	vadd.f32 v23, v10;
	v23 =	vmul.f32 v24, v25;
	v24 =	vld [tilespmem:s30+$0x410]  }
0x276: {  	v20 =	vbroadcast v20, $0x0;
	v13 =	vadd.f32 v18, v13;
	v18 =	vmul.f32 v26, v25;
	v26 =	vld [tilespmem:s30+$0x420]  }
0x277: {  	v17 =	vadd.f32 v23, v17;
	v21 =	vmul.f32 v21, v25;
	v23 =	vld [tilespmem:s30+$0x430]  }
0x278: {  	v19 =	vadd.f32 v18, v19;
	v18 =	vmul.f32 v27, v25;
	v27 =	vld [tilespmem:s30+$0x440]  }
0x279: {  	s2 =	sshll.u32 s31, $0x9;
	s31 =	smov.u32 s0;
	v14 =	vadd.f32 v21, v14;
	v21 =	vmul.f32 v22, v25;
	v22 =	vld [tilespmem:s30+$0x450]  }
0x27a: {  	s6 =	sshll.u32 s6, $0x7;
	s2 =	sand.u32 $0x3FFFF000, s2;
	v16 =	vadd.f32 v18, v16;
	v24 =	vmul.f32 v24, v25;
	v28 =	vld [tilespmem:s30+$0x460]  }
0x27b: {  	v29 =	vld [tilespmem:s29+$0x10000];
	s29 =	sor.u32 s6, s2;
	v15 =	vadd.f32 v21, v15;
	v21 =	vmul.f32 v26, v25  }
0x27c: {  	v18 =	vld.idx.msk [tilespmem:v20+s10+$0x0], $0xffff;
	s30 =	sadd.s32 $0x10000, s29;
	v7 =	vadd.f32 v24, v7;
	v23 =	vmul.f32 v23, v25  }
.Ltmp7:
0x27d: {  	v20 =	vld [tilespmem:s30+$0x470];
	v8 =	vadd.f32 v21, v8;
	v24 =	vmul.f32 v27, v25;
	(pc) =	sbr.rel @p0 .LBB2_15-.Ltmp7, $4  }
0x27e: {  	v21 =	vld [tilespmem:s30+$0x10];
	v6 =	vadd.f32 v23, v6;
	v26 =	vmul.f32 v22, v25  }
0x27f: {  	v23 =	vld [tilespmem:s30+$0x20];
	v5 =	vadd.f32 v24, v5;
	v27 =	vmul.f32 v28, v25  }
0x280: {  	v22 =	vld [tilespmem:s30+$0x30];
	v25 =	vmul.f32 v29, v25;
	v4 =	vadd.f32 v26, v4  }
0x281: {  	s0 =	sadd.s32 $0x1, s0;
	s2 =	sshll.u32 s31, $0x1;
	v24 =	vld [tilespmem:s30+$0x40];
	v3 =	vadd.f32 v27, v3  }
0x282: {  	v26 =	vld [tilespmem:s30+$0x50]  }
0x283: {  	v27 =	vld [tilespmem:s30+$0x60]  }
0x284: {  	v28 =	vld [tilespmem:s30+$0x70]  }
0x285: {  	v30 =	vld [tilespmem:s30+$0x400]  }
0x286: {  	v31 =	vld [tilespmem:s30+$0x410]  }
0x287: {  	v32 =	vld [tilespmem:s30+$0x420]  }
0x288: {  	s0 =	sand.u32 $0x7, s31;
	s2 =	sand.u32 $0xFFFFFFF0, s2;
	v33 =	vld [tilespmem:s30+$0x430]  }
0x289: {  	v34 =	vld [tilespmem:s30+$0x440];
	s2 =	sor.u32 s0, s2  }
0x28a: {  	s6 =	sshll.u32 s31, $0x9;
	v35 =	vld [tilespmem:s30+$0x450];
	s2 =	sadd.s32 s26, s2  }
0x28b: {  	v36 =	vld [tilespmem:s30+$0x460];
	s0 =	sshll.u32 s0, $0x7;
	v29 =	vmov s2;
	s2 =	sand.u32 $0x3FFFF000, s6  }
0x28c: {  	v37 =	vld [tilespmem:s29+$0x10000];
	s0 =	sor.u32 s0, s2  }
0x28d: {  	v11 =	vadd.f32 v25, v11;
	v29 =	vand.u32 $0xFFFFFFF7, v29;
	s2 =	sadd.s32 $0x10000, s0;
	v25 =	vld [tilespmem:s0+$0x10000]  }
0x28e: {  	v29 =	vbroadcast v29, $0x0;
	v38 =	vld [tilespmem:s2+$0x470]  }
0x28f: {  	v39 =	vld [tilespmem:s2+$0x10]  }
0x290: {  	v40 =	vld [tilespmem:s2+$0x20]  }
0x291: {  	v41 =	vld [tilespmem:s2+$0x30]  }
0x292: {  	v42 =	vld [tilespmem:s2+$0x40]  }
0x293: {  	v20 =	vmul.f32 v20, v18;
	v21 =	vmul.f32 v21, v18;
	v43 =	vld [tilespmem:s2+$0x50]  }
0x294: {  	v23 =	vmul.f32 v23, v18;
	v29 =	vld.idx.msk [tilespmem:v29+s10+$0x0], $0xffff  }
0x295: {  	v12 =	vadd.f32 v20, v12;
	v20 =	vmul.f32 v22, v18;
	v9 =	vadd.f32 v21, v9;
	v44 =	vld [tilespmem:s2+$0x60]  }
0x296: {  	v22 =	vmul.f32 v24, v18;
	v10 =	vadd.f32 v23, v10;
	v21 =	vmul.f32 v26, v18;
	v24 =	vld [tilespmem:s2+$0x70]  }
0x297: {  	v13 =	vadd.f32 v20, v13;
	v20 =	vmul.f32 v37, v18;
	v26 =	vmul.f32 v27, v18;
	v23 =	vld [tilespmem:s2+$0x400]  }
0x298: {  	v17 =	vadd.f32 v22, v17;
	v22 =	vld [tilespmem:s2+$0x410];
	v19 =	vadd.f32 v21, v19;
	v21 =	vmul.f32 v28, v18  }
0x299: {  	v59 =	vmul.f32 v30, v18;
	v27 =	vld [tilespmem:s2+$0x420];
	v11 =	vadd.f32 v20, v11;
	v25 =	vmul.f32 v25, v29  }
0x29a: {  	v61 =	vmul.f32 v31, v18;
	v62 =	vld [tilespmem:s2+$0x460];
	v16 =	vadd.f32 v21, v16;
	v21 =	vmul.f32 v39, v29  }
0x29b: {  	v20 =	vld [tilespmem:s2+$0x430];
	v14 =	vadd.f32 v26, v14;
	v60 =	vmul.f32 v40, v29;
	v11 =	vadd.f32 v25, v11  }
0x29c: {  	v26 =	vld [tilespmem:s2+$0x440];
	v15 =	vadd.f32 v59, v15;
	v9 =	vadd.f32 v21, v9;
	v21 =	vmul.f32 v41, v29  }
0x29d: {  	v63 =	vmul.f32 v42, v29;
	v25 =	vld [tilespmem:s2+$0x450];
	v10 =	vadd.f32 v60, v10;
	[tilespmem:$0x18400] =	vst v11;
	v11 =	vmul.f32 v32, v18  }
0x29e: {  	v7 =	vadd.f32 v61, v7;
	v13 =	vadd.f32 v21, v13;
	[tilespmem:$0x18410] =	vst v9;
	v9 =	vmul.f32 v43, v29  }
0x29f: {  	[tilespmem:$0x18420] =	vst v10;
	v10 =	vmul.f32 v44, v29;
	v8 =	vadd.f32 v11, v8;
	v11 =	vadd.f32 v63, v17  }
0x2a0: {  	v9 =	vadd.f32 v9, v19;
	[tilespmem:$0x18430] =	vst v13;
	v13 =	vmul.f32 v33, v18;
	v17 =	vmul.f32 v24, v29  }
0x2a1: {  	v10 =	vadd.f32 v10, v14;
	v14 =	vmul.f32 v23, v29;
	[tilespmem:$0x18440] =	vst v11;
	v11 =	vmul.f32 v34, v18  }
0x2a2: {  	v6 =	vadd.f32 v13, v6;
	v13 =	vadd.f32 v17, v16;
	v16 =	vmul.f32 v22, v29;
	[tilespmem:$0x18450] =	vst v9  }
0x2a3: {  	s6 =	simm.s32 $0x0;
	v9 =	vmul.f32 v35, v18;
	v14 =	vadd.f32 v14, v15;
	v15 =	vmul.f32 v27, v29;
	[tilespmem:$0x18460] =	vst v10  }
0x2a4: {  	s0 =	sand.u32 $0x30, s6;
	s2 =	sand.u32 $0x7, s6;
	v10 =	vmul.f32 v20, v29;
	v5 =	vadd.f32 v11, v5;
	v7 =	vadd.f32 v16, v7;
	[tilespmem:$0x18470] =	vst v13  }
0x2a5: {  	s0 =	sor.u32 s0, s2;
	v11 =	vmul.f32 v36, v18;
	v8 =	vadd.f32 v15, v8;
	v13 =	vmul.f32 v26, v29;
	[tilespmem:$0x18500] =	vst v14  }
0x2a6: {  	s0 =	sor.u32 $0x8, s0;
	v4 =	vadd.f32 v9, v4;
	v6 =	vadd.f32 v10, v6;
	v9 =	vmul.f32 v25, v29;
	[tilespmem:$0x18510] =	vst v7  }
0x2a7: {  	s6 =	sor.u32 s26, s0;
	v3 =	vadd.f32 v11, v3;
	v5 =	vadd.f32 v13, v5;
	v7 =	vmul.f32 v62, v29;
	[tilespmem:$0x18520] =	vst v8  }
0x2a8: {  	v8 =	vmul.f32 v38, v29;
	v4 =	vadd.f32 v9, v4;
	[tilespmem:$0x18530] =	vst v6;
	v6 =	vmov s6  }
0x2a9: {  	v3 =	vadd.f32 v7, v3;
	[tilespmem:$0x18540] =	vst v5  }
0x2aa: {  	v5 =	vadd.f32 v8, v12;
	[tilespmem:$0x18550] =	vst v4  }
0x2ab: {  	s0 =	sshll.u32 s0, $0x8;
	[tilespmem:$0x18560] =	vst v3  }
0x2ac: {  	s2 =	sshll.u32 s2, $0x7;
	s0 =	sand.u32 $0x3800, s0;
	[tilespmem:$0x18570] =	vst v5  }
0x2ad: {  	s29 =	sor.u32 s2, s0;
	v4 =	vld.idx.msk [tilespmem:v6+s10+$0x0], $0xffff  }
0x2ae: {  	v3 =	vld [tilespmem:s29+$0x10470]  }
0x2af: {  	v5 =	vld [tilespmem:s29+$0x10000]  }
0x2b0: {  	v19 =	vimm.f32 $0.0e+00;
	v6 =	vld [tilespmem:s29+$0x10010]  }
0x2b1: {  	v17 =	vimm.f32 $0.0e+00;
	v18 =	vimm.f32 $0.0e+00;
	v15 =	vimm.f32 $0.0e+00  }
0x2b2: {  	v16 =	vimm.f32 $0.0e+00;
	v14 =	vimm.f32 $0.0e+00;
	v10 =	vimm.f32 $0.0e+00;
	v20 =	vld [tilespmem:s29+$0x10020]  }
0x2b3: {  	v13 =	vimm.f32 $0.0e+00;
	v11 =	vimm.f32 $0.0e+00;
	v9 =	vimm.f32 $0.0e+00;
	v21 =	vld [tilespmem:s29+$0x10030]  }
0x2b4: {  	v12 =	vimm.f32 $0.0e+00;
	v7 =	vimm.f32 $0.0e+00;
	v22 =	vld [tilespmem:s29+$0x10040];
	v3 =	vmul.f32 v3, v4  }
0x2b5: {  	s30 =	simm.s32 $0x2;
	s6 =	simm.s32 $0x1;
	v8 =	vimm.f32 $0.0e+00;
	v23 =	vld [tilespmem:s29+$0x10050];
	v24 =	vmul.f32 v5, v4;
	v25 =	vmul.f32 v6, v4  }
0x2b6: {  	s2 =	sand.u32 $0x30, s30;
	s0 =	simm.s32 $0x2;
	s31 =	sand.u32 $0x7, s6;
	v26 =	vld [tilespmem:s29+$0x10060];
	v6 =	vimm.f32 $0.0e+00;
	v5 =	vimm.f32 $0.0e+00;
	v3 =	vadd.f32 v3, v18  }
.LBB2_17:
0x2b7: {  	p0 =	sne.s32 s0, $0x1F;
	s2 =	sor.u32 s2, s31;
	v18 =	vadd.f32 v24, v18;
	v20 =	vmul.f32 v20, v4;
	v24 =	vld [tilespmem:s29+$0x10070]  }
0x2b8: {  	s2 =	sor.u32 $0x8, s2;
	v19 =	vadd.f32 v25, v19;
	v21 =	vmul.f32 v21, v4;
	v25 =	vld [tilespmem:s29+$0x10400]  }
0x2b9: {  	s6 =	sor.u32 s26, s2;
	v17 =	vadd.f32 v20, v17;
	v20 =	vmul.f32 v22, v4;
	v22 =	vld [tilespmem:s29+$0x10410]  }
0x2ba: {  	v27 =	vmov s6;
	v15 =	vadd.f32 v21, v15;
	v21 =	vmul.f32 v23, v4;
	v23 =	vld [tilespmem:s29+$0x10420]  }
0x2bb: {  	v16 =	vadd.f32 v20, v16;
	v20 =	vmul.f32 v26, v4;
	v26 =	vld [tilespmem:s29+$0x10430]  }
0x2bc: {  	v13 =	vadd.f32 v21, v13;
	v21 =	vmul.f32 v24, v4;
	v24 =	vld [tilespmem:s29+$0x10440]  }
0x2bd: {  	s2 =	sshll.u32 s2, $0x8;
	v14 =	vadd.f32 v20, v14;
	v20 =	vmul.f32 v25, v4;
	v25 =	vld [tilespmem:s29+$0x10450]  }
0x2be: {  	s2 =	sand.u32 $0x3800, s2;
	s6 =	sshll.u32 s31, $0x7;
	v12 =	vadd.f32 v21, v12;
	v21 =	vmul.f32 v22, v4;
	v22 =	vld [tilespmem:s29+$0x10460]  }
0x2bf: {  	s29 =	sor.u32 s6, s2;
	v27 =	vld.idx.msk [tilespmem:v27+s10+$0x0], $0xffff;
	v10 =	vadd.f32 v20, v10;
	v20 =	vmul.f32 v23, v4  }
0x2c0: {  	v23 =	vld [tilespmem:s29+$0x10470];
	v11 =	vadd.f32 v21, v11;
	v21 =	vmul.f32 v26, v4  }
0x2c1: {  	v26 =	vld [tilespmem:s29+$0x10000];
	v9 =	vadd.f32 v20, v9;
	v24 =	vmul.f32 v24, v4  }
0x2c2: {  	v28 =	vld [tilespmem:s29+$0x10010];
	v7 =	vadd.f32 v21, v7;
	v25 =	vmul.f32 v25, v4  }
.Ltmp8:
0x2c3: {  	v20 =	vld [tilespmem:s29+$0x10020];
	v8 =	vadd.f32 v24, v8;
	v24 =	vmul.f32 v22, v4;
	(pc) =	sbr.rel @p0 .LBB2_17-.Ltmp8, $4  }
0x2c4: {  	v21 =	vld [tilespmem:s29+$0x10030];
	v6 =	vadd.f32 v25, v6  }
0x2c5: {  	v4 =	vmov v27;
	v22 =	vld [tilespmem:s29+$0x10040];
	v29 =	vmul.f32 v23, v27;
	v5 =	vadd.f32 v24, v5  }
0x2c6: {  	s30 =	sadd.s32 $0x2, s30;
	v24 =	vmul.f32 v26, v4;
	v23 =	vld [tilespmem:s29+$0x10050]  }
0x2c7: {  	s31 =	sand.u32 $0x7, s0;
	s0 =	sadd.s32 $0x1, s0;
	s2 =	sand.u32 $0x30, s30;
	v25 =	vmul.f32 v28, v4;
	v26 =	vld [tilespmem:s29+$0x10060];
	v3 =	vadd.f32 v29, v3  }
0x2c8: {  	v27 =	vld [tilespmem:s29+$0x10070]  }
0x2c9: {  	v28 =	vld [tilespmem:s29+$0x10400]  }
0x2ca: {  	v29 =	vld [tilespmem:s29+$0x10410]  }
0x2cb: {  	s0 =	sor.u32 s2, s31;
	v31 =	vld [tilespmem:s29+$0x10420]  }
0x2cc: {  	v32 =	vld [tilespmem:s29+$0x10430];
	s0 =	sor.u32 $0x8, s0  }
0x2cd: {  	v33 =	vld [tilespmem:s29+$0x10440];
	s6 =	sor.u32 s26, s0;
	s0 =	sshll.u32 s0, $0x8  }
0x2ce: {  	v34 =	vld [tilespmem:s29+$0x10450];
	v30 =	vmov s6;
	s0 =	sand.u32 $0x3800, s0;
	s6 =	sshll.u32 s31, $0x7  }
0x2cf: {  	v35 =	vld [tilespmem:s29+$0x10460];
	s0 =	sor.u32 s6, s0  }
0x2d0: {  	v36 =	vld [tilespmem:s0+$0x10470]  }
0x2d1: {  	v37 =	vld [tilespmem:s0+$0x10000]  }
0x2d2: {  	v38 =	vld [tilespmem:s0+$0x10010]  }
0x2d3: {  	v39 =	vld [tilespmem:s0+$0x10020]  }
0x2d4: {  	v40 =	vld [tilespmem:s0+$0x10030]  }
0x2d5: {  	v41 =	vld [tilespmem:s0+$0x10040]  }
0x2d6: {  	v42 =	vld [tilespmem:s0+$0x10050]  }
0x2d7: {  	v18 =	vadd.f32 v24, v18;
	v20 =	vmul.f32 v20, v4;
	v30 =	vld.idx.msk [tilespmem:v30+s10+$0x0], $0xffff  }
0x2d8: {  	v19 =	vadd.f32 v25, v19;
	v21 =	vmul.f32 v21, v4;
	v22 =	vmul.f32 v22, v4;
	v24 =	vld [tilespmem:s0+$0x10060]  }
0x2d9: {  	v17 =	vadd.f32 v20, v17;
	v20 =	vmul.f32 v23, v4;
	v23 =	vmul.f32 v26, v4;
	v25 =	vld [tilespmem:s0+$0x10070]  }
0x2da: {  	v15 =	vadd.f32 v21, v15;
	v16 =	vadd.f32 v22, v16;
	v26 =	vld [tilespmem:s0+$0x10400];
	v21 =	vmul.f32 v27, v4  }
0x2db: {  	v22 =	vld [tilespmem:s0+$0x10410];
	v13 =	vadd.f32 v20, v13;
	v20 =	vmul.f32 v28, v4;
	v14 =	vadd.f32 v23, v14  }
0x2dc: {  	v60 =	vld [tilespmem:s0+$0x10430];
	v12 =	vadd.f32 v21, v12;
	v21 =	vmul.f32 v29, v4;
	v27 =	vmul.f32 v37, v30  }
0x2dd: {  	v62 =	vld [tilespmem:s0+$0x10440];
	v10 =	vadd.f32 v20, v10;
	v20 =	vmul.f32 v31, v4;
	v61 =	vmul.f32 v38, v30  }
0x2de: {  	v63 =	vld [tilespmem:s0+$0x10460];
	v11 =	vadd.f32 v21, v11;
	v21 =	vmul.f32 v39, v30;
	v18 =	vadd.f32 v27, v18  }
0x2df: {  	v23 =	vld [tilespmem:s0+$0x10420];
	v9 =	vadd.f32 v20, v9;
	v20 =	vmul.f32 v40, v30;
	v19 =	vadd.f32 v61, v19  }
0x2e0: {  	v27 =	vld [tilespmem:s0+$0x10450];
	v17 =	vadd.f32 v21, v17;
	v21 =	vmul.f32 v41, v30;
	[tilespmem:$0x18600] =	vst v18  }
0x2e1: {  	v15 =	vadd.f32 v20, v15;
	v20 =	vmul.f32 v42, v30;
	v18 =	vmul.f32 v32, v4;
	[tilespmem:$0x18610] =	vst v19  }
0x2e2: {  	v19 =	vmul.f32 v33, v4;
	v16 =	vadd.f32 v21, v16;
	[tilespmem:$0x18620] =	vst v17;
	v17 =	vmul.f32 v24, v30  }
0x2e3: {  	v13 =	vadd.f32 v20, v13;
	[tilespmem:$0x18630] =	vst v15;
	v15 =	vmul.f32 v25, v30;
	v7 =	vadd.f32 v18, v7  }
0x2e4: {  	v14 =	vadd.f32 v17, v14;
	v17 =	vmul.f32 v34, v4;
	v18 =	vmul.f32 v26, v30;
	[tilespmem:$0x18640] =	vst v16  }
0x2e5: {  	s6 =	simm.s32 $0x0;
	v4 =	vmul.f32 v35, v4;
	v12 =	vadd.f32 v15, v12;
	v15 =	vmul.f32 v22, v30;
	[tilespmem:$0x18650] =	vst v13  }
0x2e6: {  	s2 =	sand.u32 $0x7, s6;
	s0 =	sand.u32 $0x30, s6;
	v8 =	vadd.f32 v19, v8;
	v13 =	vmul.f32 v23, v30;
	v10 =	vadd.f32 v18, v10;
	[tilespmem:$0x18660] =	vst v14  }
0x2e7: {  	s6 =	sor.u32 s26, s2;
	s0 =	sor.u32 $0x40, s0;
	v4 =	vadd.f32 v4, v5;
	v5 =	vadd.f32 v15, v11;
	v11 =	vmul.f32 v60, v30;
	[tilespmem:$0x18670] =	vst v12  }
0x2e8: {  	s6 =	sor.u32 s0, s6;
	v6 =	vadd.f32 v17, v6;
	v9 =	vadd.f32 v13, v9;
	v12 =	vmul.f32 v62, v30;
	[tilespmem:$0x18700] =	vst v10  }
0x2e9: {  	v10 =	vmov s6;
	v7 =	vadd.f32 v11, v7;
	v11 =	vmul.f32 v27, v30;
	[tilespmem:$0x18710] =	vst v5  }
0x2ea: {  	v8 =	vadd.f32 v12, v8;
	[tilespmem:$0x18720] =	vst v9;
	v9 =	vmul.f32 v36, v30;
	v5 =	vand.u32 $0xFFFFFFF7, v10  }
0x2eb: {  	v10 =	vmul.f32 v63, v30;
	v5 =	vbroadcast v5, $0x0;
	v6 =	vadd.f32 v11, v6;
	[tilespmem:$0x18730] =	vst v7  }
0x2ec: {  	[tilespmem:$0x18740] =	vst v8;
	v3 =	vadd.f32 v9, v3  }
0x2ed: {  	v4 =	vadd.f32 v10, v4;
	[tilespmem:$0x18750] =	vst v6  }
0x2ee: {  	s2 =	sshll.u32 s2, $0x7;
	s0 =	sshll.u32 s0, $0x8;
	[tilespmem:$0x18770] =	vst v3  }
0x2ef: {  	s29 =	sor.u32 s2, s0;
	[tilespmem:$0x18760] =	vst v4  }
0x2f0: {  	v4 =	vld [tilespmem:s29+$0x10470]  }
0x2f1: {  	v19 =	vimm.f32 $0.0e+00;
	v16 =	vimm.f32 $0.0e+00;
	v3 =	vld.idx.msk [tilespmem:v5+s10+$0x0], $0xffff  }
0x2f2: {  	v17 =	vimm.f32 $0.0e+00;
	v18 =	vimm.f32 $0.0e+00;
	v14 =	vimm.f32 $0.0e+00;
	v20 =	vld [tilespmem:s29+$0x10000]  }
0x2f3: {  	v15 =	vimm.f32 $0.0e+00;
	v13 =	vimm.f32 $0.0e+00;
	v12 =	vimm.f32 $0.0e+00;
	v23 =	vld [tilespmem:s29+$0x10010]  }
0x2f4: {  	v11 =	vimm.f32 $0.0e+00;
	v9 =	vimm.f32 $0.0e+00;
	v8 =	vimm.f32 $0.0e+00;
	v21 =	vld [tilespmem:s29+$0x10020]  }
0x2f5: {  	s30 =	simm.s32 $0x2;
	s6 =	simm.s32 $0x1;
	v7 =	vimm.f32 $0.0e+00;
	v10 =	vimm.f32 $0.0e+00;
	v6 =	vimm.f32 $0.0e+00;
	v22 =	vld [tilespmem:s29+$0x10030]  }
0x2f6: {  	s2 =	sand.u32 $0x30, s30;
	s0 =	simm.s32 $0x2;
	s31 =	sand.u32 $0x7, s6;
	v25 =	vld [tilespmem:s29+$0x10040];
	v5 =	vimm.f32 $0.0e+00;
	v24 =	vmul.f32 v4, v3;
	v4 =	vimm.f32 $0.0e+00  }
.LBB2_19:
0x2f7: {  	p0 =	sne.s32 s0, $0x1F;
	s2 =	sor.u32 $0x40, s2;
	s6 =	sor.u32 s26, s31;
	v20 =	vmul.f32 v20, v3;
	v26 =	vld [tilespmem:s29+$0x10050]  }
0x2f8: {  	s6 =	sor.u32 s2, s6;
	v23 =	vmul.f32 v23, v3;
	v27 =	vld [tilespmem:s29+$0x10060];
	v17 =	vadd.f32 v24, v17  }
0x2f9: {  	v24 =	vmov s6;
	v19 =	vadd.f32 v20, v19;
	v20 =	vmul.f32 v21, v3;
	v21 =	vld [tilespmem:s29+$0x10070]  }
0x2fa: {  	v24 =	vand.u32 $0xFFFFFFF7, v24;
	v18 =	vadd.f32 v23, v18;
	v22 =	vmul.f32 v22, v3;
	v23 =	vld [tilespmem:s29+$0x10400]  }
0x2fb: {  	v24 =	vbroadcast v24, $0x0;
	v16 =	vadd.f32 v20, v16;
	v20 =	vmul.f32 v25, v3;
	v25 =	vld [tilespmem:s29+$0x10410]  }
0x2fc: {  	v14 =	vadd.f32 v22, v14;
	v22 =	vmul.f32 v26, v3;
	v26 =	vld [tilespmem:s29+$0x10420]  }
0x2fd: {  	v15 =	vadd.f32 v20, v15;
	v20 =	vmul.f32 v27, v3;
	v27 =	vld [tilespmem:s29+$0x10430]  }
0x2fe: {  	v12 =	vadd.f32 v22, v12;
	v21 =	vmul.f32 v21, v3;
	v22 =	vld [tilespmem:s29+$0x10440]  }
0x2ff: {  	v13 =	vadd.f32 v20, v13;
	v20 =	vmul.f32 v23, v3;
	v28 =	vld [tilespmem:s29+$0x10450]  }
0x300: {  	s2 =	sshll.u32 s2, $0x8;
	s6 =	sshll.u32 s31, $0x7;
	v11 =	vadd.f32 v21, v11;
	v21 =	vmul.f32 v25, v3;
	v25 =	vld [tilespmem:s29+$0x10460]  }
0x301: {  	s29 =	sor.u32 s6, s2;
	v29 =	vld.idx.msk [tilespmem:v24+s10+$0x0], $0xffff;
	v9 =	vadd.f32 v20, v9;
	v23 =	vmul.f32 v26, v3  }
0x302: {  	v24 =	vld [tilespmem:s29+$0x10470];
	v10 =	vadd.f32 v21, v10;
	v21 =	vmul.f32 v27, v3  }
.Ltmp9:
0x303: {  	v20 =	vld [tilespmem:s29+$0x10000];
	v8 =	vadd.f32 v23, v8;
	v22 =	vmul.f32 v22, v3;
	(pc) =	sbr.rel @p0 .LBB2_19-.Ltmp9, $4  }
0x304: {  	v23 =	vld [tilespmem:s29+$0x10010];
	v7 =	vadd.f32 v21, v7;
	v26 =	vmul.f32 v28, v3  }
0x305: {  	v21 =	vld [tilespmem:s29+$0x10020];
	v6 =	vadd.f32 v22, v6;
	v27 =	vmul.f32 v25, v3  }
0x306: {  	s30 =	sadd.s32 $0x2, s30;
	v22 =	vld [tilespmem:s29+$0x10030];
	v5 =	vadd.f32 v26, v5  }
0x307: {  	s31 =	sand.u32 $0x7, s0;
	s0 =	sadd.s32 $0x1, s0;
	s2 =	sand.u32 $0x30, s30;
	v3 =	vmov v29;
	v25 =	vld [tilespmem:s29+$0x10040];
	v24 =	vmul.f32 v24, v29;
	v4 =	vadd.f32 v27, v4  }
0x308: {  	v26 =	vld [tilespmem:s29+$0x10050]  }
0x309: {  	v27 =	vld [tilespmem:s29+$0x10060]  }
0x30a: {  	v29 =	vld [tilespmem:s29+$0x10070]  }
0x30b: {  	v30 =	vld [tilespmem:s29+$0x10400]  }
0x30c: {  	v31 =	vld [tilespmem:s29+$0x10410]  }
0x30d: {  	v32 =	vld [tilespmem:s29+$0x10420]  }
0x30e: {  	v33 =	vld [tilespmem:s29+$0x10430]  }
0x30f: {  	s0 =	sor.u32 $0x40, s2;
	s6 =	sor.u32 s26, s31;
	v34 =	vld [tilespmem:s29+$0x10440]  }
0x310: {  	v35 =	vld [tilespmem:s29+$0x10450];
	s2 =	sor.u32 s0, s6;
	s0 =	sshll.u32 s0, $0x8;
	s6 =	sshll.u32 s31, $0x7  }
0x311: {  	v36 =	vld [tilespmem:s29+$0x10460];
	v28 =	vmov s2;
	s0 =	sor.u32 s6, s0  }
0x312: {  	v28 =	vand.u32 $0xFFFFFFF7, v28;
	v37 =	vld [tilespmem:s0+$0x10470]  }
0x313: {  	v38 =	vld [tilespmem:s0+$0x10000];
	v28 =	vbroadcast v28, $0x0  }
0x314: {  	v39 =	vld [tilespmem:s0+$0x10010]  }
0x315: {  	v40 =	vld [tilespmem:s0+$0x10020]  }
0x316: {  	v41 =	vld [tilespmem:s0+$0x10030]  }
0x317: {  	v42 =	vld [tilespmem:s0+$0x10040]  }
0x318: {  	v20 =	vmul.f32 v20, v3;
	v43 =	vld [tilespmem:s0+$0x10050]  }
0x319: {  	v23 =	vmul.f32 v23, v3;
	v28 =	vld.idx.msk [tilespmem:v28+s10+$0x0], $0xffff  }
0x31a: {  	v17 =	vadd.f32 v24, v17;
	v19 =	vadd.f32 v20, v19;
	v20 =	vmul.f32 v21, v3;
	v44 =	vld [tilespmem:s0+$0x10060]  }
0x31b: {  	v21 =	vld [tilespmem:s0+$0x10070];
	v18 =	vadd.f32 v23, v18;
	v22 =	vmul.f32 v22, v3;
	v23 =	vmul.f32 v25, v3  }
0x31c: {  	v24 =	vld [tilespmem:s0+$0x10400];
	v16 =	vadd.f32 v20, v16;
	v20 =	vmul.f32 v26, v3;
	v25 =	vmul.f32 v27, v3  }
0x31d: {  	v61 =	vld [tilespmem:s0+$0x10440];
	v14 =	vadd.f32 v22, v14;
	v22 =	vmul.f32 v29, v3;
	v27 =	vmul.f32 v30, v3  }
0x31e: {  	v63 =	vld [tilespmem:s0+$0x10450];
	v62 =	vmul.f32 v31, v3;
	v12 =	vadd.f32 v20, v12;
	v20 =	vmul.f32 v38, v28  }
0x31f: {  	v26 =	vld [tilespmem:s0+$0x10410];
	v15 =	vadd.f32 v23, v15;
	v11 =	vadd.f32 v22, v11;
	v22 =	vmul.f32 v39, v28  }
0x320: {  	v23 =	vld [tilespmem:s0+$0x10420];
	v13 =	vadd.f32 v25, v13;
	v19 =	vadd.f32 v20, v19;
	v20 =	vmul.f32 v40, v28  }
0x321: {  	v25 =	vld [tilespmem:s0+$0x10430];
	v9 =	vadd.f32 v27, v9;
	v18 =	vadd.f32 v22, v18;
	v22 =	vmul.f32 v41, v28  }
0x322: {  	v27 =	vld [tilespmem:s0+$0x10460];
	v10 =	vadd.f32 v62, v10;
	v16 =	vadd.f32 v20, v16;
	[tilespmem:$0x18480] =	vst v19;
	v19 =	vmul.f32 v42, v28  }
0x323: {  	v14 =	vadd.f32 v22, v14;
	[tilespmem:$0x18490] =	vst v18;
	v18 =	vmul.f32 v32, v3;
	v20 =	vmul.f32 v43, v28  }
0x324: {  	v15 =	vadd.f32 v19, v15;
	[tilespmem:$0x184A0] =	vst v16;
	v16 =	vmul.f32 v33, v3;
	v19 =	vmul.f32 v44, v28  }
0x325: {  	v8 =	vadd.f32 v18, v8;
	v12 =	vadd.f32 v20, v12;
	[tilespmem:$0x184B0] =	vst v14;
	v14 =	vmul.f32 v21, v28  }
0x326: {  	v7 =	vadd.f32 v16, v7;
	v13 =	vadd.f32 v19, v13;
	[tilespmem:$0x184C0] =	vst v15;
	v15 =	vmul.f32 v24, v28  }
0x327: {  	v16 =	vmul.f32 v34, v3;
	v11 =	vadd.f32 v14, v11;
	v14 =	vmul.f32 v26, v28;
	[tilespmem:$0x184D0] =	vst v12  }
0x328: {  	v12 =	vmul.f32 v35, v3;
	v9 =	vadd.f32 v15, v9;
	v15 =	vmul.f32 v23, v28;
	[tilespmem:$0x184E0] =	vst v13  }
0x329: {  	s6 =	simm.s32 $0x0;
	v3 =	vmul.f32 v36, v3;
	v10 =	vadd.f32 v14, v10;
	v13 =	vmul.f32 v25, v28;
	[tilespmem:$0x184F0] =	vst v11  }
0x32a: {  	s2 =	sand.u32 $0x7, s6;
	s0 =	sand.u32 $0x30, s6;
	v6 =	vadd.f32 v16, v6;
	v11 =	vmul.f32 v61, v28;
	v8 =	vadd.f32 v15, v8;
	[tilespmem:$0x18580] =	vst v9  }
0x32b: {  	s6 =	sor.u32 s26, s2;
	s0 =	sor.u32 $0x48, s0;
	v5 =	vadd.f32 v12, v5;
	v7 =	vadd.f32 v13, v7;
	v9 =	vmul.f32 v63, v28;
	[tilespmem:$0x18590] =	vst v10  }
0x32c: {  	s6 =	sor.u32 s0, s6;
	v3 =	vadd.f32 v3, v4;
	v4 =	vadd.f32 v11, v6;
	v6 =	vmul.f32 v27, v28;
	[tilespmem:$0x185A0] =	vst v8  }
0x32d: {  	v8 =	vmul.f32 v37, v28;
	v5 =	vadd.f32 v9, v5;
	[tilespmem:$0x185B0] =	vst v7;
	v7 =	vmov s6  }
0x32e: {  	v3 =	vadd.f32 v6, v3;
	[tilespmem:$0x185C0] =	vst v4  }
0x32f: {  	v4 =	vadd.f32 v8, v17;
	[tilespmem:$0x185D0] =	vst v5  }
0x330: {  	[tilespmem:$0x185E0] =	vst v3  }
0x331: {  	s2 =	sshll.u32 s2, $0x7;
	s0 =	sshll.u32 s0, $0x8;
	[tilespmem:$0x185F0] =	vst v4  }
0x332: {  	s29 =	sor.u32 s2, s0;
	v4 =	vld.idx.msk [tilespmem:v7+s10+$0x0], $0xffff  }
0x333: {  	v3 =	vld [tilespmem:s29+$0x10470]  }
0x334: {  	v5 =	vld [tilespmem:s29+$0x10000]  }
0x335: {  	v6 =	vld [tilespmem:s29+$0x10010]  }
0x336: {  	v18 =	vimm.f32 $0.0e+00;
	v19 =	vimm.f32 $0.0e+00;
	v7 =	vld [tilespmem:s29+$0x10020]  }
0x337: {  	v14 =	vimm.f32 $0.0e+00;
	v16 =	vimm.f32 $0.0e+00;
	v12 =	vimm.f32 $0.0e+00  }
0x338: {  	v15 =	vimm.f32 $0.0e+00;
	v13 =	vimm.f32 $0.0e+00;
	v11 =	vimm.f32 $0.0e+00;
	v20 =	vld [tilespmem:s29+$0x10030]  }
0x339: {  	v9 =	vimm.f32 $0.0e+00;
	v17 =	vimm.f32 $0.0e+00;
	v21 =	vld [tilespmem:s29+$0x10040];
	v3 =	vmul.f32 v3, v4  }
0x33a: {  	v8 =	vimm.f32 $0.0e+00;
	v22 =	vld [tilespmem:s29+$0x10050];
	v5 =	vmul.f32 v5, v4;
	v24 =	vmul.f32 v6, v4  }
0x33b: {  	s30 =	simm.s32 $0x2;
	s6 =	simm.s32 $0x1;
	v23 =	vld [tilespmem:s29+$0x10060];
	v25 =	vmul.f32 v7, v4;
	v7 =	vimm.f32 $0.0e+00;
	v6 =	vimm.f32 $0.0e+00  }
0x33c: {  	s2 =	sand.u32 $0x30, s30;
	s0 =	simm.s32 $0x2;
	s31 =	sand.u32 $0x7, s6;
	v26 =	vld [tilespmem:s29+$0x10070];
	v3 =	vadd.f32 v3, v15;
	v10 =	vadd.f32 v5, v15;
	v5 =	vimm.f32 $0.0e+00  }
.LBB2_21:
0x33d: {  	p0 =	sne.s32 s0, $0x1F;
	s2 =	sor.u32 $0x48, s2;
	s6 =	sor.u32 s26, s31;
	v15 =	vadd.f32 v24, v15;
	v20 =	vmul.f32 v20, v4;
	v24 =	vld [tilespmem:s29+$0x10400]  }
0x33e: {  	s6 =	sor.u32 s2, s6;
	v19 =	vadd.f32 v25, v19;
	v21 =	vmul.f32 v21, v4;
	v25 =	vld [tilespmem:s29+$0x10410]  }
0x33f: {  	v27 =	vmov s6;
	v17 =	vadd.f32 v20, v17;
	v20 =	vmul.f32 v22, v4;
	v22 =	vld [tilespmem:s29+$0x10420]  }
0x340: {  	v18 =	vadd.f32 v21, v18;
	v21 =	vmul.f32 v23, v4;
	v23 =	vld [tilespmem:s29+$0x10430]  }
0x341: {  	v14 =	vadd.f32 v20, v14;
	v20 =	vmul.f32 v26, v4;
	v26 =	vld [tilespmem:s29+$0x10440]  }
0x342: {  	v16 =	vadd.f32 v21, v16;
	v21 =	vmul.f32 v24, v4;
	v24 =	vld [tilespmem:s29+$0x10450]  }
0x343: {  	s2 =	sshll.u32 s2, $0x8;
	s6 =	sshll.u32 s31, $0x7;
	v13 =	vadd.f32 v20, v13;
	v20 =	vmul.f32 v25, v4;
	v25 =	vld [tilespmem:s29+$0x10460]  }
0x344: {  	s29 =	sor.u32 s6, s2;
	v27 =	vld.idx.msk [tilespmem:v27+s10+$0x0], $0xffff;
	v11 =	vadd.f32 v21, v11;
	v21 =	vmul.f32 v22, v4  }
0x345: {  	v22 =	vld [tilespmem:s29+$0x10470];
	v12 =	vadd.f32 v20, v12;
	v20 =	vmul.f32 v23, v4  }
0x346: {  	v23 =	vld [tilespmem:s29+$0x10000];
	v9 =	vadd.f32 v21, v9;
	v21 =	vmul.f32 v26, v4  }
0x347: {  	v26 =	vld [tilespmem:s29+$0x10010];
	v8 =	vadd.f32 v20, v8;
	v24 =	vmul.f32 v24, v4  }
0x348: {  	v28 =	vld [tilespmem:s29+$0x10020];
	v7 =	vadd.f32 v21, v7;
	v29 =	vmul.f32 v25, v4  }
.Ltmp10:
0x349: {  	v20 =	vld [tilespmem:s29+$0x10030];
	v6 =	vadd.f32 v24, v6;
	(pc) =	sbr.rel @p0 .LBB2_21-.Ltmp10, $4  }
0x34a: {  	v4 =	vmov v27;
	v21 =	vld [tilespmem:s29+$0x10040];
	v25 =	vmul.f32 v22, v27;
	v5 =	vadd.f32 v29, v5  }
0x34b: {  	v27 =	vmul.f32 v23, v4;
	v22 =	vld [tilespmem:s29+$0x10050]  }
0x34c: {  	s30 =	sadd.s32 $0x2, s30;
	v24 =	vmul.f32 v26, v4;
	v23 =	vld [tilespmem:s29+$0x10060];
	v3 =	vadd.f32 v25, v3  }
0x34d: {  	s31 =	sand.u32 $0x7, s0;
	s0 =	sadd.s32 $0x1, s0;
	s2 =	sand.u32 $0x30, s30;
	v10 =	vadd.f32 v27, v10;
	v25 =	vmul.f32 v28, v4;
	v26 =	vld [tilespmem:s29+$0x10070]  }
0x34e: {  	v27 =	vld [tilespmem:s29+$0x10400]  }
0x34f: {  	v28 =	vld [tilespmem:s29+$0x10410]  }
0x350: {  	v30 =	vld [tilespmem:s29+$0x10420]  }
0x351: {  	v31 =	vld [tilespmem:s29+$0x10430]  }
0x352: {  	s0 =	sor.u32 $0x48, s2;
	s6 =	sor.u32 s26, s31;
	v32 =	vld [tilespmem:s29+$0x10440]  }
0x353: {  	v33 =	vld [tilespmem:s29+$0x10450];
	s26 =	sshll.u32 s31, $0x7;
	s2 =	sor.u32 s0, s6;
	s0 =	sshll.u32 s0, $0x8  }
0x354: {  	v34 =	vld [tilespmem:s29+$0x10460];
	s0 =	sor.u32 s26, s0  }
0x355: {  	v35 =	vld [tilespmem:s0+$0x10470]  }
0x356: {  	v36 =	vld [tilespmem:s0+$0x10000]  }
0x357: {  	v29 =	vmov s2;
	v37 =	vld [tilespmem:s0+$0x10010]  }
0x358: {  	v38 =	vld [tilespmem:s0+$0x10020]  }
0x359: {  	v39 =	vld [tilespmem:s0+$0x10030]  }
0x35a: {  	v40 =	vld [tilespmem:s0+$0x10040]  }
0x35b: {  	v41 =	vld [tilespmem:s0+$0x10050]  }
0x35c: {  	v29 =	vld.idx.msk [tilespmem:v29+s10+$0x0], $0xffff  }
0x35d: {  	v20 =	vmul.f32 v20, v4;
	v42 =	vld [tilespmem:s0+$0x10060]  }
0x35e: {  	v15 =	vadd.f32 v24, v15;
	v21 =	vmul.f32 v21, v4;
	v19 =	vadd.f32 v25, v19;
	v43 =	vld [tilespmem:s0+$0x10070]  }
0x35f: {  	v22 =	vmul.f32 v22, v4;
	v17 =	vadd.f32 v20, v17;
	v53 =	vld [tilespmem:s0+$0x10400];
	v23 =	vmul.f32 v23, v4  }
0x360: {  	v54 =	vld [tilespmem:s0+$0x10410];
	v18 =	vadd.f32 v21, v18;
	v55 =	vmul.f32 v26, v4;
	v59 =	vmul.f32 v27, v4  }
0x361: {  	v56 =	vld [tilespmem:s0+$0x10420];
	v14 =	vadd.f32 v22, v14;
	v28 =	vmul.f32 v28, v4;
	v57 =	vmul.f32 v36, v29  }
0x362: {  	v58 =	vld [tilespmem:s0+$0x10430];
	v16 =	vadd.f32 v23, v16;
	v47 =	vmul.f32 v30, v4;
	v60 =	vmul.f32 v37, v29  }
0x363: {  	v61 =	vld [tilespmem:s0+$0x10440];
	v49 =	vmul.f32 v31, v4;
	v62 =	vmul.f32 v38, v29;
	v10 =	vadd.f32 v57, v10  }
0x364: {  	v63 =	vld [tilespmem:s0+$0x10450];
	v13 =	vadd.f32 v55, v13;
	v44 =	vmul.f32 v39, v29;
	v15 =	vadd.f32 v60, v15  }
0x365: {  	v45 =	vld [tilespmem:s0+$0x10460];
	v55 =	vmul.f32 v33, v4;
	v48 =	vmul.f32 v41, v29;
	v19 =	vadd.f32 v62, v19;
	[tilespmem:$0x18680] =	vst v10  }
0x366: {  	v11 =	vadd.f32 v59, v11;
	v50 =	vmul.f32 v42, v29;
	v17 =	vadd.f32 v44, v17;
	[tilespmem:$0x18690] =	vst v15  }
0x367: {  	v12 =	vadd.f32 v28, v12;
	v51 =	vmul.f32 v43, v29;
	v14 =	vadd.f32 v48, v14;
	[tilespmem:$0x186A0] =	vst v19  }
0x368: {  	v9 =	vadd.f32 v47, v9;
	v54 =	vmul.f32 v54, v29;
	v16 =	vadd.f32 v50, v16;
	[tilespmem:$0x186B0] =	vst v17  }
0x369: {  	v46 =	vmul.f32 v40, v29;
	v56 =	vmul.f32 v56, v29;
	v13 =	vadd.f32 v51, v13;
	[tilespmem:$0x186D0] =	vst v14  }
0x36a: {  	v52 =	vmul.f32 v53, v29;
	v53 =	vmul.f32 v32, v4;
	v12 =	vadd.f32 v54, v12;
	[tilespmem:$0x186E0] =	vst v16  }
0x36b: {  	v8 =	vadd.f32 v49, v8;
	v57 =	vmul.f32 v58, v29;
	v9 =	vadd.f32 v56, v9;
	[tilespmem:$0x186F0] =	vst v13  }
0x36c: {  	v59 =	vmul.f32 v61, v29;
	v7 =	vadd.f32 v53, v7;
	v10 =	vadd.f32 v46, v18;
	[tilespmem:$0x18790] =	vst v12  }
0x36d: {  	v6 =	vadd.f32 v55, v6;
	v60 =	vmul.f32 v63, v29;
	v8 =	vadd.f32 v57, v8;
	[tilespmem:$0x187A0] =	vst v9  }
0x36e: {  	v58 =	vmul.f32 v34, v4;
	v63 =	vmul.f32 v35, v29;
	v61 =	vadd.f32 v59, v7;
	[tilespmem:$0x186C0] =	vst v10  }
0x36f: {  	s24 =	sadd.s32 $0x1, s24;
	v6 =	vadd.f32 v60, v6;
	[tilespmem:$0x187B0] =	vst v8  }
0x370: {  	p0 =	sne.s32 s24, $0x40;
	v62 =	vmul.f32 v45, v29;
	v4 =	vadd.f32 v58, v5;
	v3 =	vadd.f32 v63, v3;
	[tilespmem:$0x187C0] =	vst v61  }
.Ltmp11:
0x371: {  	v10 =	vadd.f32 v52, v11;
	[tilespmem:$0x187D0] =	vst v6;
	(pc) =	sbr.rel @p0 .LBB2_2-.Ltmp11, $4  }
0x372: {  	s30 =	sshll.u32 s25, $0x5;
	v4 =	vadd.f32 v62, v4;
	[tilespmem:$0x187F0] =	vst v3  }
0x373: {  	s31 =	sadd.s32 s4, s28;
	s0 =	sand.u32 $0x60, s30;
	[tilespmem:$0x18780] =	vst v10  }
0x374: {  	s0 =	sadd.s32 s0, s31;
	[tilespmem:$0x187E0] =	vst v4  }
0x375: {  	[hbm4b:s0+s18] =	stream.strided.scatter [tilespmem:s23], [sflag:$0x4], $0x400, s19, s18, $0x38;
	[tilespmem:$0x18800] =	vst v63  }
0x376: {  	s0 =	simm.s32 $0x3  }
0x377: {  	_ =	swait.ge [sflag:s0], $0x400  }
0x378: {  	[sflag:s0] =	ssyncset.done $0x0  }
0x379: {  	[sflag:s0] =	ssyncadd.s32 $0xFFFFFC00  }
0x37a: {  	_ =	swait.ge [sflag:s22], $0x400  }
0x37b: {  	s2 =	rddreg [dreg:$0x7]  }
0x37c: {  	s31 =	rddreg [dreg:$0x6];
	s2 =	sadd.s32 $0x1, s2  }
0x37d: {  	p0 =	sne.s32 s2, s31  }
.Ltmp12:
0x37e: {  	_ = 	snop;
	(pc) =	sbr.rel @p0 .LBB2_1-.Ltmp12, $3  }
0x37f: {  	_ =	sdelay $0x1  }
0x380: {  	[sflag:s22] =	ssyncset.done $0x0  }
0x381: {  	[sflag:s22] =	ssyncadd.s32 $0xFFFFFC00  }
0x382: {  	_ =	sfence.sel $0x180000  }
0x383: {  	[bflag:$0x0] =	sbarrier.arrive $0xFFFF  }
0x384: {  	_ =	strace $0x90000047  }
0x385: {  	s0 =	stileid.u32;
	[bflag:$0x2] =	sbarrier.arrive $0xFFFF  }
0x386: {  	p0 =	sne.s32 s0, $0x0;
	s0 =	rddreg [dreg:$0x3]  }
0x387: {  	s0 =	sadd.s32 @!p0 $0x100000, s0  }
0x388: {  	[sflag:s0] =	ssyncadd.tile.s32 @!p0 $0x1;
	_ =	shalt  }
.Lfunc_end2:
_tile_overlayer_lowered:
.L_overlay_start_2:
0x389: {  	(tag) =	ssettag $0x2  }
0x38a: {  	s0 =	rddreg [dreg:$0x0];
	s2 =	stileid.u32  }
0x38b: {  	s1 =	rddreg [dreg:$0x1];
	p0 =	sne.s32 s2, $0x0  }
0x38c: {  	s3 =	rddreg [dreg:$0x2];
	[bflag:$0x3] =	sbarrier.arrive $0xFFFF;
	s2 =	simm.s32 @!p0 $0x1C05  }
0x38d: {  	[timem:s3], [sflag:s2] =	dma.local @!p0 [hbm:s0], s1  }
0x38e: {  	s0 =	simm.s32 @!p0 $0x5  }
0x38f: {  	_ =	swait.ge @!p0 [sflag:s0], s1  }
0x390: {  	s1 =	ssub.s32 @!p0 $0x0, s1;
	[sflag:s0] =	ssyncset.done @!p0 $0x0  }
0x391: {  	[sflag:s0] =	ssyncadd.s32 @!p0 s1  }
0x392: {  	[bflag:$0x3] =	sbarrier.arrive $0xFFFF  }
0x393: {  	_ =	shalt  }

</sc_bundles>
